<compile_context>
chip_gen: v7x
topology: tpu7x:2x2x1
jax: 0.10.2.dev20260603
libtpu: 0.0.44.dev20260713+nightly
codegen_flags: <defaults>
</compile_context>

<pallas_src>
import functools

import jax
import jax.numpy as jnp
from jax import lax
from jax.experimental import pallas as pl
from jax.experimental.pallas import tpu as pltpu
from jax.experimental.pallas import tpu_sc as plsc

NUM_GROUP = 26
NUM_ENV = 100000
HIDDEN_DIM = 32
BATCH = 16384

_INFO = plsc.get_sparse_core_info()
_NC, _NS, _L = _INFO.num_cores, _INFO.num_subcores, _INFO.num_lanes
_NW = _NC * _NS
_BPW = BATCH // _NW
_CHUNK = 64
_NCHUNK = _BPW // _CHUNK
_IDX_PER_W = _BPW * NUM_GROUP
_IDX_PER_CHUNK = _CHUNK * NUM_GROUP
_NVEC = _IDX_PER_CHUNK // _L


def _sc_body(idx_hbm, table_hbm, out_hbm,
             idx_v, rows_v0, rows_v1, out_v, sem0, sem1):
    wid = lax.axis_index("s") * _NC + lax.axis_index("c")
    row_bufs = (rows_v0, rows_v1)
    sems = (sem0, sem1)
    pltpu.sync_copy(idx_hbm.at[wid], idx_v)

    def fetch(chunk, slot):
        rows_v, sem = row_bufs[slot], sems[slot]

        def fire(k, _):
            vec = idx_v[pl.ds(chunk * _IDX_PER_CHUNK + k * _L, _L)]
            pltpu.async_copy(
                table_hbm.at[vec], rows_v.at[pl.ds(k * _L, _L)], sem)
            return 0

        lax.fori_loop(0, _NVEC, fire, 0)

    def drain(slot):
        rows_v, sem = row_bufs[slot], sems[slot]

        def one(k, _):
            pltpu.make_async_copy(
                table_hbm.at[pl.ds(0, _L)],
                rows_v.at[pl.ds(k * _L, _L)], sem).wait()
            return 0

        lax.fori_loop(0, _NVEC, one, 0)

    def reduce_store(chunk, slot):
        rows_v = row_bufs[slot]

        def body(i, _):
            r = i * NUM_GROUP
            a0 = rows_v[r, pl.ds(0, _L)]
            a1 = rows_v[r, pl.ds(_L, _L)]
            for g in range(1, NUM_GROUP):
                a0 = a0 + rows_v[r + g, pl.ds(0, _L)]
                a1 = a1 + rows_v[r + g, pl.ds(_L, _L)]
            out_v[i, pl.ds(0, _L)] = a0
            out_v[i, pl.ds(_L, _L)] = a1
            return 0

        lax.fori_loop(0, _CHUNK, body, 0)
        base = wid * _BPW + chunk * _CHUNK
        pltpu.sync_copy(out_v, out_hbm.at[pl.ds(base, _CHUNK)])

    fetch(0, 0)
    for chunk in range(_NCHUNK):
        if chunk + 1 < _NCHUNK:
            fetch(chunk + 1, (chunk + 1) % 2)
        drain(chunk % 2)
        reduce_store(chunk, chunk % 2)


def _lookup_sum(idx_flat, table_flat):
    mesh = plsc.VectorSubcoreMesh(core_axis_name="c", subcore_axis_name="s")
    kern = functools.partial(
        pl.kernel,
        mesh=mesh,
        out_type=jax.ShapeDtypeStruct((BATCH, HIDDEN_DIM), jnp.float32),
        scratch_types=[
            pltpu.VMEM((_IDX_PER_W,), jnp.int32),
            pltpu.VMEM((_IDX_PER_CHUNK, HIDDEN_DIM), jnp.float32),
            pltpu.VMEM((_IDX_PER_CHUNK, HIDDEN_DIM), jnp.float32),
            pltpu.VMEM((_CHUNK, HIDDEN_DIM), jnp.float32),
            pltpu.SemaphoreType.DMA,
            pltpu.SemaphoreType.DMA,
        ],
        compiler_params=pltpu.CompilerParams(use_tc_tiling_on_sc=False),
    )(_sc_body)
    return kern(idx_flat, table_flat)


def kernel(envs, tables):
    offs = jnp.arange(NUM_GROUP, dtype=jnp.int32) * NUM_ENV
    idx_flat = (envs.astype(jnp.int32) + offs[None, :]).reshape(
        _NW, _IDX_PER_W)
    table_flat = tables.reshape(NUM_GROUP * NUM_ENV, HIDDEN_DIM)
    return _lookup_sum(idx_flat, table_flat)

# --- scband reference (transcript-rebuilt; emitter-appended) ---
"""Pipeline reference for scband-multi-env-90950227460686 (READ-ONLY COPY).

The authoritative reference and input builder live on the scoring server;
editing this copy changes nothing except your own understanding.
"""

import jax, jax.numpy as jnp
import numpy as np

NUM_GROUP = 26
NUM_ENV = 100000
HIDDEN_DIM = 32
BATCH = 16384


def setup_inputs(seed: int = 0) -> dict:
    key = jax.random.key(seed)
    k_env, k_tab = jax.random.split(key)
    envs = jax.random.randint(k_env, (BATCH, NUM_GROUP), 0, NUM_ENV, dtype=jnp.int64 if jax.config.jax_enable_x64 else jnp.int32)
    tables = jax.random.normal(k_tab, (NUM_GROUP, NUM_ENV, HIDDEN_DIM), dtype=jnp.float32)
    return {"envs": envs, "tables": tables}


def reference(envs, tables):
    # envs: (batch, num_group) int; tables: (num_group, num_env, hidden_dim)
    # Faithful to MultiEnv.forward with accumulator='sum':
    # gather one embedding row per group, stack to (num_group, batch, hidden_dim), sum over groups.
    num_group = tables.shape[0]
    embeddings = []
    for i in range(num_group):
        embeddings.append(jnp.take(tables[i], envs[:, i], axis=0))
    embeddings = jnp.stack(embeddings)  # (num_group, batch, hidden_dim)
    out = jnp.sum(embeddings, axis=0)   # (batch, hidden_dim)
    return out

if __name__ == "__main__":
    import jax
    _d = setup_inputs()
    print(jax.jit(kernel)(*tuple(_d.values())))

</pallas_src>

<mosaic_0001>
#map = affine_map<(d0, d1) -> (0, 0)>
module attributes {stable_mosaic.version = 14 : i64} {
  func.func @_sc_body(%arg0: i32, %arg1: i32, %arg2: memref<32x13312xi32, #tpu.memory_space<hbm>>, %arg3: memref<2600000x32xf32, #tpu.memory_space<hbm>>, %arg4: memref<16384x32xf32, #tpu.memory_space<hbm>>, %arg5: memref<13312xi32, #tpu.memory_space<vmem>>, %arg6: memref<1664x32xf32, #tpu.memory_space<vmem>>, %arg7: memref<1664x32xf32, #tpu.memory_space<vmem>>, %arg8: memref<64x32xf32, #tpu.memory_space<vmem>>, %arg9: memref<!tpu.dma_semaphore, #tpu.memory_space<semaphore_mem>>, %arg10: memref<!tpu.dma_semaphore, #tpu.memory_space<semaphore_mem>>) attributes {dimension_semantics = [#tpu.dimension_semantics<core_parallel>, #tpu.dimension_semantics<subcore_parallel>], iteration_bounds = array<i64: 2, 16>, scalar_prefetch = 0 : i64, scratch_operands = 6 : i64, tpu.core_type = #tpu.core_type<sc_vector_subcore>, window_params = [{transform_indices = #map}, {transform_indices = #map}, {transform_indices = #map}]} {
    %mul3A = arith.constant 2 : i32
    %mul3A_0 = arith.muli %arg1, %mul3A : i32
    %add3A = arith.addi %mul3A_0, %arg0 : i32
    "tpu.region"() ({
      %run_scoped3A = tpu.sem_alloc : memref<!tpu.dma_semaphore, #tpu.memory_space<semaphore_mem>>
      %dma_start3A = arith.constant 0 : i32
      %dma_start3A_200 = tpu.memref_slice %arg2[%add3A, %dma_start3A] : memref<32x13312xi32, #tpu.memory_space<hbm>> -> memref<1x13312xi32, #tpu.memory_space<hbm>>
      %dma_start3A_201 = tpu.memref_squeeze %dma_start3A_200 : memref<1x13312xi32, #tpu.memory_space<hbm>> -> memref<13312xi32, #tpu.memory_space<hbm>>
      %dma_start3A_202 = arith.constant 0 : i32
      %dma_start3A_203 = tpu.memref_slice %arg2[%add3A, %dma_start3A_202] : memref<32x13312xi32, #tpu.memory_space<hbm>> -> memref<1x13312xi32, #tpu.memory_space<hbm>>
      %dma_start3A_204 = tpu.memref_squeeze %dma_start3A_203 : memref<1x13312xi32, #tpu.memory_space<hbm>> -> memref<13312xi32, #tpu.memory_space<hbm>>
      tpu.enqueue_dma source(%dma_start3A_204 : memref<13312xi32, #tpu.memory_space<hbm>>) target(%arg5 : memref<13312xi32, #tpu.memory_space<vmem>>) target_semaphore(%run_scoped3A : memref<!tpu.dma_semaphore, #tpu.memory_space<semaphore_mem>>)
      %dma_wait3A = arith.constant 0 : i32
      %dma_wait3A_205 = tpu.memref_slice %arg2[%add3A, %dma_wait3A] : memref<32x13312xi32, #tpu.memory_space<hbm>> -> memref<1x13312xi32, #tpu.memory_space<hbm>>
      %dma_wait3A_206 = tpu.memref_squeeze %dma_wait3A_205 : memref<1x13312xi32, #tpu.memory_space<hbm>> -> memref<13312xi32, #tpu.memory_space<hbm>>
      %dma_wait3A_207 = arith.constant 0 : i32
      %dma_wait3A_208 = tpu.memref_slice %arg2[%add3A, %dma_wait3A_207] : memref<32x13312xi32, #tpu.memory_space<hbm>> -> memref<1x13312xi32, #tpu.memory_space<hbm>>
      %dma_wait3A_209 = tpu.memref_squeeze %dma_wait3A_208 : memref<1x13312xi32, #tpu.memory_space<hbm>> -> memref<13312xi32, #tpu.memory_space<hbm>>
      tpu.wait_dma2 semaphore(%run_scoped3A : memref<!tpu.dma_semaphore, #tpu.memory_space<semaphore_mem>>) src(%dma_wait3A_209 : memref<13312xi32, #tpu.memory_space<hbm>>) dst(%arg5 : memref<13312xi32, #tpu.memory_space<vmem>>)
      tpu.yield
    }) : () -> ()
    %scan3A = arith.constant 0 : i32
    %scan3A_1 = arith.constant 0 : i32
    %scan3A_2 = arith.constant 104 : i32
    %scan3A_3 = arith.addi %scan3A_1, %scan3A_2 : i32
    %scan3A_4 = arith.constant 1 : i32
    %scan3A_5 = scf.for %scan3A_200 = %scan3A_1 to %scan3A_3 step %scan3A_4 iter_args(%scan3A_201 = %scan3A) -> (i32)  : i32 {
      %mul3A_202 = arith.constant 16 : i32
      %mul3A_203 = arith.muli %scan3A_200, %mul3A_202 : i32
      %add3A_204 = arith.constant 0 : i32
      %add3A_205 = arith.addi %add3A_204, %mul3A_203 : i32
      %get3A = arith.index_cast %add3A_205 : i32 to index
      %get3A_206 = tpu.vector_load %arg5[%get3A] {strides = array<i32>} : memref<13312xi32, #tpu.memory_space<vmem>>, vector<16xi32>,
      %get3A_207 = vector.shape_cast %get3A_206 : vector<16xi32> to vector<16xi32>
      %mul3A_208 = arith.constant 16 : i32
      %mul3A_209 = arith.muli %scan3A_200, %mul3A_208 : i32
      %dma_start3A = arith.constant 0 : i32
      %dma_start3A_210 = tpu.memref_slice %arg6[%mul3A_209, %dma_start3A] : memref<1664x32xf32, #tpu.memory_space<vmem>> -> memref<16x32xf32, #tpu.memory_space<vmem>>
      %dma_start3A_211 = arith.constant 0 : i32
      %dma_start3A_212 = arith.constant 0 : i32
      %dma_start3A_213 = tpu.memref_slice %arg3[%dma_start3A_211, %dma_start3A_212] : memref<2600000x32xf32, #tpu.memory_space<hbm>> -> memref<2600000x32xf32, #tpu.memory_space<hbm>>
      tpu.enqueue_indirect_dma source(%dma_start3A_213 : memref<2600000x32xf32, #tpu.memory_space<hbm>>) target(%dma_start3A_210 : memref<16x32xf32, #tpu.memory_space<vmem>>) offsets(%get3A_207 : vector<16xi32>) semaphore(%arg9 : memref<!tpu.dma_semaphore, #tpu.memory_space<semaphore_mem>>)
      %scan3A_214 = arith.constant 0 : i32
      scf.yield %scan3A_214 : i32
    }
    %scan3A_6 = arith.constant 104 : i32
    %scan3A_7 = arith.constant 0 : i32
    %scan3A_8 = arith.constant 0 : i32
    %scan3A_9 = arith.constant 104 : i32
    %scan3A_10 = arith.addi %scan3A_8, %scan3A_9 : i32
    %scan3A_11 = arith.constant 1 : i32
    %scan3A_12 = scf.for %scan3A_200 = %scan3A_8 to %scan3A_10 step %scan3A_11 iter_args(%scan3A_201 = %scan3A_7) -> (i32)  : i32 {
      %mul3A_202 = arith.constant 16 : i32
      %mul3A_203 = arith.muli %scan3A_200, %mul3A_202 : i32
      %add3A_204 = arith.constant 1664 : i32
      %add3A_205 = arith.addi %add3A_204, %mul3A_203 : i32
      %get3A = arith.index_cast %add3A_205 : i32 to index
      %get3A_206 = tpu.vector_load %arg5[%get3A] {strides = array<i32>} : memref<13312xi32, #tpu.memory_space<vmem>>, vector<16xi32>,
      %get3A_207 = vector.shape_cast %get3A_206 : vector<16xi32> to vector<16xi32>
      %mul3A_208 = arith.constant 16 : i32
      %mul3A_209 = arith.muli %scan3A_200, %mul3A_208 : i32
      %dma_start3A = arith.constant 0 : i32
      %dma_start3A_210 = tpu.memref_slice %arg7[%mul3A_209, %dma_start3A] : memref<1664x32xf32, #tpu.memory_space<vmem>> -> memref<16x32xf32, #tpu.memory_space<vmem>>
      %dma_start3A_211 = arith.constant 0 : i32
      %dma_start3A_212 = arith.constant 0 : i32
      %dma_start3A_213 = tpu.memref_slice %arg3[%dma_start3A_211, %dma_start3A_212] : memref<2600000x32xf32, #tpu.memory_space<hbm>> -> memref<2600000x32xf32, #tpu.memory_space<hbm>>
      tpu.enqueue_indirect_dma source(%dma_start3A_213 : memref<2600000x32xf32, #tpu.memory_space<hbm>>) target(%dma_start3A_210 : memref<16x32xf32, #tpu.memory_space<vmem>>) offsets(%get3A_207 : vector<16xi32>) semaphore(%arg10 : memref<!tpu.dma_semaphore, #tpu.memory_space<semaphore_mem>>)
      %scan3A_214 = arith.constant 0 : i32
      scf.yield %scan3A_214 : i32
    }
    %scan3A_13 = arith.constant 104 : i32
    %scan3A_14 = arith.constant 0 : i32
    %scan3A_15 = arith.constant 0 : i32
    %scan3A_16 = arith.constant 104 : i32
    %scan3A_17 = arith.addi %scan3A_15, %scan3A_16 : i32
    %scan3A_18 = arith.constant 1 : i32
    %scan3A_19 = scf.for %scan3A_200 = %scan3A_15 to %scan3A_17 step %scan3A_18 iter_args(%scan3A_201 = %scan3A_14) -> (i32)  : i32 {
      %mul3A_202 = arith.constant 16 : i32
      %mul3A_203 = arith.muli %scan3A_200, %mul3A_202 : i32
      %dma_wait3A = arith.constant 0 : i32
      %dma_wait3A_204 = tpu.memref_slice %arg6[%mul3A_203, %dma_wait3A] : memref<1664x32xf32, #tpu.memory_space<vmem>> -> memref<16x32xf32, #tpu.memory_space<vmem>>
      %dma_wait3A_205 = arith.constant 0 : i32
      %dma_wait3A_206 = arith.constant 0 : i32
      %dma_wait3A_207 = tpu.memref_slice %arg3[%dma_wait3A_205, %dma_wait3A_206] : memref<2600000x32xf32, #tpu.memory_space<hbm>> -> memref<16x32xf32, #tpu.memory_space<hbm>>
      %dma_wait3A_208 = arith.constant 0 : i32
      %dma_wait3A_209 = tpu.memref_slice %arg6[%mul3A_203, %dma_wait3A_208] : memref<1664x32xf32, #tpu.memory_space<vmem>> -> memref<16x32xf32, #tpu.memory_space<vmem>>
      %dma_wait3A_210 = arith.constant 0 : i32
      %dma_wait3A_211 = arith.constant 0 : i32
      %dma_wait3A_212 = tpu.memref_slice %arg3[%dma_wait3A_210, %dma_wait3A_211] : memref<2600000x32xf32, #tpu.memory_space<hbm>> -> memref<16x32xf32, #tpu.memory_space<hbm>>
      tpu.wait_dma2 semaphore(%arg9 : memref<!tpu.dma_semaphore, #tpu.memory_space<semaphore_mem>>) src(%dma_wait3A_212 : memref<16x32xf32, #tpu.memory_space<hbm>>) dst(%dma_wait3A_209 : memref<16x32xf32, #tpu.memory_space<vmem>>)
      %scan3A_213 = arith.constant 0 : i32
      scf.yield %scan3A_213 : i32
    }
    %scan3A_20 = arith.constant 104 : i32
    %scan3A_21 = arith.constant 0 : i32
    %scan3A_22 = arith.constant 0 : i32
    %scan3A_23 = arith.constant 64 : i32
    %scan3A_24 = arith.addi %scan3A_22, %scan3A_23 : i32
    %scan3A_25 = arith.constant 1 : i32
    %scan3A_26 = scf.for %scan3A_200 = %scan3A_22 to %scan3A_24 step %scan3A_25 iter_args(%scan3A_201 = %scan3A_21) -> (i32)  : i32 {
      %mul3A_202 = arith.constant 26 : i32
      %mul3A_203 = arith.muli %scan3A_200, %mul3A_202 : i32
      %get3A = arith.index_cast %mul3A_203 : i32 to index
      %get3A_204 = arith.constant 0 : index
      %get3A_205 = tpu.vector_load %arg6[%get3A, %get3A_204] {strides = array<i32>} : memref<1664x32xf32, #tpu.memory_space<vmem>>, vector<1x16xf32>,
      %get3A_206 = vector.shape_cast %get3A_205 : vector<1x16xf32> to vector<16xf32>
      %get3A_207 = arith.index_cast %mul3A_203 : i32 to index
      %get3A_208 = arith.constant 16 : index
      %get3A_209 = tpu.vector_load %arg6[%get3A_207, %get3A_208] {strides = array<i32>} : memref<1664x32xf32, #tpu.memory_space<vmem>>, vector<1x16xf32>,
      %get3A_210 = vector.shape_cast %get3A_209 : vector<1x16xf32> to vector<16xf32>
      %add3A_211 = arith.constant 1 : i32
      %add3A_212 = arith.addi %mul3A_203, %add3A_211 : i32
      %get3A_213 = arith.index_cast %add3A_212 : i32 to index
      %get3A_214 = arith.constant 0 : index
      %get3A_215 = tpu.vector_load %arg6[%get3A_213, %get3A_214] {strides = array<i32>} : memref<1664x32xf32, #tpu.memory_space<vmem>>, vector<1x16xf32>,
      %get3A_216 = vector.shape_cast %get3A_215 : vector<1x16xf32> to vector<16xf32>
      %add3A_217 = arith.addf %get3A_206, %get3A_216 : vector<16xf32>
      %add3A_218 = arith.constant 1 : i32
      %add3A_219 = arith.addi %mul3A_203, %add3A_218 : i32
      %get3A_220 = arith.index_cast %add3A_219 : i32 to index
      %get3A_221 = arith.constant 16 : index
      %get3A_222 = tpu.vector_load %arg6[%get3A_220, %get3A_221] {strides = array<i32>} : memref<1664x32xf32, #tpu.memory_space<vmem>>, vector<1x16xf32>,
      %get3A_223 = vector.shape_cast %get3A_222 : vector<1x16xf32> to vector<16xf32>
      %add3A_224 = arith.addf %get3A_210, %get3A_223 : vector<16xf32>
      %add3A_225 = arith.constant 2 : i32
      %add3A_226 = arith.addi %mul3A_203, %add3A_225 : i32
      %get3A_227 = arith.index_cast %add3A_226 : i32 to index
      %get3A_228 = arith.constant 0 : index
      %get3A_229 = tpu.vector_load %arg6[%get3A_227, %get3A_228] {strides = array<i32>} : memref<1664x32xf32, #tpu.memory_space<vmem>>, vector<1x16xf32>,
      %get3A_230 = vector.shape_cast %get3A_229 : vector<1x16xf32> to vector<16xf32>
      %add3A_231 = arith.addf %add3A_217, %get3A_230 : vector<16xf32>
      %add3A_232 = arith.constant 2 : i32
      %add3A_233 = arith.addi %mul3A_203, %add3A_232 : i32
      %get3A_234 = arith.index_cast %add3A_233 : i32 to index
      %get3A_235 = arith.constant 16 : index
      %get3A_236 = tpu.vector_load %arg6[%get3A_234, %get3A_235] {strides = array<i32>} : memref<1664x32xf32, #tpu.memory_space<vmem>>, vector<1x16xf32>,
      %get3A_237 = vector.shape_cast %get3A_236 : vector<1x16xf32> to vector<16xf32>
      %add3A_238 = arith.addf %add3A_224, %get3A_237 : vector<16xf32>
      %add3A_239 = arith.constant 3 : i32
      %add3A_240 = arith.addi %mul3A_203, %add3A_239 : i32
      %get3A_241 = arith.index_cast %add3A_240 : i32 to index
      %get3A_242 = arith.constant 0 : index
      %get3A_243 = tpu.vector_load %arg6[%get3A_241, %get3A_242] {strides = array<i32>} : memref<1664x32xf32, #tpu.memory_space<vmem>>, vector<1x16xf32>,
      %get3A_244 = vector.shape_cast %get3A_243 : vector<1x16xf32> to vector<16xf32>
      %add3A_245 = arith.addf %add3A_231, %get3A_244 : vector<16xf32>
      %add3A_246 = arith.constant 3 : i32
      %add3A_247 = arith.addi %mul3A_203, %add3A_246 : i32
      %get3A_248 = arith.index_cast %add3A_247 : i32 to index
      %get3A_249 = arith.constant 16 : index
      %get3A_250 = tpu.vector_load %arg6[%get3A_248, %get3A_249] {strides = array<i32>} : memref<1664x32xf32, #tpu.memory_space<vmem>>, vector<1x16xf32>,
      %get3A_251 = vector.shape_cast %get3A_250 : vector<1x16xf32> to vector<16xf32>
      %add3A_252 = arith.addf %add3A_238, %get3A_251 : vector<16xf32>
      %add3A_253 = arith.constant 4 : i32
      %add3A_254 = arith.addi %mul3A_203, %add3A_253 : i32
      %get3A_255 = arith.index_cast %add3A_254 : i32 to index
      %get3A_256 = arith.constant 0 : index
      %get3A_257 = tpu.vector_load %arg6[%get3A_255, %get3A_256] {strides = array<i32>} : memref<1664x32xf32, #tpu.memory_space<vmem>>, vector<1x16xf32>,
      %get3A_258 = vector.shape_cast %get3A_257 : vector<1x16xf32> to vector<16xf32>
      %add3A_259 = arith.addf %add3A_245, %get3A_258 : vector<16xf32>
      %add3A_260 = arith.constant 4 : i32
      %add3A_261 = arith.addi %mul3A_203, %add3A_260 : i32
      %get3A_262 = arith.index_cast %add3A_261 : i32 to index
      %get3A_263 = arith.constant 16 : index
      %get3A_264 = tpu.vector_load %arg6[%get3A_262, %get3A_263] {strides = array<i32>} : memref<1664x32xf32, #tpu.memory_space<vmem>>, vector<1x16xf32>,
      %get3A_265 = vector.shape_cast %get3A_264 : vector<1x16xf32> to vector<16xf32>
      %add3A_266 = arith.addf %add3A_252, %get3A_265 : vector<16xf32>
      %add3A_267 = arith.constant 5 : i32
      %add3A_268 = arith.addi %mul3A_203, %add3A_267 : i32
      %get3A_269 = arith.index_cast %add3A_268 : i32 to index
      %get3A_270 = arith.constant 0 : index
      %get3A_271 = tpu.vector_load %arg6[%get3A_269, %get3A_270] {strides = array<i32>} : memref<1664x32xf32, #tpu.memory_space<vmem>>, vector<1x16xf32>,
      %get3A_272 = vector.shape_cast %get3A_271 : vector<1x16xf32> to vector<16xf32>
      %add3A_273 = arith.addf %add3A_259, %get3A_272 : vector<16xf32>
      %add3A_274 = arith.constant 5 : i32
      %add3A_275 = arith.addi %mul3A_203, %add3A_274 : i32
      %get3A_276 = arith.index_cast %add3A_275 : i32 to index
      %get3A_277 = arith.constant 16 : index
      %get3A_278 = tpu.vector_load %arg6[%get3A_276, %get3A_277] {strides = array<i32>} : memref<1664x32xf32, #tpu.memory_space<vmem>>, vector<1x16xf32>,
      %get3A_279 = vector.shape_cast %get3A_278 : vector<1x16xf32> to vector<16xf32>
      %add3A_280 = arith.addf %add3A_266, %get3A_279 : vector<16xf32>
      %add3A_281 = arith.constant 6 : i32
      %add3A_282 = arith.addi %mul3A_203, %add3A_281 : i32
      %get3A_283 = arith.index_cast %add3A_282 : i32 to index
      %get3A_284 = arith.constant 0 : index
      %get3A_285 = tpu.vector_load %arg6[%get3A_283, %get3A_284] {strides = array<i32>} : memref<1664x32xf32, #tpu.memory_space<vmem>>, vector<1x16xf32>,
      %get3A_286 = vector.shape_cast %get3A_285 : vector<1x16xf32> to vector<16xf32>
      %add3A_287 = arith.addf %add3A_273, %get3A_286 : vector<16xf32>
      %add3A_288 = arith.constant 6 : i32
      %add3A_289 = arith.addi %mul3A_203, %add3A_288 : i32
      %get3A_290 = arith.index_cast %add3A_289 : i32 to index
      %get3A_291 = arith.constant 16 : index
      %get3A_292 = tpu.vector_load %arg6[%get3A_290, %get3A_291] {strides = array<i32>} : memref<1664x32xf32, #tpu.memory_space<vmem>>, vector<1x16xf32>,
      %get3A_293 = vector.shape_cast %get3A_292 : vector<1x16xf32> to vector<16xf32>
      %add3A_294 = arith.addf %add3A_280, %get3A_293 : vector<16xf32>
      %add3A_295 = arith.constant 7 : i32
      %add3A_296 = arith.addi %mul3A_203, %add3A_295 : i32
      %get3A_297 = arith.index_cast %add3A_296 : i32 to index
      %get3A_298 = arith.constant 0 : index
      %get3A_299 = tpu.vector_load %arg6[%get3A_297, %get3A_298] {strides = array<i32>} : memref<1664x32xf32, #tpu.memory_space<vmem>>, vector<1x16xf32>,
      %get3A_300 = vector.shape_cast %get3A_299 : vector<1x16xf32> to vector<16xf32>
      %add3A_301 = arith.addf %add3A_287, %get3A_300 : vector<16xf32>
      %add3A_302 = arith.constant 7 : i32
      %add3A_303 = arith.addi %mul3A_203, %add3A_302 : i32
      %get3A_304 = arith.index_cast %add3A_303 : i32 to index
      %get3A_305 = arith.constant 16 : index
      %get3A_306 = tpu.vector_load %arg6[%get3A_304, %get3A_305] {strides = array<i32>} : memref<1664x32xf32, #tpu.memory_space<vmem>>, vector<1x16xf32>,
      %get3A_307 = vector.shape_cast %get3A_306 : vector<1x16xf32> to vector<16xf32>
      %add3A_308 = arith.addf %add3A_294, %get3A_307 : vector<16xf32>
      %add3A_309 = arith.constant 8 : i32
      %add3A_310 = arith.addi %mul3A_203, %add3A_309 : i32
      %get3A_311 = arith.index_cast %add3A_310 : i32 to index
      %get3A_312 = arith.constant 0 : index
      %get3A_313 = tpu.vector_load %arg6[%get3A_311, %get3A_312] {strides = array<i32>} : memref<1664x32xf32, #tpu.memory_space<vmem>>, vector<1x16xf32>,
      %get3A_314 = vector.shape_cast %get3A_313 : vector<1x16xf32> to vector<16xf32>
      %add3A_315 = arith.addf %add3A_301, %get3A_314 : vector<16xf32>
      %add3A_316 = arith.constant 8 : i32
      %add3A_317 = arith.addi %mul3A_203, %add3A_316 : i32
      %get3A_318 = arith.index_cast %add3A_317 : i32 to index
      %get3A_319 = arith.constant 16 : index
      %get3A_320 = tpu.vector_load %arg6[%get3A_318, %get3A_319] {strides = array<i32>} : memref<1664x32xf32, #tpu.memory_space<vmem>>, vector<1x16xf32>,
      %get3A_321 = vector.shape_cast %get3A_320 : vector<1x16xf32> to vector<16xf32>
      %add3A_322 = arith.addf %add3A_308, %get3A_321 : vector<16xf32>
      %add3A_323 = arith.constant 9 : i32
      %add3A_324 = arith.addi %mul3A_203, %add3A_323 : i32
      %get3A_325 = arith.index_cast %add3A_324 : i32 to index
      %get3A_326 = arith.constant 0 : index
      %get3A_327 = tpu.vector_load %arg6[%get3A_325, %get3A_326] {strides = array<i32>} : memref<1664x32xf32, #tpu.memory_space<vmem>>, vector<1x16xf32>,
      %get3A_328 = vector.shape_cast %get3A_327 : vector<1x16xf32> to vector<16xf32>
      %add3A_329 = arith.addf %add3A_315, %get3A_328 : vector<16xf32>
      %add3A_330 = arith.constant 9 : i32
      %add3A_331 = arith.addi %mul3A_203, %add3A_330 : i32
      %get3A_332 = arith.index_cast %add3A_331 : i32 to index
      %get3A_333 = arith.constant 16 : index
      %get3A_334 = tpu.vector_load %arg6[%get3A_332, %get3A_333] {strides = array<i32>} : memref<1664x32xf32, #tpu.memory_space<vmem>>, vector<1x16xf32>,
      %get3A_335 = vector.shape_cast %get3A_334 : vector<1x16xf32> to vector<16xf32>
      %add3A_336 = arith.addf %add3A_322, %get3A_335 : vector<16xf32>
      %add3A_337 = arith.constant 10 : i32
      %add3A_338 = arith.addi %mul3A_203, %add3A_337 : i32
      %get3A_339 = arith.index_cast %add3A_338 : i32 to index
      %get3A_340 = arith.constant 0 : index
      %get3A_341 = tpu.vector_load %arg6[%get3A_339, %get3A_340] {strides = array<i32>} : memref<1664x32xf32, #tpu.memory_space<vmem>>, vector<1x16xf32>,
      %get3A_342 = vector.shape_cast %get3A_341 : vector<1x16xf32> to vector<16xf32>
      %add3A_343 = arith.addf %add3A_329, %get3A_342 : vector<16xf32>
      %add3A_344 = arith.constant 10 : i32
      %add3A_345 = arith.addi %mul3A_203, %add3A_344 : i32
      %get3A_346 = arith.index_cast %add3A_345 : i32 to index
      %get3A_347 = arith.constant 16 : index
      %get3A_348 = tpu.vector_load %arg6[%get3A_346, %get3A_347] {strides = array<i32>} : memref<1664x32xf32, #tpu.memory_space<vmem>>, vector<1x16xf32>,
      %get3A_349 = vector.shape_cast %get3A_348 : vector<1x16xf32> to vector<16xf32>
      %add3A_350 = arith.addf %add3A_336, %get3A_349 : vector<16xf32>
      %add3A_351 = arith.constant 11 : i32
      %add3A_352 = arith.addi %mul3A_203, %add3A_351 : i32
      %get3A_353 = arith.index_cast %add3A_352 : i32 to index
      %get3A_354 = arith.constant 0 : index
      %get3A_355 = tpu.vector_load %arg6[%get3A_353, %get3A_354] {strides = array<i32>} : memref<1664x32xf32, #tpu.memory_space<vmem>>, vector<1x16xf32>,
      %get3A_356 = vector.shape_cast %get3A_355 : vector<1x16xf32> to vector<16xf32>
      %add3A_357 = arith.addf %add3A_343, %get3A_356 : vector<16xf32>
      %add3A_358 = arith.constant 11 : i32
      %add3A_359 = arith.addi %mul3A_203, %add3A_358 : i32
      %get3A_360 = arith.index_cast %add3A_359 : i32 to index
      %get3A_361 = arith.constant 16 : index
      %get3A_362 = tpu.vector_load %arg6[%get3A_360, %get3A_361] {strides = array<i32>} : memref<1664x32xf32, #tpu.memory_space<vmem>>, vector<1x16xf32>,
      %get3A_363 = vector.shape_cast %get3A_362 : vector<1x16xf32> to vector<16xf32>
      %add3A_364 = arith.addf %add3A_350, %get3A_363 : vector<16xf32>
      %add3A_365 = arith.constant 12 : i32
      %add3A_366 = arith.addi %mul3A_203, %add3A_365 : i32
      %get3A_367 = arith.index_cast %add3A_366 : i32 to index
      %get3A_368 = arith.constant 0 : index
      %get3A_369 = tpu.vector_load %arg6[%get3A_367, %get3A_368] {strides = array<i32>} : memref<1664x32xf32, #tpu.memory_space<vmem>>, vector<1x16xf32>,
      %get3A_370 = vector.shape_cast %get3A_369 : vector<1x16xf32> to vector<16xf32>
      %add3A_371 = arith.addf %add3A_357, %get3A_370 : vector<16xf32>
      %add3A_372 = arith.constant 12 : i32
      %add3A_373 = arith.addi %mul3A_203, %add3A_372 : i32
      %get3A_374 = arith.index_cast %add3A_373 : i32 to index
      %get3A_375 = arith.constant 16 : index
      %get3A_376 = tpu.vector_load %arg6[%get3A_374, %get3A_375] {strides = array<i32>} : memref<1664x32xf32, #tpu.memory_space<vmem>>, vector<1x16xf32>,
      %get3A_377 = vector.shape_cast %get3A_376 : vector<1x16xf32> to vector<16xf32>
      %add3A_378 = arith.addf %add3A_364, %get3A_377 : vector<16xf32>
      %add3A_379 = arith.constant 13 : i32
      %add3A_380 = arith.addi %mul3A_203, %add3A_379 : i32
      %get3A_381 = arith.index_cast %add3A_380 : i32 to index
      %get3A_382 = arith.constant 0 : index
      %get3A_383 = tpu.vector_load %arg6[%get3A_381, %get3A_382] {strides = array<i32>} : memref<1664x32xf32, #tpu.memory_space<vmem>>, vector<1x16xf32>,
      %get3A_384 = vector.shape_cast %get3A_383 : vector<1x16xf32> to vector<16xf32>
      %add3A_385 = arith.addf %add3A_371, %get3A_384 : vector<16xf32>
      %add3A_386 = arith.constant 13 : i32
      %add3A_387 = arith.addi %mul3A_203, %add3A_386 : i32
      %get3A_388 = arith.index_cast %add3A_387 : i32 to index
      %get3A_389 = arith.constant 16 : index
      %get3A_390 = tpu.vector_load %arg6[%get3A_388, %get3A_389] {strides = array<i32>} : memref<1664x32xf32, #tpu.memory_space<vmem>>, vector<1x16xf32>,
      %get3A_391 = vector.shape_cast %get3A_390 : vector<1x16xf32> to vector<16xf32>
      %add3A_392 = arith.addf %add3A_378, %get3A_391 : vector<16xf32>
      %add3A_393 = arith.constant 14 : i32
      %add3A_394 = arith.addi %mul3A_203, %add3A_393 : i32
      %get3A_395 = arith.index_cast %add3A_394 : i32 to index
      %get3A_396 = arith.constant 0 : index
      %get3A_397 = tpu.vector_load %arg6[%get3A_395, %get3A_396] {strides = array<i32>} : memref<1664x32xf32, #tpu.memory_space<vmem>>, vector<1x16xf32>,
      %get3A_398 = vector.shape_cast %get3A_397 : vector<1x16xf32> to vector<16xf32>
      %add3A_399 = arith.addf %add3A_385, %get3A_398 : vector<16xf32>
      %add3A_400 = arith.constant 14 : i32
      %add3A_401 = arith.addi %mul3A_203, %add3A_400 : i32
      %get3A_402 = arith.index_cast %add3A_401 : i32 to index
      %get3A_403 = arith.constant 16 : index
      %get3A_404 = tpu.vector_load %arg6[%get3A_402, %get3A_403] {strides = array<i32>} : memref<1664x32xf32, #tpu.memory_space<vmem>>, vector<1x16xf32>,
      %get3A_405 = vector.shape_cast %get3A_404 : vector<1x16xf32> to vector<16xf32>
      %add3A_406 = arith.addf %add3A_392, %get3A_405 : vector<16xf32>
      %add3A_407 = arith.constant 15 : i32
      %add3A_408 = arith.addi %mul3A_203, %add3A_407 : i32
      %get3A_409 = arith.index_cast %add3A_408 : i32 to index
      %get3A_410 = arith.constant 0 : index
      %get3A_411 = tpu.vector_load %arg6[%get3A_409, %get3A_410] {strides = array<i32>} : memref<1664x32xf32, #tpu.memory_space<vmem>>, vector<1x16xf32>,
      %get3A_412 = vector.shape_cast %get3A_411 : vector<1x16xf32> to vector<16xf32>
      %add3A_413 = arith.addf %add3A_399, %get3A_412 : vector<16xf32>
      %add3A_414 = arith.constant 15 : i32
      %add3A_415 = arith.addi %mul3A_203, %add3A_414 : i32
      %get3A_416 = arith.index_cast %add3A_415 : i32 to index
      %get3A_417 = arith.constant 16 : index
      %get3A_418 = tpu.vector_load %arg6[%get3A_416, %get3A_417] {strides = array<i32>} : memref<1664x32xf32, #tpu.memory_space<vmem>>, vector<1x16xf32>,
      %get3A_419 = vector.shape_cast %get3A_418 : vector<1x16xf32> to vector<16xf32>
      %add3A_420 = arith.addf %add3A_406, %get3A_419 : vector<16xf32>
      %add3A_421 = arith.constant 16 : i32
      %add3A_422 = arith.addi %mul3A_203, %add3A_421 : i32
      %get3A_423 = arith.index_cast %add3A_422 : i32 to index
      %get3A_424 = arith.constant 0 : index
      %get3A_425 = tpu.vector_load %arg6[%get3A_423, %get3A_424] {strides = array<i32>} : memref<1664x32xf32, #tpu.memory_space<vmem>>, vector<1x16xf32>,
      %get3A_426 = vector.shape_cast %get3A_425 : vector<1x16xf32> to vector<16xf32>
      %add3A_427 = arith.addf %add3A_413, %get3A_426 : vector<16xf32>
      %add3A_428 = arith.constant 16 : i32
      %add3A_429 = arith.addi %mul3A_203, %add3A_428 : i32
      %get3A_430 = arith.index_cast %add3A_429 : i32 to index
      %get3A_431 = arith.constant 16 : index
      %get3A_432 = tpu.vector_load %arg6[%get3A_430, %get3A_431] {strides = array<i32>} : memref<1664x32xf32, #tpu.memory_space<vmem>>, vector<1x16xf32>,
      %get3A_433 = vector.shape_cast %get3A_432 : vector<1x16xf32> to vector<16xf32>
      %add3A_434 = arith.addf %add3A_420, %get3A_433 : vector<16xf32>
      %add3A_435 = arith.constant 17 : i32
      %add3A_436 = arith.addi %mul3A_203, %add3A_435 : i32
      %get3A_437 = arith.index_cast %add3A_436 : i32 to index
      %get3A_438 = arith.constant 0 : index
      %get3A_439 = tpu.vector_load %arg6[%get3A_437, %get3A_438] {strides = array<i32>} : memref<1664x32xf32, #tpu.memory_space<vmem>>, vector<1x16xf32>,
      %get3A_440 = vector.shape_cast %get3A_439 : vector<1x16xf32> to vector<16xf32>
      %add3A_441 = arith.addf %add3A_427, %get3A_440 : vector<16xf32>
      %add3A_442 = arith.constant 17 : i32
      %add3A_443 = arith.addi %mul3A_203, %add3A_442 : i32
      %get3A_444 = arith.index_cast %add3A_443 : i32 to index
      %get3A_445 = arith.constant 16 : index
      %get3A_446 = tpu.vector_load %arg6[%get3A_444, %get3A_445] {strides = array<i32>} : memref<1664x32xf32, #tpu.memory_space<vmem>>, vector<1x16xf32>,
      %get3A_447 = vector.shape_cast %get3A_446 : vector<1x16xf32> to vector<16xf32>
      %add3A_448 = arith.addf %add3A_434, %get3A_447 : vector<16xf32>
      %add3A_449 = arith.constant 18 : i32
      %add3A_450 = arith.addi %mul3A_203, %add3A_449 : i32
      %get3A_451 = arith.index_cast %add3A_450 : i32 to index
      %get3A_452 = arith.constant 0 : index
      %get3A_453 = tpu.vector_load %arg6[%get3A_451, %get3A_452] {strides = array<i32>} : memref<1664x32xf32, #tpu.memory_space<vmem>>, vector<1x16xf32>,
      %get3A_454 = vector.shape_cast %get3A_453 : vector<1x16xf32> to vector<16xf32>
      %add3A_455 = arith.addf %add3A_441, %get3A_454 : vector<16xf32>
      %add3A_456 = arith.constant 18 : i32
      %add3A_457 = arith.addi %mul3A_203, %add3A_456 : i32
      %get3A_458 = arith.index_cast %add3A_457 : i32 to index
      %get3A_459 = arith.constant 16 : index
      %get3A_460 = tpu.vector_load %arg6[%get3A_458, %get3A_459] {strides = array<i32>} : memref<1664x32xf32, #tpu.memory_space<vmem>>, vector<1x16xf32>,
      %get3A_461 = vector.shape_cast %get3A_460 : vector<1x16xf32> to vector<16xf32>
      %add3A_462 = arith.addf %add3A_448, %get3A_461 : vector<16xf32>
      %add3A_463 = arith.constant 19 : i32
      %add3A_464 = arith.addi %mul3A_203, %add3A_463 : i32
      %get3A_465 = arith.index_cast %add3A_464 : i32 to index
      %get3A_466 = arith.constant 0 : index
      %get3A_467 = tpu.vector_load %arg6[%get3A_465, %get3A_466] {strides = array<i32>} : memref<1664x32xf32, #tpu.memory_space<vmem>>, vector<1x16xf32>,
      %get3A_468 = vector.shape_cast %get3A_467 : vector<1x16xf32> to vector<16xf32>
      %add3A_469 = arith.addf %add3A_455, %get3A_468 : vector<16xf32>
      %add3A_470 = arith.constant 19 : i32
      %add3A_471 = arith.addi %mul3A_203, %add3A_470 : i32
      %get3A_472 = arith.index_cast %add3A_471 : i32 to index
      %get3A_473 = arith.constant 16 : index
      %get3A_474 = tpu.vector_load %arg6[%get3A_472, %get3A_473] {strides = array<i32>} : memref<1664x32xf32, #tpu.memory_space<vmem>>, vector<1x16xf32>,
      %get3A_475 = vector.shape_cast %get3A_474 : vector<1x16xf32> to vector<16xf32>
      %add3A_476 = arith.addf %add3A_462, %get3A_475 : vector<16xf32>
      %add3A_477 = arith.constant 20 : i32
      %add3A_478 = arith.addi %mul3A_203, %add3A_477 : i32
      %get3A_479 = arith.index_cast %add3A_478 : i32 to index
      %get3A_480 = arith.constant 0 : index
      %get3A_481 = tpu.vector_load %arg6[%get3A_479, %get3A_480] {strides = array<i32>} : memref<1664x32xf32, #tpu.memory_space<vmem>>, vector<1x16xf32>,
      %get3A_482 = vector.shape_cast %get3A_481 : vector<1x16xf32> to vector<16xf32>
      %add3A_483 = arith.addf %add3A_469, %get3A_482 : vector<16xf32>
      %add3A_484 = arith.constant 20 : i32
      %add3A_485 = arith.addi %mul3A_203, %add3A_484 : i32
      %get3A_486 = arith.index_cast %add3A_485 : i32 to index
      %get3A_487 = arith.constant 16 : index
      %get3A_488 = tpu.vector_load %arg6[%get3A_486, %get3A_487] {strides = array<i32>} : memref<1664x32xf32, #tpu.memory_space<vmem>>, vector<1x16xf32>,
      %get3A_489 = vector.shape_cast %get3A_488 : vector<1x16xf32> to vector<16xf32>
      %add3A_490 = arith.addf %add3A_476, %get3A_489 : vector<16xf32>
      %add3A_491 = arith.constant 21 : i32
      %add3A_492 = arith.addi %mul3A_203, %add3A_491 : i32
      %get3A_493 = arith.index_cast %add3A_492 : i32 to index
      %get3A_494 = arith.constant 0 : index
      %get3A_495 = tpu.vector_load %arg6[%get3A_493, %get3A_494] {strides = array<i32>} : memref<1664x32xf32, #tpu.memory_space<vmem>>, vector<1x16xf32>,
      %get3A_496 = vector.shape_cast %get3A_495 : vector<1x16xf32> to vector<16xf32>
      %add3A_497 = arith.addf %add3A_483, %get3A_496 : vector<16xf32>
      %add3A_498 = arith.constant 21 : i32
      %add3A_499 = arith.addi %mul3A_203, %add3A_498 : i32
      %get3A_500 = arith.index_cast %add3A_499 : i32 to index
      %get3A_501 = arith.constant 16 : index
      %get3A_502 = tpu.vector_load %arg6[%get3A_500, %get3A_501] {strides = array<i32>} : memref<1664x32xf32, #tpu.memory_space<vmem>>, vector<1x16xf32>,
      %get3A_503 = vector.shape_cast %get3A_502 : vector<1x16xf32> to vector<16xf32>
      %add3A_504 = arith.addf %add3A_490, %get3A_503 : vector<16xf32>
      %add3A_505 = arith.constant 22 : i32
      %add3A_506 = arith.addi %mul3A_203, %add3A_505 : i32
      %get3A_507 = arith.index_cast %add3A_506 : i32 to index
      %get3A_508 = arith.constant 0 : index
      %get3A_509 = tpu.vector_load %arg6[%get3A_507, %get3A_508] {strides = array<i32>} : memref<1664x32xf32, #tpu.memory_space<vmem>>, vector<1x16xf32>,
      %get3A_510 = vector.shape_cast %get3A_509 : vector<1x16xf32> to vector<16xf32>
      %add3A_511 = arith.addf %add3A_497, %get3A_510 : vector<16xf32>
      %add3A_512 = arith.constant 22 : i32
      %add3A_513 = arith.addi %mul3A_203, %add3A_512 : i32
      %get3A_514 = arith.index_cast %add3A_513 : i32 to index
      %get3A_515 = arith.constant 16 : index
      %get3A_516 = tpu.vector_load %arg6[%get3A_514, %get3A_515] {strides = array<i32>} : memref<1664x32xf32, #tpu.memory_space<vmem>>, vector<1x16xf32>,
      %get3A_517 = vector.shape_cast %get3A_516 : vector<1x16xf32> to vector<16xf32>
      %add3A_518 = arith.addf %add3A_504, %get3A_517 : vector<16xf32>
      %add3A_519 = arith.constant 23 : i32
      %add3A_520 = arith.addi %mul3A_203, %add3A_519 : i32
      %get3A_521 = arith.index_cast %add3A_520 : i32 to index
      %get3A_522 = arith.constant 0 : index
      %get3A_523 = tpu.vector_load %arg6[%get3A_521, %get3A_522] {strides = array<i32>} : memref<1664x32xf32, #tpu.memory_space<vmem>>, vector<1x16xf32>,
      %get3A_524 = vector.shape_cast %get3A_523 : vector<1x16xf32> to vector<16xf32>
      %add3A_525 = arith.addf %add3A_511, %get3A_524 : vector<16xf32>
      %add3A_526 = arith.constant 23 : i32
      %add3A_527 = arith.addi %mul3A_203, %add3A_526 : i32
      %get3A_528 = arith.index_cast %add3A_527 : i32 to index
      %get3A_529 = arith.constant 16 : index
      %get3A_530 = tpu.vector_load %arg6[%get3A_528, %get3A_529] {strides = array<i32>} : memref<1664x32xf32, #tpu.memory_space<vmem>>, vector<1x16xf32>,
      %get3A_531 = vector.shape_cast %get3A_530 : vector<1x16xf32> to vector<16xf32>
      %add3A_532 = arith.addf %add3A_518, %get3A_531 : vector<16xf32>
      %add3A_533 = arith.constant 24 : i32
      %add3A_534 = arith.addi %mul3A_203, %add3A_533 : i32
      %get3A_535 = arith.index_cast %add3A_534 : i32 to index
      %get3A_536 = arith.constant 0 : index
      %get3A_537 = tpu.vector_load %arg6[%get3A_535, %get3A_536] {strides = array<i32>} : memref<1664x32xf32, #tpu.memory_space<vmem>>, vector<1x16xf32>,
      %get3A_538 = vector.shape_cast %get3A_537 : vector<1x16xf32> to vector<16xf32>
      %add3A_539 = arith.addf %add3A_525, %get3A_538 : vector<16xf32>
      %add3A_540 = arith.constant 24 : i32
      %add3A_541 = arith.addi %mul3A_203, %add3A_540 : i32
      %get3A_542 = arith.index_cast %add3A_541 : i32 to index
      %get3A_543 = arith.constant 16 : index
      %get3A_544 = tpu.vector_load %arg6[%get3A_542, %get3A_543] {strides = array<i32>} : memref<1664x32xf32, #tpu.memory_space<vmem>>, vector<1x16xf32>,
      %get3A_545 = vector.shape_cast %get3A_544 : vector<1x16xf32> to vector<16xf32>
      %add3A_546 = arith.addf %add3A_532, %get3A_545 : vector<16xf32>
      %add3A_547 = arith.constant 25 : i32
      %add3A_548 = arith.addi %mul3A_203, %add3A_547 : i32
      %get3A_549 = arith.index_cast %add3A_548 : i32 to index
      %get3A_550 = arith.constant 0 : index
      %get3A_551 = tpu.vector_load %arg6[%get3A_549, %get3A_550] {strides = array<i32>} : memref<1664x32xf32, #tpu.memory_space<vmem>>, vector<1x16xf32>,
      %get3A_552 = vector.shape_cast %get3A_551 : vector<1x16xf32> to vector<16xf32>
      %add3A_553 = arith.addf %add3A_539, %get3A_552 : vector<16xf32>
      %add3A_554 = arith.constant 25 : i32
      %add3A_555 = arith.addi %mul3A_203, %add3A_554 : i32
      %get3A_556 = arith.index_cast %add3A_555 : i32 to index
      %get3A_557 = arith.constant 16 : index
      %get3A_558 = tpu.vector_load %arg6[%get3A_556, %get3A_557] {strides = array<i32>} : memref<1664x32xf32, #tpu.memory_space<vmem>>, vector<1x16xf32>,
      %get3A_559 = vector.shape_cast %get3A_558 : vector<1x16xf32> to vector<16xf32>
      %add3A_560 = arith.addf %add3A_546, %get3A_559 : vector<16xf32>
      %swap3A = arith.index_cast %scan3A_200 : i32 to index
      %swap3A_561 = arith.constant 0 : index
      %swap3A_562 = tpu.vector_load %arg8[%swap3A, %swap3A_561] {strides = array<i32>} : memref<64x32xf32, #tpu.memory_space<vmem>>, vector<1x16xf32>,
      %swap3A_563 = vector.shape_cast %swap3A_562 : vector<1x16xf32> to vector<16xf32>
      %swap3A_564 = vector.shape_cast %add3A_553 : vector<16xf32> to vector<1x16xf32>
      tpu.vector_store %arg8[%swap3A, %swap3A_561], %swap3A_564 {strides = array<i32>} : memref<64x32xf32, #tpu.memory_space<vmem>>, vector<1x16xf32>,
      %swap3A_565 = arith.index_cast %scan3A_200 : i32 to index
      %swap3A_566 = arith.constant 16 : index
      %swap3A_567 = tpu.vector_load %arg8[%swap3A_565, %swap3A_566] {strides = array<i32>} : memref<64x32xf32, #tpu.memory_space<vmem>>, vector<1x16xf32>,
      %swap3A_568 = vector.shape_cast %swap3A_567 : vector<1x16xf32> to vector<16xf32>
      %swap3A_569 = vector.shape_cast %add3A_560 : vector<16xf32> to vector<1x16xf32>
      tpu.vector_store %arg8[%swap3A_565, %swap3A_566], %swap3A_569 {strides = array<i32>} : memref<64x32xf32, #tpu.memory_space<vmem>>, vector<1x16xf32>,
      %scan3A_570 = arith.constant 0 : i32
      scf.yield %scan3A_570 : i32
    }
    %scan3A_27 = arith.constant 64 : i32
    %mul3A_28 = arith.constant 512 : i32
    %mul3A_29 = arith.muli %add3A, %mul3A_28 : i32
    %add3A_30 = arith.constant 0 : i32
    %add3A_31 = arith.addi %mul3A_29, %add3A_30 : i32
    "tpu.region"() ({
      %run_scoped3A = tpu.sem_alloc : memref<!tpu.dma_semaphore, #tpu.memory_space<semaphore_mem>>
      %dma_start3A = arith.constant 0 : i32
      %dma_start3A_200 = tpu.memref_slice %arg4[%add3A_31, %dma_start3A] : memref<16384x32xf32, #tpu.memory_space<hbm>> -> memref<64x32xf32, #tpu.memory_space<hbm>>
      %dma_start3A_201 = arith.constant 0 : i32
      %dma_start3A_202 = tpu.memref_slice %arg4[%add3A_31, %dma_start3A_201] : memref<16384x32xf32, #tpu.memory_space<hbm>> -> memref<64x32xf32, #tpu.memory_space<hbm>>
      tpu.enqueue_dma source(%arg8 : memref<64x32xf32, #tpu.memory_space<vmem>>) target(%dma_start3A_202 : memref<64x32xf32, #tpu.memory_space<hbm>>) target_semaphore(%run_scoped3A : memref<!tpu.dma_semaphore, #tpu.memory_space<semaphore_mem>>)
      %dma_wait3A = arith.constant 0 : i32
      %dma_wait3A_203 = tpu.memref_slice %arg4[%add3A_31, %dma_wait3A] : memref<16384x32xf32, #tpu.memory_space<hbm>> -> memref<64x32xf32, #tpu.memory_space<hbm>>
      %dma_wait3A_204 = arith.constant 0 : i32
      %dma_wait3A_205 = tpu.memref_slice %arg4[%add3A_31, %dma_wait3A_204] : memref<16384x32xf32, #tpu.memory_space<hbm>> -> memref<64x32xf32, #tpu.memory_space<hbm>>
      tpu.wait_dma2 semaphore(%run_scoped3A : memref<!tpu.dma_semaphore, #tpu.memory_space<semaphore_mem>>) src(%arg8 : memref<64x32xf32, #tpu.memory_space<vmem>>) dst(%dma_wait3A_205 : memref<64x32xf32, #tpu.memory_space<hbm>>)
      tpu.yield
    }) : () -> ()
    %scan3A_32 = arith.constant 0 : i32
    %scan3A_33 = arith.constant 0 : i32
    %scan3A_34 = arith.constant 104 : i32
    %scan3A_35 = arith.addi %scan3A_33, %scan3A_34 : i32
    %scan3A_36 = arith.constant 1 : i32
    %scan3A_37 = scf.for %scan3A_200 = %scan3A_33 to %scan3A_35 step %scan3A_36 iter_args(%scan3A_201 = %scan3A_32) -> (i32)  : i32 {
      %mul3A_202 = arith.constant 16 : i32
      %mul3A_203 = arith.muli %scan3A_200, %mul3A_202 : i32
      %add3A_204 = arith.constant 3328 : i32
      %add3A_205 = arith.addi %add3A_204, %mul3A_203 : i32
      %get3A = arith.index_cast %add3A_205 : i32 to index
      %get3A_206 = tpu.vector_load %arg5[%get3A] {strides = array<i32>} : memref<13312xi32, #tpu.memory_space<vmem>>, vector<16xi32>,
      %get3A_207 = vector.shape_cast %get3A_206 : vector<16xi32> to vector<16xi32>
      %mul3A_208 = arith.constant 16 : i32
      %mul3A_209 = arith.muli %scan3A_200, %mul3A_208 : i32
      %dma_start3A = arith.constant 0 : i32
      %dma_start3A_210 = tpu.memref_slice %arg6[%mul3A_209, %dma_start3A] : memref<1664x32xf32, #tpu.memory_space<vmem>> -> memref<16x32xf32, #tpu.memory_space<vmem>>
      %dma_start3A_211 = arith.constant 0 : i32
      %dma_start3A_212 = arith.constant 0 : i32
      %dma_start3A_213 = tpu.memref_slice %arg3[%dma_start3A_211, %dma_start3A_212] : memref<2600000x32xf32, #tpu.memory_space<hbm>> -> memref<2600000x32xf32, #tpu.memory_space<hbm>>
      tpu.enqueue_indirect_dma source(%dma_start3A_213 : memref<2600000x32xf32, #tpu.memory_space<hbm>>) target(%dma_start3A_210 : memref<16x32xf32, #tpu.memory_space<vmem>>) offsets(%get3A_207 : vector<16xi32>) semaphore(%arg9 : memref<!tpu.dma_semaphore, #tpu.memory_space<semaphore_mem>>)
      %scan3A_214 = arith.constant 0 : i32
      scf.yield %scan3A_214 : i32
    }
    %scan3A_38 = arith.constant 104 : i32
    %scan3A_39 = arith.constant 0 : i32
    %scan3A_40 = arith.constant 0 : i32
    %scan3A_41 = arith.constant 104 : i32
    %scan3A_42 = arith.addi %scan3A_40, %scan3A_41 : i32
    %scan3A_43 = arith.constant 1 : i32
    %scan3A_44 = scf.for %scan3A_200 = %scan3A_40 to %scan3A_42 step %scan3A_43 iter_args(%scan3A_201 = %scan3A_39) -> (i32)  : i32 {
      %mul3A_202 = arith.constant 16 : i32
      %mul3A_203 = arith.muli %scan3A_200, %mul3A_202 : i32
      %dma_wait3A = arith.constant 0 : i32
      %dma_wait3A_204 = tpu.memref_slice %arg7[%mul3A_203, %dma_wait3A] : memref<1664x32xf32, #tpu.memory_space<vmem>> -> memref<16x32xf32, #tpu.memory_space<vmem>>
      %dma_wait3A_205 = arith.constant 0 : i32
      %dma_wait3A_206 = arith.constant 0 : i32
      %dma_wait3A_207 = tpu.memref_slice %arg3[%dma_wait3A_205, %dma_wait3A_206] : memref<2600000x32xf32, #tpu.memory_space<hbm>> -> memref<16x32xf32, #tpu.memory_space<hbm>>
      %dma_wait3A_208 = arith.constant 0 : i32
      %dma_wait3A_209 = tpu.memref_slice %arg7[%mul3A_203, %dma_wait3A_208] : memref<1664x32xf32, #tpu.memory_space<vmem>> -> memref<16x32xf32, #tpu.memory_space<vmem>>
      %dma_wait3A_210 = arith.constant 0 : i32
      %dma_wait3A_211 = arith.constant 0 : i32
      %dma_wait3A_212 = tpu.memref_slice %arg3[%dma_wait3A_210, %dma_wait3A_211] : memref<2600000x32xf32, #tpu.memory_space<hbm>> -> memref<16x32xf32, #tpu.memory_space<hbm>>
      tpu.wait_dma2 semaphore(%arg10 : memref<!tpu.dma_semaphore, #tpu.memory_space<semaphore_mem>>) src(%dma_wait3A_212 : memref<16x32xf32, #tpu.memory_space<hbm>>) dst(%dma_wait3A_209 : memref<16x32xf32, #tpu.memory_space<vmem>>)
      %scan3A_213 = arith.constant 0 : i32
      scf.yield %scan3A_213 : i32
    }
    %scan3A_45 = arith.constant 104 : i32
    %scan3A_46 = arith.constant 0 : i32
    %scan3A_47 = arith.constant 0 : i32
    %scan3A_48 = arith.constant 64 : i32
    %scan3A_49 = arith.addi %scan3A_47, %scan3A_48 : i32
    %scan3A_50 = arith.constant 1 : i32
    %scan3A_51 = scf.for %scan3A_200 = %scan3A_47 to %scan3A_49 step %scan3A_50 iter_args(%scan3A_201 = %scan3A_46) -> (i32)  : i32 {
      %mul3A_202 = arith.constant 26 : i32
      %mul3A_203 = arith.muli %scan3A_200, %mul3A_202 : i32
      %get3A = arith.index_cast %mul3A_203 : i32 to index
      %get3A_204 = arith.constant 0 : index
      %get3A_205 = tpu.vector_load %arg7[%get3A, %get3A_204] {strides = array<i32>} : memref<1664x32xf32, #tpu.memory_space<vmem>>, vector<1x16xf32>,
      %get3A_206 = vector.shape_cast %get3A_205 : vector<1x16xf32> to vector<16xf32>
      %get3A_207 = arith.index_cast %mul3A_203 : i32 to index
      %get3A_208 = arith.constant 16 : index
      %get3A_209 = tpu.vector_load %arg7[%get3A_207, %get3A_208] {strides = array<i32>} : memref<1664x32xf32, #tpu.memory_space<vmem>>, vector<1x16xf32>,
      %get3A_210 = vector.shape_cast %get3A_209 : vector<1x16xf32> to vector<16xf32>
      %add3A_211 = arith.constant 1 : i32
      %add3A_212 = arith.addi %mul3A_203, %add3A_211 : i32
      %get3A_213 = arith.index_cast %add3A_212 : i32 to index
      %get3A_214 = arith.constant 0 : index
      %get3A_215 = tpu.vector_load %arg7[%get3A_213, %get3A_214] {strides = array<i32>} : memref<1664x32xf32, #tpu.memory_space<vmem>>, vector<1x16xf32>,
      %get3A_216 = vector.shape_cast %get3A_215 : vector<1x16xf32> to vector<16xf32>
      %add3A_217 = arith.addf %get3A_206, %get3A_216 : vector<16xf32>
      %add3A_218 = arith.constant 1 : i32
      %add3A_219 = arith.addi %mul3A_203, %add3A_218 : i32
      %get3A_220 = arith.index_cast %add3A_219 : i32 to index
      %get3A_221 = arith.constant 16 : index
      %get3A_222 = tpu.vector_load %arg7[%get3A_220, %get3A_221] {strides = array<i32>} : memref<1664x32xf32, #tpu.memory_space<vmem>>, vector<1x16xf32>,
      %get3A_223 = vector.shape_cast %get3A_222 : vector<1x16xf32> to vector<16xf32>
      %add3A_224 = arith.addf %get3A_210, %get3A_223 : vector<16xf32>
      %add3A_225 = arith.constant 2 : i32
      %add3A_226 = arith.addi %mul3A_203, %add3A_225 : i32
      %get3A_227 = arith.index_cast %add3A_226 : i32 to index
      %get3A_228 = arith.constant 0 : index
      %get3A_229 = tpu.vector_load %arg7[%get3A_227, %get3A_228] {strides = array<i32>} : memref<1664x32xf32, #tpu.memory_space<vmem>>, vector<1x16xf32>,
      %get3A_230 = vector.shape_cast %get3A_229 : vector<1x16xf32> to vector<16xf32>
      %add3A_231 = arith.addf %add3A_217, %get3A_230 : vector<16xf32>
      %add3A_232 = arith.constant 2 : i32
      %add3A_233 = arith.addi %mul3A_203, %add3A_232 : i32
      %get3A_234 = arith.index_cast %add3A_233 : i32 to index
      %get3A_235 = arith.constant 16 : index
      %get3A_236 = tpu.vector_load %arg7[%get3A_234, %get3A_235] {strides = array<i32>} : memref<1664x32xf32, #tpu.memory_space<vmem>>, vector<1x16xf32>,
      %get3A_237 = vector.shape_cast %get3A_236 : vector<1x16xf32> to vector<16xf32>
      %add3A_238 = arith.addf %add3A_224, %get3A_237 : vector<16xf32>
      %add3A_239 = arith.constant 3 : i32
      %add3A_240 = arith.addi %mul3A_203, %add3A_239 : i32
      %get3A_241 = arith.index_cast %add3A_240 : i32 to index
      %get3A_242 = arith.constant 0 : index
      %get3A_243 = tpu.vector_load %arg7[%get3A_241, %get3A_242] {strides = array<i32>} : memref<1664x32xf32, #tpu.memory_space<vmem>>, vector<1x16xf32>,
      %get3A_244 = vector.shape_cast %get3A_243 : vector<1x16xf32> to vector<16xf32>
      %add3A_245 = arith.addf %add3A_231, %get3A_244 : vector<16xf32>
      %add3A_246 = arith.constant 3 : i32
      %add3A_247 = arith.addi %mul3A_203, %add3A_246 : i32
      %get3A_248 = arith.index_cast %add3A_247 : i32 to index
      %get3A_249 = arith.constant 16 : index
      %get3A_250 = tpu.vector_load %arg7[%get3A_248, %get3A_249] {strides = array<i32>} : memref<1664x32xf32, #tpu.memory_space<vmem>>, vector<1x16xf32>,
      %get3A_251 = vector.shape_cast %get3A_250 : vector<1x16xf32> to vector<16xf32>
      %add3A_252 = arith.addf %add3A_238, %get3A_251 : vector<16xf32>
      %add3A_253 = arith.constant 4 : i32
      %add3A_254 = arith.addi %mul3A_203, %add3A_253 : i32
      %get3A_255 = arith.index_cast %add3A_254 : i32 to index
      %get3A_256 = arith.constant 0 : index
      %get3A_257 = tpu.vector_load %arg7[%get3A_255, %get3A_256] {strides = array<i32>} : memref<1664x32xf32, #tpu.memory_space<vmem>>, vector<1x16xf32>,
      %get3A_258 = vector.shape_cast %get3A_257 : vector<1x16xf32> to vector<16xf32>
      %add3A_259 = arith.addf %add3A_245, %get3A_258 : vector<16xf32>
      %add3A_260 = arith.constant 4 : i32
      %add3A_261 = arith.addi %mul3A_203, %add3A_260 : i32
      %get3A_262 = arith.index_cast %add3A_261 : i32 to index
      %get3A_263 = arith.constant 16 : index
      %get3A_264 = tpu.vector_load %arg7[%get3A_262, %get3A_263] {strides = array<i32>} : memref<1664x32xf32, #tpu.memory_space<vmem>>, vector<1x16xf32>,
      %get3A_265 = vector.shape_cast %get3A_264 : vector<1x16xf32> to vector<16xf32>
      %add3A_266 = arith.addf %add3A_252, %get3A_265 : vector<16xf32>
      %add3A_267 = arith.constant 5 : i32
      %add3A_268 = arith.addi %mul3A_203, %add3A_267 : i32
      %get3A_269 = arith.index_cast %add3A_268 : i32 to index
      %get3A_270 = arith.constant 0 : index
      %get3A_271 = tpu.vector_load %arg7[%get3A_269, %get3A_270] {strides = array<i32>} : memref<1664x32xf32, #tpu.memory_space<vmem>>, vector<1x16xf32>,
      %get3A_272 = vector.shape_cast %get3A_271 : vector<1x16xf32> to vector<16xf32>
      %add3A_273 = arith.addf %add3A_259, %get3A_272 : vector<16xf32>
      %add3A_274 = arith.constant 5 : i32
      %add3A_275 = arith.addi %mul3A_203, %add3A_274 : i32
      %get3A_276 = arith.index_cast %add3A_275 : i32 to index
      %get3A_277 = arith.constant 16 : index
      %get3A_278 = tpu.vector_load %arg7[%get3A_276, %get3A_277] {strides = array<i32>} : memref<1664x32xf32, #tpu.memory_space<vmem>>, vector<1x16xf32>,
      %get3A_279 = vector.shape_cast %get3A_278 : vector<1x16xf32> to vector<16xf32>
      %add3A_280 = arith.addf %add3A_266, %get3A_279 : vector<16xf32>
      %add3A_281 = arith.constant 6 : i32
      %add3A_282 = arith.addi %mul3A_203, %add3A_281 : i32
      %get3A_283 = arith.index_cast %add3A_282 : i32 to index
      %get3A_284 = arith.constant 0 : index
      %get3A_285 = tpu.vector_load %arg7[%get3A_283, %get3A_284] {strides = array<i32>} : memref<1664x32xf32, #tpu.memory_space<vmem>>, vector<1x16xf32>,
      %get3A_286 = vector.shape_cast %get3A_285 : vector<1x16xf32> to vector<16xf32>
      %add3A_287 = arith.addf %add3A_273, %get3A_286 : vector<16xf32>
      %add3A_288 = arith.constant 6 : i32
      %add3A_289 = arith.addi %mul3A_203, %add3A_288 : i32
      %get3A_290 = arith.index_cast %add3A_289 : i32 to index
      %get3A_291 = arith.constant 16 : index
      %get3A_292 = tpu.vector_load %arg7[%get3A_290, %get3A_291] {strides = array<i32>} : memref<1664x32xf32, #tpu.memory_space<vmem>>, vector<1x16xf32>,
      %get3A_293 = vector.shape_cast %get3A_292 : vector<1x16xf32> to vector<16xf32>
      %add3A_294 = arith.addf %add3A_280, %get3A_293 : vector<16xf32>
      %add3A_295 = arith.constant 7 : i32
      %add3A_296 = arith.addi %mul3A_203, %add3A_295 : i32
      %get3A_297 = arith.index_cast %add3A_296 : i32 to index
      %get3A_298 = arith.constant 0 : index
      %get3A_299 = tpu.vector_load %arg7[%get3A_297, %get3A_298] {strides = array<i32>} : memref<1664x32xf32, #tpu.memory_space<vmem>>, vector<1x16xf32>,
      %get3A_300 = vector.shape_cast %get3A_299 : vector<1x16xf32> to vector<16xf32>
      %add3A_301 = arith.addf %add3A_287, %get3A_300 : vector<16xf32>
      %add3A_302 = arith.constant 7 : i32
      %add3A_303 = arith.addi %mul3A_203, %add3A_302 : i32
      %get3A_304 = arith.index_cast %add3A_303 : i32 to index
      %get3A_305 = arith.constant 16 : index
      %get3A_306 = tpu.vector_load %arg7[%get3A_304, %get3A_305] {strides = array<i32>} : memref<1664x32xf32, #tpu.memory_space<vmem>>, vector<1x16xf32>,
      %get3A_307 = vector.shape_cast %get3A_306 : vector<1x16xf32> to vector<16xf32>
      %add3A_308 = arith.addf %add3A_294, %get3A_307 : vector<16xf32>
      %add3A_309 = arith.constant 8 : i32
      %add3A_310 = arith.addi %mul3A_203, %add3A_309 : i32
      %get3A_311 = arith.index_cast %add3A_310 : i32 to index
      %get3A_312 = arith.constant 0 : index
      %get3A_313 = tpu.vector_load %arg7[%get3A_311, %get3A_312] {strides = array<i32>} : memref<1664x32xf32, #tpu.memory_space<vmem>>, vector<1x16xf32>,
      %get3A_314 = vector.shape_cast %get3A_313 : vector<1x16xf32> to vector<16xf32>
      %add3A_315 = arith.addf %add3A_301, %get3A_314 : vector<16xf32>
      %add3A_316 = arith.constant 8 : i32
      %add3A_317 = arith.addi %mul3A_203, %add3A_316 : i32
      %get3A_318 = arith.index_cast %add3A_317 : i32 to index
      %get3A_319 = arith.constant 16 : index
      %get3A_320 = tpu.vector_load %arg7[%get3A_318, %get3A_319] {strides = array<i32>} : memref<1664x32xf32, #tpu.memory_space<vmem>>, vector<1x16xf32>,
      %get3A_321 = vector.shape_cast %get3A_320 : vector<1x16xf32> to vector<16xf32>
      %add3A_322 = arith.addf %add3A_308, %get3A_321 : vector<16xf32>
      %add3A_323 = arith.constant 9 : i32
      %add3A_324 = arith.addi %mul3A_203, %add3A_323 : i32
      %get3A_325 = arith.index_cast %add3A_324 : i32 to index
      %get3A_326 = arith.constant 0 : index
      %get3A_327 = tpu.vector_load %arg7[%get3A_325, %get3A_326] {strides = array<i32>} : memref<1664x32xf32, #tpu.memory_space<vmem>>, vector<1x16xf32>,
      %get3A_328 = vector.shape_cast %get3A_327 : vector<1x16xf32> to vector<16xf32>
      %add3A_329 = arith.addf %add3A_315, %get3A_328 : vector<16xf32>
      %add3A_330 = arith.constant 9 : i32
      %add3A_331 = arith.addi %mul3A_203, %add3A_330 : i32
      %get3A_332 = arith.index_cast %add3A_331 : i32 to index
      %get3A_333 = arith.constant 16 : index
      %get3A_334 = tpu.vector_load %arg7[%get3A_332, %get3A_333] {strides = array<i32>} : memref<1664x32xf32, #tpu.memory_space<vmem>>, vector<1x16xf32>,
      %get3A_335 = vector.shape_cast %get3A_334 : vector<1x16xf32> to vector<16xf32>
      %add3A_336 = arith.addf %add3A_322, %get3A_335 : vector<16xf32>
      %add3A_337 = arith.constant 10 : i32
      %add3A_338 = arith.addi %mul3A_203, %add3A_337 : i32
      %get3A_339 = arith.index_cast %add3A_338 : i32 to index
      %get3A_340 = arith.constant 0 : index
      %get3A_341 = tpu.vector_load %arg7[%get3A_339, %get3A_340] {strides = array<i32>} : memref<1664x32xf32, #tpu.memory_space<vmem>>, vector<1x16xf32>,
      %get3A_342 = vector.shape_cast %get3A_341 : vector<1x16xf32> to vector<16xf32>
      %add3A_343 = arith.addf %add3A_329, %get3A_342 : vector<16xf32>
      %add3A_344 = arith.constant 10 : i32
      %add3A_345 = arith.addi %mul3A_203, %add3A_344 : i32
      %get3A_346 = arith.index_cast %add3A_345 : i32 to index
      %get3A_347 = arith.constant 16 : index
      %get3A_348 = tpu.vector_load %arg7[%get3A_346, %get3A_347] {strides = array<i32>} : memref<1664x32xf32, #tpu.memory_space<vmem>>, vector<1x16xf32>,
      %get3A_349 = vector.shape_cast %get3A_348 : vector<1x16xf32> to vector<16xf32>
      %add3A_350 = arith.addf %add3A_336, %get3A_349 : vector<16xf32>
      %add3A_351 = arith.constant 11 : i32
      %add3A_352 = arith.addi %mul3A_203, %add3A_351 : i32
      %get3A_353 = arith.index_cast %add3A_352 : i32 to index
      %get3A_354 = arith.constant 0 : index
      %get3A_355 = tpu.vector_load %arg7[%get3A_353, %get3A_354] {strides = array<i32>} : memref<1664x32xf32, #tpu.memory_space<vmem>>, vector<1x16xf32>,
      %get3A_356 = vector.shape_cast %get3A_355 : vector<1x16xf32> to vector<16xf32>
      %add3A_357 = arith.addf %add3A_343, %get3A_356 : vector<16xf32>
      %add3A_358 = arith.constant 11 : i32
      %add3A_359 = arith.addi %mul3A_203, %add3A_358 : i32
      %get3A_360 = arith.index_cast %add3A_359 : i32 to index
      %get3A_361 = arith.constant 16 : index
      %get3A_362 = tpu.vector_load %arg7[%get3A_360, %get3A_361] {strides = array<i32>} : memref<1664x32xf32, #tpu.memory_space<vmem>>, vector<1x16xf32>,
      %get3A_363 = vector.shape_cast %get3A_362 : vector<1x16xf32> to vector<16xf32>
      %add3A_364 = arith.addf %add3A_350, %get3A_363 : vector<16xf32>
      %add3A_365 = arith.constant 12 : i32
      %add3A_366 = arith.addi %mul3A_203, %add3A_365 : i32
      %get3A_367 = arith.index_cast %add3A_366 : i32 to index
      %get3A_368 = arith.constant 0 : index
      %get3A_369 = tpu.vector_load %arg7[%get3A_367, %get3A_368] {strides = array<i32>} : memref<1664x32xf32, #tpu.memory_space<vmem>>, vector<1x16xf32>,
      %get3A_370 = vector.shape_cast %get3A_369 : vector<1x16xf32> to vector<16xf32>
      %add3A_371 = arith.addf %add3A_357, %get3A_370 : vector<16xf32>
      %add3A_372 = arith.constant 12 : i32
      %add3A_373 = arith.addi %mul3A_203, %add3A_372 : i32
      %get3A_374 = arith.index_cast %add3A_373 : i32 to index
      %get3A_375 = arith.constant 16 : index
      %get3A_376 = tpu.vector_load %arg7[%get3A_374, %get3A_375] {strides = array<i32>} : memref<1664x32xf32, #tpu.memory_space<vmem>>, vector<1x16xf32>,
      %get3A_377 = vector.shape_cast %get3A_376 : vector<1x16xf32> to vector<16xf32>
      %add3A_378 = arith.addf %add3A_364, %get3A_377 : vector<16xf32>
      %add3A_379 = arith.constant 13 : i32
      %add3A_380 = arith.addi %mul3A_203, %add3A_379 : i32
      %get3A_381 = arith.index_cast %add3A_380 : i32 to index
      %get3A_382 = arith.constant 0 : index
      %get3A_383 = tpu.vector_load %arg7[%get3A_381, %get3A_382] {strides = array<i32>} : memref<1664x32xf32, #tpu.memory_space<vmem>>, vector<1x16xf32>,
      %get3A_384 = vector.shape_cast %get3A_383 : vector<1x16xf32> to vector<16xf32>
      %add3A_385 = arith.addf %add3A_371, %get3A_384 : vector<16xf32>
      %add3A_386 = arith.constant 13 : i32
      %add3A_387 = arith.addi %mul3A_203, %add3A_386 : i32
      %get3A_388 = arith.index_cast %add3A_387 : i32 to index
      %get3A_389 = arith.constant 16 : index
      %get3A_390 = tpu.vector_load %arg7[%get3A_388, %get3A_389] {strides = array<i32>} : memref<1664x32xf32, #tpu.memory_space<vmem>>, vector<1x16xf32>,
      %get3A_391 = vector.shape_cast %get3A_390 : vector<1x16xf32> to vector<16xf32>
      %add3A_392 = arith.addf %add3A_378, %get3A_391 : vector<16xf32>
      %add3A_393 = arith.constant 14 : i32
      %add3A_394 = arith.addi %mul3A_203, %add3A_393 : i32
      %get3A_395 = arith.index_cast %add3A_394 : i32 to index
      %get3A_396 = arith.constant 0 : index
      %get3A_397 = tpu.vector_load %arg7[%get3A_395, %get3A_396] {strides = array<i32>} : memref<1664x32xf32, #tpu.memory_space<vmem>>, vector<1x16xf32>,
      %get3A_398 = vector.shape_cast %get3A_397 : vector<1x16xf32> to vector<16xf32>
      %add3A_399 = arith.addf %add3A_385, %get3A_398 : vector<16xf32>
      %add3A_400 = arith.constant 14 : i32
      %add3A_401 = arith.addi %mul3A_203, %add3A_400 : i32
      %get3A_402 = arith.index_cast %add3A_401 : i32 to index
      %get3A_403 = arith.constant 16 : index
      %get3A_404 = tpu.vector_load %arg7[%get3A_402, %get3A_403] {strides = array<i32>} : memref<1664x32xf32, #tpu.memory_space<vmem>>, vector<1x16xf32>,
      %get3A_405 = vector.shape_cast %get3A_404 : vector<1x16xf32> to vector<16xf32>
      %add3A_406 = arith.addf %add3A_392, %get3A_405 : vector<16xf32>
      %add3A_407 = arith.constant 15 : i32
      %add3A_408 = arith.addi %mul3A_203, %add3A_407 : i32
      %get3A_409 = arith.index_cast %add3A_408 : i32 to index
      %get3A_410 = arith.constant 0 : index
      %get3A_411 = tpu.vector_load %arg7[%get3A_409, %get3A_410] {strides = array<i32>} : memref<1664x32xf32, #tpu.memory_space<vmem>>, vector<1x16xf32>,
      %get3A_412 = vector.shape_cast %get3A_411 : vector<1x16xf32> to vector<16xf32>
      %add3A_413 = arith.addf %add3A_399, %get3A_412 : vector<16xf32>
      %add3A_414 = arith.constant 15 : i32
      %add3A_415 = arith.addi %mul3A_203, %add3A_414 : i32
      %get3A_416 = arith.index_cast %add3A_415 : i32 to index
      %get3A_417 = arith.constant 16 : index
      %get3A_418 = tpu.vector_load %arg7[%get3A_416, %get3A_417] {strides = array<i32>} : memref<1664x32xf32, #tpu.memory_space<vmem>>, vector<1x16xf32>,
      %get3A_419 = vector.shape_cast %get3A_418 : vector<1x16xf32> to vector<16xf32>
      %add3A_420 = arith.addf %add3A_406, %get3A_419 : vector<16xf32>
      %add3A_421 = arith.constant 16 : i32
      %add3A_422 = arith.addi %mul3A_203, %add3A_421 : i32
      %get3A_423 = arith.index_cast %add3A_422 : i32 to index
      %get3A_424 = arith.constant 0 : index
      %get3A_425 = tpu.vector_load %arg7[%get3A_423, %get3A_424] {strides = array<i32>} : memref<1664x32xf32, #tpu.memory_space<vmem>>, vector<1x16xf32>,
      %get3A_426 = vector.shape_cast %get3A_425 : vector<1x16xf32> to vector<16xf32>
      %add3A_427 = arith.addf %add3A_413, %get3A_426 : vector<16xf32>
      %add3A_428 = arith.constant 16 : i32
      %add3A_429 = arith.addi %mul3A_203, %add3A_428 : i32
      %get3A_430 = arith.index_cast %add3A_429 : i32 to index
      %get3A_431 = arith.constant 16 : index
      %get3A_432 = tpu.vector_load %arg7[%get3A_430, %get3A_431] {strides = array<i32>} : memref<1664x32xf32, #tpu.memory_space<vmem>>, vector<1x16xf32>,
      %get3A_433 = vector.shape_cast %get3A_432 : vector<1x16xf32> to vector<16xf32>
      %add3A_434 = arith.addf %add3A_420, %get3A_433 : vector<16xf32>
      %add3A_435 = arith.constant 17 : i32
      %add3A_436 = arith.addi %mul3A_203, %add3A_435 : i32
      %get3A_437 = arith.index_cast %add3A_436 : i32 to index
      %get3A_438 = arith.constant 0 : index
      %get3A_439 = tpu.vector_load %arg7[%get3A_437, %get3A_438] {strides = array<i32>} : memref<1664x32xf32, #tpu.memory_space<vmem>>, vector<1x16xf32>,
      %get3A_440 = vector.shape_cast %get3A_439 : vector<1x16xf32> to vector<16xf32>
      %add3A_441 = arith.addf %add3A_427, %get3A_440 : vector<16xf32>
      %add3A_442 = arith.constant 17 : i32
      %add3A_443 = arith.addi %mul3A_203, %add3A_442 : i32
      %get3A_444 = arith.index_cast %add3A_443 : i32 to index
      %get3A_445 = arith.constant 16 : index
      %get3A_446 = tpu.vector_load %arg7[%get3A_444, %get3A_445] {strides = array<i32>} : memref<1664x32xf32, #tpu.memory_space<vmem>>, vector<1x16xf32>,
      %get3A_447 = vector.shape_cast %get3A_446 : vector<1x16xf32> to vector<16xf32>
      %add3A_448 = arith.addf %add3A_434, %get3A_447 : vector<16xf32>
      %add3A_449 = arith.constant 18 : i32
      %add3A_450 = arith.addi %mul3A_203, %add3A_449 : i32
      %get3A_451 = arith.index_cast %add3A_450 : i32 to index
      %get3A_452 = arith.constant 0 : index
      %get3A_453 = tpu.vector_load %arg7[%get3A_451, %get3A_452] {strides = array<i32>} : memref<1664x32xf32, #tpu.memory_space<vmem>>, vector<1x16xf32>,
      %get3A_454 = vector.shape_cast %get3A_453 : vector<1x16xf32> to vector<16xf32>
      %add3A_455 = arith.addf %add3A_441, %get3A_454 : vector<16xf32>
      %add3A_456 = arith.constant 18 : i32
      %add3A_457 = arith.addi %mul3A_203, %add3A_456 : i32
      %get3A_458 = arith.index_cast %add3A_457 : i32 to index
      %get3A_459 = arith.constant 16 : index
      %get3A_460 = tpu.vector_load %arg7[%get3A_458, %get3A_459] {strides = array<i32>} : memref<1664x32xf32, #tpu.memory_space<vmem>>, vector<1x16xf32>,
      %get3A_461 = vector.shape_cast %get3A_460 : vector<1x16xf32> to vector<16xf32>
      %add3A_462 = arith.addf %add3A_448, %get3A_461 : vector<16xf32>
      %add3A_463 = arith.constant 19 : i32
      %add3A_464 = arith.addi %mul3A_203, %add3A_463 : i32
      %get3A_465 = arith.index_cast %add3A_464 : i32 to index
      %get3A_466 = arith.constant 0 : index
      %get3A_467 = tpu.vector_load %arg7[%get3A_465, %get3A_466] {strides = array<i32>} : memref<1664x32xf32, #tpu.memory_space<vmem>>, vector<1x16xf32>,
      %get3A_468 = vector.shape_cast %get3A_467 : vector<1x16xf32> to vector<16xf32>
      %add3A_469 = arith.addf %add3A_455, %get3A_468 : vector<16xf32>
      %add3A_470 = arith.constant 19 : i32
      %add3A_471 = arith.addi %mul3A_203, %add3A_470 : i32
      %get3A_472 = arith.index_cast %add3A_471 : i32 to index
      %get3A_473 = arith.constant 16 : index
      %get3A_474 = tpu.vector_load %arg7[%get3A_472, %get3A_473] {strides = array<i32>} : memref<1664x32xf32, #tpu.memory_space<vmem>>, vector<1x16xf32>,
      %get3A_475 = vector.shape_cast %get3A_474 : vector<1x16xf32> to vector<16xf32>
      %add3A_476 = arith.addf %add3A_462, %get3A_475 : vector<16xf32>
      %add3A_477 = arith.constant 20 : i32
      %add3A_478 = arith.addi %mul3A_203, %add3A_477 : i32
      %get3A_479 = arith.index_cast %add3A_478 : i32 to index
      %get3A_480 = arith.constant 0 : index
      %get3A_481 = tpu.vector_load %arg7[%get3A_479, %get3A_480] {strides = array<i32>} : memref<1664x32xf32, #tpu.memory_space<vmem>>, vector<1x16xf32>,
      %get3A_482 = vector.shape_cast %get3A_481 : vector<1x16xf32> to vector<16xf32>
      %add3A_483 = arith.addf %add3A_469, %get3A_482 : vector<16xf32>
      %add3A_484 = arith.constant 20 : i32
      %add3A_485 = arith.addi %mul3A_203, %add3A_484 : i32
      %get3A_486 = arith.index_cast %add3A_485 : i32 to index
      %get3A_487 = arith.constant 16 : index
      %get3A_488 = tpu.vector_load %arg7[%get3A_486, %get3A_487] {strides = array<i32>} : memref<1664x32xf32, #tpu.memory_space<vmem>>, vector<1x16xf32>,
      %get3A_489 = vector.shape_cast %get3A_488 : vector<1x16xf32> to vector<16xf32>
      %add3A_490 = arith.addf %add3A_476, %get3A_489 : vector<16xf32>
      %add3A_491 = arith.constant 21 : i32
      %add3A_492 = arith.addi %mul3A_203, %add3A_491 : i32
      %get3A_493 = arith.index_cast %add3A_492 : i32 to index
      %get3A_494 = arith.constant 0 : index
      %get3A_495 = tpu.vector_load %arg7[%get3A_493, %get3A_494] {strides = array<i32>} : memref<1664x32xf32, #tpu.memory_space<vmem>>, vector<1x16xf32>,
      %get3A_496 = vector.shape_cast %get3A_495 : vector<1x16xf32> to vector<16xf32>
      %add3A_497 = arith.addf %add3A_483, %get3A_496 : vector<16xf32>
      %add3A_498 = arith.constant 21 : i32
      %add3A_499 = arith.addi %mul3A_203, %add3A_498 : i32
      %get3A_500 = arith.index_cast %add3A_499 : i32 to index
      %get3A_501 = arith.constant 16 : index
      %get3A_502 = tpu.vector_load %arg7[%get3A_500, %get3A_501] {strides = array<i32>} : memref<1664x32xf32, #tpu.memory_space<vmem>>, vector<1x16xf32>,
      %get3A_503 = vector.shape_cast %get3A_502 : vector<1x16xf32> to vector<16xf32>
      %add3A_504 = arith.addf %add3A_490, %get3A_503 : vector<16xf32>
      %add3A_505 = arith.constant 22 : i32
      %add3A_506 = arith.addi %mul3A_203, %add3A_505 : i32
      %get3A_507 = arith.index_cast %add3A_506 : i32 to index
      %get3A_508 = arith.constant 0 : index
      %get3A_509 = tpu.vector_load %arg7[%get3A_507, %get3A_508] {strides = array<i32>} : memref<1664x32xf32, #tpu.memory_space<vmem>>, vector<1x16xf32>,
      %get3A_510 = vector.shape_cast %get3A_509 : vector<1x16xf32> to vector<16xf32>
      %add3A_511 = arith.addf %add3A_497, %get3A_510 : vector<16xf32>
      %add3A_512 = arith.constant 22 : i32
      %add3A_513 = arith.addi %mul3A_203, %add3A_512 : i32
      %get3A_514 = arith.index_cast %add3A_513 : i32 to index
      %get3A_515 = arith.constant 16 : index
      %get3A_516 = tpu.vector_load %arg7[%get3A_514, %get3A_515] {strides = array<i32>} : memref<1664x32xf32, #tpu.memory_space<vmem>>, vector<1x16xf32>,
      %get3A_517 = vector.shape_cast %get3A_516 : vector<1x16xf32> to vector<16xf32>
      %add3A_518 = arith.addf %add3A_504, %get3A_517 : vector<16xf32>
      %add3A_519 = arith.constant 23 : i32
      %add3A_520 = arith.addi %mul3A_203, %add3A_519 : i32
      %get3A_521 = arith.index_cast %add3A_520 : i32 to index
      %get3A_522 = arith.constant 0 : index
      %get3A_523 = tpu.vector_load %arg7[%get3A_521, %get3A_522] {strides = array<i32>} : memref<1664x32xf32, #tpu.memory_space<vmem>>, vector<1x16xf32>,
      %get3A_524 = vector.shape_cast %get3A_523 : vector<1x16xf32> to vector<16xf32>
      %add3A_525 = arith.addf %add3A_511, %get3A_524 : vector<16xf32>
      %add3A_526 = arith.constant 23 : i32
      %add3A_527 = arith.addi %mul3A_203, %add3A_526 : i32
      %get3A_528 = arith.index_cast %add3A_527 : i32 to index
      %get3A_529 = arith.constant 16 : index
      %get3A_530 = tpu.vector_load %arg7[%get3A_528, %get3A_529] {strides = array<i32>} : memref<1664x32xf32, #tpu.memory_space<vmem>>, vector<1x16xf32>,
      %get3A_531 = vector.shape_cast %get3A_530 : vector<1x16xf32> to vector<16xf32>
      %add3A_532 = arith.addf %add3A_518, %get3A_531 : vector<16xf32>
      %add3A_533 = arith.constant 24 : i32
      %add3A_534 = arith.addi %mul3A_203, %add3A_533 : i32
      %get3A_535 = arith.index_cast %add3A_534 : i32 to index
      %get3A_536 = arith.constant 0 : index
      %get3A_537 = tpu.vector_load %arg7[%get3A_535, %get3A_536] {strides = array<i32>} : memref<1664x32xf32, #tpu.memory_space<vmem>>, vector<1x16xf32>,
      %get3A_538 = vector.shape_cast %get3A_537 : vector<1x16xf32> to vector<16xf32>
      %add3A_539 = arith.addf %add3A_525, %get3A_538 : vector<16xf32>
      %add3A_540 = arith.constant 24 : i32
      %add3A_541 = arith.addi %mul3A_203, %add3A_540 : i32
      %get3A_542 = arith.index_cast %add3A_541 : i32 to index
      %get3A_543 = arith.constant 16 : index
      %get3A_544 = tpu.vector_load %arg7[%get3A_542, %get3A_543] {strides = array<i32>} : memref<1664x32xf32, #tpu.memory_space<vmem>>, vector<1x16xf32>,
      %get3A_545 = vector.shape_cast %get3A_544 : vector<1x16xf32> to vector<16xf32>
      %add3A_546 = arith.addf %add3A_532, %get3A_545 : vector<16xf32>
      %add3A_547 = arith.constant 25 : i32
      %add3A_548 = arith.addi %mul3A_203, %add3A_547 : i32
      %get3A_549 = arith.index_cast %add3A_548 : i32 to index
      %get3A_550 = arith.constant 0 : index
      %get3A_551 = tpu.vector_load %arg7[%get3A_549, %get3A_550] {strides = array<i32>} : memref<1664x32xf32, #tpu.memory_space<vmem>>, vector<1x16xf32>,
      %get3A_552 = vector.shape_cast %get3A_551 : vector<1x16xf32> to vector<16xf32>
      %add3A_553 = arith.addf %add3A_539, %get3A_552 : vector<16xf32>
      %add3A_554 = arith.constant 25 : i32
      %add3A_555 = arith.addi %mul3A_203, %add3A_554 : i32
      %get3A_556 = arith.index_cast %add3A_555 : i32 to index
      %get3A_557 = arith.constant 16 : index
      %get3A_558 = tpu.vector_load %arg7[%get3A_556, %get3A_557] {strides = array<i32>} : memref<1664x32xf32, #tpu.memory_space<vmem>>, vector<1x16xf32>,
      %get3A_559 = vector.shape_cast %get3A_558 : vector<1x16xf32> to vector<16xf32>
      %add3A_560 = arith.addf %add3A_546, %get3A_559 : vector<16xf32>
      %swap3A = arith.index_cast %scan3A_200 : i32 to index
      %swap3A_561 = arith.constant 0 : index
      %swap3A_562 = tpu.vector_load %arg8[%swap3A, %swap3A_561] {strides = array<i32>} : memref<64x32xf32, #tpu.memory_space<vmem>>, vector<1x16xf32>,
      %swap3A_563 = vector.shape_cast %swap3A_562 : vector<1x16xf32> to vector<16xf32>
      %swap3A_564 = vector.shape_cast %add3A_553 : vector<16xf32> to vector<1x16xf32>
      tpu.vector_store %arg8[%swap3A, %swap3A_561], %swap3A_564 {strides = array<i32>} : memref<64x32xf32, #tpu.memory_space<vmem>>, vector<1x16xf32>,
      %swap3A_565 = arith.index_cast %scan3A_200 : i32 to index
      %swap3A_566 = arith.constant 16 : index
      %swap3A_567 = tpu.vector_load %arg8[%swap3A_565, %swap3A_566] {strides = array<i32>} : memref<64x32xf32, #tpu.memory_space<vmem>>, vector<1x16xf32>,
      %swap3A_568 = vector.shape_cast %swap3A_567 : vector<1x16xf32> to vector<16xf32>
      %swap3A_569 = vector.shape_cast %add3A_560 : vector<16xf32> to vector<1x16xf32>
      tpu.vector_store %arg8[%swap3A_565, %swap3A_566], %swap3A_569 {strides = array<i32>} : memref<64x32xf32, #tpu.memory_space<vmem>>, vector<1x16xf32>,
      %scan3A_570 = arith.constant 0 : i32
      scf.yield %scan3A_570 : i32
    }
    %scan3A_52 = arith.constant 64 : i32
    %mul3A_53 = arith.constant 512 : i32
    %mul3A_54 = arith.muli %add3A, %mul3A_53 : i32
    %add3A_55 = arith.constant 64 : i32
    %add3A_56 = arith.addi %mul3A_54, %add3A_55 : i32
    "tpu.region"() ({
      %run_scoped3A = tpu.sem_alloc : memref<!tpu.dma_semaphore, #tpu.memory_space<semaphore_mem>>
      %dma_start3A = arith.constant 0 : i32
      %dma_start3A_200 = tpu.memref_slice %arg4[%add3A_56, %dma_start3A] : memref<16384x32xf32, #tpu.memory_space<hbm>> -> memref<64x32xf32, #tpu.memory_space<hbm>>
      %dma_start3A_201 = arith.constant 0 : i32
      %dma_start3A_202 = tpu.memref_slice %arg4[%add3A_56, %dma_start3A_201] : memref<16384x32xf32, #tpu.memory_space<hbm>> -> memref<64x32xf32, #tpu.memory_space<hbm>>
      tpu.enqueue_dma source(%arg8 : memref<64x32xf32, #tpu.memory_space<vmem>>) target(%dma_start3A_202 : memref<64x32xf32, #tpu.memory_space<hbm>>) target_semaphore(%run_scoped3A : memref<!tpu.dma_semaphore, #tpu.memory_space<semaphore_mem>>)
      %dma_wait3A = arith.constant 0 : i32
      %dma_wait3A_203 = tpu.memref_slice %arg4[%add3A_56, %dma_wait3A] : memref<16384x32xf32, #tpu.memory_space<hbm>> -> memref<64x32xf32, #tpu.memory_space<hbm>>
      %dma_wait3A_204 = arith.constant 0 : i32
      %dma_wait3A_205 = tpu.memref_slice %arg4[%add3A_56, %dma_wait3A_204] : memref<16384x32xf32, #tpu.memory_space<hbm>> -> memref<64x32xf32, #tpu.memory_space<hbm>>
      tpu.wait_dma2 semaphore(%run_scoped3A : memref<!tpu.dma_semaphore, #tpu.memory_space<semaphore_mem>>) src(%arg8 : memref<64x32xf32, #tpu.memory_space<vmem>>) dst(%dma_wait3A_205 : memref<64x32xf32, #tpu.memory_space<hbm>>)
      tpu.yield
    }) : () -> ()
    %scan3A_57 = arith.constant 0 : i32
    %scan3A_58 = arith.constant 0 : i32
    %scan3A_59 = arith.constant 104 : i32
    %scan3A_60 = arith.addi %scan3A_58, %scan3A_59 : i32
    %scan3A_61 = arith.constant 1 : i32
    %scan3A_62 = scf.for %scan3A_200 = %scan3A_58 to %scan3A_60 step %scan3A_61 iter_args(%scan3A_201 = %scan3A_57) -> (i32)  : i32 {
      %mul3A_202 = arith.constant 16 : i32
      %mul3A_203 = arith.muli %scan3A_200, %mul3A_202 : i32
      %add3A_204 = arith.constant 4992 : i32
      %add3A_205 = arith.addi %add3A_204, %mul3A_203 : i32
      %get3A = arith.index_cast %add3A_205 : i32 to index
      %get3A_206 = tpu.vector_load %arg5[%get3A] {strides = array<i32>} : memref<13312xi32, #tpu.memory_space<vmem>>, vector<16xi32>,
      %get3A_207 = vector.shape_cast %get3A_206 : vector<16xi32> to vector<16xi32>
      %mul3A_208 = arith.constant 16 : i32
      %mul3A_209 = arith.muli %scan3A_200, %mul3A_208 : i32
      %dma_start3A = arith.constant 0 : i32
      %dma_start3A_210 = tpu.memref_slice %arg7[%mul3A_209, %dma_start3A] : memref<1664x32xf32, #tpu.memory_space<vmem>> -> memref<16x32xf32, #tpu.memory_space<vmem>>
      %dma_start3A_211 = arith.constant 0 : i32
      %dma_start3A_212 = arith.constant 0 : i32
      %dma_start3A_213 = tpu.memref_slice %arg3[%dma_start3A_211, %dma_start3A_212] : memref<2600000x32xf32, #tpu.memory_space<hbm>> -> memref<2600000x32xf32, #tpu.memory_space<hbm>>
      tpu.enqueue_indirect_dma source(%dma_start3A_213 : memref<2600000x32xf32, #tpu.memory_space<hbm>>) target(%dma_start3A_210 : memref<16x32xf32, #tpu.memory_space<vmem>>) offsets(%get3A_207 : vector<16xi32>) semaphore(%arg10 : memref<!tpu.dma_semaphore, #tpu.memory_space<semaphore_mem>>)
      %scan3A_214 = arith.constant 0 : i32
      scf.yield %scan3A_214 : i32
    }
    %scan3A_63 = arith.constant 104 : i32
    %scan3A_64 = arith.constant 0 : i32
    %scan3A_65 = arith.constant 0 : i32
    %scan3A_66 = arith.constant 104 : i32
    %scan3A_67 = arith.addi %scan3A_65, %scan3A_66 : i32
    %scan3A_68 = arith.constant 1 : i32
    %scan3A_69 = scf.for %scan3A_200 = %scan3A_65 to %scan3A_67 step %scan3A_68 iter_args(%scan3A_201 = %scan3A_64) -> (i32)  : i32 {
      %mul3A_202 = arith.constant 16 : i32
      %mul3A_203 = arith.muli %scan3A_200, %mul3A_202 : i32
      %dma_wait3A = arith.constant 0 : i32
      %dma_wait3A_204 = tpu.memref_slice %arg6[%mul3A_203, %dma_wait3A] : memref<1664x32xf32, #tpu.memory_space<vmem>> -> memref<16x32xf32, #tpu.memory_space<vmem>>
      %dma_wait3A_205 = arith.constant 0 : i32
      %dma_wait3A_206 = arith.constant 0 : i32
      %dma_wait3A_207 = tpu.memref_slice %arg3[%dma_wait3A_205, %dma_wait3A_206] : memref<2600000x32xf32, #tpu.memory_space<hbm>> -> memref<16x32xf32, #tpu.memory_space<hbm>>
      %dma_wait3A_208 = arith.constant 0 : i32
      %dma_wait3A_209 = tpu.memref_slice %arg6[%mul3A_203, %dma_wait3A_208] : memref<1664x32xf32, #tpu.memory_space<vmem>> -> memref<16x32xf32, #tpu.memory_space<vmem>>
      %dma_wait3A_210 = arith.constant 0 : i32
      %dma_wait3A_211 = arith.constant 0 : i32
      %dma_wait3A_212 = tpu.memref_slice %arg3[%dma_wait3A_210, %dma_wait3A_211] : memref<2600000x32xf32, #tpu.memory_space<hbm>> -> memref<16x32xf32, #tpu.memory_space<hbm>>
      tpu.wait_dma2 semaphore(%arg9 : memref<!tpu.dma_semaphore, #tpu.memory_space<semaphore_mem>>) src(%dma_wait3A_212 : memref<16x32xf32, #tpu.memory_space<hbm>>) dst(%dma_wait3A_209 : memref<16x32xf32, #tpu.memory_space<vmem>>)
      %scan3A_213 = arith.constant 0 : i32
      scf.yield %scan3A_213 : i32
    }
    %scan3A_70 = arith.constant 104 : i32
    %scan3A_71 = arith.constant 0 : i32
    %scan3A_72 = arith.constant 0 : i32
    %scan3A_73 = arith.constant 64 : i32
    %scan3A_74 = arith.addi %scan3A_72, %scan3A_73 : i32
    %scan3A_75 = arith.constant 1 : i32
    %scan3A_76 = scf.for %scan3A_200 = %scan3A_72 to %scan3A_74 step %scan3A_75 iter_args(%scan3A_201 = %scan3A_71) -> (i32)  : i32 {
      %mul3A_202 = arith.constant 26 : i32
      %mul3A_203 = arith.muli %scan3A_200, %mul3A_202 : i32
      %get3A = arith.index_cast %mul3A_203 : i32 to index
      %get3A_204 = arith.constant 0 : index
      %get3A_205 = tpu.vector_load %arg6[%get3A, %get3A_204] {strides = array<i32>} : memref<1664x32xf32, #tpu.memory_space<vmem>>, vector<1x16xf32>,
      %get3A_206 = vector.shape_cast %get3A_205 : vector<1x16xf32> to vector<16xf32>
      %get3A_207 = arith.index_cast %mul3A_203 : i32 to index
      %get3A_208 = arith.constant 16 : index
      %get3A_209 = tpu.vector_load %arg6[%get3A_207, %get3A_208] {strides = array<i32>} : memref<1664x32xf32, #tpu.memory_space<vmem>>, vector<1x16xf32>,
      %get3A_210 = vector.shape_cast %get3A_209 : vector<1x16xf32> to vector<16xf32>
      %add3A_211 = arith.constant 1 : i32
      %add3A_212 = arith.addi %mul3A_203, %add3A_211 : i32
      %get3A_213 = arith.index_cast %add3A_212 : i32 to index
      %get3A_214 = arith.constant 0 : index
      %get3A_215 = tpu.vector_load %arg6[%get3A_213, %get3A_214] {strides = array<i32>} : memref<1664x32xf32, #tpu.memory_space<vmem>>, vector<1x16xf32>,
      %get3A_216 = vector.shape_cast %get3A_215 : vector<1x16xf32> to vector<16xf32>
      %add3A_217 = arith.addf %get3A_206, %get3A_216 : vector<16xf32>
      %add3A_218 = arith.constant 1 : i32
      %add3A_219 = arith.addi %mul3A_203, %add3A_218 : i32
      %get3A_220 = arith.index_cast %add3A_219 : i32 to index
      %get3A_221 = arith.constant 16 : index
      %get3A_222 = tpu.vector_load %arg6[%get3A_220, %get3A_221] {strides = array<i32>} : memref<1664x32xf32, #tpu.memory_space<vmem>>, vector<1x16xf32>,
      %get3A_223 = vector.shape_cast %get3A_222 : vector<1x16xf32> to vector<16xf32>
      %add3A_224 = arith.addf %get3A_210, %get3A_223 : vector<16xf32>
      %add3A_225 = arith.constant 2 : i32
      %add3A_226 = arith.addi %mul3A_203, %add3A_225 : i32
      %get3A_227 = arith.index_cast %add3A_226 : i32 to index
      %get3A_228 = arith.constant 0 : index
      %get3A_229 = tpu.vector_load %arg6[%get3A_227, %get3A_228] {strides = array<i32>} : memref<1664x32xf32, #tpu.memory_space<vmem>>, vector<1x16xf32>,
      %get3A_230 = vector.shape_cast %get3A_229 : vector<1x16xf32> to vector<16xf32>
      %add3A_231 = arith.addf %add3A_217, %get3A_230 : vector<16xf32>
      %add3A_232 = arith.constant 2 : i32
      %add3A_233 = arith.addi %mul3A_203, %add3A_232 : i32
      %get3A_234 = arith.index_cast %add3A_233 : i32 to index
      %get3A_235 = arith.constant 16 : index
      %get3A_236 = tpu.vector_load %arg6[%get3A_234, %get3A_235] {strides = array<i32>} : memref<1664x32xf32, #tpu.memory_space<vmem>>, vector<1x16xf32>,
      %get3A_237 = vector.shape_cast %get3A_236 : vector<1x16xf32> to vector<16xf32>
      %add3A_238 = arith.addf %add3A_224, %get3A_237 : vector<16xf32>
      %add3A_239 = arith.constant 3 : i32
      %add3A_240 = arith.addi %mul3A_203, %add3A_239 : i32
      %get3A_241 = arith.index_cast %add3A_240 : i32 to index
      %get3A_242 = arith.constant 0 : index
      %get3A_243 = tpu.vector_load %arg6[%get3A_241, %get3A_242] {strides = array<i32>} : memref<1664x32xf32, #tpu.memory_space<vmem>>, vector<1x16xf32>,
      %get3A_244 = vector.shape_cast %get3A_243 : vector<1x16xf32> to vector<16xf32>
      %add3A_245 = arith.addf %add3A_231, %get3A_244 : vector<16xf32>
      %add3A_246 = arith.constant 3 : i32
      %add3A_247 = arith.addi %mul3A_203, %add3A_246 : i32
      %get3A_248 = arith.index_cast %add3A_247 : i32 to index
      %get3A_249 = arith.constant 16 : index
      %get3A_250 = tpu.vector_load %arg6[%get3A_248, %get3A_249] {strides = array<i32>} : memref<1664x32xf32, #tpu.memory_space<vmem>>, vector<1x16xf32>,
      %get3A_251 = vector.shape_cast %get3A_250 : vector<1x16xf32> to vector<16xf32>
      %add3A_252 = arith.addf %add3A_238, %get3A_251 : vector<16xf32>
      %add3A_253 = arith.constant 4 : i32
      %add3A_254 = arith.addi %mul3A_203, %add3A_253 : i32
      %get3A_255 = arith.index_cast %add3A_254 : i32 to index
      %get3A_256 = arith.constant 0 : index
      %get3A_257 = tpu.vector_load %arg6[%get3A_255, %get3A_256] {strides = array<i32>} : memref<1664x32xf32, #tpu.memory_space<vmem>>, vector<1x16xf32>,
      %get3A_258 = vector.shape_cast %get3A_257 : vector<1x16xf32> to vector<16xf32>
      %add3A_259 = arith.addf %add3A_245, %get3A_258 : vector<16xf32>
      %add3A_260 = arith.constant 4 : i32
      %add3A_261 = arith.addi %mul3A_203, %add3A_260 : i32
      %get3A_262 = arith.index_cast %add3A_261 : i32 to index
      %get3A_263 = arith.constant 16 : index
      %get3A_264 = tpu.vector_load %arg6[%get3A_262, %get3A_263] {strides = array<i32>} : memref<1664x32xf32, #tpu.memory_space<vmem>>, vector<1x16xf32>,
      %get3A_265 = vector.shape_cast %get3A_264 : vector<1x16xf32> to vector<16xf32>
      %add3A_266 = arith.addf %add3A_252, %get3A_265 : vector<16xf32>
      %add3A_267 = arith.constant 5 : i32
      %add3A_268 = arith.addi %mul3A_203, %add3A_267 : i32
      %get3A_269 = arith.index_cast %add3A_268 : i32 to index
      %get3A_270 = arith.constant 0 : index
      %get3A_271 = tpu.vector_load %arg6[%get3A_269, %get3A_270] {strides = array<i32>} : memref<1664x32xf32, #tpu.memory_space<vmem>>, vector<1x16xf32>,
      %get3A_272 = vector.shape_cast %get3A_271 : vector<1x16xf32> to vector<16xf32>
      %add3A_273 = arith.addf %add3A_259, %get3A_272 : vector<16xf32>
      %add3A_274 = arith.constant 5 : i32
      %add3A_275 = arith.addi %mul3A_203, %add3A_274 : i32
      %get3A_276 = arith.index_cast %add3A_275 : i32 to index
      %get3A_277 = arith.constant 16 : index
      %get3A_278 = tpu.vector_load %arg6[%get3A_276, %get3A_277] {strides = array<i32>} : memref<1664x32xf32, #tpu.memory_space<vmem>>, vector<1x16xf32>,
      %get3A_279 = vector.shape_cast %get3A_278 : vector<1x16xf32> to vector<16xf32>
      %add3A_280 = arith.addf %add3A_266, %get3A_279 : vector<16xf32>
      %add3A_281 = arith.constant 6 : i32
      %add3A_282 = arith.addi %mul3A_203, %add3A_281 : i32
      %get3A_283 = arith.index_cast %add3A_282 : i32 to index
      %get3A_284 = arith.constant 0 : index
      %get3A_285 = tpu.vector_load %arg6[%get3A_283, %get3A_284] {strides = array<i32>} : memref<1664x32xf32, #tpu.memory_space<vmem>>, vector<1x16xf32>,
      %get3A_286 = vector.shape_cast %get3A_285 : vector<1x16xf32> to vector<16xf32>
      %add3A_287 = arith.addf %add3A_273, %get3A_286 : vector<16xf32>
      %add3A_288 = arith.constant 6 : i32
      %add3A_289 = arith.addi %mul3A_203, %add3A_288 : i32
      %get3A_290 = arith.index_cast %add3A_289 : i32 to index
      %get3A_291 = arith.constant 16 : index
      %get3A_292 = tpu.vector_load %arg6[%get3A_290, %get3A_291] {strides = array<i32>} : memref<1664x32xf32, #tpu.memory_space<vmem>>, vector<1x16xf32>,
      %get3A_293 = vector.shape_cast %get3A_292 : vector<1x16xf32> to vector<16xf32>
      %add3A_294 = arith.addf %add3A_280, %get3A_293 : vector<16xf32>
      %add3A_295 = arith.constant 7 : i32
      %add3A_296 = arith.addi %mul3A_203, %add3A_295 : i32
      %get3A_297 = arith.index_cast %add3A_296 : i32 to index
      %get3A_298 = arith.constant 0 : index
      %get3A_299 = tpu.vector_load %arg6[%get3A_297, %get3A_298] {strides = array<i32>} : memref<1664x32xf32, #tpu.memory_space<vmem>>, vector<1x16xf32>,
      %get3A_300 = vector.shape_cast %get3A_299 : vector<1x16xf32> to vector<16xf32>
      %add3A_301 = arith.addf %add3A_287, %get3A_300 : vector<16xf32>
      %add3A_302 = arith.constant 7 : i32
      %add3A_303 = arith.addi %mul3A_203, %add3A_302 : i32
      %get3A_304 = arith.index_cast %add3A_303 : i32 to index
      %get3A_305 = arith.constant 16 : index
      %get3A_306 = tpu.vector_load %arg6[%get3A_304, %get3A_305] {strides = array<i32>} : memref<1664x32xf32, #tpu.memory_space<vmem>>, vector<1x16xf32>,
      %get3A_307 = vector.shape_cast %get3A_306 : vector<1x16xf32> to vector<16xf32>
      %add3A_308 = arith.addf %add3A_294, %get3A_307 : vector<16xf32>
      %add3A_309 = arith.constant 8 : i32
      %add3A_310 = arith.addi %mul3A_203, %add3A_309 : i32
      %get3A_311 = arith.index_cast %add3A_310 : i32 to index
      %get3A_312 = arith.constant 0 : index
      %get3A_313 = tpu.vector_load %arg6[%get3A_311, %get3A_312] {strides = array<i32>} : memref<1664x32xf32, #tpu.memory_space<vmem>>, vector<1x16xf32>,
      %get3A_314 = vector.shape_cast %get3A_313 : vector<1x16xf32> to vector<16xf32>
      %add3A_315 = arith.addf %add3A_301, %get3A_314 : vector<16xf32>
      %add3A_316 = arith.constant 8 : i32
      %add3A_317 = arith.addi %mul3A_203, %add3A_316 : i32
      %get3A_318 = arith.index_cast %add3A_317 : i32 to index
      %get3A_319 = arith.constant 16 : index
      %get3A_320 = tpu.vector_load %arg6[%get3A_318, %get3A_319] {strides = array<i32>} : memref<1664x32xf32, #tpu.memory_space<vmem>>, vector<1x16xf32>,
      %get3A_321 = vector.shape_cast %get3A_320 : vector<1x16xf32> to vector<16xf32>
      %add3A_322 = arith.addf %add3A_308, %get3A_321 : vector<16xf32>
      %add3A_323 = arith.constant 9 : i32
      %add3A_324 = arith.addi %mul3A_203, %add3A_323 : i32
      %get3A_325 = arith.index_cast %add3A_324 : i32 to index
      %get3A_326 = arith.constant 0 : index
      %get3A_327 = tpu.vector_load %arg6[%get3A_325, %get3A_326] {strides = array<i32>} : memref<1664x32xf32, #tpu.memory_space<vmem>>, vector<1x16xf32>,
      %get3A_328 = vector.shape_cast %get3A_327 : vector<1x16xf32> to vector<16xf32>
      %add3A_329 = arith.addf %add3A_315, %get3A_328 : vector<16xf32>
      %add3A_330 = arith.constant 9 : i32
      %add3A_331 = arith.addi %mul3A_203, %add3A_330 : i32
      %get3A_332 = arith.index_cast %add3A_331 : i32 to index
      %get3A_333 = arith.constant 16 : index
      %get3A_334 = tpu.vector_load %arg6[%get3A_332, %get3A_333] {strides = array<i32>} : memref<1664x32xf32, #tpu.memory_space<vmem>>, vector<1x16xf32>,
      %get3A_335 = vector.shape_cast %get3A_334 : vector<1x16xf32> to vector<16xf32>
      %add3A_336 = arith.addf %add3A_322, %get3A_335 : vector<16xf32>
      %add3A_337 = arith.constant 10 : i32
      %add3A_338 = arith.addi %mul3A_203, %add3A_337 : i32
      %get3A_339 = arith.index_cast %add3A_338 : i32 to index
      %get3A_340 = arith.constant 0 : index
      %get3A_341 = tpu.vector_load %arg6[%get3A_339, %get3A_340] {strides = array<i32>} : memref<1664x32xf32, #tpu.memory_space<vmem>>, vector<1x16xf32>,
      %get3A_342 = vector.shape_cast %get3A_341 : vector<1x16xf32> to vector<16xf32>
      %add3A_343 = arith.addf %add3A_329, %get3A_342 : vector<16xf32>
      %add3A_344 = arith.constant 10 : i32
      %add3A_345 = arith.addi %mul3A_203, %add3A_344 : i32
      %get3A_346 = arith.index_cast %add3A_345 : i32 to index
      %get3A_347 = arith.constant 16 : index
      %get3A_348 = tpu.vector_load %arg6[%get3A_346, %get3A_347] {strides = array<i32>} : memref<1664x32xf32, #tpu.memory_space<vmem>>, vector<1x16xf32>,
      %get3A_349 = vector.shape_cast %get3A_348 : vector<1x16xf32> to vector<16xf32>
      %add3A_350 = arith.addf %add3A_336, %get3A_349 : vector<16xf32>
      %add3A_351 = arith.constant 11 : i32
      %add3A_352 = arith.addi %mul3A_203, %add3A_351 : i32
      %get3A_353 = arith.index_cast %add3A_352 : i32 to index
      %get3A_354 = arith.constant 0 : index
      %get3A_355 = tpu.vector_load %arg6[%get3A_353, %get3A_354] {strides = array<i32>} : memref<1664x32xf32, #tpu.memory_space<vmem>>, vector<1x16xf32>,
      %get3A_356 = vector.shape_cast %get3A_355 : vector<1x16xf32> to vector<16xf32>
      %add3A_357 = arith.addf %add3A_343, %get3A_356 : vector<16xf32>
      %add3A_358 = arith.constant 11 : i32
      %add3A_359 = arith.addi %mul3A_203, %add3A_358 : i32
      %get3A_360 = arith.index_cast %add3A_359 : i32 to index
      %get3A_361 = arith.constant 16 : index
      %get3A_362 = tpu.vector_load %arg6[%get3A_360, %get3A_361] {strides = array<i32>} : memref<1664x32xf32, #tpu.memory_space<vmem>>, vector<1x16xf32>,
      %get3A_363 = vector.shape_cast %get3A_362 : vector<1x16xf32> to vector<16xf32>
      %add3A_364 = arith.addf %add3A_350, %get3A_363 : vector<16xf32>
      %add3A_365 = arith.constant 12 : i32
      %add3A_366 = arith.addi %mul3A_203, %add3A_365 : i32
      %get3A_367 = arith.index_cast %add3A_366 : i32 to index
      %get3A_368 = arith.constant 0 : index
      %get3A_369 = tpu.vector_load %arg6[%get3A_367, %get3A_368] {strides = array<i32>} : memref<1664x32xf32, #tpu.memory_space<vmem>>, vector<1x16xf32>,
      %get3A_370 = vector.shape_cast %get3A_369 : vector<1x16xf32> to vector<16xf32>
      %add3A_371 = arith.addf %add3A_357, %get3A_370 : vector<16xf32>
      %add3A_372 = arith.constant 12 : i32
      %add3A_373 = arith.addi %mul3A_203, %add3A_372 : i32
      %get3A_374 = arith.index_cast %add3A_373 : i32 to index
      %get3A_375 = arith.constant 16 : index
      %get3A_376 = tpu.vector_load %arg6[%get3A_374, %get3A_375] {strides = array<i32>} : memref<1664x32xf32, #tpu.memory_space<vmem>>, vector<1x16xf32>,
      %get3A_377 = vector.shape_cast %get3A_376 : vector<1x16xf32> to vector<16xf32>
      %add3A_378 = arith.addf %add3A_364, %get3A_377 : vector<16xf32>
      %add3A_379 = arith.constant 13 : i32
      %add3A_380 = arith.addi %mul3A_203, %add3A_379 : i32
      %get3A_381 = arith.index_cast %add3A_380 : i32 to index
      %get3A_382 = arith.constant 0 : index
      %get3A_383 = tpu.vector_load %arg6[%get3A_381, %get3A_382] {strides = array<i32>} : memref<1664x32xf32, #tpu.memory_space<vmem>>, vector<1x16xf32>,
      %get3A_384 = vector.shape_cast %get3A_383 : vector<1x16xf32> to vector<16xf32>
      %add3A_385 = arith.addf %add3A_371, %get3A_384 : vector<16xf32>
      %add3A_386 = arith.constant 13 : i32
      %add3A_387 = arith.addi %mul3A_203, %add3A_386 : i32
      %get3A_388 = arith.index_cast %add3A_387 : i32 to index
      %get3A_389 = arith.constant 16 : index
      %get3A_390 = tpu.vector_load %arg6[%get3A_388, %get3A_389] {strides = array<i32>} : memref<1664x32xf32, #tpu.memory_space<vmem>>, vector<1x16xf32>,
      %get3A_391 = vector.shape_cast %get3A_390 : vector<1x16xf32> to vector<16xf32>
      %add3A_392 = arith.addf %add3A_378, %get3A_391 : vector<16xf32>
      %add3A_393 = arith.constant 14 : i32
      %add3A_394 = arith.addi %mul3A_203, %add3A_393 : i32
      %get3A_395 = arith.index_cast %add3A_394 : i32 to index
      %get3A_396 = arith.constant 0 : index
      %get3A_397 = tpu.vector_load %arg6[%get3A_395, %get3A_396] {strides = array<i32>} : memref<1664x32xf32, #tpu.memory_space<vmem>>, vector<1x16xf32>,
      %get3A_398 = vector.shape_cast %get3A_397 : vector<1x16xf32> to vector<16xf32>
      %add3A_399 = arith.addf %add3A_385, %get3A_398 : vector<16xf32>
      %add3A_400 = arith.constant 14 : i32
      %add3A_401 = arith.addi %mul3A_203, %add3A_400 : i32
      %get3A_402 = arith.index_cast %add3A_401 : i32 to index
      %get3A_403 = arith.constant 16 : index
      %get3A_404 = tpu.vector_load %arg6[%get3A_402, %get3A_403] {strides = array<i32>} : memref<1664x32xf32, #tpu.memory_space<vmem>>, vector<1x16xf32>,
      %get3A_405 = vector.shape_cast %get3A_404 : vector<1x16xf32> to vector<16xf32>
      %add3A_406 = arith.addf %add3A_392, %get3A_405 : vector<16xf32>
      %add3A_407 = arith.constant 15 : i32
      %add3A_408 = arith.addi %mul3A_203, %add3A_407 : i32
      %get3A_409 = arith.index_cast %add3A_408 : i32 to index
      %get3A_410 = arith.constant 0 : index
      %get3A_411 = tpu.vector_load %arg6[%get3A_409, %get3A_410] {strides = array<i32>} : memref<1664x32xf32, #tpu.memory_space<vmem>>, vector<1x16xf32>,
      %get3A_412 = vector.shape_cast %get3A_411 : vector<1x16xf32> to vector<16xf32>
      %add3A_413 = arith.addf %add3A_399, %get3A_412 : vector<16xf32>
      %add3A_414 = arith.constant 15 : i32
      %add3A_415 = arith.addi %mul3A_203, %add3A_414 : i32
      %get3A_416 = arith.index_cast %add3A_415 : i32 to index
      %get3A_417 = arith.constant 16 : index
      %get3A_418 = tpu.vector_load %arg6[%get3A_416, %get3A_417] {strides = array<i32>} : memref<1664x32xf32, #tpu.memory_space<vmem>>, vector<1x16xf32>,
      %get3A_419 = vector.shape_cast %get3A_418 : vector<1x16xf32> to vector<16xf32>
      %add3A_420 = arith.addf %add3A_406, %get3A_419 : vector<16xf32>
      %add3A_421 = arith.constant 16 : i32
      %add3A_422 = arith.addi %mul3A_203, %add3A_421 : i32
      %get3A_423 = arith.index_cast %add3A_422 : i32 to index
      %get3A_424 = arith.constant 0 : index
      %get3A_425 = tpu.vector_load %arg6[%get3A_423, %get3A_424] {strides = array<i32>} : memref<1664x32xf32, #tpu.memory_space<vmem>>, vector<1x16xf32>,
      %get3A_426 = vector.shape_cast %get3A_425 : vector<1x16xf32> to vector<16xf32>
      %add3A_427 = arith.addf %add3A_413, %get3A_426 : vector<16xf32>
      %add3A_428 = arith.constant 16 : i32
      %add3A_429 = arith.addi %mul3A_203, %add3A_428 : i32
      %get3A_430 = arith.index_cast %add3A_429 : i32 to index
      %get3A_431 = arith.constant 16 : index
      %get3A_432 = tpu.vector_load %arg6[%get3A_430, %get3A_431] {strides = array<i32>} : memref<1664x32xf32, #tpu.memory_space<vmem>>, vector<1x16xf32>,
      %get3A_433 = vector.shape_cast %get3A_432 : vector<1x16xf32> to vector<16xf32>
      %add3A_434 = arith.addf %add3A_420, %get3A_433 : vector<16xf32>
      %add3A_435 = arith.constant 17 : i32
      %add3A_436 = arith.addi %mul3A_203, %add3A_435 : i32
      %get3A_437 = arith.index_cast %add3A_436 : i32 to index
      %get3A_438 = arith.constant 0 : index
      %get3A_439 = tpu.vector_load %arg6[%get3A_437, %get3A_438] {strides = array<i32>} : memref<1664x32xf32, #tpu.memory_space<vmem>>, vector<1x16xf32>,
      %get3A_440 = vector.shape_cast %get3A_439 : vector<1x16xf32> to vector<16xf32>
      %add3A_441 = arith.addf %add3A_427, %get3A_440 : vector<16xf32>
      %add3A_442 = arith.constant 17 : i32
      %add3A_443 = arith.addi %mul3A_203, %add3A_442 : i32
      %get3A_444 = arith.index_cast %add3A_443 : i32 to index
      %get3A_445 = arith.constant 16 : index
      %get3A_446 = tpu.vector_load %arg6[%get3A_444, %get3A_445] {strides = array<i32>} : memref<1664x32xf32, #tpu.memory_space<vmem>>, vector<1x16xf32>,
      %get3A_447 = vector.shape_cast %get3A_446 : vector<1x16xf32> to vector<16xf32>
      %add3A_448 = arith.addf %add3A_434, %get3A_447 : vector<16xf32>
      %add3A_449 = arith.constant 18 : i32
      %add3A_450 = arith.addi %mul3A_203, %add3A_449 : i32
      %get3A_451 = arith.index_cast %add3A_450 : i32 to index
      %get3A_452 = arith.constant 0 : index
      %get3A_453 = tpu.vector_load %arg6[%get3A_451, %get3A_452] {strides = array<i32>} : memref<1664x32xf32, #tpu.memory_space<vmem>>, vector<1x16xf32>,
      %get3A_454 = vector.shape_cast %get3A_453 : vector<1x16xf32> to vector<16xf32>
      %add3A_455 = arith.addf %add3A_441, %get3A_454 : vector<16xf32>
      %add3A_456 = arith.constant 18 : i32
      %add3A_457 = arith.addi %mul3A_203, %add3A_456 : i32
      %get3A_458 = arith.index_cast %add3A_457 : i32 to index
      %get3A_459 = arith.constant 16 : index
      %get3A_460 = tpu.vector_load %arg6[%get3A_458, %get3A_459] {strides = array<i32>} : memref<1664x32xf32, #tpu.memory_space<vmem>>, vector<1x16xf32>,
      %get3A_461 = vector.shape_cast %get3A_460 : vector<1x16xf32> to vector<16xf32>
      %add3A_462 = arith.addf %add3A_448, %get3A_461 : vector<16xf32>
      %add3A_463 = arith.constant 19 : i32
      %add3A_464 = arith.addi %mul3A_203, %add3A_463 : i32
      %get3A_465 = arith.index_cast %add3A_464 : i32 to index
      %get3A_466 = arith.constant 0 : index
      %get3A_467 = tpu.vector_load %arg6[%get3A_465, %get3A_466] {strides = array<i32>} : memref<1664x32xf32, #tpu.memory_space<vmem>>, vector<1x16xf32>,
      %get3A_468 = vector.shape_cast %get3A_467 : vector<1x16xf32> to vector<16xf32>
      %add3A_469 = arith.addf %add3A_455, %get3A_468 : vector<16xf32>
      %add3A_470 = arith.constant 19 : i32
      %add3A_471 = arith.addi %mul3A_203, %add3A_470 : i32
      %get3A_472 = arith.index_cast %add3A_471 : i32 to index
      %get3A_473 = arith.constant 16 : index
      %get3A_474 = tpu.vector_load %arg6[%get3A_472, %get3A_473] {strides = array<i32>} : memref<1664x32xf32, #tpu.memory_space<vmem>>, vector<1x16xf32>,
      %get3A_475 = vector.shape_cast %get3A_474 : vector<1x16xf32> to vector<16xf32>
      %add3A_476 = arith.addf %add3A_462, %get3A_475 : vector<16xf32>
      %add3A_477 = arith.constant 20 : i32
      %add3A_478 = arith.addi %mul3A_203, %add3A_477 : i32
      %get3A_479 = arith.index_cast %add3A_478 : i32 to index
      %get3A_480 = arith.constant 0 : index
      %get3A_481 = tpu.vector_load %arg6[%get3A_479, %get3A_480] {strides = array<i32>} : memref<1664x32xf32, #tpu.memory_space<vmem>>, vector<1x16xf32>,
      %get3A_482 = vector.shape_cast %get3A_481 : vector<1x16xf32> to vector<16xf32>
      %add3A_483 = arith.addf %add3A_469, %get3A_482 : vector<16xf32>
      %add3A_484 = arith.constant 20 : i32
      %add3A_485 = arith.addi %mul3A_203, %add3A_484 : i32
      %get3A_486 = arith.index_cast %add3A_485 : i32 to index
      %get3A_487 = arith.constant 16 : index
      %get3A_488 = tpu.vector_load %arg6[%get3A_486, %get3A_487] {strides = array<i32>} : memref<1664x32xf32, #tpu.memory_space<vmem>>, vector<1x16xf32>,
      %get3A_489 = vector.shape_cast %get3A_488 : vector<1x16xf32> to vector<16xf32>
      %add3A_490 = arith.addf %add3A_476, %get3A_489 : vector<16xf32>
      %add3A_491 = arith.constant 21 : i32
      %add3A_492 = arith.addi %mul3A_203, %add3A_491 : i32
      %get3A_493 = arith.index_cast %add3A_492 : i32 to index
      %get3A_494 = arith.constant 0 : index
      %get3A_495 = tpu.vector_load %arg6[%get3A_493, %get3A_494] {strides = array<i32>} : memref<1664x32xf32, #tpu.memory_space<vmem>>, vector<1x16xf32>,
      %get3A_496 = vector.shape_cast %get3A_495 : vector<1x16xf32> to vector<16xf32>
      %add3A_497 = arith.addf %add3A_483, %get3A_496 : vector<16xf32>
      %add3A_498 = arith.constant 21 : i32
      %add3A_499 = arith.addi %mul3A_203, %add3A_498 : i32
      %get3A_500 = arith.index_cast %add3A_499 : i32 to index
      %get3A_501 = arith.constant 16 : index
      %get3A_502 = tpu.vector_load %arg6[%get3A_500, %get3A_501] {strides = array<i32>} : memref<1664x32xf32, #tpu.memory_space<vmem>>, vector<1x16xf32>,
      %get3A_503 = vector.shape_cast %get3A_502 : vector<1x16xf32> to vector<16xf32>
      %add3A_504 = arith.addf %add3A_490, %get3A_503 : vector<16xf32>
      %add3A_505 = arith.constant 22 : i32
      %add3A_506 = arith.addi %mul3A_203, %add3A_505 : i32
      %get3A_507 = arith.index_cast %add3A_506 : i32 to index
      %get3A_508 = arith.constant 0 : index
      %get3A_509 = tpu.vector_load %arg6[%get3A_507, %get3A_508] {strides = array<i32>} : memref<1664x32xf32, #tpu.memory_space<vmem>>, vector<1x16xf32>,
      %get3A_510 = vector.shape_cast %get3A_509 : vector<1x16xf32> to vector<16xf32>
      %add3A_511 = arith.addf %add3A_497, %get3A_510 : vector<16xf32>
      %add3A_512 = arith.constant 22 : i32
      %add3A_513 = arith.addi %mul3A_203, %add3A_512 : i32
      %get3A_514 = arith.index_cast %add3A_513 : i32 to index
      %get3A_515 = arith.constant 16 : index
      %get3A_516 = tpu.vector_load %arg6[%get3A_514, %get3A_515] {strides = array<i32>} : memref<1664x32xf32, #tpu.memory_space<vmem>>, vector<1x16xf32>,
      %get3A_517 = vector.shape_cast %get3A_516 : vector<1x16xf32> to vector<16xf32>
      %add3A_518 = arith.addf %add3A_504, %get3A_517 : vector<16xf32>
      %add3A_519 = arith.constant 23 : i32
      %add3A_520 = arith.addi %mul3A_203, %add3A_519 : i32
      %get3A_521 = arith.index_cast %add3A_520 : i32 to index
      %get3A_522 = arith.constant 0 : index
      %get3A_523 = tpu.vector_load %arg6[%get3A_521, %get3A_522] {strides = array<i32>} : memref<1664x32xf32, #tpu.memory_space<vmem>>, vector<1x16xf32>,
      %get3A_524 = vector.shape_cast %get3A_523 : vector<1x16xf32> to vector<16xf32>
      %add3A_525 = arith.addf %add3A_511, %get3A_524 : vector<16xf32>
      %add3A_526 = arith.constant 23 : i32
      %add3A_527 = arith.addi %mul3A_203, %add3A_526 : i32
      %get3A_528 = arith.index_cast %add3A_527 : i32 to index
      %get3A_529 = arith.constant 16 : index
      %get3A_530 = tpu.vector_load %arg6[%get3A_528, %get3A_529] {strides = array<i32>} : memref<1664x32xf32, #tpu.memory_space<vmem>>, vector<1x16xf32>,
      %get3A_531 = vector.shape_cast %get3A_530 : vector<1x16xf32> to vector<16xf32>
      %add3A_532 = arith.addf %add3A_518, %get3A_531 : vector<16xf32>
      %add3A_533 = arith.constant 24 : i32
      %add3A_534 = arith.addi %mul3A_203, %add3A_533 : i32
      %get3A_535 = arith.index_cast %add3A_534 : i32 to index
      %get3A_536 = arith.constant 0 : index
      %get3A_537 = tpu.vector_load %arg6[%get3A_535, %get3A_536] {strides = array<i32>} : memref<1664x32xf32, #tpu.memory_space<vmem>>, vector<1x16xf32>,
      %get3A_538 = vector.shape_cast %get3A_537 : vector<1x16xf32> to vector<16xf32>
      %add3A_539 = arith.addf %add3A_525, %get3A_538 : vector<16xf32>
      %add3A_540 = arith.constant 24 : i32
      %add3A_541 = arith.addi %mul3A_203, %add3A_540 : i32
      %get3A_542 = arith.index_cast %add3A_541 : i32 to index
      %get3A_543 = arith.constant 16 : index
      %get3A_544 = tpu.vector_load %arg6[%get3A_542, %get3A_543] {strides = array<i32>} : memref<1664x32xf32, #tpu.memory_space<vmem>>, vector<1x16xf32>,
      %get3A_545 = vector.shape_cast %get3A_544 : vector<1x16xf32> to vector<16xf32>
      %add3A_546 = arith.addf %add3A_532, %get3A_545 : vector<16xf32>
      %add3A_547 = arith.constant 25 : i32
      %add3A_548 = arith.addi %mul3A_203, %add3A_547 : i32
      %get3A_549 = arith.index_cast %add3A_548 : i32 to index
      %get3A_550 = arith.constant 0 : index
      %get3A_551 = tpu.vector_load %arg6[%get3A_549, %get3A_550] {strides = array<i32>} : memref<1664x32xf32, #tpu.memory_space<vmem>>, vector<1x16xf32>,
      %get3A_552 = vector.shape_cast %get3A_551 : vector<1x16xf32> to vector<16xf32>
      %add3A_553 = arith.addf %add3A_539, %get3A_552 : vector<16xf32>
      %add3A_554 = arith.constant 25 : i32
      %add3A_555 = arith.addi %mul3A_203, %add3A_554 : i32
      %get3A_556 = arith.index_cast %add3A_555 : i32 to index
      %get3A_557 = arith.constant 16 : index
      %get3A_558 = tpu.vector_load %arg6[%get3A_556, %get3A_557] {strides = array<i32>} : memref<1664x32xf32, #tpu.memory_space<vmem>>, vector<1x16xf32>,
      %get3A_559 = vector.shape_cast %get3A_558 : vector<1x16xf32> to vector<16xf32>
      %add3A_560 = arith.addf %add3A_546, %get3A_559 : vector<16xf32>
      %swap3A = arith.index_cast %scan3A_200 : i32 to index
      %swap3A_561 = arith.constant 0 : index
      %swap3A_562 = tpu.vector_load %arg8[%swap3A, %swap3A_561] {strides = array<i32>} : memref<64x32xf32, #tpu.memory_space<vmem>>, vector<1x16xf32>,
      %swap3A_563 = vector.shape_cast %swap3A_562 : vector<1x16xf32> to vector<16xf32>
      %swap3A_564 = vector.shape_cast %add3A_553 : vector<16xf32> to vector<1x16xf32>
      tpu.vector_store %arg8[%swap3A, %swap3A_561], %swap3A_564 {strides = array<i32>} : memref<64x32xf32, #tpu.memory_space<vmem>>, vector<1x16xf32>,
      %swap3A_565 = arith.index_cast %scan3A_200 : i32 to index
      %swap3A_566 = arith.constant 16 : index
      %swap3A_567 = tpu.vector_load %arg8[%swap3A_565, %swap3A_566] {strides = array<i32>} : memref<64x32xf32, #tpu.memory_space<vmem>>, vector<1x16xf32>,
      %swap3A_568 = vector.shape_cast %swap3A_567 : vector<1x16xf32> to vector<16xf32>
      %swap3A_569 = vector.shape_cast %add3A_560 : vector<16xf32> to vector<1x16xf32>
      tpu.vector_store %arg8[%swap3A_565, %swap3A_566], %swap3A_569 {strides = array<i32>} : memref<64x32xf32, #tpu.memory_space<vmem>>, vector<1x16xf32>,
      %scan3A_570 = arith.constant 0 : i32
      scf.yield %scan3A_570 : i32
    }
    %scan3A_77 = arith.constant 64 : i32
    %mul3A_78 = arith.constant 512 : i32
    %mul3A_79 = arith.muli %add3A, %mul3A_78 : i32
    %add3A_80 = arith.constant 128 : i32
    %add3A_81 = arith.addi %mul3A_79, %add3A_80 : i32
    "tpu.region"() ({
      %run_scoped3A = tpu.sem_alloc : memref<!tpu.dma_semaphore, #tpu.memory_space<semaphore_mem>>
      %dma_start3A = arith.constant 0 : i32
      %dma_start3A_200 = tpu.memref_slice %arg4[%add3A_81, %dma_start3A] : memref<16384x32xf32, #tpu.memory_space<hbm>> -> memref<64x32xf32, #tpu.memory_space<hbm>>
      %dma_start3A_201 = arith.constant 0 : i32
      %dma_start3A_202 = tpu.memref_slice %arg4[%add3A_81, %dma_start3A_201] : memref<16384x32xf32, #tpu.memory_space<hbm>> -> memref<64x32xf32, #tpu.memory_space<hbm>>
      tpu.enqueue_dma source(%arg8 : memref<64x32xf32, #tpu.memory_space<vmem>>) target(%dma_start3A_202 : memref<64x32xf32, #tpu.memory_space<hbm>>) target_semaphore(%run_scoped3A : memref<!tpu.dma_semaphore, #tpu.memory_space<semaphore_mem>>)
      %dma_wait3A = arith.constant 0 : i32
      %dma_wait3A_203 = tpu.memref_slice %arg4[%add3A_81, %dma_wait3A] : memref<16384x32xf32, #tpu.memory_space<hbm>> -> memref<64x32xf32, #tpu.memory_space<hbm>>
      %dma_wait3A_204 = arith.constant 0 : i32
      %dma_wait3A_205 = tpu.memref_slice %arg4[%add3A_81, %dma_wait3A_204] : memref<16384x32xf32, #tpu.memory_space<hbm>> -> memref<64x32xf32, #tpu.memory_space<hbm>>
      tpu.wait_dma2 semaphore(%run_scoped3A : memref<!tpu.dma_semaphore, #tpu.memory_space<semaphore_mem>>) src(%arg8 : memref<64x32xf32, #tpu.memory_space<vmem>>) dst(%dma_wait3A_205 : memref<64x32xf32, #tpu.memory_space<hbm>>)
      tpu.yield
    }) : () -> ()
    %scan3A_82 = arith.constant 0 : i32
    %scan3A_83 = arith.constant 0 : i32
    %scan3A_84 = arith.constant 104 : i32
    %scan3A_85 = arith.addi %scan3A_83, %scan3A_84 : i32
    %scan3A_86 = arith.constant 1 : i32
    %scan3A_87 = scf.for %scan3A_200 = %scan3A_83 to %scan3A_85 step %scan3A_86 iter_args(%scan3A_201 = %scan3A_82) -> (i32)  : i32 {
      %mul3A_202 = arith.constant 16 : i32
      %mul3A_203 = arith.muli %scan3A_200, %mul3A_202 : i32
      %add3A_204 = arith.constant 6656 : i32
      %add3A_205 = arith.addi %add3A_204, %mul3A_203 : i32
      %get3A = arith.index_cast %add3A_205 : i32 to index
      %get3A_206 = tpu.vector_load %arg5[%get3A] {strides = array<i32>} : memref<13312xi32, #tpu.memory_space<vmem>>, vector<16xi32>,
      %get3A_207 = vector.shape_cast %get3A_206 : vector<16xi32> to vector<16xi32>
      %mul3A_208 = arith.constant 16 : i32
      %mul3A_209 = arith.muli %scan3A_200, %mul3A_208 : i32
      %dma_start3A = arith.constant 0 : i32
      %dma_start3A_210 = tpu.memref_slice %arg6[%mul3A_209, %dma_start3A] : memref<1664x32xf32, #tpu.memory_space<vmem>> -> memref<16x32xf32, #tpu.memory_space<vmem>>
      %dma_start3A_211 = arith.constant 0 : i32
      %dma_start3A_212 = arith.constant 0 : i32
      %dma_start3A_213 = tpu.memref_slice %arg3[%dma_start3A_211, %dma_start3A_212] : memref<2600000x32xf32, #tpu.memory_space<hbm>> -> memref<2600000x32xf32, #tpu.memory_space<hbm>>
      tpu.enqueue_indirect_dma source(%dma_start3A_213 : memref<2600000x32xf32, #tpu.memory_space<hbm>>) target(%dma_start3A_210 : memref<16x32xf32, #tpu.memory_space<vmem>>) offsets(%get3A_207 : vector<16xi32>) semaphore(%arg9 : memref<!tpu.dma_semaphore, #tpu.memory_space<semaphore_mem>>)
      %scan3A_214 = arith.constant 0 : i32
      scf.yield %scan3A_214 : i32
    }
    %scan3A_88 = arith.constant 104 : i32
    %scan3A_89 = arith.constant 0 : i32
    %scan3A_90 = arith.constant 0 : i32
    %scan3A_91 = arith.constant 104 : i32
    %scan3A_92 = arith.addi %scan3A_90, %scan3A_91 : i32
    %scan3A_93 = arith.constant 1 : i32
    %scan3A_94 = scf.for %scan3A_200 = %scan3A_90 to %scan3A_92 step %scan3A_93 iter_args(%scan3A_201 = %scan3A_89) -> (i32)  : i32 {
      %mul3A_202 = arith.constant 16 : i32
      %mul3A_203 = arith.muli %scan3A_200, %mul3A_202 : i32
      %dma_wait3A = arith.constant 0 : i32
      %dma_wait3A_204 = tpu.memref_slice %arg7[%mul3A_203, %dma_wait3A] : memref<1664x32xf32, #tpu.memory_space<vmem>> -> memref<16x32xf32, #tpu.memory_space<vmem>>
      %dma_wait3A_205 = arith.constant 0 : i32
      %dma_wait3A_206 = arith.constant 0 : i32
      %dma_wait3A_207 = tpu.memref_slice %arg3[%dma_wait3A_205, %dma_wait3A_206] : memref<2600000x32xf32, #tpu.memory_space<hbm>> -> memref<16x32xf32, #tpu.memory_space<hbm>>
      %dma_wait3A_208 = arith.constant 0 : i32
      %dma_wait3A_209 = tpu.memref_slice %arg7[%mul3A_203, %dma_wait3A_208] : memref<1664x32xf32, #tpu.memory_space<vmem>> -> memref<16x32xf32, #tpu.memory_space<vmem>>
      %dma_wait3A_210 = arith.constant 0 : i32
      %dma_wait3A_211 = arith.constant 0 : i32
      %dma_wait3A_212 = tpu.memref_slice %arg3[%dma_wait3A_210, %dma_wait3A_211] : memref<2600000x32xf32, #tpu.memory_space<hbm>> -> memref<16x32xf32, #tpu.memory_space<hbm>>
      tpu.wait_dma2 semaphore(%arg10 : memref<!tpu.dma_semaphore, #tpu.memory_space<semaphore_mem>>) src(%dma_wait3A_212 : memref<16x32xf32, #tpu.memory_space<hbm>>) dst(%dma_wait3A_209 : memref<16x32xf32, #tpu.memory_space<vmem>>)
      %scan3A_213 = arith.constant 0 : i32
      scf.yield %scan3A_213 : i32
    }
    %scan3A_95 = arith.constant 104 : i32
    %scan3A_96 = arith.constant 0 : i32
    %scan3A_97 = arith.constant 0 : i32
    %scan3A_98 = arith.constant 64 : i32
    %scan3A_99 = arith.addi %scan3A_97, %scan3A_98 : i32
    %scan3A_100 = arith.constant 1 : i32
    %scan3A_101 = scf.for %scan3A_200 = %scan3A_97 to %scan3A_99 step %scan3A_100 iter_args(%scan3A_201 = %scan3A_96) -> (i32)  : i32 {
      %mul3A_202 = arith.constant 26 : i32
      %mul3A_203 = arith.muli %scan3A_200, %mul3A_202 : i32
      %get3A = arith.index_cast %mul3A_203 : i32 to index
      %get3A_204 = arith.constant 0 : index
      %get3A_205 = tpu.vector_load %arg7[%get3A, %get3A_204] {strides = array<i32>} : memref<1664x32xf32, #tpu.memory_space<vmem>>, vector<1x16xf32>,
      %get3A_206 = vector.shape_cast %get3A_205 : vector<1x16xf32> to vector<16xf32>
      %get3A_207 = arith.index_cast %mul3A_203 : i32 to index
      %get3A_208 = arith.constant 16 : index
      %get3A_209 = tpu.vector_load %arg7[%get3A_207, %get3A_208] {strides = array<i32>} : memref<1664x32xf32, #tpu.memory_space<vmem>>, vector<1x16xf32>,
      %get3A_210 = vector.shape_cast %get3A_209 : vector<1x16xf32> to vector<16xf32>
      %add3A_211 = arith.constant 1 : i32
      %add3A_212 = arith.addi %mul3A_203, %add3A_211 : i32
      %get3A_213 = arith.index_cast %add3A_212 : i32 to index
      %get3A_214 = arith.constant 0 : index
      %get3A_215 = tpu.vector_load %arg7[%get3A_213, %get3A_214] {strides = array<i32>} : memref<1664x32xf32, #tpu.memory_space<vmem>>, vector<1x16xf32>,
      %get3A_216 = vector.shape_cast %get3A_215 : vector<1x16xf32> to vector<16xf32>
      %add3A_217 = arith.addf %get3A_206, %get3A_216 : vector<16xf32>
      %add3A_218 = arith.constant 1 : i32
      %add3A_219 = arith.addi %mul3A_203, %add3A_218 : i32
      %get3A_220 = arith.index_cast %add3A_219 : i32 to index
      %get3A_221 = arith.constant 16 : index
      %get3A_222 = tpu.vector_load %arg7[%get3A_220, %get3A_221] {strides = array<i32>} : memref<1664x32xf32, #tpu.memory_space<vmem>>, vector<1x16xf32>,
      %get3A_223 = vector.shape_cast %get3A_222 : vector<1x16xf32> to vector<16xf32>
      %add3A_224 = arith.addf %get3A_210, %get3A_223 : vector<16xf32>
      %add3A_225 = arith.constant 2 : i32
      %add3A_226 = arith.addi %mul3A_203, %add3A_225 : i32
      %get3A_227 = arith.index_cast %add3A_226 : i32 to index
      %get3A_228 = arith.constant 0 : index
      %get3A_229 = tpu.vector_load %arg7[%get3A_227, %get3A_228] {strides = array<i32>} : memref<1664x32xf32, #tpu.memory_space<vmem>>, vector<1x16xf32>,
      %get3A_230 = vector.shape_cast %get3A_229 : vector<1x16xf32> to vector<16xf32>
      %add3A_231 = arith.addf %add3A_217, %get3A_230 : vector<16xf32>
      %add3A_232 = arith.constant 2 : i32
      %add3A_233 = arith.addi %mul3A_203, %add3A_232 : i32
      %get3A_234 = arith.index_cast %add3A_233 : i32 to index
      %get3A_235 = arith.constant 16 : index
      %get3A_236 = tpu.vector_load %arg7[%get3A_234, %get3A_235] {strides = array<i32>} : memref<1664x32xf32, #tpu.memory_space<vmem>>, vector<1x16xf32>,
      %get3A_237 = vector.shape_cast %get3A_236 : vector<1x16xf32> to vector<16xf32>
      %add3A_238 = arith.addf %add3A_224, %get3A_237 : vector<16xf32>
      %add3A_239 = arith.constant 3 : i32
      %add3A_240 = arith.addi %mul3A_203, %add3A_239 : i32
      %get3A_241 = arith.index_cast %add3A_240 : i32 to index
      %get3A_242 = arith.constant 0 : index
      %get3A_243 = tpu.vector_load %arg7[%get3A_241, %get3A_242] {strides = array<i32>} : memref<1664x32xf32, #tpu.memory_space<vmem>>, vector<1x16xf32>,
      %get3A_244 = vector.shape_cast %get3A_243 : vector<1x16xf32> to vector<16xf32>
      %add3A_245 = arith.addf %add3A_231, %get3A_244 : vector<16xf32>
      %add3A_246 = arith.constant 3 : i32
      %add3A_247 = arith.addi %mul3A_203, %add3A_246 : i32
      %get3A_248 = arith.index_cast %add3A_247 : i32 to index
      %get3A_249 = arith.constant 16 : index
      %get3A_250 = tpu.vector_load %arg7[%get3A_248, %get3A_249] {strides = array<i32>} : memref<1664x32xf32, #tpu.memory_space<vmem>>, vector<1x16xf32>,
      %get3A_251 = vector.shape_cast %get3A_250 : vector<1x16xf32> to vector<16xf32>
      %add3A_252 = arith.addf %add3A_238, %get3A_251 : vector<16xf32>
      %add3A_253 = arith.constant 4 : i32
      %add3A_254 = arith.addi %mul3A_203, %add3A_253 : i32
      %get3A_255 = arith.index_cast %add3A_254 : i32 to index
      %get3A_256 = arith.constant 0 : index
      %get3A_257 = tpu.vector_load %arg7[%get3A_255, %get3A_256] {strides = array<i32>} : memref<1664x32xf32, #tpu.memory_space<vmem>>, vector<1x16xf32>,
      %get3A_258 = vector.shape_cast %get3A_257 : vector<1x16xf32> to vector<16xf32>
      %add3A_259 = arith.addf %add3A_245, %get3A_258 : vector<16xf32>
      %add3A_260 = arith.constant 4 : i32
      %add3A_261 = arith.addi %mul3A_203, %add3A_260 : i32
      %get3A_262 = arith.index_cast %add3A_261 : i32 to index
      %get3A_263 = arith.constant 16 : index
      %get3A_264 = tpu.vector_load %arg7[%get3A_262, %get3A_263] {strides = array<i32>} : memref<1664x32xf32, #tpu.memory_space<vmem>>, vector<1x16xf32>,
      %get3A_265 = vector.shape_cast %get3A_264 : vector<1x16xf32> to vector<16xf32>
      %add3A_266 = arith.addf %add3A_252, %get3A_265 : vector<16xf32>
      %add3A_267 = arith.constant 5 : i32
      %add3A_268 = arith.addi %mul3A_203, %add3A_267 : i32
      %get3A_269 = arith.index_cast %add3A_268 : i32 to index
      %get3A_270 = arith.constant 0 : index
      %get3A_271 = tpu.vector_load %arg7[%get3A_269, %get3A_270] {strides = array<i32>} : memref<1664x32xf32, #tpu.memory_space<vmem>>, vector<1x16xf32>,
      %get3A_272 = vector.shape_cast %get3A_271 : vector<1x16xf32> to vector<16xf32>
      %add3A_273 = arith.addf %add3A_259, %get3A_272 : vector<16xf32>
      %add3A_274 = arith.constant 5 : i32
      %add3A_275 = arith.addi %mul3A_203, %add3A_274 : i32
      %get3A_276 = arith.index_cast %add3A_275 : i32 to index
      %get3A_277 = arith.constant 16 : index
      %get3A_278 = tpu.vector_load %arg7[%get3A_276, %get3A_277] {strides = array<i32>} : memref<1664x32xf32, #tpu.memory_space<vmem>>, vector<1x16xf32>,
      %get3A_279 = vector.shape_cast %get3A_278 : vector<1x16xf32> to vector<16xf32>
      %add3A_280 = arith.addf %add3A_266, %get3A_279 : vector<16xf32>
      %add3A_281 = arith.constant 6 : i32
      %add3A_282 = arith.addi %mul3A_203, %add3A_281 : i32
      %get3A_283 = arith.index_cast %add3A_282 : i32 to index
      %get3A_284 = arith.constant 0 : index
      %get3A_285 = tpu.vector_load %arg7[%get3A_283, %get3A_284] {strides = array<i32>} : memref<1664x32xf32, #tpu.memory_space<vmem>>, vector<1x16xf32>,
      %get3A_286 = vector.shape_cast %get3A_285 : vector<1x16xf32> to vector<16xf32>
      %add3A_287 = arith.addf %add3A_273, %get3A_286 : vector<16xf32>
      %add3A_288 = arith.constant 6 : i32
      %add3A_289 = arith.addi %mul3A_203, %add3A_288 : i32
      %get3A_290 = arith.index_cast %add3A_289 : i32 to index
      %get3A_291 = arith.constant 16 : index
      %get3A_292 = tpu.vector_load %arg7[%get3A_290, %get3A_291] {strides = array<i32>} : memref<1664x32xf32, #tpu.memory_space<vmem>>, vector<1x16xf32>,
      %get3A_293 = vector.shape_cast %get3A_292 : vector<1x16xf32> to vector<16xf32>
      %add3A_294 = arith.addf %add3A_280, %get3A_293 : vector<16xf32>
      %add3A_295 = arith.constant 7 : i32
      %add3A_296 = arith.addi %mul3A_203, %add3A_295 : i32
      %get3A_297 = arith.index_cast %add3A_296 : i32 to index
      %get3A_298 = arith.constant 0 : index
      %get3A_299 = tpu.vector_load %arg7[%get3A_297, %get3A_298] {strides = array<i32>} : memref<1664x32xf32, #tpu.memory_space<vmem>>, vector<1x16xf32>,
      %get3A_300 = vector.shape_cast %get3A_299 : vector<1x16xf32> to vector<16xf32>
      %add3A_301 = arith.addf %add3A_287, %get3A_300 : vector<16xf32>
      %add3A_302 = arith.constant 7 : i32
      %add3A_303 = arith.addi %mul3A_203, %add3A_302 : i32
      %get3A_304 = arith.index_cast %add3A_303 : i32 to index
      %get3A_305 = arith.constant 16 : index
      %get3A_306 = tpu.vector_load %arg7[%get3A_304, %get3A_305] {strides = array<i32>} : memref<1664x32xf32, #tpu.memory_space<vmem>>, vector<1x16xf32>,
      %get3A_307 = vector.shape_cast %get3A_306 : vector<1x16xf32> to vector<16xf32>
      %add3A_308 = arith.addf %add3A_294, %get3A_307 : vector<16xf32>
      %add3A_309 = arith.constant 8 : i32
      %add3A_310 = arith.addi %mul3A_203, %add3A_309 : i32
      %get3A_311 = arith.index_cast %add3A_310 : i32 to index
      %get3A_312 = arith.constant 0 : index
      %get3A_313 = tpu.vector_load %arg7[%get3A_311, %get3A_312] {strides = array<i32>} : memref<1664x32xf32, #tpu.memory_space<vmem>>, vector<1x16xf32>,
      %get3A_314 = vector.shape_cast %get3A_313 : vector<1x16xf32> to vector<16xf32>
      %add3A_315 = arith.addf %add3A_301, %get3A_314 : vector<16xf32>
      %add3A_316 = arith.constant 8 : i32
      %add3A_317 = arith.addi %mul3A_203, %add3A_316 : i32
      %get3A_318 = arith.index_cast %add3A_317 : i32 to index
      %get3A_319 = arith.constant 16 : index
      %get3A_320 = tpu.vector_load %arg7[%get3A_318, %get3A_319] {strides = array<i32>} : memref<1664x32xf32, #tpu.memory_space<vmem>>, vector<1x16xf32>,
      %get3A_321 = vector.shape_cast %get3A_320 : vector<1x16xf32> to vector<16xf32>
      %add3A_322 = arith.addf %add3A_308, %get3A_321 : vector<16xf32>
      %add3A_323 = arith.constant 9 : i32
      %add3A_324 = arith.addi %mul3A_203, %add3A_323 : i32
      %get3A_325 = arith.index_cast %add3A_324 : i32 to index
      %get3A_326 = arith.constant 0 : index
      %get3A_327 = tpu.vector_load %arg7[%get3A_325, %get3A_326] {strides = array<i32>} : memref<1664x32xf32, #tpu.memory_space<vmem>>, vector<1x16xf32>,
      %get3A_328 = vector.shape_cast %get3A_327 : vector<1x16xf32> to vector<16xf32>
      %add3A_329 = arith.addf %add3A_315, %get3A_328 : vector<16xf32>
      %add3A_330 = arith.constant 9 : i32
      %add3A_331 = arith.addi %mul3A_203, %add3A_330 : i32
      %get3A_332 = arith.index_cast %add3A_331 : i32 to index
      %get3A_333 = arith.constant 16 : index
      %get3A_334 = tpu.vector_load %arg7[%get3A_332, %get3A_333] {strides = array<i32>} : memref<1664x32xf32, #tpu.memory_space<vmem>>, vector<1x16xf32>,
      %get3A_335 = vector.shape_cast %get3A_334 : vector<1x16xf32> to vector<16xf32>
      %add3A_336 = arith.addf %add3A_322, %get3A_335 : vector<16xf32>
      %add3A_337 = arith.constant 10 : i32
      %add3A_338 = arith.addi %mul3A_203, %add3A_337 : i32
      %get3A_339 = arith.index_cast %add3A_338 : i32 to index
      %get3A_340 = arith.constant 0 : index
      %get3A_341 = tpu.vector_load %arg7[%get3A_339, %get3A_340] {strides = array<i32>} : memref<1664x32xf32, #tpu.memory_space<vmem>>, vector<1x16xf32>,
      %get3A_342 = vector.shape_cast %get3A_341 : vector<1x16xf32> to vector<16xf32>
      %add3A_343 = arith.addf %add3A_329, %get3A_342 : vector<16xf32>
      %add3A_344 = arith.constant 10 : i32
      %add3A_345 = arith.addi %mul3A_203, %add3A_344 : i32
      %get3A_346 = arith.index_cast %add3A_345 : i32 to index
      %get3A_347 = arith.constant 16 : index
      %get3A_348 = tpu.vector_load %arg7[%get3A_346, %get3A_347] {strides = array<i32>} : memref<1664x32xf32, #tpu.memory_space<vmem>>, vector<1x16xf32>,
      %get3A_349 = vector.shape_cast %get3A_348 : vector<1x16xf32> to vector<16xf32>
      %add3A_350 = arith.addf %add3A_336, %get3A_349 : vector<16xf32>
      %add3A_351 = arith.constant 11 : i32
      %add3A_352 = arith.addi %mul3A_203, %add3A_351 : i32
      %get3A_353 = arith.index_cast %add3A_352 : i32 to index
      %get3A_354 = arith.constant 0 : index
      %get3A_355 = tpu.vector_load %arg7[%get3A_353, %get3A_354] {strides = array<i32>} : memref<1664x32xf32, #tpu.memory_space<vmem>>, vector<1x16xf32>,
      %get3A_356 = vector.shape_cast %get3A_355 : vector<1x16xf32> to vector<16xf32>
      %add3A_357 = arith.addf %add3A_343, %get3A_356 : vector<16xf32>
      %add3A_358 = arith.constant 11 : i32
      %add3A_359 = arith.addi %mul3A_203, %add3A_358 : i32
      %get3A_360 = arith.index_cast %add3A_359 : i32 to index
      %get3A_361 = arith.constant 16 : index
      %get3A_362 = tpu.vector_load %arg7[%get3A_360, %get3A_361] {strides = array<i32>} : memref<1664x32xf32, #tpu.memory_space<vmem>>, vector<1x16xf32>,
      %get3A_363 = vector.shape_cast %get3A_362 : vector<1x16xf32> to vector<16xf32>
      %add3A_364 = arith.addf %add3A_350, %get3A_363 : vector<16xf32>
      %add3A_365 = arith.constant 12 : i32
      %add3A_366 = arith.addi %mul3A_203, %add3A_365 : i32
      %get3A_367 = arith.index_cast %add3A_366 : i32 to index
      %get3A_368 = arith.constant 0 : index
      %get3A_369 = tpu.vector_load %arg7[%get3A_367, %get3A_368] {strides = array<i32>} : memref<1664x32xf32, #tpu.memory_space<vmem>>, vector<1x16xf32>,
      %get3A_370 = vector.shape_cast %get3A_369 : vector<1x16xf32> to vector<16xf32>
      %add3A_371 = arith.addf %add3A_357, %get3A_370 : vector<16xf32>
      %add3A_372 = arith.constant 12 : i32
      %add3A_373 = arith.addi %mul3A_203, %add3A_372 : i32
      %get3A_374 = arith.index_cast %add3A_373 : i32 to index
      %get3A_375 = arith.constant 16 : index
      %get3A_376 = tpu.vector_load %arg7[%get3A_374, %get3A_375] {strides = array<i32>} : memref<1664x32xf32, #tpu.memory_space<vmem>>, vector<1x16xf32>,
      %get3A_377 = vector.shape_cast %get3A_376 : vector<1x16xf32> to vector<16xf32>
      %add3A_378 = arith.addf %add3A_364, %get3A_377 : vector<16xf32>
      %add3A_379 = arith.constant 13 : i32
      %add3A_380 = arith.addi %mul3A_203, %add3A_379 : i32
      %get3A_381 = arith.index_cast %add3A_380 : i32 to index
      %get3A_382 = arith.constant 0 : index
      %get3A_383 = tpu.vector_load %arg7[%get3A_381, %get3A_382] {strides = array<i32>} : memref<1664x32xf32, #tpu.memory_space<vmem>>, vector<1x16xf32>,
      %get3A_384 = vector.shape_cast %get3A_383 : vector<1x16xf32> to vector<16xf32>
      %add3A_385 = arith.addf %add3A_371, %get3A_384 : vector<16xf32>
      %add3A_386 = arith.constant 13 : i32
      %add3A_387 = arith.addi %mul3A_203, %add3A_386 : i32
      %get3A_388 = arith.index_cast %add3A_387 : i32 to index
      %get3A_389 = arith.constant 16 : index
      %get3A_390 = tpu.vector_load %arg7[%get3A_388, %get3A_389] {strides = array<i32>} : memref<1664x32xf32, #tpu.memory_space<vmem>>, vector<1x16xf32>,
      %get3A_391 = vector.shape_cast %get3A_390 : vector<1x16xf32> to vector<16xf32>
      %add3A_392 = arith.addf %add3A_378, %get3A_391 : vector<16xf32>
      %add3A_393 = arith.constant 14 : i32
      %add3A_394 = arith.addi %mul3A_203, %add3A_393 : i32
      %get3A_395 = arith.index_cast %add3A_394 : i32 to index
      %get3A_396 = arith.constant 0 : index
      %get3A_397 = tpu.vector_load %arg7[%get3A_395, %get3A_396] {strides = array<i32>} : memref<1664x32xf32, #tpu.memory_space<vmem>>, vector<1x16xf32>,
      %get3A_398 = vector.shape_cast %get3A_397 : vector<1x16xf32> to vector<16xf32>
      %add3A_399 = arith.addf %add3A_385, %get3A_398 : vector<16xf32>
      %add3A_400 = arith.constant 14 : i32
      %add3A_401 = arith.addi %mul3A_203, %add3A_400 : i32
      %get3A_402 = arith.index_cast %add3A_401 : i32 to index
      %get3A_403 = arith.constant 16 : index
      %get3A_404 = tpu.vector_load %arg7[%get3A_402, %get3A_403] {strides = array<i32>} : memref<1664x32xf32, #tpu.memory_space<vmem>>, vector<1x16xf32>,
      %get3A_405 = vector.shape_cast %get3A_404 : vector<1x16xf32> to vector<16xf32>
      %add3A_406 = arith.addf %add3A_392, %get3A_405 : vector<16xf32>
      %add3A_407 = arith.constant 15 : i32
      %add3A_408 = arith.addi %mul3A_203, %add3A_407 : i32
      %get3A_409 = arith.index_cast %add3A_408 : i32 to index
      %get3A_410 = arith.constant 0 : index
      %get3A_411 = tpu.vector_load %arg7[%get3A_409, %get3A_410] {strides = array<i32>} : memref<1664x32xf32, #tpu.memory_space<vmem>>, vector<1x16xf32>,
      %get3A_412 = vector.shape_cast %get3A_411 : vector<1x16xf32> to vector<16xf32>
      %add3A_413 = arith.addf %add3A_399, %get3A_412 : vector<16xf32>
      %add3A_414 = arith.constant 15 : i32
      %add3A_415 = arith.addi %mul3A_203, %add3A_414 : i32
      %get3A_416 = arith.index_cast %add3A_415 : i32 to index
      %get3A_417 = arith.constant 16 : index
      %get3A_418 = tpu.vector_load %arg7[%get3A_416, %get3A_417] {strides = array<i32>} : memref<1664x32xf32, #tpu.memory_space<vmem>>, vector<1x16xf32>,
      %get3A_419 = vector.shape_cast %get3A_418 : vector<1x16xf32> to vector<16xf32>
      %add3A_420 = arith.addf %add3A_406, %get3A_419 : vector<16xf32>
      %add3A_421 = arith.constant 16 : i32
      %add3A_422 = arith.addi %mul3A_203, %add3A_421 : i32
      %get3A_423 = arith.index_cast %add3A_422 : i32 to index
      %get3A_424 = arith.constant 0 : index
      %get3A_425 = tpu.vector_load %arg7[%get3A_423, %get3A_424] {strides = array<i32>} : memref<1664x32xf32, #tpu.memory_space<vmem>>, vector<1x16xf32>,
      %get3A_426 = vector.shape_cast %get3A_425 : vector<1x16xf32> to vector<16xf32>
      %add3A_427 = arith.addf %add3A_413, %get3A_426 : vector<16xf32>
      %add3A_428 = arith.constant 16 : i32
      %add3A_429 = arith.addi %mul3A_203, %add3A_428 : i32
      %get3A_430 = arith.index_cast %add3A_429 : i32 to index
      %get3A_431 = arith.constant 16 : index
      %get3A_432 = tpu.vector_load %arg7[%get3A_430, %get3A_431] {strides = array<i32>} : memref<1664x32xf32, #tpu.memory_space<vmem>>, vector<1x16xf32>,
      %get3A_433 = vector.shape_cast %get3A_432 : vector<1x16xf32> to vector<16xf32>
      %add3A_434 = arith.addf %add3A_420, %get3A_433 : vector<16xf32>
      %add3A_435 = arith.constant 17 : i32
      %add3A_436 = arith.addi %mul3A_203, %add3A_435 : i32
      %get3A_437 = arith.index_cast %add3A_436 : i32 to index
      %get3A_438 = arith.constant 0 : index
      %get3A_439 = tpu.vector_load %arg7[%get3A_437, %get3A_438] {strides = array<i32>} : memref<1664x32xf32, #tpu.memory_space<vmem>>, vector<1x16xf32>,
      %get3A_440 = vector.shape_cast %get3A_439 : vector<1x16xf32> to vector<16xf32>
      %add3A_441 = arith.addf %add3A_427, %get3A_440 : vector<16xf32>
      %add3A_442 = arith.constant 17 : i32
      %add3A_443 = arith.addi %mul3A_203, %add3A_442 : i32
      %get3A_444 = arith.index_cast %add3A_443 : i32 to index
      %get3A_445 = arith.constant 16 : index
      %get3A_446 = tpu.vector_load %arg7[%get3A_444, %get3A_445] {strides = array<i32>} : memref<1664x32xf32, #tpu.memory_space<vmem>>, vector<1x16xf32>,
      %get3A_447 = vector.shape_cast %get3A_446 : vector<1x16xf32> to vector<16xf32>
      %add3A_448 = arith.addf %add3A_434, %get3A_447 : vector<16xf32>
      %add3A_449 = arith.constant 18 : i32
      %add3A_450 = arith.addi %mul3A_203, %add3A_449 : i32
      %get3A_451 = arith.index_cast %add3A_450 : i32 to index
      %get3A_452 = arith.constant 0 : index
      %get3A_453 = tpu.vector_load %arg7[%get3A_451, %get3A_452] {strides = array<i32>} : memref<1664x32xf32, #tpu.memory_space<vmem>>, vector<1x16xf32>,
      %get3A_454 = vector.shape_cast %get3A_453 : vector<1x16xf32> to vector<16xf32>
      %add3A_455 = arith.addf %add3A_441, %get3A_454 : vector<16xf32>
      %add3A_456 = arith.constant 18 : i32
      %add3A_457 = arith.addi %mul3A_203, %add3A_456 : i32
      %get3A_458 = arith.index_cast %add3A_457 : i32 to index
      %get3A_459 = arith.constant 16 : index
      %get3A_460 = tpu.vector_load %arg7[%get3A_458, %get3A_459] {strides = array<i32>} : memref<1664x32xf32, #tpu.memory_space<vmem>>, vector<1x16xf32>,
      %get3A_461 = vector.shape_cast %get3A_460 : vector<1x16xf32> to vector<16xf32>
      %add3A_462 = arith.addf %add3A_448, %get3A_461 : vector<16xf32>
      %add3A_463 = arith.constant 19 : i32
      %add3A_464 = arith.addi %mul3A_203, %add3A_463 : i32
      %get3A_465 = arith.index_cast %add3A_464 : i32 to index
      %get3A_466 = arith.constant 0 : index
      %get3A_467 = tpu.vector_load %arg7[%get3A_465, %get3A_466] {strides = array<i32>} : memref<1664x32xf32, #tpu.memory_space<vmem>>, vector<1x16xf32>,
      %get3A_468 = vector.shape_cast %get3A_467 : vector<1x16xf32> to vector<16xf32>
      %add3A_469 = arith.addf %add3A_455, %get3A_468 : vector<16xf32>
      %add3A_470 = arith.constant 19 : i32
      %add3A_471 = arith.addi %mul3A_203, %add3A_470 : i32
      %get3A_472 = arith.index_cast %add3A_471 : i32 to index
      %get3A_473 = arith.constant 16 : index
      %get3A_474 = tpu.vector_load %arg7[%get3A_472, %get3A_473] {strides = array<i32>} : memref<1664x32xf32, #tpu.memory_space<vmem>>, vector<1x16xf32>,
      %get3A_475 = vector.shape_cast %get3A_474 : vector<1x16xf32> to vector<16xf32>
      %add3A_476 = arith.addf %add3A_462, %get3A_475 : vector<16xf32>
      %add3A_477 = arith.constant 20 : i32
      %add3A_478 = arith.addi %mul3A_203, %add3A_477 : i32
      %get3A_479 = arith.index_cast %add3A_478 : i32 to index
      %get3A_480 = arith.constant 0 : index
      %get3A_481 = tpu.vector_load %arg7[%get3A_479, %get3A_480] {strides = array<i32>} : memref<1664x32xf32, #tpu.memory_space<vmem>>, vector<1x16xf32>,
      %get3A_482 = vector.shape_cast %get3A_481 : vector<1x16xf32> to vector<16xf32>
      %add3A_483 = arith.addf %add3A_469, %get3A_482 : vector<16xf32>
      %add3A_484 = arith.constant 20 : i32
      %add3A_485 = arith.addi %mul3A_203, %add3A_484 : i32
      %get3A_486 = arith.index_cast %add3A_485 : i32 to index
      %get3A_487 = arith.constant 16 : index
      %get3A_488 = tpu.vector_load %arg7[%get3A_486, %get3A_487] {strides = array<i32>} : memref<1664x32xf32, #tpu.memory_space<vmem>>, vector<1x16xf32>,
      %get3A_489 = vector.shape_cast %get3A_488 : vector<1x16xf32> to vector<16xf32>
      %add3A_490 = arith.addf %add3A_476, %get3A_489 : vector<16xf32>
      %add3A_491 = arith.constant 21 : i32
      %add3A_492 = arith.addi %mul3A_203, %add3A_491 : i32
      %get3A_493 = arith.index_cast %add3A_492 : i32 to index
      %get3A_494 = arith.constant 0 : index
      %get3A_495 = tpu.vector_load %arg7[%get3A_493, %get3A_494] {strides = array<i32>} : memref<1664x32xf32, #tpu.memory_space<vmem>>, vector<1x16xf32>,
      %get3A_496 = vector.shape_cast %get3A_495 : vector<1x16xf32> to vector<16xf32>
      %add3A_497 = arith.addf %add3A_483, %get3A_496 : vector<16xf32>
      %add3A_498 = arith.constant 21 : i32
      %add3A_499 = arith.addi %mul3A_203, %add3A_498 : i32
      %get3A_500 = arith.index_cast %add3A_499 : i32 to index
      %get3A_501 = arith.constant 16 : index
      %get3A_502 = tpu.vector_load %arg7[%get3A_500, %get3A_501] {strides = array<i32>} : memref<1664x32xf32, #tpu.memory_space<vmem>>, vector<1x16xf32>,
      %get3A_503 = vector.shape_cast %get3A_502 : vector<1x16xf32> to vector<16xf32>
      %add3A_504 = arith.addf %add3A_490, %get3A_503 : vector<16xf32>
      %add3A_505 = arith.constant 22 : i32
      %add3A_506 = arith.addi %mul3A_203, %add3A_505 : i32
      %get3A_507 = arith.index_cast %add3A_506 : i32 to index
      %get3A_508 = arith.constant 0 : index
      %get3A_509 = tpu.vector_load %arg7[%get3A_507, %get3A_508] {strides = array<i32>} : memref<1664x32xf32, #tpu.memory_space<vmem>>, vector<1x16xf32>,
      %get3A_510 = vector.shape_cast %get3A_509 : vector<1x16xf32> to vector<16xf32>
      %add3A_511 = arith.addf %add3A_497, %get3A_510 : vector<16xf32>
      %add3A_512 = arith.constant 22 : i32
      %add3A_513 = arith.addi %mul3A_203, %add3A_512 : i32
      %get3A_514 = arith.index_cast %add3A_513 : i32 to index
      %get3A_515 = arith.constant 16 : index
      %get3A_516 = tpu.vector_load %arg7[%get3A_514, %get3A_515] {strides = array<i32>} : memref<1664x32xf32, #tpu.memory_space<vmem>>, vector<1x16xf32>,
      %get3A_517 = vector.shape_cast %get3A_516 : vector<1x16xf32> to vector<16xf32>
      %add3A_518 = arith.addf %add3A_504, %get3A_517 : vector<16xf32>
      %add3A_519 = arith.constant 23 : i32
      %add3A_520 = arith.addi %mul3A_203, %add3A_519 : i32
      %get3A_521 = arith.index_cast %add3A_520 : i32 to index
      %get3A_522 = arith.constant 0 : index
      %get3A_523 = tpu.vector_load %arg7[%get3A_521, %get3A_522] {strides = array<i32>} : memref<1664x32xf32, #tpu.memory_space<vmem>>, vector<1x16xf32>,
      %get3A_524 = vector.shape_cast %get3A_523 : vector<1x16xf32> to vector<16xf32>
      %add3A_525 = arith.addf %add3A_511, %get3A_524 : vector<16xf32>
      %add3A_526 = arith.constant 23 : i32
      %add3A_527 = arith.addi %mul3A_203, %add3A_526 : i32
      %get3A_528 = arith.index_cast %add3A_527 : i32 to index
      %get3A_529 = arith.constant 16 : index
      %get3A_530 = tpu.vector_load %arg7[%get3A_528, %get3A_529] {strides = array<i32>} : memref<1664x32xf32, #tpu.memory_space<vmem>>, vector<1x16xf32>,
      %get3A_531 = vector.shape_cast %get3A_530 : vector<1x16xf32> to vector<16xf32>
      %add3A_532 = arith.addf %add3A_518, %get3A_531 : vector<16xf32>
      %add3A_533 = arith.constant 24 : i32
      %add3A_534 = arith.addi %mul3A_203, %add3A_533 : i32
      %get3A_535 = arith.index_cast %add3A_534 : i32 to index
      %get3A_536 = arith.constant 0 : index
      %get3A_537 = tpu.vector_load %arg7[%get3A_535, %get3A_536] {strides = array<i32>} : memref<1664x32xf32, #tpu.memory_space<vmem>>, vector<1x16xf32>,
      %get3A_538 = vector.shape_cast %get3A_537 : vector<1x16xf32> to vector<16xf32>
      %add3A_539 = arith.addf %add3A_525, %get3A_538 : vector<16xf32>
      %add3A_540 = arith.constant 24 : i32
      %add3A_541 = arith.addi %mul3A_203, %add3A_540 : i32
      %get3A_542 = arith.index_cast %add3A_541 : i32 to index
      %get3A_543 = arith.constant 16 : index
      %get3A_544 = tpu.vector_load %arg7[%get3A_542, %get3A_543] {strides = array<i32>} : memref<1664x32xf32, #tpu.memory_space<vmem>>, vector<1x16xf32>,
      %get3A_545 = vector.shape_cast %get3A_544 : vector<1x16xf32> to vector<16xf32>
      %add3A_546 = arith.addf %add3A_532, %get3A_545 : vector<16xf32>
      %add3A_547 = arith.constant 25 : i32
      %add3A_548 = arith.addi %mul3A_203, %add3A_547 : i32
      %get3A_549 = arith.index_cast %add3A_548 : i32 to index
      %get3A_550 = arith.constant 0 : index
      %get3A_551 = tpu.vector_load %arg7[%get3A_549, %get3A_550] {strides = array<i32>} : memref<1664x32xf32, #tpu.memory_space<vmem>>, vector<1x16xf32>,
      %get3A_552 = vector.shape_cast %get3A_551 : vector<1x16xf32> to vector<16xf32>
      %add3A_553 = arith.addf %add3A_539, %get3A_552 : vector<16xf32>
      %add3A_554 = arith.constant 25 : i32
      %add3A_555 = arith.addi %mul3A_203, %add3A_554 : i32
      %get3A_556 = arith.index_cast %add3A_555 : i32 to index
      %get3A_557 = arith.constant 16 : index
      %get3A_558 = tpu.vector_load %arg7[%get3A_556, %get3A_557] {strides = array<i32>} : memref<1664x32xf32, #tpu.memory_space<vmem>>, vector<1x16xf32>,
      %get3A_559 = vector.shape_cast %get3A_558 : vector<1x16xf32> to vector<16xf32>
      %add3A_560 = arith.addf %add3A_546, %get3A_559 : vector<16xf32>
      %swap3A = arith.index_cast %scan3A_200 : i32 to index
      %swap3A_561 = arith.constant 0 : index
      %swap3A_562 = tpu.vector_load %arg8[%swap3A, %swap3A_561] {strides = array<i32>} : memref<64x32xf32, #tpu.memory_space<vmem>>, vector<1x16xf32>,
      %swap3A_563 = vector.shape_cast %swap3A_562 : vector<1x16xf32> to vector<16xf32>
      %swap3A_564 = vector.shape_cast %add3A_553 : vector<16xf32> to vector<1x16xf32>
      tpu.vector_store %arg8[%swap3A, %swap3A_561], %swap3A_564 {strides = array<i32>} : memref<64x32xf32, #tpu.memory_space<vmem>>, vector<1x16xf32>,
      %swap3A_565 = arith.index_cast %scan3A_200 : i32 to index
      %swap3A_566 = arith.constant 16 : index
      %swap3A_567 = tpu.vector_load %arg8[%swap3A_565, %swap3A_566] {strides = array<i32>} : memref<64x32xf32, #tpu.memory_space<vmem>>, vector<1x16xf32>,
      %swap3A_568 = vector.shape_cast %swap3A_567 : vector<1x16xf32> to vector<16xf32>
      %swap3A_569 = vector.shape_cast %add3A_560 : vector<16xf32> to vector<1x16xf32>
      tpu.vector_store %arg8[%swap3A_565, %swap3A_566], %swap3A_569 {strides = array<i32>} : memref<64x32xf32, #tpu.memory_space<vmem>>, vector<1x16xf32>,
      %scan3A_570 = arith.constant 0 : i32
      scf.yield %scan3A_570 : i32
    }
    %scan3A_102 = arith.constant 64 : i32
    %mul3A_103 = arith.constant 512 : i32
    %mul3A_104 = arith.muli %add3A, %mul3A_103 : i32
    %add3A_105 = arith.constant 192 : i32
    %add3A_106 = arith.addi %mul3A_104, %add3A_105 : i32
    "tpu.region"() ({
      %run_scoped3A = tpu.sem_alloc : memref<!tpu.dma_semaphore, #tpu.memory_space<semaphore_mem>>
      %dma_start3A = arith.constant 0 : i32
      %dma_start3A_200 = tpu.memref_slice %arg4[%add3A_106, %dma_start3A] : memref<16384x32xf32, #tpu.memory_space<hbm>> -> memref<64x32xf32, #tpu.memory_space<hbm>>
      %dma_start3A_201 = arith.constant 0 : i32
      %dma_start3A_202 = tpu.memref_slice %arg4[%add3A_106, %dma_start3A_201] : memref<16384x32xf32, #tpu.memory_space<hbm>> -> memref<64x32xf32, #tpu.memory_space<hbm>>
      tpu.enqueue_dma source(%arg8 : memref<64x32xf32, #tpu.memory_space<vmem>>) target(%dma_start3A_202 : memref<64x32xf32, #tpu.memory_space<hbm>>) target_semaphore(%run_scoped3A : memref<!tpu.dma_semaphore, #tpu.memory_space<semaphore_mem>>)
      %dma_wait3A = arith.constant 0 : i32
      %dma_wait3A_203 = tpu.memref_slice %arg4[%add3A_106, %dma_wait3A] : memref<16384x32xf32, #tpu.memory_space<hbm>> -> memref<64x32xf32, #tpu.memory_space<hbm>>
      %dma_wait3A_204 = arith.constant 0 : i32
      %dma_wait3A_205 = tpu.memref_slice %arg4[%add3A_106, %dma_wait3A_204] : memref<16384x32xf32, #tpu.memory_space<hbm>> -> memref<64x32xf32, #tpu.memory_space<hbm>>
      tpu.wait_dma2 semaphore(%run_scoped3A : memref<!tpu.dma_semaphore, #tpu.memory_space<semaphore_mem>>) src(%arg8 : memref<64x32xf32, #tpu.memory_space<vmem>>) dst(%dma_wait3A_205 : memref<64x32xf32, #tpu.memory_space<hbm>>)
      tpu.yield
    }) : () -> ()
    %scan3A_107 = arith.constant 0 : i32
    %scan3A_108 = arith.constant 0 : i32
    %scan3A_109 = arith.constant 104 : i32
    %scan3A_110 = arith.addi %scan3A_108, %scan3A_109 : i32
    %scan3A_111 = arith.constant 1 : i32
    %scan3A_112 = scf.for %scan3A_200 = %scan3A_108 to %scan3A_110 step %scan3A_111 iter_args(%scan3A_201 = %scan3A_107) -> (i32)  : i32 {
      %mul3A_202 = arith.constant 16 : i32
      %mul3A_203 = arith.muli %scan3A_200, %mul3A_202 : i32
      %add3A_204 = arith.constant 8320 : i32
      %add3A_205 = arith.addi %add3A_204, %mul3A_203 : i32
      %get3A = arith.index_cast %add3A_205 : i32 to index
      %get3A_206 = tpu.vector_load %arg5[%get3A] {strides = array<i32>} : memref<13312xi32, #tpu.memory_space<vmem>>, vector<16xi32>,
      %get3A_207 = vector.shape_cast %get3A_206 : vector<16xi32> to vector<16xi32>
      %mul3A_208 = arith.constant 16 : i32
      %mul3A_209 = arith.muli %scan3A_200, %mul3A_208 : i32
      %dma_start3A = arith.constant 0 : i32
      %dma_start3A_210 = tpu.memref_slice %arg7[%mul3A_209, %dma_start3A] : memref<1664x32xf32, #tpu.memory_space<vmem>> -> memref<16x32xf32, #tpu.memory_space<vmem>>
      %dma_start3A_211 = arith.constant 0 : i32
      %dma_start3A_212 = arith.constant 0 : i32
      %dma_start3A_213 = tpu.memref_slice %arg3[%dma_start3A_211, %dma_start3A_212] : memref<2600000x32xf32, #tpu.memory_space<hbm>> -> memref<2600000x32xf32, #tpu.memory_space<hbm>>
      tpu.enqueue_indirect_dma source(%dma_start3A_213 : memref<2600000x32xf32, #tpu.memory_space<hbm>>) target(%dma_start3A_210 : memref<16x32xf32, #tpu.memory_space<vmem>>) offsets(%get3A_207 : vector<16xi32>) semaphore(%arg10 : memref<!tpu.dma_semaphore, #tpu.memory_space<semaphore_mem>>)
      %scan3A_214 = arith.constant 0 : i32
      scf.yield %scan3A_214 : i32
    }
    %scan3A_113 = arith.constant 104 : i32
    %scan3A_114 = arith.constant 0 : i32
    %scan3A_115 = arith.constant 0 : i32
    %scan3A_116 = arith.constant 104 : i32
    %scan3A_117 = arith.addi %scan3A_115, %scan3A_116 : i32
    %scan3A_118 = arith.constant 1 : i32
    %scan3A_119 = scf.for %scan3A_200 = %scan3A_115 to %scan3A_117 step %scan3A_118 iter_args(%scan3A_201 = %scan3A_114) -> (i32)  : i32 {
      %mul3A_202 = arith.constant 16 : i32
      %mul3A_203 = arith.muli %scan3A_200, %mul3A_202 : i32
      %dma_wait3A = arith.constant 0 : i32
      %dma_wait3A_204 = tpu.memref_slice %arg6[%mul3A_203, %dma_wait3A] : memref<1664x32xf32, #tpu.memory_space<vmem>> -> memref<16x32xf32, #tpu.memory_space<vmem>>
      %dma_wait3A_205 = arith.constant 0 : i32
      %dma_wait3A_206 = arith.constant 0 : i32
      %dma_wait3A_207 = tpu.memref_slice %arg3[%dma_wait3A_205, %dma_wait3A_206] : memref<2600000x32xf32, #tpu.memory_space<hbm>> -> memref<16x32xf32, #tpu.memory_space<hbm>>
      %dma_wait3A_208 = arith.constant 0 : i32
      %dma_wait3A_209 = tpu.memref_slice %arg6[%mul3A_203, %dma_wait3A_208] : memref<1664x32xf32, #tpu.memory_space<vmem>> -> memref<16x32xf32, #tpu.memory_space<vmem>>
      %dma_wait3A_210 = arith.constant 0 : i32
      %dma_wait3A_211 = arith.constant 0 : i32
      %dma_wait3A_212 = tpu.memref_slice %arg3[%dma_wait3A_210, %dma_wait3A_211] : memref<2600000x32xf32, #tpu.memory_space<hbm>> -> memref<16x32xf32, #tpu.memory_space<hbm>>
      tpu.wait_dma2 semaphore(%arg9 : memref<!tpu.dma_semaphore, #tpu.memory_space<semaphore_mem>>) src(%dma_wait3A_212 : memref<16x32xf32, #tpu.memory_space<hbm>>) dst(%dma_wait3A_209 : memref<16x32xf32, #tpu.memory_space<vmem>>)
      %scan3A_213 = arith.constant 0 : i32
      scf.yield %scan3A_213 : i32
    }
    %scan3A_120 = arith.constant 104 : i32
    %scan3A_121 = arith.constant 0 : i32
    %scan3A_122 = arith.constant 0 : i32
    %scan3A_123 = arith.constant 64 : i32
    %scan3A_124 = arith.addi %scan3A_122, %scan3A_123 : i32
    %scan3A_125 = arith.constant 1 : i32
    %scan3A_126 = scf.for %scan3A_200 = %scan3A_122 to %scan3A_124 step %scan3A_125 iter_args(%scan3A_201 = %scan3A_121) -> (i32)  : i32 {
      %mul3A_202 = arith.constant 26 : i32
      %mul3A_203 = arith.muli %scan3A_200, %mul3A_202 : i32
      %get3A = arith.index_cast %mul3A_203 : i32 to index
      %get3A_204 = arith.constant 0 : index
      %get3A_205 = tpu.vector_load %arg6[%get3A, %get3A_204] {strides = array<i32>} : memref<1664x32xf32, #tpu.memory_space<vmem>>, vector<1x16xf32>,
      %get3A_206 = vector.shape_cast %get3A_205 : vector<1x16xf32> to vector<16xf32>
      %get3A_207 = arith.index_cast %mul3A_203 : i32 to index
      %get3A_208 = arith.constant 16 : index
      %get3A_209 = tpu.vector_load %arg6[%get3A_207, %get3A_208] {strides = array<i32>} : memref<1664x32xf32, #tpu.memory_space<vmem>>, vector<1x16xf32>,
      %get3A_210 = vector.shape_cast %get3A_209 : vector<1x16xf32> to vector<16xf32>
      %add3A_211 = arith.constant 1 : i32
      %add3A_212 = arith.addi %mul3A_203, %add3A_211 : i32
      %get3A_213 = arith.index_cast %add3A_212 : i32 to index
      %get3A_214 = arith.constant 0 : index
      %get3A_215 = tpu.vector_load %arg6[%get3A_213, %get3A_214] {strides = array<i32>} : memref<1664x32xf32, #tpu.memory_space<vmem>>, vector<1x16xf32>,
      %get3A_216 = vector.shape_cast %get3A_215 : vector<1x16xf32> to vector<16xf32>
      %add3A_217 = arith.addf %get3A_206, %get3A_216 : vector<16xf32>
      %add3A_218 = arith.constant 1 : i32
      %add3A_219 = arith.addi %mul3A_203, %add3A_218 : i32
      %get3A_220 = arith.index_cast %add3A_219 : i32 to index
      %get3A_221 = arith.constant 16 : index
      %get3A_222 = tpu.vector_load %arg6[%get3A_220, %get3A_221] {strides = array<i32>} : memref<1664x32xf32, #tpu.memory_space<vmem>>, vector<1x16xf32>,
      %get3A_223 = vector.shape_cast %get3A_222 : vector<1x16xf32> to vector<16xf32>
      %add3A_224 = arith.addf %get3A_210, %get3A_223 : vector<16xf32>
      %add3A_225 = arith.constant 2 : i32
      %add3A_226 = arith.addi %mul3A_203, %add3A_225 : i32
      %get3A_227 = arith.index_cast %add3A_226 : i32 to index
      %get3A_228 = arith.constant 0 : index
      %get3A_229 = tpu.vector_load %arg6[%get3A_227, %get3A_228] {strides = array<i32>} : memref<1664x32xf32, #tpu.memory_space<vmem>>, vector<1x16xf32>,
      %get3A_230 = vector.shape_cast %get3A_229 : vector<1x16xf32> to vector<16xf32>
      %add3A_231 = arith.addf %add3A_217, %get3A_230 : vector<16xf32>
      %add3A_232 = arith.constant 2 : i32
      %add3A_233 = arith.addi %mul3A_203, %add3A_232 : i32
      %get3A_234 = arith.index_cast %add3A_233 : i32 to index
      %get3A_235 = arith.constant 16 : index
      %get3A_236 = tpu.vector_load %arg6[%get3A_234, %get3A_235] {strides = array<i32>} : memref<1664x32xf32, #tpu.memory_space<vmem>>, vector<1x16xf32>,
      %get3A_237 = vector.shape_cast %get3A_236 : vector<1x16xf32> to vector<16xf32>
      %add3A_238 = arith.addf %add3A_224, %get3A_237 : vector<16xf32>
      %add3A_239 = arith.constant 3 : i32
      %add3A_240 = arith.addi %mul3A_203, %add3A_239 : i32
      %get3A_241 = arith.index_cast %add3A_240 : i32 to index
      %get3A_242 = arith.constant 0 : index
      %get3A_243 = tpu.vector_load %arg6[%get3A_241, %get3A_242] {strides = array<i32>} : memref<1664x32xf32, #tpu.memory_space<vmem>>, vector<1x16xf32>,
      %get3A_244 = vector.shape_cast %get3A_243 : vector<1x16xf32> to vector<16xf32>
      %add3A_245 = arith.addf %add3A_231, %get3A_244 : vector<16xf32>
      %add3A_246 = arith.constant 3 : i32
      %add3A_247 = arith.addi %mul3A_203, %add3A_246 : i32
      %get3A_248 = arith.index_cast %add3A_247 : i32 to index
      %get3A_249 = arith.constant 16 : index
      %get3A_250 = tpu.vector_load %arg6[%get3A_248, %get3A_249] {strides = array<i32>} : memref<1664x32xf32, #tpu.memory_space<vmem>>, vector<1x16xf32>,
      %get3A_251 = vector.shape_cast %get3A_250 : vector<1x16xf32> to vector<16xf32>
      %add3A_252 = arith.addf %add3A_238, %get3A_251 : vector<16xf32>
      %add3A_253 = arith.constant 4 : i32
      %add3A_254 = arith.addi %mul3A_203, %add3A_253 : i32
      %get3A_255 = arith.index_cast %add3A_254 : i32 to index
      %get3A_256 = arith.constant 0 : index
      %get3A_257 = tpu.vector_load %arg6[%get3A_255, %get3A_256] {strides = array<i32>} : memref<1664x32xf32, #tpu.memory_space<vmem>>, vector<1x16xf32>,
      %get3A_258 = vector.shape_cast %get3A_257 : vector<1x16xf32> to vector<16xf32>
      %add3A_259 = arith.addf %add3A_245, %get3A_258 : vector<16xf32>
      %add3A_260 = arith.constant 4 : i32
      %add3A_261 = arith.addi %mul3A_203, %add3A_260 : i32
      %get3A_262 = arith.index_cast %add3A_261 : i32 to index
      %get3A_263 = arith.constant 16 : index
      %get3A_264 = tpu.vector_load %arg6[%get3A_262, %get3A_263] {strides = array<i32>} : memref<1664x32xf32, #tpu.memory_space<vmem>>, vector<1x16xf32>,
      %get3A_265 = vector.shape_cast %get3A_264 : vector<1x16xf32> to vector<16xf32>
      %add3A_266 = arith.addf %add3A_252, %get3A_265 : vector<16xf32>
      %add3A_267 = arith.constant 5 : i32
      %add3A_268 = arith.addi %mul3A_203, %add3A_267 : i32
      %get3A_269 = arith.index_cast %add3A_268 : i32 to index
      %get3A_270 = arith.constant 0 : index
      %get3A_271 = tpu.vector_load %arg6[%get3A_269, %get3A_270] {strides = array<i32>} : memref<1664x32xf32, #tpu.memory_space<vmem>>, vector<1x16xf32>,
      %get3A_272 = vector.shape_cast %get3A_271 : vector<1x16xf32> to vector<16xf32>
      %add3A_273 = arith.addf %add3A_259, %get3A_272 : vector<16xf32>
      %add3A_274 = arith.constant 5 : i32
      %add3A_275 = arith.addi %mul3A_203, %add3A_274 : i32
      %get3A_276 = arith.index_cast %add3A_275 : i32 to index
      %get3A_277 = arith.constant 16 : index
      %get3A_278 = tpu.vector_load %arg6[%get3A_276, %get3A_277] {strides = array<i32>} : memref<1664x32xf32, #tpu.memory_space<vmem>>, vector<1x16xf32>,
      %get3A_279 = vector.shape_cast %get3A_278 : vector<1x16xf32> to vector<16xf32>
      %add3A_280 = arith.addf %add3A_266, %get3A_279 : vector<16xf32>
      %add3A_281 = arith.constant 6 : i32
      %add3A_282 = arith.addi %mul3A_203, %add3A_281 : i32
      %get3A_283 = arith.index_cast %add3A_282 : i32 to index
      %get3A_284 = arith.constant 0 : index
      %get3A_285 = tpu.vector_load %arg6[%get3A_283, %get3A_284] {strides = array<i32>} : memref<1664x32xf32, #tpu.memory_space<vmem>>, vector<1x16xf32>,
      %get3A_286 = vector.shape_cast %get3A_285 : vector<1x16xf32> to vector<16xf32>
      %add3A_287 = arith.addf %add3A_273, %get3A_286 : vector<16xf32>
      %add3A_288 = arith.constant 6 : i32
      %add3A_289 = arith.addi %mul3A_203, %add3A_288 : i32
      %get3A_290 = arith.index_cast %add3A_289 : i32 to index
      %get3A_291 = arith.constant 16 : index
      %get3A_292 = tpu.vector_load %arg6[%get3A_290, %get3A_291] {strides = array<i32>} : memref<1664x32xf32, #tpu.memory_space<vmem>>, vector<1x16xf32>,
      %get3A_293 = vector.shape_cast %get3A_292 : vector<1x16xf32> to vector<16xf32>
      %add3A_294 = arith.addf %add3A_280, %get3A_293 : vector<16xf32>
      %add3A_295 = arith.constant 7 : i32
      %add3A_296 = arith.addi %mul3A_203, %add3A_295 : i32
      %get3A_297 = arith.index_cast %add3A_296 : i32 to index
      %get3A_298 = arith.constant 0 : index
      %get3A_299 = tpu.vector_load %arg6[%get3A_297, %get3A_298] {strides = array<i32>} : memref<1664x32xf32, #tpu.memory_space<vmem>>, vector<1x16xf32>,
      %get3A_300 = vector.shape_cast %get3A_299 : vector<1x16xf32> to vector<16xf32>
      %add3A_301 = arith.addf %add3A_287, %get3A_300 : vector<16xf32>
      %add3A_302 = arith.constant 7 : i32
      %add3A_303 = arith.addi %mul3A_203, %add3A_302 : i32
      %get3A_304 = arith.index_cast %add3A_303 : i32 to index
      %get3A_305 = arith.constant 16 : index
      %get3A_306 = tpu.vector_load %arg6[%get3A_304, %get3A_305] {strides = array<i32>} : memref<1664x32xf32, #tpu.memory_space<vmem>>, vector<1x16xf32>,
      %get3A_307 = vector.shape_cast %get3A_306 : vector<1x16xf32> to vector<16xf32>
      %add3A_308 = arith.addf %add3A_294, %get3A_307 : vector<16xf32>
      %add3A_309 = arith.constant 8 : i32
      %add3A_310 = arith.addi %mul3A_203, %add3A_309 : i32
      %get3A_311 = arith.index_cast %add3A_310 : i32 to index
      %get3A_312 = arith.constant 0 : index
      %get3A_313 = tpu.vector_load %arg6[%get3A_311, %get3A_312] {strides = array<i32>} : memref<1664x32xf32, #tpu.memory_space<vmem>>, vector<1x16xf32>,
      %get3A_314 = vector.shape_cast %get3A_313 : vector<1x16xf32> to vector<16xf32>
      %add3A_315 = arith.addf %add3A_301, %get3A_314 : vector<16xf32>
      %add3A_316 = arith.constant 8 : i32
      %add3A_317 = arith.addi %mul3A_203, %add3A_316 : i32
      %get3A_318 = arith.index_cast %add3A_317 : i32 to index
      %get3A_319 = arith.constant 16 : index
      %get3A_320 = tpu.vector_load %arg6[%get3A_318, %get3A_319] {strides = array<i32>} : memref<1664x32xf32, #tpu.memory_space<vmem>>, vector<1x16xf32>,
      %get3A_321 = vector.shape_cast %get3A_320 : vector<1x16xf32> to vector<16xf32>
      %add3A_322 = arith.addf %add3A_308, %get3A_321 : vector<16xf32>
      %add3A_323 = arith.constant 9 : i32
      %add3A_324 = arith.addi %mul3A_203, %add3A_323 : i32
      %get3A_325 = arith.index_cast %add3A_324 : i32 to index
      %get3A_326 = arith.constant 0 : index
      %get3A_327 = tpu.vector_load %arg6[%get3A_325, %get3A_326] {strides = array<i32>} : memref<1664x32xf32, #tpu.memory_space<vmem>>, vector<1x16xf32>,
      %get3A_328 = vector.shape_cast %get3A_327 : vector<1x16xf32> to vector<16xf32>
      %add3A_329 = arith.addf %add3A_315, %get3A_328 : vector<16xf32>
      %add3A_330 = arith.constant 9 : i32
      %add3A_331 = arith.addi %mul3A_203, %add3A_330 : i32
      %get3A_332 = arith.index_cast %add3A_331 : i32 to index
      %get3A_333 = arith.constant 16 : index
      %get3A_334 = tpu.vector_load %arg6[%get3A_332, %get3A_333] {strides = array<i32>} : memref<1664x32xf32, #tpu.memory_space<vmem>>, vector<1x16xf32>,
      %get3A_335 = vector.shape_cast %get3A_334 : vector<1x16xf32> to vector<16xf32>
      %add3A_336 = arith.addf %add3A_322, %get3A_335 : vector<16xf32>
      %add3A_337 = arith.constant 10 : i32
      %add3A_338 = arith.addi %mul3A_203, %add3A_337 : i32
      %get3A_339 = arith.index_cast %add3A_338 : i32 to index
      %get3A_340 = arith.constant 0 : index
      %get3A_341 = tpu.vector_load %arg6[%get3A_339, %get3A_340] {strides = array<i32>} : memref<1664x32xf32, #tpu.memory_space<vmem>>, vector<1x16xf32>,
      %get3A_342 = vector.shape_cast %get3A_341 : vector<1x16xf32> to vector<16xf32>
      %add3A_343 = arith.addf %add3A_329, %get3A_342 : vector<16xf32>
      %add3A_344 = arith.constant 10 : i32
      %add3A_345 = arith.addi %mul3A_203, %add3A_344 : i32
      %get3A_346 = arith.index_cast %add3A_345 : i32 to index
      %get3A_347 = arith.constant 16 : index
      %get3A_348 = tpu.vector_load %arg6[%get3A_346, %get3A_347] {strides = array<i32>} : memref<1664x32xf32, #tpu.memory_space<vmem>>, vector<1x16xf32>,
      %get3A_349 = vector.shape_cast %get3A_348 : vector<1x16xf32> to vector<16xf32>
      %add3A_350 = arith.addf %add3A_336, %get3A_349 : vector<16xf32>
      %add3A_351 = arith.constant 11 : i32
      %add3A_352 = arith.addi %mul3A_203, %add3A_351 : i32
      %get3A_353 = arith.index_cast %add3A_352 : i32 to index
      %get3A_354 = arith.constant 0 : index
      %get3A_355 = tpu.vector_load %arg6[%get3A_353, %get3A_354] {strides = array<i32>} : memref<1664x32xf32, #tpu.memory_space<vmem>>, vector<1x16xf32>,
      %get3A_356 = vector.shape_cast %get3A_355 : vector<1x16xf32> to vector<16xf32>
      %add3A_357 = arith.addf %add3A_343, %get3A_356 : vector<16xf32>
      %add3A_358 = arith.constant 11 : i32
      %add3A_359 = arith.addi %mul3A_203, %add3A_358 : i32
      %get3A_360 = arith.index_cast %add3A_359 : i32 to index
      %get3A_361 = arith.constant 16 : index
      %get3A_362 = tpu.vector_load %arg6[%get3A_360, %get3A_361] {strides = array<i32>} : memref<1664x32xf32, #tpu.memory_space<vmem>>, vector<1x16xf32>,
      %get3A_363 = vector.shape_cast %get3A_362 : vector<1x16xf32> to vector<16xf32>
      %add3A_364 = arith.addf %add3A_350, %get3A_363 : vector<16xf32>
      %add3A_365 = arith.constant 12 : i32
      %add3A_366 = arith.addi %mul3A_203, %add3A_365 : i32
      %get3A_367 = arith.index_cast %add3A_366 : i32 to index
      %get3A_368 = arith.constant 0 : index
      %get3A_369 = tpu.vector_load %arg6[%get3A_367, %get3A_368] {strides = array<i32>} : memref<1664x32xf32, #tpu.memory_space<vmem>>, vector<1x16xf32>,
      %get3A_370 = vector.shape_cast %get3A_369 : vector<1x16xf32> to vector<16xf32>
      %add3A_371 = arith.addf %add3A_357, %get3A_370 : vector<16xf32>
      %add3A_372 = arith.constant 12 : i32
      %add3A_373 = arith.addi %mul3A_203, %add3A_372 : i32
      %get3A_374 = arith.index_cast %add3A_373 : i32 to index
      %get3A_375 = arith.constant 16 : index
      %get3A_376 = tpu.vector_load %arg6[%get3A_374, %get3A_375] {strides = array<i32>} : memref<1664x32xf32, #tpu.memory_space<vmem>>, vector<1x16xf32>,
      %get3A_377 = vector.shape_cast %get3A_376 : vector<1x16xf32> to vector<16xf32>
      %add3A_378 = arith.addf %add3A_364, %get3A_377 : vector<16xf32>
      %add3A_379 = arith.constant 13 : i32
      %add3A_380 = arith.addi %mul3A_203, %add3A_379 : i32
      %get3A_381 = arith.index_cast %add3A_380 : i32 to index
      %get3A_382 = arith.constant 0 : index
      %get3A_383 = tpu.vector_load %arg6[%get3A_381, %get3A_382] {strides = array<i32>} : memref<1664x32xf32, #tpu.memory_space<vmem>>, vector<1x16xf32>,
      %get3A_384 = vector.shape_cast %get3A_383 : vector<1x16xf32> to vector<16xf32>
      %add3A_385 = arith.addf %add3A_371, %get3A_384 : vector<16xf32>
      %add3A_386 = arith.constant 13 : i32
      %add3A_387 = arith.addi %mul3A_203, %add3A_386 : i32
      %get3A_388 = arith.index_cast %add3A_387 : i32 to index
      %get3A_389 = arith.constant 16 : index
      %get3A_390 = tpu.vector_load %arg6[%get3A_388, %get3A_389] {strides = array<i32>} : memref<1664x32xf32, #tpu.memory_space<vmem>>, vector<1x16xf32>,
      %get3A_391 = vector.shape_cast %get3A_390 : vector<1x16xf32> to vector<16xf32>
      %add3A_392 = arith.addf %add3A_378, %get3A_391 : vector<16xf32>
      %add3A_393 = arith.constant 14 : i32
      %add3A_394 = arith.addi %mul3A_203, %add3A_393 : i32
      %get3A_395 = arith.index_cast %add3A_394 : i32 to index
      %get3A_396 = arith.constant 0 : index
      %get3A_397 = tpu.vector_load %arg6[%get3A_395, %get3A_396] {strides = array<i32>} : memref<1664x32xf32, #tpu.memory_space<vmem>>, vector<1x16xf32>,
      %get3A_398 = vector.shape_cast %get3A_397 : vector<1x16xf32> to vector<16xf32>
      %add3A_399 = arith.addf %add3A_385, %get3A_398 : vector<16xf32>
      %add3A_400 = arith.constant 14 : i32
      %add3A_401 = arith.addi %mul3A_203, %add3A_400 : i32
      %get3A_402 = arith.index_cast %add3A_401 : i32 to index
      %get3A_403 = arith.constant 16 : index
      %get3A_404 = tpu.vector_load %arg6[%get3A_402, %get3A_403] {strides = array<i32>} : memref<1664x32xf32, #tpu.memory_space<vmem>>, vector<1x16xf32>,
      %get3A_405 = vector.shape_cast %get3A_404 : vector<1x16xf32> to vector<16xf32>
      %add3A_406 = arith.addf %add3A_392, %get3A_405 : vector<16xf32>
      %add3A_407 = arith.constant 15 : i32
      %add3A_408 = arith.addi %mul3A_203, %add3A_407 : i32
      %get3A_409 = arith.index_cast %add3A_408 : i32 to index
      %get3A_410 = arith.constant 0 : index
      %get3A_411 = tpu.vector_load %arg6[%get3A_409, %get3A_410] {strides = array<i32>} : memref<1664x32xf32, #tpu.memory_space<vmem>>, vector<1x16xf32>,
      %get3A_412 = vector.shape_cast %get3A_411 : vector<1x16xf32> to vector<16xf32>
      %add3A_413 = arith.addf %add3A_399, %get3A_412 : vector<16xf32>
      %add3A_414 = arith.constant 15 : i32
      %add3A_415 = arith.addi %mul3A_203, %add3A_414 : i32
      %get3A_416 = arith.index_cast %add3A_415 : i32 to index
      %get3A_417 = arith.constant 16 : index
      %get3A_418 = tpu.vector_load %arg6[%get3A_416, %get3A_417] {strides = array<i32>} : memref<1664x32xf32, #tpu.memory_space<vmem>>, vector<1x16xf32>,
      %get3A_419 = vector.shape_cast %get3A_418 : vector<1x16xf32> to vector<16xf32>
      %add3A_420 = arith.addf %add3A_406, %get3A_419 : vector<16xf32>
      %add3A_421 = arith.constant 16 : i32
      %add3A_422 = arith.addi %mul3A_203, %add3A_421 : i32
      %get3A_423 = arith.index_cast %add3A_422 : i32 to index
      %get3A_424 = arith.constant 0 : index
      %get3A_425 = tpu.vector_load %arg6[%get3A_423, %get3A_424] {strides = array<i32>} : memref<1664x32xf32, #tpu.memory_space<vmem>>, vector<1x16xf32>,
      %get3A_426 = vector.shape_cast %get3A_425 : vector<1x16xf32> to vector<16xf32>
      %add3A_427 = arith.addf %add3A_413, %get3A_426 : vector<16xf32>
      %add3A_428 = arith.constant 16 : i32
      %add3A_429 = arith.addi %mul3A_203, %add3A_428 : i32
      %get3A_430 = arith.index_cast %add3A_429 : i32 to index
      %get3A_431 = arith.constant 16 : index
      %get3A_432 = tpu.vector_load %arg6[%get3A_430, %get3A_431] {strides = array<i32>} : memref<1664x32xf32, #tpu.memory_space<vmem>>, vector<1x16xf32>,
      %get3A_433 = vector.shape_cast %get3A_432 : vector<1x16xf32> to vector<16xf32>
      %add3A_434 = arith.addf %add3A_420, %get3A_433 : vector<16xf32>
      %add3A_435 = arith.constant 17 : i32
      %add3A_436 = arith.addi %mul3A_203, %add3A_435 : i32
      %get3A_437 = arith.index_cast %add3A_436 : i32 to index
      %get3A_438 = arith.constant 0 : index
      %get3A_439 = tpu.vector_load %arg6[%get3A_437, %get3A_438] {strides = array<i32>} : memref<1664x32xf32, #tpu.memory_space<vmem>>, vector<1x16xf32>,
      %get3A_440 = vector.shape_cast %get3A_439 : vector<1x16xf32> to vector<16xf32>
      %add3A_441 = arith.addf %add3A_427, %get3A_440 : vector<16xf32>
      %add3A_442 = arith.constant 17 : i32
      %add3A_443 = arith.addi %mul3A_203, %add3A_442 : i32
      %get3A_444 = arith.index_cast %add3A_443 : i32 to index
      %get3A_445 = arith.constant 16 : index
      %get3A_446 = tpu.vector_load %arg6[%get3A_444, %get3A_445] {strides = array<i32>} : memref<1664x32xf32, #tpu.memory_space<vmem>>, vector<1x16xf32>,
      %get3A_447 = vector.shape_cast %get3A_446 : vector<1x16xf32> to vector<16xf32>
      %add3A_448 = arith.addf %add3A_434, %get3A_447 : vector<16xf32>
      %add3A_449 = arith.constant 18 : i32
      %add3A_450 = arith.addi %mul3A_203, %add3A_449 : i32
      %get3A_451 = arith.index_cast %add3A_450 : i32 to index
      %get3A_452 = arith.constant 0 : index
      %get3A_453 = tpu.vector_load %arg6[%get3A_451, %get3A_452] {strides = array<i32>} : memref<1664x32xf32, #tpu.memory_space<vmem>>, vector<1x16xf32>,
      %get3A_454 = vector.shape_cast %get3A_453 : vector<1x16xf32> to vector<16xf32>
      %add3A_455 = arith.addf %add3A_441, %get3A_454 : vector<16xf32>
      %add3A_456 = arith.constant 18 : i32
      %add3A_457 = arith.addi %mul3A_203, %add3A_456 : i32
      %get3A_458 = arith.index_cast %add3A_457 : i32 to index
      %get3A_459 = arith.constant 16 : index
      %get3A_460 = tpu.vector_load %arg6[%get3A_458, %get3A_459] {strides = array<i32>} : memref<1664x32xf32, #tpu.memory_space<vmem>>, vector<1x16xf32>,
      %get3A_461 = vector.shape_cast %get3A_460 : vector<1x16xf32> to vector<16xf32>
      %add3A_462 = arith.addf %add3A_448, %get3A_461 : vector<16xf32>
      %add3A_463 = arith.constant 19 : i32
      %add3A_464 = arith.addi %mul3A_203, %add3A_463 : i32
      %get3A_465 = arith.index_cast %add3A_464 : i32 to index
      %get3A_466 = arith.constant 0 : index
      %get3A_467 = tpu.vector_load %arg6[%get3A_465, %get3A_466] {strides = array<i32>} : memref<1664x32xf32, #tpu.memory_space<vmem>>, vector<1x16xf32>,
      %get3A_468 = vector.shape_cast %get3A_467 : vector<1x16xf32> to vector<16xf32>
      %add3A_469 = arith.addf %add3A_455, %get3A_468 : vector<16xf32>
      %add3A_470 = arith.constant 19 : i32
      %add3A_471 = arith.addi %mul3A_203, %add3A_470 : i32
      %get3A_472 = arith.index_cast %add3A_471 : i32 to index
      %get3A_473 = arith.constant 16 : index
      %get3A_474 = tpu.vector_load %arg6[%get3A_472, %get3A_473] {strides = array<i32>} : memref<1664x32xf32, #tpu.memory_space<vmem>>, vector<1x16xf32>,
      %get3A_475 = vector.shape_cast %get3A_474 : vector<1x16xf32> to vector<16xf32>
      %add3A_476 = arith.addf %add3A_462, %get3A_475 : vector<16xf32>
      %add3A_477 = arith.constant 20 : i32
      %add3A_478 = arith.addi %mul3A_203, %add3A_477 : i32
      %get3A_479 = arith.index_cast %add3A_478 : i32 to index
      %get3A_480 = arith.constant 0 : index
      %get3A_481 = tpu.vector_load %arg6[%get3A_479, %get3A_480] {strides = array<i32>} : memref<1664x32xf32, #tpu.memory_space<vmem>>, vector<1x16xf32>,
      %get3A_482 = vector.shape_cast %get3A_481 : vector<1x16xf32> to vector<16xf32>
      %add3A_483 = arith.addf %add3A_469, %get3A_482 : vector<16xf32>
      %add3A_484 = arith.constant 20 : i32
      %add3A_485 = arith.addi %mul3A_203, %add3A_484 : i32
      %get3A_486 = arith.index_cast %add3A_485 : i32 to index
      %get3A_487 = arith.constant 16 : index
      %get3A_488 = tpu.vector_load %arg6[%get3A_486, %get3A_487] {strides = array<i32>} : memref<1664x32xf32, #tpu.memory_space<vmem>>, vector<1x16xf32>,
      %get3A_489 = vector.shape_cast %get3A_488 : vector<1x16xf32> to vector<16xf32>
      %add3A_490 = arith.addf %add3A_476, %get3A_489 : vector<16xf32>
      %add3A_491 = arith.constant 21 : i32
      %add3A_492 = arith.addi %mul3A_203, %add3A_491 : i32
      %get3A_493 = arith.index_cast %add3A_492 : i32 to index
      %get3A_494 = arith.constant 0 : index
      %get3A_495 = tpu.vector_load %arg6[%get3A_493, %get3A_494] {strides = array<i32>} : memref<1664x32xf32, #tpu.memory_space<vmem>>, vector<1x16xf32>,
      %get3A_496 = vector.shape_cast %get3A_495 : vector<1x16xf32> to vector<16xf32>
      %add3A_497 = arith.addf %add3A_483, %get3A_496 : vector<16xf32>
      %add3A_498 = arith.constant 21 : i32
      %add3A_499 = arith.addi %mul3A_203, %add3A_498 : i32
      %get3A_500 = arith.index_cast %add3A_499 : i32 to index
      %get3A_501 = arith.constant 16 : index
      %get3A_502 = tpu.vector_load %arg6[%get3A_500, %get3A_501] {strides = array<i32>} : memref<1664x32xf32, #tpu.memory_space<vmem>>, vector<1x16xf32>,
      %get3A_503 = vector.shape_cast %get3A_502 : vector<1x16xf32> to vector<16xf32>
      %add3A_504 = arith.addf %add3A_490, %get3A_503 : vector<16xf32>
      %add3A_505 = arith.constant 22 : i32
      %add3A_506 = arith.addi %mul3A_203, %add3A_505 : i32
      %get3A_507 = arith.index_cast %add3A_506 : i32 to index
      %get3A_508 = arith.constant 0 : index
      %get3A_509 = tpu.vector_load %arg6[%get3A_507, %get3A_508] {strides = array<i32>} : memref<1664x32xf32, #tpu.memory_space<vmem>>, vector<1x16xf32>,
      %get3A_510 = vector.shape_cast %get3A_509 : vector<1x16xf32> to vector<16xf32>
      %add3A_511 = arith.addf %add3A_497, %get3A_510 : vector<16xf32>
      %add3A_512 = arith.constant 22 : i32
      %add3A_513 = arith.addi %mul3A_203, %add3A_512 : i32
      %get3A_514 = arith.index_cast %add3A_513 : i32 to index
      %get3A_515 = arith.constant 16 : index
      %get3A_516 = tpu.vector_load %arg6[%get3A_514, %get3A_515] {strides = array<i32>} : memref<1664x32xf32, #tpu.memory_space<vmem>>, vector<1x16xf32>,
      %get3A_517 = vector.shape_cast %get3A_516 : vector<1x16xf32> to vector<16xf32>
      %add3A_518 = arith.addf %add3A_504, %get3A_517 : vector<16xf32>
      %add3A_519 = arith.constant 23 : i32
      %add3A_520 = arith.addi %mul3A_203, %add3A_519 : i32
      %get3A_521 = arith.index_cast %add3A_520 : i32 to index
      %get3A_522 = arith.constant 0 : index
      %get3A_523 = tpu.vector_load %arg6[%get3A_521, %get3A_522] {strides = array<i32>} : memref<1664x32xf32, #tpu.memory_space<vmem>>, vector<1x16xf32>,
      %get3A_524 = vector.shape_cast %get3A_523 : vector<1x16xf32> to vector<16xf32>
      %add3A_525 = arith.addf %add3A_511, %get3A_524 : vector<16xf32>
      %add3A_526 = arith.constant 23 : i32
      %add3A_527 = arith.addi %mul3A_203, %add3A_526 : i32
      %get3A_528 = arith.index_cast %add3A_527 : i32 to index
      %get3A_529 = arith.constant 16 : index
      %get3A_530 = tpu.vector_load %arg6[%get3A_528, %get3A_529] {strides = array<i32>} : memref<1664x32xf32, #tpu.memory_space<vmem>>, vector<1x16xf32>,
      %get3A_531 = vector.shape_cast %get3A_530 : vector<1x16xf32> to vector<16xf32>
      %add3A_532 = arith.addf %add3A_518, %get3A_531 : vector<16xf32>
      %add3A_533 = arith.constant 24 : i32
      %add3A_534 = arith.addi %mul3A_203, %add3A_533 : i32
      %get3A_535 = arith.index_cast %add3A_534 : i32 to index
      %get3A_536 = arith.constant 0 : index
      %get3A_537 = tpu.vector_load %arg6[%get3A_535, %get3A_536] {strides = array<i32>} : memref<1664x32xf32, #tpu.memory_space<vmem>>, vector<1x16xf32>,
      %get3A_538 = vector.shape_cast %get3A_537 : vector<1x16xf32> to vector<16xf32>
      %add3A_539 = arith.addf %add3A_525, %get3A_538 : vector<16xf32>
      %add3A_540 = arith.constant 24 : i32
      %add3A_541 = arith.addi %mul3A_203, %add3A_540 : i32
      %get3A_542 = arith.index_cast %add3A_541 : i32 to index
      %get3A_543 = arith.constant 16 : index
      %get3A_544 = tpu.vector_load %arg6[%get3A_542, %get3A_543] {strides = array<i32>} : memref<1664x32xf32, #tpu.memory_space<vmem>>, vector<1x16xf32>,
      %get3A_545 = vector.shape_cast %get3A_544 : vector<1x16xf32> to vector<16xf32>
      %add3A_546 = arith.addf %add3A_532, %get3A_545 : vector<16xf32>
      %add3A_547 = arith.constant 25 : i32
      %add3A_548 = arith.addi %mul3A_203, %add3A_547 : i32
      %get3A_549 = arith.index_cast %add3A_548 : i32 to index
      %get3A_550 = arith.constant 0 : index
      %get3A_551 = tpu.vector_load %arg6[%get3A_549, %get3A_550] {strides = array<i32>} : memref<1664x32xf32, #tpu.memory_space<vmem>>, vector<1x16xf32>,
      %get3A_552 = vector.shape_cast %get3A_551 : vector<1x16xf32> to vector<16xf32>
      %add3A_553 = arith.addf %add3A_539, %get3A_552 : vector<16xf32>
      %add3A_554 = arith.constant 25 : i32
      %add3A_555 = arith.addi %mul3A_203, %add3A_554 : i32
      %get3A_556 = arith.index_cast %add3A_555 : i32 to index
      %get3A_557 = arith.constant 16 : index
      %get3A_558 = tpu.vector_load %arg6[%get3A_556, %get3A_557] {strides = array<i32>} : memref<1664x32xf32, #tpu.memory_space<vmem>>, vector<1x16xf32>,
      %get3A_559 = vector.shape_cast %get3A_558 : vector<1x16xf32> to vector<16xf32>
      %add3A_560 = arith.addf %add3A_546, %get3A_559 : vector<16xf32>
      %swap3A = arith.index_cast %scan3A_200 : i32 to index
      %swap3A_561 = arith.constant 0 : index
      %swap3A_562 = tpu.vector_load %arg8[%swap3A, %swap3A_561] {strides = array<i32>} : memref<64x32xf32, #tpu.memory_space<vmem>>, vector<1x16xf32>,
      %swap3A_563 = vector.shape_cast %swap3A_562 : vector<1x16xf32> to vector<16xf32>
      %swap3A_564 = vector.shape_cast %add3A_553 : vector<16xf32> to vector<1x16xf32>
      tpu.vector_store %arg8[%swap3A, %swap3A_561], %swap3A_564 {strides = array<i32>} : memref<64x32xf32, #tpu.memory_space<vmem>>, vector<1x16xf32>,
      %swap3A_565 = arith.index_cast %scan3A_200 : i32 to index
      %swap3A_566 = arith.constant 16 : index
      %swap3A_567 = tpu.vector_load %arg8[%swap3A_565, %swap3A_566] {strides = array<i32>} : memref<64x32xf32, #tpu.memory_space<vmem>>, vector<1x16xf32>,
      %swap3A_568 = vector.shape_cast %swap3A_567 : vector<1x16xf32> to vector<16xf32>
      %swap3A_569 = vector.shape_cast %add3A_560 : vector<16xf32> to vector<1x16xf32>
      tpu.vector_store %arg8[%swap3A_565, %swap3A_566], %swap3A_569 {strides = array<i32>} : memref<64x32xf32, #tpu.memory_space<vmem>>, vector<1x16xf32>,
      %scan3A_570 = arith.constant 0 : i32
      scf.yield %scan3A_570 : i32
    }
    %scan3A_127 = arith.constant 64 : i32
    %mul3A_128 = arith.constant 512 : i32
    %mul3A_129 = arith.muli %add3A, %mul3A_128 : i32
    %add3A_130 = arith.constant 256 : i32
    %add3A_131 = arith.addi %mul3A_129, %add3A_130 : i32
    "tpu.region"() ({
      %run_scoped3A = tpu.sem_alloc : memref<!tpu.dma_semaphore, #tpu.memory_space<semaphore_mem>>
      %dma_start3A = arith.constant 0 : i32
      %dma_start3A_200 = tpu.memref_slice %arg4[%add3A_131, %dma_start3A] : memref<16384x32xf32, #tpu.memory_space<hbm>> -> memref<64x32xf32, #tpu.memory_space<hbm>>
      %dma_start3A_201 = arith.constant 0 : i32
      %dma_start3A_202 = tpu.memref_slice %arg4[%add3A_131, %dma_start3A_201] : memref<16384x32xf32, #tpu.memory_space<hbm>> -> memref<64x32xf32, #tpu.memory_space<hbm>>
      tpu.enqueue_dma source(%arg8 : memref<64x32xf32, #tpu.memory_space<vmem>>) target(%dma_start3A_202 : memref<64x32xf32, #tpu.memory_space<hbm>>) target_semaphore(%run_scoped3A : memref<!tpu.dma_semaphore, #tpu.memory_space<semaphore_mem>>)
      %dma_wait3A = arith.constant 0 : i32
      %dma_wait3A_203 = tpu.memref_slice %arg4[%add3A_131, %dma_wait3A] : memref<16384x32xf32, #tpu.memory_space<hbm>> -> memref<64x32xf32, #tpu.memory_space<hbm>>
      %dma_wait3A_204 = arith.constant 0 : i32
      %dma_wait3A_205 = tpu.memref_slice %arg4[%add3A_131, %dma_wait3A_204] : memref<16384x32xf32, #tpu.memory_space<hbm>> -> memref<64x32xf32, #tpu.memory_space<hbm>>
      tpu.wait_dma2 semaphore(%run_scoped3A : memref<!tpu.dma_semaphore, #tpu.memory_space<semaphore_mem>>) src(%arg8 : memref<64x32xf32, #tpu.memory_space<vmem>>) dst(%dma_wait3A_205 : memref<64x32xf32, #tpu.memory_space<hbm>>)
      tpu.yield
    }) : () -> ()
    %scan3A_132 = arith.constant 0 : i32
    %scan3A_133 = arith.constant 0 : i32
    %scan3A_134 = arith.constant 104 : i32
    %scan3A_135 = arith.addi %scan3A_133, %scan3A_134 : i32
    %scan3A_136 = arith.constant 1 : i32
    %scan3A_137 = scf.for %scan3A_200 = %scan3A_133 to %scan3A_135 step %scan3A_136 iter_args(%scan3A_201 = %scan3A_132) -> (i32)  : i32 {
      %mul3A_202 = arith.constant 16 : i32
      %mul3A_203 = arith.muli %scan3A_200, %mul3A_202 : i32
      %add3A_204 = arith.constant 9984 : i32
      %add3A_205 = arith.addi %add3A_204, %mul3A_203 : i32
      %get3A = arith.index_cast %add3A_205 : i32 to index
      %get3A_206 = tpu.vector_load %arg5[%get3A] {strides = array<i32>} : memref<13312xi32, #tpu.memory_space<vmem>>, vector<16xi32>,
      %get3A_207 = vector.shape_cast %get3A_206 : vector<16xi32> to vector<16xi32>
      %mul3A_208 = arith.constant 16 : i32
      %mul3A_209 = arith.muli %scan3A_200, %mul3A_208 : i32
      %dma_start3A = arith.constant 0 : i32
      %dma_start3A_210 = tpu.memref_slice %arg6[%mul3A_209, %dma_start3A] : memref<1664x32xf32, #tpu.memory_space<vmem>> -> memref<16x32xf32, #tpu.memory_space<vmem>>
      %dma_start3A_211 = arith.constant 0 : i32
      %dma_start3A_212 = arith.constant 0 : i32
      %dma_start3A_213 = tpu.memref_slice %arg3[%dma_start3A_211, %dma_start3A_212] : memref<2600000x32xf32, #tpu.memory_space<hbm>> -> memref<2600000x32xf32, #tpu.memory_space<hbm>>
      tpu.enqueue_indirect_dma source(%dma_start3A_213 : memref<2600000x32xf32, #tpu.memory_space<hbm>>) target(%dma_start3A_210 : memref<16x32xf32, #tpu.memory_space<vmem>>) offsets(%get3A_207 : vector<16xi32>) semaphore(%arg9 : memref<!tpu.dma_semaphore, #tpu.memory_space<semaphore_mem>>)
      %scan3A_214 = arith.constant 0 : i32
      scf.yield %scan3A_214 : i32
    }
    %scan3A_138 = arith.constant 104 : i32
    %scan3A_139 = arith.constant 0 : i32
    %scan3A_140 = arith.constant 0 : i32
    %scan3A_141 = arith.constant 104 : i32
    %scan3A_142 = arith.addi %scan3A_140, %scan3A_141 : i32
    %scan3A_143 = arith.constant 1 : i32
    %scan3A_144 = scf.for %scan3A_200 = %scan3A_140 to %scan3A_142 step %scan3A_143 iter_args(%scan3A_201 = %scan3A_139) -> (i32)  : i32 {
      %mul3A_202 = arith.constant 16 : i32
      %mul3A_203 = arith.muli %scan3A_200, %mul3A_202 : i32
      %dma_wait3A = arith.constant 0 : i32
      %dma_wait3A_204 = tpu.memref_slice %arg7[%mul3A_203, %dma_wait3A] : memref<1664x32xf32, #tpu.memory_space<vmem>> -> memref<16x32xf32, #tpu.memory_space<vmem>>
      %dma_wait3A_205 = arith.constant 0 : i32
      %dma_wait3A_206 = arith.constant 0 : i32
      %dma_wait3A_207 = tpu.memref_slice %arg3[%dma_wait3A_205, %dma_wait3A_206] : memref<2600000x32xf32, #tpu.memory_space<hbm>> -> memref<16x32xf32, #tpu.memory_space<hbm>>
      %dma_wait3A_208 = arith.constant 0 : i32
      %dma_wait3A_209 = tpu.memref_slice %arg7[%mul3A_203, %dma_wait3A_208] : memref<1664x32xf32, #tpu.memory_space<vmem>> -> memref<16x32xf32, #tpu.memory_space<vmem>>
      %dma_wait3A_210 = arith.constant 0 : i32
      %dma_wait3A_211 = arith.constant 0 : i32
      %dma_wait3A_212 = tpu.memref_slice %arg3[%dma_wait3A_210, %dma_wait3A_211] : memref<2600000x32xf32, #tpu.memory_space<hbm>> -> memref<16x32xf32, #tpu.memory_space<hbm>>
      tpu.wait_dma2 semaphore(%arg10 : memref<!tpu.dma_semaphore, #tpu.memory_space<semaphore_mem>>) src(%dma_wait3A_212 : memref<16x32xf32, #tpu.memory_space<hbm>>) dst(%dma_wait3A_209 : memref<16x32xf32, #tpu.memory_space<vmem>>)
      %scan3A_213 = arith.constant 0 : i32
      scf.yield %scan3A_213 : i32
    }
    %scan3A_145 = arith.constant 104 : i32
    %scan3A_146 = arith.constant 0 : i32
    %scan3A_147 = arith.constant 0 : i32
    %scan3A_148 = arith.constant 64 : i32
    %scan3A_149 = arith.addi %scan3A_147, %scan3A_148 : i32
    %scan3A_150 = arith.constant 1 : i32
    %scan3A_151 = scf.for %scan3A_200 = %scan3A_147 to %scan3A_149 step %scan3A_150 iter_args(%scan3A_201 = %scan3A_146) -> (i32)  : i32 {
      %mul3A_202 = arith.constant 26 : i32
      %mul3A_203 = arith.muli %scan3A_200, %mul3A_202 : i32
      %get3A = arith.index_cast %mul3A_203 : i32 to index
      %get3A_204 = arith.constant 0 : index
      %get3A_205 = tpu.vector_load %arg7[%get3A, %get3A_204] {strides = array<i32>} : memref<1664x32xf32, #tpu.memory_space<vmem>>, vector<1x16xf32>,
      %get3A_206 = vector.shape_cast %get3A_205 : vector<1x16xf32> to vector<16xf32>
      %get3A_207 = arith.index_cast %mul3A_203 : i32 to index
      %get3A_208 = arith.constant 16 : index
      %get3A_209 = tpu.vector_load %arg7[%get3A_207, %get3A_208] {strides = array<i32>} : memref<1664x32xf32, #tpu.memory_space<vmem>>, vector<1x16xf32>,
      %get3A_210 = vector.shape_cast %get3A_209 : vector<1x16xf32> to vector<16xf32>
      %add3A_211 = arith.constant 1 : i32
      %add3A_212 = arith.addi %mul3A_203, %add3A_211 : i32
      %get3A_213 = arith.index_cast %add3A_212 : i32 to index
      %get3A_214 = arith.constant 0 : index
      %get3A_215 = tpu.vector_load %arg7[%get3A_213, %get3A_214] {strides = array<i32>} : memref<1664x32xf32, #tpu.memory_space<vmem>>, vector<1x16xf32>,
      %get3A_216 = vector.shape_cast %get3A_215 : vector<1x16xf32> to vector<16xf32>
      %add3A_217 = arith.addf %get3A_206, %get3A_216 : vector<16xf32>
      %add3A_218 = arith.constant 1 : i32
      %add3A_219 = arith.addi %mul3A_203, %add3A_218 : i32
      %get3A_220 = arith.index_cast %add3A_219 : i32 to index
      %get3A_221 = arith.constant 16 : index
      %get3A_222 = tpu.vector_load %arg7[%get3A_220, %get3A_221] {strides = array<i32>} : memref<1664x32xf32, #tpu.memory_space<vmem>>, vector<1x16xf32>,
      %get3A_223 = vector.shape_cast %get3A_222 : vector<1x16xf32> to vector<16xf32>
      %add3A_224 = arith.addf %get3A_210, %get3A_223 : vector<16xf32>
      %add3A_225 = arith.constant 2 : i32
      %add3A_226 = arith.addi %mul3A_203, %add3A_225 : i32
      %get3A_227 = arith.index_cast %add3A_226 : i32 to index
      %get3A_228 = arith.constant 0 : index
      %get3A_229 = tpu.vector_load %arg7[%get3A_227, %get3A_228] {strides = array<i32>} : memref<1664x32xf32, #tpu.memory_space<vmem>>, vector<1x16xf32>,
      %get3A_230 = vector.shape_cast %get3A_229 : vector<1x16xf32> to vector<16xf32>
      %add3A_231 = arith.addf %add3A_217, %get3A_230 : vector<16xf32>
      %add3A_232 = arith.constant 2 : i32
      %add3A_233 = arith.addi %mul3A_203, %add3A_232 : i32
      %get3A_234 = arith.index_cast %add3A_233 : i32 to index
      %get3A_235 = arith.constant 16 : index
      %get3A_236 = tpu.vector_load %arg7[%get3A_234, %get3A_235] {strides = array<i32>} : memref<1664x32xf32, #tpu.memory_space<vmem>>, vector<1x16xf32>,
      %get3A_237 = vector.shape_cast %get3A_236 : vector<1x16xf32> to vector<16xf32>
      %add3A_238 = arith.addf %add3A_224, %get3A_237 : vector<16xf32>
      %add3A_239 = arith.constant 3 : i32
      %add3A_240 = arith.addi %mul3A_203, %add3A_239 : i32
      %get3A_241 = arith.index_cast %add3A_240 : i32 to index
      %get3A_242 = arith.constant 0 : index
      %get3A_243 = tpu.vector_load %arg7[%get3A_241, %get3A_242] {strides = array<i32>} : memref<1664x32xf32, #tpu.memory_space<vmem>>, vector<1x16xf32>,
      %get3A_244 = vector.shape_cast %get3A_243 : vector<1x16xf32> to vector<16xf32>
      %add3A_245 = arith.addf %add3A_231, %get3A_244 : vector<16xf32>
      %add3A_246 = arith.constant 3 : i32
      %add3A_247 = arith.addi %mul3A_203, %add3A_246 : i32
      %get3A_248 = arith.index_cast %add3A_247 : i32 to index
      %get3A_249 = arith.constant 16 : index
      %get3A_250 = tpu.vector_load %arg7[%get3A_248, %get3A_249] {strides = array<i32>} : memref<1664x32xf32, #tpu.memory_space<vmem>>, vector<1x16xf32>,
      %get3A_251 = vector.shape_cast %get3A_250 : vector<1x16xf32> to vector<16xf32>
      %add3A_252 = arith.addf %add3A_238, %get3A_251 : vector<16xf32>
      %add3A_253 = arith.constant 4 : i32
      %add3A_254 = arith.addi %mul3A_203, %add3A_253 : i32
      %get3A_255 = arith.index_cast %add3A_254 : i32 to index
      %get3A_256 = arith.constant 0 : index
      %get3A_257 = tpu.vector_load %arg7[%get3A_255, %get3A_256] {strides = array<i32>} : memref<1664x32xf32, #tpu.memory_space<vmem>>, vector<1x16xf32>,
      %get3A_258 = vector.shape_cast %get3A_257 : vector<1x16xf32> to vector<16xf32>
      %add3A_259 = arith.addf %add3A_245, %get3A_258 : vector<16xf32>
      %add3A_260 = arith.constant 4 : i32
      %add3A_261 = arith.addi %mul3A_203, %add3A_260 : i32
      %get3A_262 = arith.index_cast %add3A_261 : i32 to index
      %get3A_263 = arith.constant 16 : index
      %get3A_264 = tpu.vector_load %arg7[%get3A_262, %get3A_263] {strides = array<i32>} : memref<1664x32xf32, #tpu.memory_space<vmem>>, vector<1x16xf32>,
      %get3A_265 = vector.shape_cast %get3A_264 : vector<1x16xf32> to vector<16xf32>
      %add3A_266 = arith.addf %add3A_252, %get3A_265 : vector<16xf32>
      %add3A_267 = arith.constant 5 : i32
      %add3A_268 = arith.addi %mul3A_203, %add3A_267 : i32
      %get3A_269 = arith.index_cast %add3A_268 : i32 to index
      %get3A_270 = arith.constant 0 : index
      %get3A_271 = tpu.vector_load %arg7[%get3A_269, %get3A_270] {strides = array<i32>} : memref<1664x32xf32, #tpu.memory_space<vmem>>, vector<1x16xf32>,
      %get3A_272 = vector.shape_cast %get3A_271 : vector<1x16xf32> to vector<16xf32>
      %add3A_273 = arith.addf %add3A_259, %get3A_272 : vector<16xf32>
      %add3A_274 = arith.constant 5 : i32
      %add3A_275 = arith.addi %mul3A_203, %add3A_274 : i32
      %get3A_276 = arith.index_cast %add3A_275 : i32 to index
      %get3A_277 = arith.constant 16 : index
      %get3A_278 = tpu.vector_load %arg7[%get3A_276, %get3A_277] {strides = array<i32>} : memref<1664x32xf32, #tpu.memory_space<vmem>>, vector<1x16xf32>,
      %get3A_279 = vector.shape_cast %get3A_278 : vector<1x16xf32> to vector<16xf32>
      %add3A_280 = arith.addf %add3A_266, %get3A_279 : vector<16xf32>
      %add3A_281 = arith.constant 6 : i32
      %add3A_282 = arith.addi %mul3A_203, %add3A_281 : i32
      %get3A_283 = arith.index_cast %add3A_282 : i32 to index
      %get3A_284 = arith.constant 0 : index
      %get3A_285 = tpu.vector_load %arg7[%get3A_283, %get3A_284] {strides = array<i32>} : memref<1664x32xf32, #tpu.memory_space<vmem>>, vector<1x16xf32>,
      %get3A_286 = vector.shape_cast %get3A_285 : vector<1x16xf32> to vector<16xf32>
      %add3A_287 = arith.addf %add3A_273, %get3A_286 : vector<16xf32>
      %add3A_288 = arith.constant 6 : i32
      %add3A_289 = arith.addi %mul3A_203, %add3A_288 : i32
      %get3A_290 = arith.index_cast %add3A_289 : i32 to index
      %get3A_291 = arith.constant 16 : index
      %get3A_292 = tpu.vector_load %arg7[%get3A_290, %get3A_291] {strides = array<i32>} : memref<1664x32xf32, #tpu.memory_space<vmem>>, vector<1x16xf32>,
      %get3A_293 = vector.shape_cast %get3A_292 : vector<1x16xf32> to vector<16xf32>
      %add3A_294 = arith.addf %add3A_280, %get3A_293 : vector<16xf32>
      %add3A_295 = arith.constant 7 : i32
      %add3A_296 = arith.addi %mul3A_203, %add3A_295 : i32
      %get3A_297 = arith.index_cast %add3A_296 : i32 to index
      %get3A_298 = arith.constant 0 : index
      %get3A_299 = tpu.vector_load %arg7[%get3A_297, %get3A_298] {strides = array<i32>} : memref<1664x32xf32, #tpu.memory_space<vmem>>, vector<1x16xf32>,
      %get3A_300 = vector.shape_cast %get3A_299 : vector<1x16xf32> to vector<16xf32>
      %add3A_301 = arith.addf %add3A_287, %get3A_300 : vector<16xf32>
      %add3A_302 = arith.constant 7 : i32
      %add3A_303 = arith.addi %mul3A_203, %add3A_302 : i32
      %get3A_304 = arith.index_cast %add3A_303 : i32 to index
      %get3A_305 = arith.constant 16 : index
      %get3A_306 = tpu.vector_load %arg7[%get3A_304, %get3A_305] {strides = array<i32>} : memref<1664x32xf32, #tpu.memory_space<vmem>>, vector<1x16xf32>,
      %get3A_307 = vector.shape_cast %get3A_306 : vector<1x16xf32> to vector<16xf32>
      %add3A_308 = arith.addf %add3A_294, %get3A_307 : vector<16xf32>
      %add3A_309 = arith.constant 8 : i32
      %add3A_310 = arith.addi %mul3A_203, %add3A_309 : i32
      %get3A_311 = arith.index_cast %add3A_310 : i32 to index
      %get3A_312 = arith.constant 0 : index
      %get3A_313 = tpu.vector_load %arg7[%get3A_311, %get3A_312] {strides = array<i32>} : memref<1664x32xf32, #tpu.memory_space<vmem>>, vector<1x16xf32>,
      %get3A_314 = vector.shape_cast %get3A_313 : vector<1x16xf32> to vector<16xf32>
      %add3A_315 = arith.addf %add3A_301, %get3A_314 : vector<16xf32>
      %add3A_316 = arith.constant 8 : i32
      %add3A_317 = arith.addi %mul3A_203, %add3A_316 : i32
      %get3A_318 = arith.index_cast %add3A_317 : i32 to index
      %get3A_319 = arith.constant 16 : index
      %get3A_320 = tpu.vector_load %arg7[%get3A_318, %get3A_319] {strides = array<i32>} : memref<1664x32xf32, #tpu.memory_space<vmem>>, vector<1x16xf32>,
      %get3A_321 = vector.shape_cast %get3A_320 : vector<1x16xf32> to vector<16xf32>
      %add3A_322 = arith.addf %add3A_308, %get3A_321 : vector<16xf32>
      %add3A_323 = arith.constant 9 : i32
      %add3A_324 = arith.addi %mul3A_203, %add3A_323 : i32
      %get3A_325 = arith.index_cast %add3A_324 : i32 to index
      %get3A_326 = arith.constant 0 : index
      %get3A_327 = tpu.vector_load %arg7[%get3A_325, %get3A_326] {strides = array<i32>} : memref<1664x32xf32, #tpu.memory_space<vmem>>, vector<1x16xf32>,
      %get3A_328 = vector.shape_cast %get3A_327 : vector<1x16xf32> to vector<16xf32>
      %add3A_329 = arith.addf %add3A_315, %get3A_328 : vector<16xf32>
      %add3A_330 = arith.constant 9 : i32
      %add3A_331 = arith.addi %mul3A_203, %add3A_330 : i32
      %get3A_332 = arith.index_cast %add3A_331 : i32 to index
      %get3A_333 = arith.constant 16 : index
      %get3A_334 = tpu.vector_load %arg7[%get3A_332, %get3A_333] {strides = array<i32>} : memref<1664x32xf32, #tpu.memory_space<vmem>>, vector<1x16xf32>,
      %get3A_335 = vector.shape_cast %get3A_334 : vector<1x16xf32> to vector<16xf32>
      %add3A_336 = arith.addf %add3A_322, %get3A_335 : vector<16xf32>
      %add3A_337 = arith.constant 10 : i32
      %add3A_338 = arith.addi %mul3A_203, %add3A_337 : i32
      %get3A_339 = arith.index_cast %add3A_338 : i32 to index
      %get3A_340 = arith.constant 0 : index
      %get3A_341 = tpu.vector_load %arg7[%get3A_339, %get3A_340] {strides = array<i32>} : memref<1664x32xf32, #tpu.memory_space<vmem>>, vector<1x16xf32>,
      %get3A_342 = vector.shape_cast %get3A_341 : vector<1x16xf32> to vector<16xf32>
      %add3A_343 = arith.addf %add3A_329, %get3A_342 : vector<16xf32>
      %add3A_344 = arith.constant 10 : i32
      %add3A_345 = arith.addi %mul3A_203, %add3A_344 : i32
      %get3A_346 = arith.index_cast %add3A_345 : i32 to index
      %get3A_347 = arith.constant 16 : index
      %get3A_348 = tpu.vector_load %arg7[%get3A_346, %get3A_347] {strides = array<i32>} : memref<1664x32xf32, #tpu.memory_space<vmem>>, vector<1x16xf32>,
      %get3A_349 = vector.shape_cast %get3A_348 : vector<1x16xf32> to vector<16xf32>
      %add3A_350 = arith.addf %add3A_336, %get3A_349 : vector<16xf32>
      %add3A_351 = arith.constant 11 : i32
      %add3A_352 = arith.addi %mul3A_203, %add3A_351 : i32
      %get3A_353 = arith.index_cast %add3A_352 : i32 to index
      %get3A_354 = arith.constant 0 : index
      %get3A_355 = tpu.vector_load %arg7[%get3A_353, %get3A_354] {strides = array<i32>} : memref<1664x32xf32, #tpu.memory_space<vmem>>, vector<1x16xf32>,
      %get3A_356 = vector.shape_cast %get3A_355 : vector<1x16xf32> to vector<16xf32>
      %add3A_357 = arith.addf %add3A_343, %get3A_356 : vector<16xf32>
      %add3A_358 = arith.constant 11 : i32
      %add3A_359 = arith.addi %mul3A_203, %add3A_358 : i32
      %get3A_360 = arith.index_cast %add3A_359 : i32 to index
      %get3A_361 = arith.constant 16 : index
      %get3A_362 = tpu.vector_load %arg7[%get3A_360, %get3A_361] {strides = array<i32>} : memref<1664x32xf32, #tpu.memory_space<vmem>>, vector<1x16xf32>,
      %get3A_363 = vector.shape_cast %get3A_362 : vector<1x16xf32> to vector<16xf32>
      %add3A_364 = arith.addf %add3A_350, %get3A_363 : vector<16xf32>
      %add3A_365 = arith.constant 12 : i32
      %add3A_366 = arith.addi %mul3A_203, %add3A_365 : i32
      %get3A_367 = arith.index_cast %add3A_366 : i32 to index
      %get3A_368 = arith.constant 0 : index
      %get3A_369 = tpu.vector_load %arg7[%get3A_367, %get3A_368] {strides = array<i32>} : memref<1664x32xf32, #tpu.memory_space<vmem>>, vector<1x16xf32>,
      %get3A_370 = vector.shape_cast %get3A_369 : vector<1x16xf32> to vector<16xf32>
      %add3A_371 = arith.addf %add3A_357, %get3A_370 : vector<16xf32>
      %add3A_372 = arith.constant 12 : i32
      %add3A_373 = arith.addi %mul3A_203, %add3A_372 : i32
      %get3A_374 = arith.index_cast %add3A_373 : i32 to index
      %get3A_375 = arith.constant 16 : index
      %get3A_376 = tpu.vector_load %arg7[%get3A_374, %get3A_375] {strides = array<i32>} : memref<1664x32xf32, #tpu.memory_space<vmem>>, vector<1x16xf32>,
      %get3A_377 = vector.shape_cast %get3A_376 : vector<1x16xf32> to vector<16xf32>
      %add3A_378 = arith.addf %add3A_364, %get3A_377 : vector<16xf32>
      %add3A_379 = arith.constant 13 : i32
      %add3A_380 = arith.addi %mul3A_203, %add3A_379 : i32
      %get3A_381 = arith.index_cast %add3A_380 : i32 to index
      %get3A_382 = arith.constant 0 : index
      %get3A_383 = tpu.vector_load %arg7[%get3A_381, %get3A_382] {strides = array<i32>} : memref<1664x32xf32, #tpu.memory_space<vmem>>, vector<1x16xf32>,
      %get3A_384 = vector.shape_cast %get3A_383 : vector<1x16xf32> to vector<16xf32>
      %add3A_385 = arith.addf %add3A_371, %get3A_384 : vector<16xf32>
      %add3A_386 = arith.constant 13 : i32
      %add3A_387 = arith.addi %mul3A_203, %add3A_386 : i32
      %get3A_388 = arith.index_cast %add3A_387 : i32 to index
      %get3A_389 = arith.constant 16 : index
      %get3A_390 = tpu.vector_load %arg7[%get3A_388, %get3A_389] {strides = array<i32>} : memref<1664x32xf32, #tpu.memory_space<vmem>>, vector<1x16xf32>,
      %get3A_391 = vector.shape_cast %get3A_390 : vector<1x16xf32> to vector<16xf32>
      %add3A_392 = arith.addf %add3A_378, %get3A_391 : vector<16xf32>
      %add3A_393 = arith.constant 14 : i32
      %add3A_394 = arith.addi %mul3A_203, %add3A_393 : i32
      %get3A_395 = arith.index_cast %add3A_394 : i32 to index
      %get3A_396 = arith.constant 0 : index
      %get3A_397 = tpu.vector_load %arg7[%get3A_395, %get3A_396] {strides = array<i32>} : memref<1664x32xf32, #tpu.memory_space<vmem>>, vector<1x16xf32>,
      %get3A_398 = vector.shape_cast %get3A_397 : vector<1x16xf32> to vector<16xf32>
      %add3A_399 = arith.addf %add3A_385, %get3A_398 : vector<16xf32>
      %add3A_400 = arith.constant 14 : i32
      %add3A_401 = arith.addi %mul3A_203, %add3A_400 : i32
      %get3A_402 = arith.index_cast %add3A_401 : i32 to index
      %get3A_403 = arith.constant 16 : index
      %get3A_404 = tpu.vector_load %arg7[%get3A_402, %get3A_403] {strides = array<i32>} : memref<1664x32xf32, #tpu.memory_space<vmem>>, vector<1x16xf32>,
      %get3A_405 = vector.shape_cast %get3A_404 : vector<1x16xf32> to vector<16xf32>
      %add3A_406 = arith.addf %add3A_392, %get3A_405 : vector<16xf32>
      %add3A_407 = arith.constant 15 : i32
      %add3A_408 = arith.addi %mul3A_203, %add3A_407 : i32
      %get3A_409 = arith.index_cast %add3A_408 : i32 to index
      %get3A_410 = arith.constant 0 : index
      %get3A_411 = tpu.vector_load %arg7[%get3A_409, %get3A_410] {strides = array<i32>} : memref<1664x32xf32, #tpu.memory_space<vmem>>, vector<1x16xf32>,
      %get3A_412 = vector.shape_cast %get3A_411 : vector<1x16xf32> to vector<16xf32>
      %add3A_413 = arith.addf %add3A_399, %get3A_412 : vector<16xf32>
      %add3A_414 = arith.constant 15 : i32
      %add3A_415 = arith.addi %mul3A_203, %add3A_414 : i32
      %get3A_416 = arith.index_cast %add3A_415 : i32 to index
      %get3A_417 = arith.constant 16 : index
      %get3A_418 = tpu.vector_load %arg7[%get3A_416, %get3A_417] {strides = array<i32>} : memref<1664x32xf32, #tpu.memory_space<vmem>>, vector<1x16xf32>,
      %get3A_419 = vector.shape_cast %get3A_418 : vector<1x16xf32> to vector<16xf32>
      %add3A_420 = arith.addf %add3A_406, %get3A_419 : vector<16xf32>
      %add3A_421 = arith.constant 16 : i32
      %add3A_422 = arith.addi %mul3A_203, %add3A_421 : i32
      %get3A_423 = arith.index_cast %add3A_422 : i32 to index
      %get3A_424 = arith.constant 0 : index
      %get3A_425 = tpu.vector_load %arg7[%get3A_423, %get3A_424] {strides = array<i32>} : memref<1664x32xf32, #tpu.memory_space<vmem>>, vector<1x16xf32>,
      %get3A_426 = vector.shape_cast %get3A_425 : vector<1x16xf32> to vector<16xf32>
      %add3A_427 = arith.addf %add3A_413, %get3A_426 : vector<16xf32>
      %add3A_428 = arith.constant 16 : i32
      %add3A_429 = arith.addi %mul3A_203, %add3A_428 : i32
      %get3A_430 = arith.index_cast %add3A_429 : i32 to index
      %get3A_431 = arith.constant 16 : index
      %get3A_432 = tpu.vector_load %arg7[%get3A_430, %get3A_431] {strides = array<i32>} : memref<1664x32xf32, #tpu.memory_space<vmem>>, vector<1x16xf32>,
      %get3A_433 = vector.shape_cast %get3A_432 : vector<1x16xf32> to vector<16xf32>
      %add3A_434 = arith.addf %add3A_420, %get3A_433 : vector<16xf32>
      %add3A_435 = arith.constant 17 : i32
      %add3A_436 = arith.addi %mul3A_203, %add3A_435 : i32
      %get3A_437 = arith.index_cast %add3A_436 : i32 to index
      %get3A_438 = arith.constant 0 : index
      %get3A_439 = tpu.vector_load %arg7[%get3A_437, %get3A_438] {strides = array<i32>} : memref<1664x32xf32, #tpu.memory_space<vmem>>, vector<1x16xf32>,
      %get3A_440 = vector.shape_cast %get3A_439 : vector<1x16xf32> to vector<16xf32>
      %add3A_441 = arith.addf %add3A_427, %get3A_440 : vector<16xf32>
      %add3A_442 = arith.constant 17 : i32
      %add3A_443 = arith.addi %mul3A_203, %add3A_442 : i32
      %get3A_444 = arith.index_cast %add3A_443 : i32 to index
      %get3A_445 = arith.constant 16 : index
      %get3A_446 = tpu.vector_load %arg7[%get3A_444, %get3A_445] {strides = array<i32>} : memref<1664x32xf32, #tpu.memory_space<vmem>>, vector<1x16xf32>,
      %get3A_447 = vector.shape_cast %get3A_446 : vector<1x16xf32> to vector<16xf32>
      %add3A_448 = arith.addf %add3A_434, %get3A_447 : vector<16xf32>
      %add3A_449 = arith.constant 18 : i32
      %add3A_450 = arith.addi %mul3A_203, %add3A_449 : i32
      %get3A_451 = arith.index_cast %add3A_450 : i32 to index
      %get3A_452 = arith.constant 0 : index
      %get3A_453 = tpu.vector_load %arg7[%get3A_451, %get3A_452] {strides = array<i32>} : memref<1664x32xf32, #tpu.memory_space<vmem>>, vector<1x16xf32>,
      %get3A_454 = vector.shape_cast %get3A_453 : vector<1x16xf32> to vector<16xf32>
      %add3A_455 = arith.addf %add3A_441, %get3A_454 : vector<16xf32>
      %add3A_456 = arith.constant 18 : i32
      %add3A_457 = arith.addi %mul3A_203, %add3A_456 : i32
      %get3A_458 = arith.index_cast %add3A_457 : i32 to index
      %get3A_459 = arith.constant 16 : index
      %get3A_460 = tpu.vector_load %arg7[%get3A_458, %get3A_459] {strides = array<i32>} : memref<1664x32xf32, #tpu.memory_space<vmem>>, vector<1x16xf32>,
      %get3A_461 = vector.shape_cast %get3A_460 : vector<1x16xf32> to vector<16xf32>
      %add3A_462 = arith.addf %add3A_448, %get3A_461 : vector<16xf32>
      %add3A_463 = arith.constant 19 : i32
      %add3A_464 = arith.addi %mul3A_203, %add3A_463 : i32
      %get3A_465 = arith.index_cast %add3A_464 : i32 to index
      %get3A_466 = arith.constant 0 : index
      %get3A_467 = tpu.vector_load %arg7[%get3A_465, %get3A_466] {strides = array<i32>} : memref<1664x32xf32, #tpu.memory_space<vmem>>, vector<1x16xf32>,
      %get3A_468 = vector.shape_cast %get3A_467 : vector<1x16xf32> to vector<16xf32>
      %add3A_469 = arith.addf %add3A_455, %get3A_468 : vector<16xf32>
      %add3A_470 = arith.constant 19 : i32
      %add3A_471 = arith.addi %mul3A_203, %add3A_470 : i32
      %get3A_472 = arith.index_cast %add3A_471 : i32 to index
      %get3A_473 = arith.constant 16 : index
      %get3A_474 = tpu.vector_load %arg7[%get3A_472, %get3A_473] {strides = array<i32>} : memref<1664x32xf32, #tpu.memory_space<vmem>>, vector<1x16xf32>,
      %get3A_475 = vector.shape_cast %get3A_474 : vector<1x16xf32> to vector<16xf32>
      %add3A_476 = arith.addf %add3A_462, %get3A_475 : vector<16xf32>
      %add3A_477 = arith.constant 20 : i32
      %add3A_478 = arith.addi %mul3A_203, %add3A_477 : i32
      %get3A_479 = arith.index_cast %add3A_478 : i32 to index
      %get3A_480 = arith.constant 0 : index
      %get3A_481 = tpu.vector_load %arg7[%get3A_479, %get3A_480] {strides = array<i32>} : memref<1664x32xf32, #tpu.memory_space<vmem>>, vector<1x16xf32>,
      %get3A_482 = vector.shape_cast %get3A_481 : vector<1x16xf32> to vector<16xf32>
      %add3A_483 = arith.addf %add3A_469, %get3A_482 : vector<16xf32>
      %add3A_484 = arith.constant 20 : i32
      %add3A_485 = arith.addi %mul3A_203, %add3A_484 : i32
      %get3A_486 = arith.index_cast %add3A_485 : i32 to index
      %get3A_487 = arith.constant 16 : index
      %get3A_488 = tpu.vector_load %arg7[%get3A_486, %get3A_487] {strides = array<i32>} : memref<1664x32xf32, #tpu.memory_space<vmem>>, vector<1x16xf32>,
      %get3A_489 = vector.shape_cast %get3A_488 : vector<1x16xf32> to vector<16xf32>
      %add3A_490 = arith.addf %add3A_476, %get3A_489 : vector<16xf32>
      %add3A_491 = arith.constant 21 : i32
      %add3A_492 = arith.addi %mul3A_203, %add3A_491 : i32
      %get3A_493 = arith.index_cast %add3A_492 : i32 to index
      %get3A_494 = arith.constant 0 : index
      %get3A_495 = tpu.vector_load %arg7[%get3A_493, %get3A_494] {strides = array<i32>} : memref<1664x32xf32, #tpu.memory_space<vmem>>, vector<1x16xf32>,
      %get3A_496 = vector.shape_cast %get3A_495 : vector<1x16xf32> to vector<16xf32>
      %add3A_497 = arith.addf %add3A_483, %get3A_496 : vector<16xf32>
      %add3A_498 = arith.constant 21 : i32
      %add3A_499 = arith.addi %mul3A_203, %add3A_498 : i32
      %get3A_500 = arith.index_cast %add3A_499 : i32 to index
      %get3A_501 = arith.constant 16 : index
      %get3A_502 = tpu.vector_load %arg7[%get3A_500, %get3A_501] {strides = array<i32>} : memref<1664x32xf32, #tpu.memory_space<vmem>>, vector<1x16xf32>,
      %get3A_503 = vector.shape_cast %get3A_502 : vector<1x16xf32> to vector<16xf32>
      %add3A_504 = arith.addf %add3A_490, %get3A_503 : vector<16xf32>
      %add3A_505 = arith.constant 22 : i32
      %add3A_506 = arith.addi %mul3A_203, %add3A_505 : i32
      %get3A_507 = arith.index_cast %add3A_506 : i32 to index
      %get3A_508 = arith.constant 0 : index
      %get3A_509 = tpu.vector_load %arg7[%get3A_507, %get3A_508] {strides = array<i32>} : memref<1664x32xf32, #tpu.memory_space<vmem>>, vector<1x16xf32>,
      %get3A_510 = vector.shape_cast %get3A_509 : vector<1x16xf32> to vector<16xf32>
      %add3A_511 = arith.addf %add3A_497, %get3A_510 : vector<16xf32>
      %add3A_512 = arith.constant 22 : i32
      %add3A_513 = arith.addi %mul3A_203, %add3A_512 : i32
      %get3A_514 = arith.index_cast %add3A_513 : i32 to index
      %get3A_515 = arith.constant 16 : index
      %get3A_516 = tpu.vector_load %arg7[%get3A_514, %get3A_515] {strides = array<i32>} : memref<1664x32xf32, #tpu.memory_space<vmem>>, vector<1x16xf32>,
      %get3A_517 = vector.shape_cast %get3A_516 : vector<1x16xf32> to vector<16xf32>
      %add3A_518 = arith.addf %add3A_504, %get3A_517 : vector<16xf32>
      %add3A_519 = arith.constant 23 : i32
      %add3A_520 = arith.addi %mul3A_203, %add3A_519 : i32
      %get3A_521 = arith.index_cast %add3A_520 : i32 to index
      %get3A_522 = arith.constant 0 : index
      %get3A_523 = tpu.vector_load %arg7[%get3A_521, %get3A_522] {strides = array<i32>} : memref<1664x32xf32, #tpu.memory_space<vmem>>, vector<1x16xf32>,
      %get3A_524 = vector.shape_cast %get3A_523 : vector<1x16xf32> to vector<16xf32>
      %add3A_525 = arith.addf %add3A_511, %get3A_524 : vector<16xf32>
      %add3A_526 = arith.constant 23 : i32
      %add3A_527 = arith.addi %mul3A_203, %add3A_526 : i32
      %get3A_528 = arith.index_cast %add3A_527 : i32 to index
      %get3A_529 = arith.constant 16 : index
      %get3A_530 = tpu.vector_load %arg7[%get3A_528, %get3A_529] {strides = array<i32>} : memref<1664x32xf32, #tpu.memory_space<vmem>>, vector<1x16xf32>,
      %get3A_531 = vector.shape_cast %get3A_530 : vector<1x16xf32> to vector<16xf32>
      %add3A_532 = arith.addf %add3A_518, %get3A_531 : vector<16xf32>
      %add3A_533 = arith.constant 24 : i32
      %add3A_534 = arith.addi %mul3A_203, %add3A_533 : i32
      %get3A_535 = arith.index_cast %add3A_534 : i32 to index
      %get3A_536 = arith.constant 0 : index
      %get3A_537 = tpu.vector_load %arg7[%get3A_535, %get3A_536] {strides = array<i32>} : memref<1664x32xf32, #tpu.memory_space<vmem>>, vector<1x16xf32>,
      %get3A_538 = vector.shape_cast %get3A_537 : vector<1x16xf32> to vector<16xf32>
      %add3A_539 = arith.addf %add3A_525, %get3A_538 : vector<16xf32>
      %add3A_540 = arith.constant 24 : i32
      %add3A_541 = arith.addi %mul3A_203, %add3A_540 : i32
      %get3A_542 = arith.index_cast %add3A_541 : i32 to index
      %get3A_543 = arith.constant 16 : index
      %get3A_544 = tpu.vector_load %arg7[%get3A_542, %get3A_543] {strides = array<i32>} : memref<1664x32xf32, #tpu.memory_space<vmem>>, vector<1x16xf32>,
      %get3A_545 = vector.shape_cast %get3A_544 : vector<1x16xf32> to vector<16xf32>
      %add3A_546 = arith.addf %add3A_532, %get3A_545 : vector<16xf32>
      %add3A_547 = arith.constant 25 : i32
      %add3A_548 = arith.addi %mul3A_203, %add3A_547 : i32
      %get3A_549 = arith.index_cast %add3A_548 : i32 to index
      %get3A_550 = arith.constant 0 : index
      %get3A_551 = tpu.vector_load %arg7[%get3A_549, %get3A_550] {strides = array<i32>} : memref<1664x32xf32, #tpu.memory_space<vmem>>, vector<1x16xf32>,
      %get3A_552 = vector.shape_cast %get3A_551 : vector<1x16xf32> to vector<16xf32>
      %add3A_553 = arith.addf %add3A_539, %get3A_552 : vector<16xf32>
      %add3A_554 = arith.constant 25 : i32
      %add3A_555 = arith.addi %mul3A_203, %add3A_554 : i32
      %get3A_556 = arith.index_cast %add3A_555 : i32 to index
      %get3A_557 = arith.constant 16 : index
      %get3A_558 = tpu.vector_load %arg7[%get3A_556, %get3A_557] {strides = array<i32>} : memref<1664x32xf32, #tpu.memory_space<vmem>>, vector<1x16xf32>,
      %get3A_559 = vector.shape_cast %get3A_558 : vector<1x16xf32> to vector<16xf32>
      %add3A_560 = arith.addf %add3A_546, %get3A_559 : vector<16xf32>
      %swap3A = arith.index_cast %scan3A_200 : i32 to index
      %swap3A_561 = arith.constant 0 : index
      %swap3A_562 = tpu.vector_load %arg8[%swap3A, %swap3A_561] {strides = array<i32>} : memref<64x32xf32, #tpu.memory_space<vmem>>, vector<1x16xf32>,
      %swap3A_563 = vector.shape_cast %swap3A_562 : vector<1x16xf32> to vector<16xf32>
      %swap3A_564 = vector.shape_cast %add3A_553 : vector<16xf32> to vector<1x16xf32>
      tpu.vector_store %arg8[%swap3A, %swap3A_561], %swap3A_564 {strides = array<i32>} : memref<64x32xf32, #tpu.memory_space<vmem>>, vector<1x16xf32>,
      %swap3A_565 = arith.index_cast %scan3A_200 : i32 to index
      %swap3A_566 = arith.constant 16 : index
      %swap3A_567 = tpu.vector_load %arg8[%swap3A_565, %swap3A_566] {strides = array<i32>} : memref<64x32xf32, #tpu.memory_space<vmem>>, vector<1x16xf32>,
      %swap3A_568 = vector.shape_cast %swap3A_567 : vector<1x16xf32> to vector<16xf32>
      %swap3A_569 = vector.shape_cast %add3A_560 : vector<16xf32> to vector<1x16xf32>
      tpu.vector_store %arg8[%swap3A_565, %swap3A_566], %swap3A_569 {strides = array<i32>} : memref<64x32xf32, #tpu.memory_space<vmem>>, vector<1x16xf32>,
      %scan3A_570 = arith.constant 0 : i32
      scf.yield %scan3A_570 : i32
    }
    %scan3A_152 = arith.constant 64 : i32
    %mul3A_153 = arith.constant 512 : i32
    %mul3A_154 = arith.muli %add3A, %mul3A_153 : i32
    %add3A_155 = arith.constant 320 : i32
    %add3A_156 = arith.addi %mul3A_154, %add3A_155 : i32
    "tpu.region"() ({
      %run_scoped3A = tpu.sem_alloc : memref<!tpu.dma_semaphore, #tpu.memory_space<semaphore_mem>>
      %dma_start3A = arith.constant 0 : i32
      %dma_start3A_200 = tpu.memref_slice %arg4[%add3A_156, %dma_start3A] : memref<16384x32xf32, #tpu.memory_space<hbm>> -> memref<64x32xf32, #tpu.memory_space<hbm>>
      %dma_start3A_201 = arith.constant 0 : i32
      %dma_start3A_202 = tpu.memref_slice %arg4[%add3A_156, %dma_start3A_201] : memref<16384x32xf32, #tpu.memory_space<hbm>> -> memref<64x32xf32, #tpu.memory_space<hbm>>
      tpu.enqueue_dma source(%arg8 : memref<64x32xf32, #tpu.memory_space<vmem>>) target(%dma_start3A_202 : memref<64x32xf32, #tpu.memory_space<hbm>>) target_semaphore(%run_scoped3A : memref<!tpu.dma_semaphore, #tpu.memory_space<semaphore_mem>>)
      %dma_wait3A = arith.constant 0 : i32
      %dma_wait3A_203 = tpu.memref_slice %arg4[%add3A_156, %dma_wait3A] : memref<16384x32xf32, #tpu.memory_space<hbm>> -> memref<64x32xf32, #tpu.memory_space<hbm>>
      %dma_wait3A_204 = arith.constant 0 : i32
      %dma_wait3A_205 = tpu.memref_slice %arg4[%add3A_156, %dma_wait3A_204] : memref<16384x32xf32, #tpu.memory_space<hbm>> -> memref<64x32xf32, #tpu.memory_space<hbm>>
      tpu.wait_dma2 semaphore(%run_scoped3A : memref<!tpu.dma_semaphore, #tpu.memory_space<semaphore_mem>>) src(%arg8 : memref<64x32xf32, #tpu.memory_space<vmem>>) dst(%dma_wait3A_205 : memref<64x32xf32, #tpu.memory_space<hbm>>)
      tpu.yield
    }) : () -> ()
    %scan3A_157 = arith.constant 0 : i32
    %scan3A_158 = arith.constant 0 : i32
    %scan3A_159 = arith.constant 104 : i32
    %scan3A_160 = arith.addi %scan3A_158, %scan3A_159 : i32
    %scan3A_161 = arith.constant 1 : i32
    %scan3A_162 = scf.for %scan3A_200 = %scan3A_158 to %scan3A_160 step %scan3A_161 iter_args(%scan3A_201 = %scan3A_157) -> (i32)  : i32 {
      %mul3A_202 = arith.constant 16 : i32
      %mul3A_203 = arith.muli %scan3A_200, %mul3A_202 : i32
      %add3A_204 = arith.constant 11648 : i32
      %add3A_205 = arith.addi %add3A_204, %mul3A_203 : i32
      %get3A = arith.index_cast %add3A_205 : i32 to index
      %get3A_206 = tpu.vector_load %arg5[%get3A] {strides = array<i32>} : memref<13312xi32, #tpu.memory_space<vmem>>, vector<16xi32>,
      %get3A_207 = vector.shape_cast %get3A_206 : vector<16xi32> to vector<16xi32>
      %mul3A_208 = arith.constant 16 : i32
      %mul3A_209 = arith.muli %scan3A_200, %mul3A_208 : i32
      %dma_start3A = arith.constant 0 : i32
      %dma_start3A_210 = tpu.memref_slice %arg7[%mul3A_209, %dma_start3A] : memref<1664x32xf32, #tpu.memory_space<vmem>> -> memref<16x32xf32, #tpu.memory_space<vmem>>
      %dma_start3A_211 = arith.constant 0 : i32
      %dma_start3A_212 = arith.constant 0 : i32
      %dma_start3A_213 = tpu.memref_slice %arg3[%dma_start3A_211, %dma_start3A_212] : memref<2600000x32xf32, #tpu.memory_space<hbm>> -> memref<2600000x32xf32, #tpu.memory_space<hbm>>
      tpu.enqueue_indirect_dma source(%dma_start3A_213 : memref<2600000x32xf32, #tpu.memory_space<hbm>>) target(%dma_start3A_210 : memref<16x32xf32, #tpu.memory_space<vmem>>) offsets(%get3A_207 : vector<16xi32>) semaphore(%arg10 : memref<!tpu.dma_semaphore, #tpu.memory_space<semaphore_mem>>)
      %scan3A_214 = arith.constant 0 : i32
      scf.yield %scan3A_214 : i32
    }
    %scan3A_163 = arith.constant 104 : i32
    %scan3A_164 = arith.constant 0 : i32
    %scan3A_165 = arith.constant 0 : i32
    %scan3A_166 = arith.constant 104 : i32
    %scan3A_167 = arith.addi %scan3A_165, %scan3A_166 : i32
    %scan3A_168 = arith.constant 1 : i32
    %scan3A_169 = scf.for %scan3A_200 = %scan3A_165 to %scan3A_167 step %scan3A_168 iter_args(%scan3A_201 = %scan3A_164) -> (i32)  : i32 {
      %mul3A_202 = arith.constant 16 : i32
      %mul3A_203 = arith.muli %scan3A_200, %mul3A_202 : i32
      %dma_wait3A = arith.constant 0 : i32
      %dma_wait3A_204 = tpu.memref_slice %arg6[%mul3A_203, %dma_wait3A] : memref<1664x32xf32, #tpu.memory_space<vmem>> -> memref<16x32xf32, #tpu.memory_space<vmem>>
      %dma_wait3A_205 = arith.constant 0 : i32
      %dma_wait3A_206 = arith.constant 0 : i32
      %dma_wait3A_207 = tpu.memref_slice %arg3[%dma_wait3A_205, %dma_wait3A_206] : memref<2600000x32xf32, #tpu.memory_space<hbm>> -> memref<16x32xf32, #tpu.memory_space<hbm>>
      %dma_wait3A_208 = arith.constant 0 : i32
      %dma_wait3A_209 = tpu.memref_slice %arg6[%mul3A_203, %dma_wait3A_208] : memref<1664x32xf32, #tpu.memory_space<vmem>> -> memref<16x32xf32, #tpu.memory_space<vmem>>
      %dma_wait3A_210 = arith.constant 0 : i32
      %dma_wait3A_211 = arith.constant 0 : i32
      %dma_wait3A_212 = tpu.memref_slice %arg3[%dma_wait3A_210, %dma_wait3A_211] : memref<2600000x32xf32, #tpu.memory_space<hbm>> -> memref<16x32xf32, #tpu.memory_space<hbm>>
      tpu.wait_dma2 semaphore(%arg9 : memref<!tpu.dma_semaphore, #tpu.memory_space<semaphore_mem>>) src(%dma_wait3A_212 : memref<16x32xf32, #tpu.memory_space<hbm>>) dst(%dma_wait3A_209 : memref<16x32xf32, #tpu.memory_space<vmem>>)
      %scan3A_213 = arith.constant 0 : i32
      scf.yield %scan3A_213 : i32
    }
    %scan3A_170 = arith.constant 104 : i32
    %scan3A_171 = arith.constant 0 : i32
    %scan3A_172 = arith.constant 0 : i32
    %scan3A_173 = arith.constant 64 : i32
    %scan3A_174 = arith.addi %scan3A_172, %scan3A_173 : i32
    %scan3A_175 = arith.constant 1 : i32
    %scan3A_176 = scf.for %scan3A_200 = %scan3A_172 to %scan3A_174 step %scan3A_175 iter_args(%scan3A_201 = %scan3A_171) -> (i32)  : i32 {
      %mul3A_202 = arith.constant 26 : i32
      %mul3A_203 = arith.muli %scan3A_200, %mul3A_202 : i32
      %get3A = arith.index_cast %mul3A_203 : i32 to index
      %get3A_204 = arith.constant 0 : index
      %get3A_205 = tpu.vector_load %arg6[%get3A, %get3A_204] {strides = array<i32>} : memref<1664x32xf32, #tpu.memory_space<vmem>>, vector<1x16xf32>,
      %get3A_206 = vector.shape_cast %get3A_205 : vector<1x16xf32> to vector<16xf32>
      %get3A_207 = arith.index_cast %mul3A_203 : i32 to index
      %get3A_208 = arith.constant 16 : index
      %get3A_209 = tpu.vector_load %arg6[%get3A_207, %get3A_208] {strides = array<i32>} : memref<1664x32xf32, #tpu.memory_space<vmem>>, vector<1x16xf32>,
      %get3A_210 = vector.shape_cast %get3A_209 : vector<1x16xf32> to vector<16xf32>
      %add3A_211 = arith.constant 1 : i32
      %add3A_212 = arith.addi %mul3A_203, %add3A_211 : i32
      %get3A_213 = arith.index_cast %add3A_212 : i32 to index
      %get3A_214 = arith.constant 0 : index
      %get3A_215 = tpu.vector_load %arg6[%get3A_213, %get3A_214] {strides = array<i32>} : memref<1664x32xf32, #tpu.memory_space<vmem>>, vector<1x16xf32>,
      %get3A_216 = vector.shape_cast %get3A_215 : vector<1x16xf32> to vector<16xf32>
      %add3A_217 = arith.addf %get3A_206, %get3A_216 : vector<16xf32>
      %add3A_218 = arith.constant 1 : i32
      %add3A_219 = arith.addi %mul3A_203, %add3A_218 : i32
      %get3A_220 = arith.index_cast %add3A_219 : i32 to index
      %get3A_221 = arith.constant 16 : index
      %get3A_222 = tpu.vector_load %arg6[%get3A_220, %get3A_221] {strides = array<i32>} : memref<1664x32xf32, #tpu.memory_space<vmem>>, vector<1x16xf32>,
      %get3A_223 = vector.shape_cast %get3A_222 : vector<1x16xf32> to vector<16xf32>
      %add3A_224 = arith.addf %get3A_210, %get3A_223 : vector<16xf32>
      %add3A_225 = arith.constant 2 : i32
      %add3A_226 = arith.addi %mul3A_203, %add3A_225 : i32
      %get3A_227 = arith.index_cast %add3A_226 : i32 to index
      %get3A_228 = arith.constant 0 : index
      %get3A_229 = tpu.vector_load %arg6[%get3A_227, %get3A_228] {strides = array<i32>} : memref<1664x32xf32, #tpu.memory_space<vmem>>, vector<1x16xf32>,
      %get3A_230 = vector.shape_cast %get3A_229 : vector<1x16xf32> to vector<16xf32>
      %add3A_231 = arith.addf %add3A_217, %get3A_230 : vector<16xf32>
      %add3A_232 = arith.constant 2 : i32
      %add3A_233 = arith.addi %mul3A_203, %add3A_232 : i32
      %get3A_234 = arith.index_cast %add3A_233 : i32 to index
      %get3A_235 = arith.constant 16 : index
      %get3A_236 = tpu.vector_load %arg6[%get3A_234, %get3A_235] {strides = array<i32>} : memref<1664x32xf32, #tpu.memory_space<vmem>>, vector<1x16xf32>,
      %get3A_237 = vector.shape_cast %get3A_236 : vector<1x16xf32> to vector<16xf32>
      %add3A_238 = arith.addf %add3A_224, %get3A_237 : vector<16xf32>
      %add3A_239 = arith.constant 3 : i32
      %add3A_240 = arith.addi %mul3A_203, %add3A_239 : i32
      %get3A_241 = arith.index_cast %add3A_240 : i32 to index
      %get3A_242 = arith.constant 0 : index
      %get3A_243 = tpu.vector_load %arg6[%get3A_241, %get3A_242] {strides = array<i32>} : memref<1664x32xf32, #tpu.memory_space<vmem>>, vector<1x16xf32>,
      %get3A_244 = vector.shape_cast %get3A_243 : vector<1x16xf32> to vector<16xf32>
      %add3A_245 = arith.addf %add3A_231, %get3A_244 : vector<16xf32>
      %add3A_246 = arith.constant 3 : i32
      %add3A_247 = arith.addi %mul3A_203, %add3A_246 : i32
      %get3A_248 = arith.index_cast %add3A_247 : i32 to index
      %get3A_249 = arith.constant 16 : index
      %get3A_250 = tpu.vector_load %arg6[%get3A_248, %get3A_249] {strides = array<i32>} : memref<1664x32xf32, #tpu.memory_space<vmem>>, vector<1x16xf32>,
      %get3A_251 = vector.shape_cast %get3A_250 : vector<1x16xf32> to vector<16xf32>
      %add3A_252 = arith.addf %add3A_238, %get3A_251 : vector<16xf32>
      %add3A_253 = arith.constant 4 : i32
      %add3A_254 = arith.addi %mul3A_203, %add3A_253 : i32
      %get3A_255 = arith.index_cast %add3A_254 : i32 to index
      %get3A_256 = arith.constant 0 : index
      %get3A_257 = tpu.vector_load %arg6[%get3A_255, %get3A_256] {strides = array<i32>} : memref<1664x32xf32, #tpu.memory_space<vmem>>, vector<1x16xf32>,
      %get3A_258 = vector.shape_cast %get3A_257 : vector<1x16xf32> to vector<16xf32>
      %add3A_259 = arith.addf %add3A_245, %get3A_258 : vector<16xf32>
      %add3A_260 = arith.constant 4 : i32
      %add3A_261 = arith.addi %mul3A_203, %add3A_260 : i32
      %get3A_262 = arith.index_cast %add3A_261 : i32 to index
      %get3A_263 = arith.constant 16 : index
      %get3A_264 = tpu.vector_load %arg6[%get3A_262, %get3A_263] {strides = array<i32>} : memref<1664x32xf32, #tpu.memory_space<vmem>>, vector<1x16xf32>,
      %get3A_265 = vector.shape_cast %get3A_264 : vector<1x16xf32> to vector<16xf32>
      %add3A_266 = arith.addf %add3A_252, %get3A_265 : vector<16xf32>
      %add3A_267 = arith.constant 5 : i32
      %add3A_268 = arith.addi %mul3A_203, %add3A_267 : i32
      %get3A_269 = arith.index_cast %add3A_268 : i32 to index
      %get3A_270 = arith.constant 0 : index
      %get3A_271 = tpu.vector_load %arg6[%get3A_269, %get3A_270] {strides = array<i32>} : memref<1664x32xf32, #tpu.memory_space<vmem>>, vector<1x16xf32>,
      %get3A_272 = vector.shape_cast %get3A_271 : vector<1x16xf32> to vector<16xf32>
      %add3A_273 = arith.addf %add3A_259, %get3A_272 : vector<16xf32>
      %add3A_274 = arith.constant 5 : i32
      %add3A_275 = arith.addi %mul3A_203, %add3A_274 : i32
      %get3A_276 = arith.index_cast %add3A_275 : i32 to index
      %get3A_277 = arith.constant 16 : index
      %get3A_278 = tpu.vector_load %arg6[%get3A_276, %get3A_277] {strides = array<i32>} : memref<1664x32xf32, #tpu.memory_space<vmem>>, vector<1x16xf32>,
      %get3A_279 = vector.shape_cast %get3A_278 : vector<1x16xf32> to vector<16xf32>
      %add3A_280 = arith.addf %add3A_266, %get3A_279 : vector<16xf32>
      %add3A_281 = arith.constant 6 : i32
      %add3A_282 = arith.addi %mul3A_203, %add3A_281 : i32
      %get3A_283 = arith.index_cast %add3A_282 : i32 to index
      %get3A_284 = arith.constant 0 : index
      %get3A_285 = tpu.vector_load %arg6[%get3A_283, %get3A_284] {strides = array<i32>} : memref<1664x32xf32, #tpu.memory_space<vmem>>, vector<1x16xf32>,
      %get3A_286 = vector.shape_cast %get3A_285 : vector<1x16xf32> to vector<16xf32>
      %add3A_287 = arith.addf %add3A_273, %get3A_286 : vector<16xf32>
      %add3A_288 = arith.constant 6 : i32
      %add3A_289 = arith.addi %mul3A_203, %add3A_288 : i32
      %get3A_290 = arith.index_cast %add3A_289 : i32 to index
      %get3A_291 = arith.constant 16 : index
      %get3A_292 = tpu.vector_load %arg6[%get3A_290, %get3A_291] {strides = array<i32>} : memref<1664x32xf32, #tpu.memory_space<vmem>>, vector<1x16xf32>,
      %get3A_293 = vector.shape_cast %get3A_292 : vector<1x16xf32> to vector<16xf32>
      %add3A_294 = arith.addf %add3A_280, %get3A_293 : vector<16xf32>
      %add3A_295 = arith.constant 7 : i32
      %add3A_296 = arith.addi %mul3A_203, %add3A_295 : i32
      %get3A_297 = arith.index_cast %add3A_296 : i32 to index
      %get3A_298 = arith.constant 0 : index
      %get3A_299 = tpu.vector_load %arg6[%get3A_297, %get3A_298] {strides = array<i32>} : memref<1664x32xf32, #tpu.memory_space<vmem>>, vector<1x16xf32>,
      %get3A_300 = vector.shape_cast %get3A_299 : vector<1x16xf32> to vector<16xf32>
      %add3A_301 = arith.addf %add3A_287, %get3A_300 : vector<16xf32>
      %add3A_302 = arith.constant 7 : i32
      %add3A_303 = arith.addi %mul3A_203, %add3A_302 : i32
      %get3A_304 = arith.index_cast %add3A_303 : i32 to index
      %get3A_305 = arith.constant 16 : index
      %get3A_306 = tpu.vector_load %arg6[%get3A_304, %get3A_305] {strides = array<i32>} : memref<1664x32xf32, #tpu.memory_space<vmem>>, vector<1x16xf32>,
      %get3A_307 = vector.shape_cast %get3A_306 : vector<1x16xf32> to vector<16xf32>
      %add3A_308 = arith.addf %add3A_294, %get3A_307 : vector<16xf32>
      %add3A_309 = arith.constant 8 : i32
      %add3A_310 = arith.addi %mul3A_203, %add3A_309 : i32
      %get3A_311 = arith.index_cast %add3A_310 : i32 to index
      %get3A_312 = arith.constant 0 : index
      %get3A_313 = tpu.vector_load %arg6[%get3A_311, %get3A_312] {strides = array<i32>} : memref<1664x32xf32, #tpu.memory_space<vmem>>, vector<1x16xf32>,
      %get3A_314 = vector.shape_cast %get3A_313 : vector<1x16xf32> to vector<16xf32>
      %add3A_315 = arith.addf %add3A_301, %get3A_314 : vector<16xf32>
      %add3A_316 = arith.constant 8 : i32
      %add3A_317 = arith.addi %mul3A_203, %add3A_316 : i32
      %get3A_318 = arith.index_cast %add3A_317 : i32 to index
      %get3A_319 = arith.constant 16 : index
      %get3A_320 = tpu.vector_load %arg6[%get3A_318, %get3A_319] {strides = array<i32>} : memref<1664x32xf32, #tpu.memory_space<vmem>>, vector<1x16xf32>,
      %get3A_321 = vector.shape_cast %get3A_320 : vector<1x16xf32> to vector<16xf32>
      %add3A_322 = arith.addf %add3A_308, %get3A_321 : vector<16xf32>
      %add3A_323 = arith.constant 9 : i32
      %add3A_324 = arith.addi %mul3A_203, %add3A_323 : i32
      %get3A_325 = arith.index_cast %add3A_324 : i32 to index
      %get3A_326 = arith.constant 0 : index
      %get3A_327 = tpu.vector_load %arg6[%get3A_325, %get3A_326] {strides = array<i32>} : memref<1664x32xf32, #tpu.memory_space<vmem>>, vector<1x16xf32>,
      %get3A_328 = vector.shape_cast %get3A_327 : vector<1x16xf32> to vector<16xf32>
      %add3A_329 = arith.addf %add3A_315, %get3A_328 : vector<16xf32>
      %add3A_330 = arith.constant 9 : i32
      %add3A_331 = arith.addi %mul3A_203, %add3A_330 : i32
      %get3A_332 = arith.index_cast %add3A_331 : i32 to index
      %get3A_333 = arith.constant 16 : index
      %get3A_334 = tpu.vector_load %arg6[%get3A_332, %get3A_333] {strides = array<i32>} : memref<1664x32xf32, #tpu.memory_space<vmem>>, vector<1x16xf32>,
      %get3A_335 = vector.shape_cast %get3A_334 : vector<1x16xf32> to vector<16xf32>
      %add3A_336 = arith.addf %add3A_322, %get3A_335 : vector<16xf32>
      %add3A_337 = arith.constant 10 : i32
      %add3A_338 = arith.addi %mul3A_203, %add3A_337 : i32
      %get3A_339 = arith.index_cast %add3A_338 : i32 to index
      %get3A_340 = arith.constant 0 : index
      %get3A_341 = tpu.vector_load %arg6[%get3A_339, %get3A_340] {strides = array<i32>} : memref<1664x32xf32, #tpu.memory_space<vmem>>, vector<1x16xf32>,
      %get3A_342 = vector.shape_cast %get3A_341 : vector<1x16xf32> to vector<16xf32>
      %add3A_343 = arith.addf %add3A_329, %get3A_342 : vector<16xf32>
      %add3A_344 = arith.constant 10 : i32
      %add3A_345 = arith.addi %mul3A_203, %add3A_344 : i32
      %get3A_346 = arith.index_cast %add3A_345 : i32 to index
      %get3A_347 = arith.constant 16 : index
      %get3A_348 = tpu.vector_load %arg6[%get3A_346, %get3A_347] {strides = array<i32>} : memref<1664x32xf32, #tpu.memory_space<vmem>>, vector<1x16xf32>,
      %get3A_349 = vector.shape_cast %get3A_348 : vector<1x16xf32> to vector<16xf32>
      %add3A_350 = arith.addf %add3A_336, %get3A_349 : vector<16xf32>
      %add3A_351 = arith.constant 11 : i32
      %add3A_352 = arith.addi %mul3A_203, %add3A_351 : i32
      %get3A_353 = arith.index_cast %add3A_352 : i32 to index
      %get3A_354 = arith.constant 0 : index
      %get3A_355 = tpu.vector_load %arg6[%get3A_353, %get3A_354] {strides = array<i32>} : memref<1664x32xf32, #tpu.memory_space<vmem>>, vector<1x16xf32>,
      %get3A_356 = vector.shape_cast %get3A_355 : vector<1x16xf32> to vector<16xf32>
      %add3A_357 = arith.addf %add3A_343, %get3A_356 : vector<16xf32>
      %add3A_358 = arith.constant 11 : i32
      %add3A_359 = arith.addi %mul3A_203, %add3A_358 : i32
      %get3A_360 = arith.index_cast %add3A_359 : i32 to index
      %get3A_361 = arith.constant 16 : index
      %get3A_362 = tpu.vector_load %arg6[%get3A_360, %get3A_361] {strides = array<i32>} : memref<1664x32xf32, #tpu.memory_space<vmem>>, vector<1x16xf32>,
      %get3A_363 = vector.shape_cast %get3A_362 : vector<1x16xf32> to vector<16xf32>
      %add3A_364 = arith.addf %add3A_350, %get3A_363 : vector<16xf32>
      %add3A_365 = arith.constant 12 : i32
      %add3A_366 = arith.addi %mul3A_203, %add3A_365 : i32
      %get3A_367 = arith.index_cast %add3A_366 : i32 to index
      %get3A_368 = arith.constant 0 : index
      %get3A_369 = tpu.vector_load %arg6[%get3A_367, %get3A_368] {strides = array<i32>} : memref<1664x32xf32, #tpu.memory_space<vmem>>, vector<1x16xf32>,
      %get3A_370 = vector.shape_cast %get3A_369 : vector<1x16xf32> to vector<16xf32>
      %add3A_371 = arith.addf %add3A_357, %get3A_370 : vector<16xf32>
      %add3A_372 = arith.constant 12 : i32
      %add3A_373 = arith.addi %mul3A_203, %add3A_372 : i32
      %get3A_374 = arith.index_cast %add3A_373 : i32 to index
      %get3A_375 = arith.constant 16 : index
      %get3A_376 = tpu.vector_load %arg6[%get3A_374, %get3A_375] {strides = array<i32>} : memref<1664x32xf32, #tpu.memory_space<vmem>>, vector<1x16xf32>,
      %get3A_377 = vector.shape_cast %get3A_376 : vector<1x16xf32> to vector<16xf32>
      %add3A_378 = arith.addf %add3A_364, %get3A_377 : vector<16xf32>
      %add3A_379 = arith.constant 13 : i32
      %add3A_380 = arith.addi %mul3A_203, %add3A_379 : i32
      %get3A_381 = arith.index_cast %add3A_380 : i32 to index
      %get3A_382 = arith.constant 0 : index
      %get3A_383 = tpu.vector_load %arg6[%get3A_381, %get3A_382] {strides = array<i32>} : memref<1664x32xf32, #tpu.memory_space<vmem>>, vector<1x16xf32>,
      %get3A_384 = vector.shape_cast %get3A_383 : vector<1x16xf32> to vector<16xf32>
      %add3A_385 = arith.addf %add3A_371, %get3A_384 : vector<16xf32>
      %add3A_386 = arith.constant 13 : i32
      %add3A_387 = arith.addi %mul3A_203, %add3A_386 : i32
      %get3A_388 = arith.index_cast %add3A_387 : i32 to index
      %get3A_389 = arith.constant 16 : index
      %get3A_390 = tpu.vector_load %arg6[%get3A_388, %get3A_389] {strides = array<i32>} : memref<1664x32xf32, #tpu.memory_space<vmem>>, vector<1x16xf32>,
      %get3A_391 = vector.shape_cast %get3A_390 : vector<1x16xf32> to vector<16xf32>
      %add3A_392 = arith.addf %add3A_378, %get3A_391 : vector<16xf32>
      %add3A_393 = arith.constant 14 : i32
      %add3A_394 = arith.addi %mul3A_203, %add3A_393 : i32
      %get3A_395 = arith.index_cast %add3A_394 : i32 to index
      %get3A_396 = arith.constant 0 : index
      %get3A_397 = tpu.vector_load %arg6[%get3A_395, %get3A_396] {strides = array<i32>} : memref<1664x32xf32, #tpu.memory_space<vmem>>, vector<1x16xf32>,
      %get3A_398 = vector.shape_cast %get3A_397 : vector<1x16xf32> to vector<16xf32>
      %add3A_399 = arith.addf %add3A_385, %get3A_398 : vector<16xf32>
      %add3A_400 = arith.constant 14 : i32
      %add3A_401 = arith.addi %mul3A_203, %add3A_400 : i32
      %get3A_402 = arith.index_cast %add3A_401 : i32 to index
      %get3A_403 = arith.constant 16 : index
      %get3A_404 = tpu.vector_load %arg6[%get3A_402, %get3A_403] {strides = array<i32>} : memref<1664x32xf32, #tpu.memory_space<vmem>>, vector<1x16xf32>,
      %get3A_405 = vector.shape_cast %get3A_404 : vector<1x16xf32> to vector<16xf32>
      %add3A_406 = arith.addf %add3A_392, %get3A_405 : vector<16xf32>
      %add3A_407 = arith.constant 15 : i32
      %add3A_408 = arith.addi %mul3A_203, %add3A_407 : i32
      %get3A_409 = arith.index_cast %add3A_408 : i32 to index
      %get3A_410 = arith.constant 0 : index
      %get3A_411 = tpu.vector_load %arg6[%get3A_409, %get3A_410] {strides = array<i32>} : memref<1664x32xf32, #tpu.memory_space<vmem>>, vector<1x16xf32>,
      %get3A_412 = vector.shape_cast %get3A_411 : vector<1x16xf32> to vector<16xf32>
      %add3A_413 = arith.addf %add3A_399, %get3A_412 : vector<16xf32>
      %add3A_414 = arith.constant 15 : i32
      %add3A_415 = arith.addi %mul3A_203, %add3A_414 : i32
      %get3A_416 = arith.index_cast %add3A_415 : i32 to index
      %get3A_417 = arith.constant 16 : index
      %get3A_418 = tpu.vector_load %arg6[%get3A_416, %get3A_417] {strides = array<i32>} : memref<1664x32xf32, #tpu.memory_space<vmem>>, vector<1x16xf32>,
      %get3A_419 = vector.shape_cast %get3A_418 : vector<1x16xf32> to vector<16xf32>
      %add3A_420 = arith.addf %add3A_406, %get3A_419 : vector<16xf32>
      %add3A_421 = arith.constant 16 : i32
      %add3A_422 = arith.addi %mul3A_203, %add3A_421 : i32
      %get3A_423 = arith.index_cast %add3A_422 : i32 to index
      %get3A_424 = arith.constant 0 : index
      %get3A_425 = tpu.vector_load %arg6[%get3A_423, %get3A_424] {strides = array<i32>} : memref<1664x32xf32, #tpu.memory_space<vmem>>, vector<1x16xf32>,
      %get3A_426 = vector.shape_cast %get3A_425 : vector<1x16xf32> to vector<16xf32>
      %add3A_427 = arith.addf %add3A_413, %get3A_426 : vector<16xf32>
      %add3A_428 = arith.constant 16 : i32
      %add3A_429 = arith.addi %mul3A_203, %add3A_428 : i32
      %get3A_430 = arith.index_cast %add3A_429 : i32 to index
      %get3A_431 = arith.constant 16 : index
      %get3A_432 = tpu.vector_load %arg6[%get3A_430, %get3A_431] {strides = array<i32>} : memref<1664x32xf32, #tpu.memory_space<vmem>>, vector<1x16xf32>,
      %get3A_433 = vector.shape_cast %get3A_432 : vector<1x16xf32> to vector<16xf32>
      %add3A_434 = arith.addf %add3A_420, %get3A_433 : vector<16xf32>
      %add3A_435 = arith.constant 17 : i32
      %add3A_436 = arith.addi %mul3A_203, %add3A_435 : i32
      %get3A_437 = arith.index_cast %add3A_436 : i32 to index
      %get3A_438 = arith.constant 0 : index
      %get3A_439 = tpu.vector_load %arg6[%get3A_437, %get3A_438] {strides = array<i32>} : memref<1664x32xf32, #tpu.memory_space<vmem>>, vector<1x16xf32>,
      %get3A_440 = vector.shape_cast %get3A_439 : vector<1x16xf32> to vector<16xf32>
      %add3A_441 = arith.addf %add3A_427, %get3A_440 : vector<16xf32>
      %add3A_442 = arith.constant 17 : i32
      %add3A_443 = arith.addi %mul3A_203, %add3A_442 : i32
      %get3A_444 = arith.index_cast %add3A_443 : i32 to index
      %get3A_445 = arith.constant 16 : index
      %get3A_446 = tpu.vector_load %arg6[%get3A_444, %get3A_445] {strides = array<i32>} : memref<1664x32xf32, #tpu.memory_space<vmem>>, vector<1x16xf32>,
      %get3A_447 = vector.shape_cast %get3A_446 : vector<1x16xf32> to vector<16xf32>
      %add3A_448 = arith.addf %add3A_434, %get3A_447 : vector<16xf32>
      %add3A_449 = arith.constant 18 : i32
      %add3A_450 = arith.addi %mul3A_203, %add3A_449 : i32
      %get3A_451 = arith.index_cast %add3A_450 : i32 to index
      %get3A_452 = arith.constant 0 : index
      %get3A_453 = tpu.vector_load %arg6[%get3A_451, %get3A_452] {strides = array<i32>} : memref<1664x32xf32, #tpu.memory_space<vmem>>, vector<1x16xf32>,
      %get3A_454 = vector.shape_cast %get3A_453 : vector<1x16xf32> to vector<16xf32>
      %add3A_455 = arith.addf %add3A_441, %get3A_454 : vector<16xf32>
      %add3A_456 = arith.constant 18 : i32
      %add3A_457 = arith.addi %mul3A_203, %add3A_456 : i32
      %get3A_458 = arith.index_cast %add3A_457 : i32 to index
      %get3A_459 = arith.constant 16 : index
      %get3A_460 = tpu.vector_load %arg6[%get3A_458, %get3A_459] {strides = array<i32>} : memref<1664x32xf32, #tpu.memory_space<vmem>>, vector<1x16xf32>,
      %get3A_461 = vector.shape_cast %get3A_460 : vector<1x16xf32> to vector<16xf32>
      %add3A_462 = arith.addf %add3A_448, %get3A_461 : vector<16xf32>
      %add3A_463 = arith.constant 19 : i32
      %add3A_464 = arith.addi %mul3A_203, %add3A_463 : i32
      %get3A_465 = arith.index_cast %add3A_464 : i32 to index
      %get3A_466 = arith.constant 0 : index
      %get3A_467 = tpu.vector_load %arg6[%get3A_465, %get3A_466] {strides = array<i32>} : memref<1664x32xf32, #tpu.memory_space<vmem>>, vector<1x16xf32>,
      %get3A_468 = vector.shape_cast %get3A_467 : vector<1x16xf32> to vector<16xf32>
      %add3A_469 = arith.addf %add3A_455, %get3A_468 : vector<16xf32>
      %add3A_470 = arith.constant 19 : i32
      %add3A_471 = arith.addi %mul3A_203, %add3A_470 : i32
      %get3A_472 = arith.index_cast %add3A_471 : i32 to index
      %get3A_473 = arith.constant 16 : index
      %get3A_474 = tpu.vector_load %arg6[%get3A_472, %get3A_473] {strides = array<i32>} : memref<1664x32xf32, #tpu.memory_space<vmem>>, vector<1x16xf32>,
      %get3A_475 = vector.shape_cast %get3A_474 : vector<1x16xf32> to vector<16xf32>
      %add3A_476 = arith.addf %add3A_462, %get3A_475 : vector<16xf32>
      %add3A_477 = arith.constant 20 : i32
      %add3A_478 = arith.addi %mul3A_203, %add3A_477 : i32
      %get3A_479 = arith.index_cast %add3A_478 : i32 to index
      %get3A_480 = arith.constant 0 : index
      %get3A_481 = tpu.vector_load %arg6[%get3A_479, %get3A_480] {strides = array<i32>} : memref<1664x32xf32, #tpu.memory_space<vmem>>, vector<1x16xf32>,
      %get3A_482 = vector.shape_cast %get3A_481 : vector<1x16xf32> to vector<16xf32>
      %add3A_483 = arith.addf %add3A_469, %get3A_482 : vector<16xf32>
      %add3A_484 = arith.constant 20 : i32
      %add3A_485 = arith.addi %mul3A_203, %add3A_484 : i32
      %get3A_486 = arith.index_cast %add3A_485 : i32 to index
      %get3A_487 = arith.constant 16 : index
      %get3A_488 = tpu.vector_load %arg6[%get3A_486, %get3A_487] {strides = array<i32>} : memref<1664x32xf32, #tpu.memory_space<vmem>>, vector<1x16xf32>,
      %get3A_489 = vector.shape_cast %get3A_488 : vector<1x16xf32> to vector<16xf32>
      %add3A_490 = arith.addf %add3A_476, %get3A_489 : vector<16xf32>
      %add3A_491 = arith.constant 21 : i32
      %add3A_492 = arith.addi %mul3A_203, %add3A_491 : i32
      %get3A_493 = arith.index_cast %add3A_492 : i32 to index
      %get3A_494 = arith.constant 0 : index
      %get3A_495 = tpu.vector_load %arg6[%get3A_493, %get3A_494] {strides = array<i32>} : memref<1664x32xf32, #tpu.memory_space<vmem>>, vector<1x16xf32>,
      %get3A_496 = vector.shape_cast %get3A_495 : vector<1x16xf32> to vector<16xf32>
      %add3A_497 = arith.addf %add3A_483, %get3A_496 : vector<16xf32>
      %add3A_498 = arith.constant 21 : i32
      %add3A_499 = arith.addi %mul3A_203, %add3A_498 : i32
      %get3A_500 = arith.index_cast %add3A_499 : i32 to index
      %get3A_501 = arith.constant 16 : index
      %get3A_502 = tpu.vector_load %arg6[%get3A_500, %get3A_501] {strides = array<i32>} : memref<1664x32xf32, #tpu.memory_space<vmem>>, vector<1x16xf32>,
      %get3A_503 = vector.shape_cast %get3A_502 : vector<1x16xf32> to vector<16xf32>
      %add3A_504 = arith.addf %add3A_490, %get3A_503 : vector<16xf32>
      %add3A_505 = arith.constant 22 : i32
      %add3A_506 = arith.addi %mul3A_203, %add3A_505 : i32
      %get3A_507 = arith.index_cast %add3A_506 : i32 to index
      %get3A_508 = arith.constant 0 : index
      %get3A_509 = tpu.vector_load %arg6[%get3A_507, %get3A_508] {strides = array<i32>} : memref<1664x32xf32, #tpu.memory_space<vmem>>, vector<1x16xf32>,
      %get3A_510 = vector.shape_cast %get3A_509 : vector<1x16xf32> to vector<16xf32>
      %add3A_511 = arith.addf %add3A_497, %get3A_510 : vector<16xf32>
      %add3A_512 = arith.constant 22 : i32
      %add3A_513 = arith.addi %mul3A_203, %add3A_512 : i32
      %get3A_514 = arith.index_cast %add3A_513 : i32 to index
      %get3A_515 = arith.constant 16 : index
      %get3A_516 = tpu.vector_load %arg6[%get3A_514, %get3A_515] {strides = array<i32>} : memref<1664x32xf32, #tpu.memory_space<vmem>>, vector<1x16xf32>,
      %get3A_517 = vector.shape_cast %get3A_516 : vector<1x16xf32> to vector<16xf32>
      %add3A_518 = arith.addf %add3A_504, %get3A_517 : vector<16xf32>
      %add3A_519 = arith.constant 23 : i32
      %add3A_520 = arith.addi %mul3A_203, %add3A_519 : i32
      %get3A_521 = arith.index_cast %add3A_520 : i32 to index
      %get3A_522 = arith.constant 0 : index
      %get3A_523 = tpu.vector_load %arg6[%get3A_521, %get3A_522] {strides = array<i32>} : memref<1664x32xf32, #tpu.memory_space<vmem>>, vector<1x16xf32>,
      %get3A_524 = vector.shape_cast %get3A_523 : vector<1x16xf32> to vector<16xf32>
      %add3A_525 = arith.addf %add3A_511, %get3A_524 : vector<16xf32>
      %add3A_526 = arith.constant 23 : i32
      %add3A_527 = arith.addi %mul3A_203, %add3A_526 : i32
      %get3A_528 = arith.index_cast %add3A_527 : i32 to index
      %get3A_529 = arith.constant 16 : index
      %get3A_530 = tpu.vector_load %arg6[%get3A_528, %get3A_529] {strides = array<i32>} : memref<1664x32xf32, #tpu.memory_space<vmem>>, vector<1x16xf32>,
      %get3A_531 = vector.shape_cast %get3A_530 : vector<1x16xf32> to vector<16xf32>
      %add3A_532 = arith.addf %add3A_518, %get3A_531 : vector<16xf32>
      %add3A_533 = arith.constant 24 : i32
      %add3A_534 = arith.addi %mul3A_203, %add3A_533 : i32
      %get3A_535 = arith.index_cast %add3A_534 : i32 to index
      %get3A_536 = arith.constant 0 : index
      %get3A_537 = tpu.vector_load %arg6[%get3A_535, %get3A_536] {strides = array<i32>} : memref<1664x32xf32, #tpu.memory_space<vmem>>, vector<1x16xf32>,
      %get3A_538 = vector.shape_cast %get3A_537 : vector<1x16xf32> to vector<16xf32>
      %add3A_539 = arith.addf %add3A_525, %get3A_538 : vector<16xf32>
      %add3A_540 = arith.constant 24 : i32
      %add3A_541 = arith.addi %mul3A_203, %add3A_540 : i32
      %get3A_542 = arith.index_cast %add3A_541 : i32 to index
      %get3A_543 = arith.constant 16 : index
      %get3A_544 = tpu.vector_load %arg6[%get3A_542, %get3A_543] {strides = array<i32>} : memref<1664x32xf32, #tpu.memory_space<vmem>>, vector<1x16xf32>,
      %get3A_545 = vector.shape_cast %get3A_544 : vector<1x16xf32> to vector<16xf32>
      %add3A_546 = arith.addf %add3A_532, %get3A_545 : vector<16xf32>
      %add3A_547 = arith.constant 25 : i32
      %add3A_548 = arith.addi %mul3A_203, %add3A_547 : i32
      %get3A_549 = arith.index_cast %add3A_548 : i32 to index
      %get3A_550 = arith.constant 0 : index
      %get3A_551 = tpu.vector_load %arg6[%get3A_549, %get3A_550] {strides = array<i32>} : memref<1664x32xf32, #tpu.memory_space<vmem>>, vector<1x16xf32>,
      %get3A_552 = vector.shape_cast %get3A_551 : vector<1x16xf32> to vector<16xf32>
      %add3A_553 = arith.addf %add3A_539, %get3A_552 : vector<16xf32>
      %add3A_554 = arith.constant 25 : i32
      %add3A_555 = arith.addi %mul3A_203, %add3A_554 : i32
      %get3A_556 = arith.index_cast %add3A_555 : i32 to index
      %get3A_557 = arith.constant 16 : index
      %get3A_558 = tpu.vector_load %arg6[%get3A_556, %get3A_557] {strides = array<i32>} : memref<1664x32xf32, #tpu.memory_space<vmem>>, vector<1x16xf32>,
      %get3A_559 = vector.shape_cast %get3A_558 : vector<1x16xf32> to vector<16xf32>
      %add3A_560 = arith.addf %add3A_546, %get3A_559 : vector<16xf32>
      %swap3A = arith.index_cast %scan3A_200 : i32 to index
      %swap3A_561 = arith.constant 0 : index
      %swap3A_562 = tpu.vector_load %arg8[%swap3A, %swap3A_561] {strides = array<i32>} : memref<64x32xf32, #tpu.memory_space<vmem>>, vector<1x16xf32>,
      %swap3A_563 = vector.shape_cast %swap3A_562 : vector<1x16xf32> to vector<16xf32>
      %swap3A_564 = vector.shape_cast %add3A_553 : vector<16xf32> to vector<1x16xf32>
      tpu.vector_store %arg8[%swap3A, %swap3A_561], %swap3A_564 {strides = array<i32>} : memref<64x32xf32, #tpu.memory_space<vmem>>, vector<1x16xf32>,
      %swap3A_565 = arith.index_cast %scan3A_200 : i32 to index
      %swap3A_566 = arith.constant 16 : index
      %swap3A_567 = tpu.vector_load %arg8[%swap3A_565, %swap3A_566] {strides = array<i32>} : memref<64x32xf32, #tpu.memory_space<vmem>>, vector<1x16xf32>,
      %swap3A_568 = vector.shape_cast %swap3A_567 : vector<1x16xf32> to vector<16xf32>
      %swap3A_569 = vector.shape_cast %add3A_560 : vector<16xf32> to vector<1x16xf32>
      tpu.vector_store %arg8[%swap3A_565, %swap3A_566], %swap3A_569 {strides = array<i32>} : memref<64x32xf32, #tpu.memory_space<vmem>>, vector<1x16xf32>,
      %scan3A_570 = arith.constant 0 : i32
      scf.yield %scan3A_570 : i32
    }
    %scan3A_177 = arith.constant 64 : i32
    %mul3A_178 = arith.constant 512 : i32
    %mul3A_179 = arith.muli %add3A, %mul3A_178 : i32
    %add3A_180 = arith.constant 384 : i32
    %add3A_181 = arith.addi %mul3A_179, %add3A_180 : i32
    "tpu.region"() ({
      %run_scoped3A = tpu.sem_alloc : memref<!tpu.dma_semaphore, #tpu.memory_space<semaphore_mem>>
      %dma_start3A = arith.constant 0 : i32
      %dma_start3A_200 = tpu.memref_slice %arg4[%add3A_181, %dma_start3A] : memref<16384x32xf32, #tpu.memory_space<hbm>> -> memref<64x32xf32, #tpu.memory_space<hbm>>
      %dma_start3A_201 = arith.constant 0 : i32
      %dma_start3A_202 = tpu.memref_slice %arg4[%add3A_181, %dma_start3A_201] : memref<16384x32xf32, #tpu.memory_space<hbm>> -> memref<64x32xf32, #tpu.memory_space<hbm>>
      tpu.enqueue_dma source(%arg8 : memref<64x32xf32, #tpu.memory_space<vmem>>) target(%dma_start3A_202 : memref<64x32xf32, #tpu.memory_space<hbm>>) target_semaphore(%run_scoped3A : memref<!tpu.dma_semaphore, #tpu.memory_space<semaphore_mem>>)
      %dma_wait3A = arith.constant 0 : i32
      %dma_wait3A_203 = tpu.memref_slice %arg4[%add3A_181, %dma_wait3A] : memref<16384x32xf32, #tpu.memory_space<hbm>> -> memref<64x32xf32, #tpu.memory_space<hbm>>
      %dma_wait3A_204 = arith.constant 0 : i32
      %dma_wait3A_205 = tpu.memref_slice %arg4[%add3A_181, %dma_wait3A_204] : memref<16384x32xf32, #tpu.memory_space<hbm>> -> memref<64x32xf32, #tpu.memory_space<hbm>>
      tpu.wait_dma2 semaphore(%run_scoped3A : memref<!tpu.dma_semaphore, #tpu.memory_space<semaphore_mem>>) src(%arg8 : memref<64x32xf32, #tpu.memory_space<vmem>>) dst(%dma_wait3A_205 : memref<64x32xf32, #tpu.memory_space<hbm>>)
      tpu.yield
    }) : () -> ()
    %scan3A_182 = arith.constant 0 : i32
    %scan3A_183 = arith.constant 0 : i32
    %scan3A_184 = arith.constant 104 : i32
    %scan3A_185 = arith.addi %scan3A_183, %scan3A_184 : i32
    %scan3A_186 = arith.constant 1 : i32
    %scan3A_187 = scf.for %scan3A_200 = %scan3A_183 to %scan3A_185 step %scan3A_186 iter_args(%scan3A_201 = %scan3A_182) -> (i32)  : i32 {
      %mul3A_202 = arith.constant 16 : i32
      %mul3A_203 = arith.muli %scan3A_200, %mul3A_202 : i32
      %dma_wait3A = arith.constant 0 : i32
      %dma_wait3A_204 = tpu.memref_slice %arg7[%mul3A_203, %dma_wait3A] : memref<1664x32xf32, #tpu.memory_space<vmem>> -> memref<16x32xf32, #tpu.memory_space<vmem>>
      %dma_wait3A_205 = arith.constant 0 : i32
      %dma_wait3A_206 = arith.constant 0 : i32
      %dma_wait3A_207 = tpu.memref_slice %arg3[%dma_wait3A_205, %dma_wait3A_206] : memref<2600000x32xf32, #tpu.memory_space<hbm>> -> memref<16x32xf32, #tpu.memory_space<hbm>>
      %dma_wait3A_208 = arith.constant 0 : i32
      %dma_wait3A_209 = tpu.memref_slice %arg7[%mul3A_203, %dma_wait3A_208] : memref<1664x32xf32, #tpu.memory_space<vmem>> -> memref<16x32xf32, #tpu.memory_space<vmem>>
      %dma_wait3A_210 = arith.constant 0 : i32
      %dma_wait3A_211 = arith.constant 0 : i32
      %dma_wait3A_212 = tpu.memref_slice %arg3[%dma_wait3A_210, %dma_wait3A_211] : memref<2600000x32xf32, #tpu.memory_space<hbm>> -> memref<16x32xf32, #tpu.memory_space<hbm>>
      tpu.wait_dma2 semaphore(%arg10 : memref<!tpu.dma_semaphore, #tpu.memory_space<semaphore_mem>>) src(%dma_wait3A_212 : memref<16x32xf32, #tpu.memory_space<hbm>>) dst(%dma_wait3A_209 : memref<16x32xf32, #tpu.memory_space<vmem>>)
      %scan3A_213 = arith.constant 0 : i32
      scf.yield %scan3A_213 : i32
    }
    %scan3A_188 = arith.constant 104 : i32
    %scan3A_189 = arith.constant 0 : i32
    %scan3A_190 = arith.constant 0 : i32
    %scan3A_191 = arith.constant 64 : i32
    %scan3A_192 = arith.addi %scan3A_190, %scan3A_191 : i32
    %scan3A_193 = arith.constant 1 : i32
    %scan3A_194 = scf.for %scan3A_200 = %scan3A_190 to %scan3A_192 step %scan3A_193 iter_args(%scan3A_201 = %scan3A_189) -> (i32)  : i32 {
      %mul3A_202 = arith.constant 26 : i32
      %mul3A_203 = arith.muli %scan3A_200, %mul3A_202 : i32
      %get3A = arith.index_cast %mul3A_203 : i32 to index
      %get3A_204 = arith.constant 0 : index
      %get3A_205 = tpu.vector_load %arg7[%get3A, %get3A_204] {strides = array<i32>} : memref<1664x32xf32, #tpu.memory_space<vmem>>, vector<1x16xf32>,
      %get3A_206 = vector.shape_cast %get3A_205 : vector<1x16xf32> to vector<16xf32>
      %get3A_207 = arith.index_cast %mul3A_203 : i32 to index
      %get3A_208 = arith.constant 16 : index
      %get3A_209 = tpu.vector_load %arg7[%get3A_207, %get3A_208] {strides = array<i32>} : memref<1664x32xf32, #tpu.memory_space<vmem>>, vector<1x16xf32>,
      %get3A_210 = vector.shape_cast %get3A_209 : vector<1x16xf32> to vector<16xf32>
      %add3A_211 = arith.constant 1 : i32
      %add3A_212 = arith.addi %mul3A_203, %add3A_211 : i32
      %get3A_213 = arith.index_cast %add3A_212 : i32 to index
      %get3A_214 = arith.constant 0 : index
      %get3A_215 = tpu.vector_load %arg7[%get3A_213, %get3A_214] {strides = array<i32>} : memref<1664x32xf32, #tpu.memory_space<vmem>>, vector<1x16xf32>,
      %get3A_216 = vector.shape_cast %get3A_215 : vector<1x16xf32> to vector<16xf32>
      %add3A_217 = arith.addf %get3A_206, %get3A_216 : vector<16xf32>
      %add3A_218 = arith.constant 1 : i32
      %add3A_219 = arith.addi %mul3A_203, %add3A_218 : i32
      %get3A_220 = arith.index_cast %add3A_219 : i32 to index
      %get3A_221 = arith.constant 16 : index
      %get3A_222 = tpu.vector_load %arg7[%get3A_220, %get3A_221] {strides = array<i32>} : memref<1664x32xf32, #tpu.memory_space<vmem>>, vector<1x16xf32>,
      %get3A_223 = vector.shape_cast %get3A_222 : vector<1x16xf32> to vector<16xf32>
      %add3A_224 = arith.addf %get3A_210, %get3A_223 : vector<16xf32>
      %add3A_225 = arith.constant 2 : i32
      %add3A_226 = arith.addi %mul3A_203, %add3A_225 : i32
      %get3A_227 = arith.index_cast %add3A_226 : i32 to index
      %get3A_228 = arith.constant 0 : index
      %get3A_229 = tpu.vector_load %arg7[%get3A_227, %get3A_228] {strides = array<i32>} : memref<1664x32xf32, #tpu.memory_space<vmem>>, vector<1x16xf32>,
      %get3A_230 = vector.shape_cast %get3A_229 : vector<1x16xf32> to vector<16xf32>
      %add3A_231 = arith.addf %add3A_217, %get3A_230 : vector<16xf32>
      %add3A_232 = arith.constant 2 : i32
      %add3A_233 = arith.addi %mul3A_203, %add3A_232 : i32
      %get3A_234 = arith.index_cast %add3A_233 : i32 to index
      %get3A_235 = arith.constant 16 : index
      %get3A_236 = tpu.vector_load %arg7[%get3A_234, %get3A_235] {strides = array<i32>} : memref<1664x32xf32, #tpu.memory_space<vmem>>, vector<1x16xf32>,
      %get3A_237 = vector.shape_cast %get3A_236 : vector<1x16xf32> to vector<16xf32>
      %add3A_238 = arith.addf %add3A_224, %get3A_237 : vector<16xf32>
      %add3A_239 = arith.constant 3 : i32
      %add3A_240 = arith.addi %mul3A_203, %add3A_239 : i32
      %get3A_241 = arith.index_cast %add3A_240 : i32 to index
      %get3A_242 = arith.constant 0 : index
      %get3A_243 = tpu.vector_load %arg7[%get3A_241, %get3A_242] {strides = array<i32>} : memref<1664x32xf32, #tpu.memory_space<vmem>>, vector<1x16xf32>,
      %get3A_244 = vector.shape_cast %get3A_243 : vector<1x16xf32> to vector<16xf32>
      %add3A_245 = arith.addf %add3A_231, %get3A_244 : vector<16xf32>
      %add3A_246 = arith.constant 3 : i32
      %add3A_247 = arith.addi %mul3A_203, %add3A_246 : i32
      %get3A_248 = arith.index_cast %add3A_247 : i32 to index
      %get3A_249 = arith.constant 16 : index
      %get3A_250 = tpu.vector_load %arg7[%get3A_248, %get3A_249] {strides = array<i32>} : memref<1664x32xf32, #tpu.memory_space<vmem>>, vector<1x16xf32>,
      %get3A_251 = vector.shape_cast %get3A_250 : vector<1x16xf32> to vector<16xf32>
      %add3A_252 = arith.addf %add3A_238, %get3A_251 : vector<16xf32>
      %add3A_253 = arith.constant 4 : i32
      %add3A_254 = arith.addi %mul3A_203, %add3A_253 : i32
      %get3A_255 = arith.index_cast %add3A_254 : i32 to index
      %get3A_256 = arith.constant 0 : index
      %get3A_257 = tpu.vector_load %arg7[%get3A_255, %get3A_256] {strides = array<i32>} : memref<1664x32xf32, #tpu.memory_space<vmem>>, vector<1x16xf32>,
      %get3A_258 = vector.shape_cast %get3A_257 : vector<1x16xf32> to vector<16xf32>
      %add3A_259 = arith.addf %add3A_245, %get3A_258 : vector<16xf32>
      %add3A_260 = arith.constant 4 : i32
      %add3A_261 = arith.addi %mul3A_203, %add3A_260 : i32
      %get3A_262 = arith.index_cast %add3A_261 : i32 to index
      %get3A_263 = arith.constant 16 : index
      %get3A_264 = tpu.vector_load %arg7[%get3A_262, %get3A_263] {strides = array<i32>} : memref<1664x32xf32, #tpu.memory_space<vmem>>, vector<1x16xf32>,
      %get3A_265 = vector.shape_cast %get3A_264 : vector<1x16xf32> to vector<16xf32>
      %add3A_266 = arith.addf %add3A_252, %get3A_265 : vector<16xf32>
      %add3A_267 = arith.constant 5 : i32
      %add3A_268 = arith.addi %mul3A_203, %add3A_267 : i32
      %get3A_269 = arith.index_cast %add3A_268 : i32 to index
      %get3A_270 = arith.constant 0 : index
      %get3A_271 = tpu.vector_load %arg7[%get3A_269, %get3A_270] {strides = array<i32>} : memref<1664x32xf32, #tpu.memory_space<vmem>>, vector<1x16xf32>,
      %get3A_272 = vector.shape_cast %get3A_271 : vector<1x16xf32> to vector<16xf32>
      %add3A_273 = arith.addf %add3A_259, %get3A_272 : vector<16xf32>
      %add3A_274 = arith.constant 5 : i32
      %add3A_275 = arith.addi %mul3A_203, %add3A_274 : i32
      %get3A_276 = arith.index_cast %add3A_275 : i32 to index
      %get3A_277 = arith.constant 16 : index
      %get3A_278 = tpu.vector_load %arg7[%get3A_276, %get3A_277] {strides = array<i32>} : memref<1664x32xf32, #tpu.memory_space<vmem>>, vector<1x16xf32>,
      %get3A_279 = vector.shape_cast %get3A_278 : vector<1x16xf32> to vector<16xf32>
      %add3A_280 = arith.addf %add3A_266, %get3A_279 : vector<16xf32>
      %add3A_281 = arith.constant 6 : i32
      %add3A_282 = arith.addi %mul3A_203, %add3A_281 : i32
      %get3A_283 = arith.index_cast %add3A_282 : i32 to index
      %get3A_284 = arith.constant 0 : index
      %get3A_285 = tpu.vector_load %arg7[%get3A_283, %get3A_284] {strides = array<i32>} : memref<1664x32xf32, #tpu.memory_space<vmem>>, vector<1x16xf32>,
      %get3A_286 = vector.shape_cast %get3A_285 : vector<1x16xf32> to vector<16xf32>
      %add3A_287 = arith.addf %add3A_273, %get3A_286 : vector<16xf32>
      %add3A_288 = arith.constant 6 : i32
      %add3A_289 = arith.addi %mul3A_203, %add3A_288 : i32
      %get3A_290 = arith.index_cast %add3A_289 : i32 to index
      %get3A_291 = arith.constant 16 : index
      %get3A_292 = tpu.vector_load %arg7[%get3A_290, %get3A_291] {strides = array<i32>} : memref<1664x32xf32, #tpu.memory_space<vmem>>, vector<1x16xf32>,
      %get3A_293 = vector.shape_cast %get3A_292 : vector<1x16xf32> to vector<16xf32>
      %add3A_294 = arith.addf %add3A_280, %get3A_293 : vector<16xf32>
      %add3A_295 = arith.constant 7 : i32
      %add3A_296 = arith.addi %mul3A_203, %add3A_295 : i32
      %get3A_297 = arith.index_cast %add3A_296 : i32 to index
      %get3A_298 = arith.constant 0 : index
      %get3A_299 = tpu.vector_load %arg7[%get3A_297, %get3A_298] {strides = array<i32>} : memref<1664x32xf32, #tpu.memory_space<vmem>>, vector<1x16xf32>,
      %get3A_300 = vector.shape_cast %get3A_299 : vector<1x16xf32> to vector<16xf32>
      %add3A_301 = arith.addf %add3A_287, %get3A_300 : vector<16xf32>
      %add3A_302 = arith.constant 7 : i32
      %add3A_303 = arith.addi %mul3A_203, %add3A_302 : i32
      %get3A_304 = arith.index_cast %add3A_303 : i32 to index
      %get3A_305 = arith.constant 16 : index
      %get3A_306 = tpu.vector_load %arg7[%get3A_304, %get3A_305] {strides = array<i32>} : memref<1664x32xf32, #tpu.memory_space<vmem>>, vector<1x16xf32>,
      %get3A_307 = vector.shape_cast %get3A_306 : vector<1x16xf32> to vector<16xf32>
      %add3A_308 = arith.addf %add3A_294, %get3A_307 : vector<16xf32>
      %add3A_309 = arith.constant 8 : i32
      %add3A_310 = arith.addi %mul3A_203, %add3A_309 : i32
      %get3A_311 = arith.index_cast %add3A_310 : i32 to index
      %get3A_312 = arith.constant 0 : index
      %get3A_313 = tpu.vector_load %arg7[%get3A_311, %get3A_312] {strides = array<i32>} : memref<1664x32xf32, #tpu.memory_space<vmem>>, vector<1x16xf32>,
      %get3A_314 = vector.shape_cast %get3A_313 : vector<1x16xf32> to vector<16xf32>
      %add3A_315 = arith.addf %add3A_301, %get3A_314 : vector<16xf32>
      %add3A_316 = arith.constant 8 : i32
      %add3A_317 = arith.addi %mul3A_203, %add3A_316 : i32
      %get3A_318 = arith.index_cast %add3A_317 : i32 to index
      %get3A_319 = arith.constant 16 : index
      %get3A_320 = tpu.vector_load %arg7[%get3A_318, %get3A_319] {strides = array<i32>} : memref<1664x32xf32, #tpu.memory_space<vmem>>, vector<1x16xf32>,
      %get3A_321 = vector.shape_cast %get3A_320 : vector<1x16xf32> to vector<16xf32>
      %add3A_322 = arith.addf %add3A_308, %get3A_321 : vector<16xf32>
      %add3A_323 = arith.constant 9 : i32
      %add3A_324 = arith.addi %mul3A_203, %add3A_323 : i32
      %get3A_325 = arith.index_cast %add3A_324 : i32 to index
      %get3A_326 = arith.constant 0 : index
      %get3A_327 = tpu.vector_load %arg7[%get3A_325, %get3A_326] {strides = array<i32>} : memref<1664x32xf32, #tpu.memory_space<vmem>>, vector<1x16xf32>,
      %get3A_328 = vector.shape_cast %get3A_327 : vector<1x16xf32> to vector<16xf32>
      %add3A_329 = arith.addf %add3A_315, %get3A_328 : vector<16xf32>
      %add3A_330 = arith.constant 9 : i32
      %add3A_331 = arith.addi %mul3A_203, %add3A_330 : i32
      %get3A_332 = arith.index_cast %add3A_331 : i32 to index
      %get3A_333 = arith.constant 16 : index
      %get3A_334 = tpu.vector_load %arg7[%get3A_332, %get3A_333] {strides = array<i32>} : memref<1664x32xf32, #tpu.memory_space<vmem>>, vector<1x16xf32>,
      %get3A_335 = vector.shape_cast %get3A_334 : vector<1x16xf32> to vector<16xf32>
      %add3A_336 = arith.addf %add3A_322, %get3A_335 : vector<16xf32>
      %add3A_337 = arith.constant 10 : i32
      %add3A_338 = arith.addi %mul3A_203, %add3A_337 : i32
      %get3A_339 = arith.index_cast %add3A_338 : i32 to index
      %get3A_340 = arith.constant 0 : index
      %get3A_341 = tpu.vector_load %arg7[%get3A_339, %get3A_340] {strides = array<i32>} : memref<1664x32xf32, #tpu.memory_space<vmem>>, vector<1x16xf32>,
      %get3A_342 = vector.shape_cast %get3A_341 : vector<1x16xf32> to vector<16xf32>
      %add3A_343 = arith.addf %add3A_329, %get3A_342 : vector<16xf32>
      %add3A_344 = arith.constant 10 : i32
      %add3A_345 = arith.addi %mul3A_203, %add3A_344 : i32
      %get3A_346 = arith.index_cast %add3A_345 : i32 to index
      %get3A_347 = arith.constant 16 : index
      %get3A_348 = tpu.vector_load %arg7[%get3A_346, %get3A_347] {strides = array<i32>} : memref<1664x32xf32, #tpu.memory_space<vmem>>, vector<1x16xf32>,
      %get3A_349 = vector.shape_cast %get3A_348 : vector<1x16xf32> to vector<16xf32>
      %add3A_350 = arith.addf %add3A_336, %get3A_349 : vector<16xf32>
      %add3A_351 = arith.constant 11 : i32
      %add3A_352 = arith.addi %mul3A_203, %add3A_351 : i32
      %get3A_353 = arith.index_cast %add3A_352 : i32 to index
      %get3A_354 = arith.constant 0 : index
      %get3A_355 = tpu.vector_load %arg7[%get3A_353, %get3A_354] {strides = array<i32>} : memref<1664x32xf32, #tpu.memory_space<vmem>>, vector<1x16xf32>,
      %get3A_356 = vector.shape_cast %get3A_355 : vector<1x16xf32> to vector<16xf32>
      %add3A_357 = arith.addf %add3A_343, %get3A_356 : vector<16xf32>
      %add3A_358 = arith.constant 11 : i32
      %add3A_359 = arith.addi %mul3A_203, %add3A_358 : i32
      %get3A_360 = arith.index_cast %add3A_359 : i32 to index
      %get3A_361 = arith.constant 16 : index
      %get3A_362 = tpu.vector_load %arg7[%get3A_360, %get3A_361] {strides = array<i32>} : memref<1664x32xf32, #tpu.memory_space<vmem>>, vector<1x16xf32>,
      %get3A_363 = vector.shape_cast %get3A_362 : vector<1x16xf32> to vector<16xf32>
      %add3A_364 = arith.addf %add3A_350, %get3A_363 : vector<16xf32>
      %add3A_365 = arith.constant 12 : i32
      %add3A_366 = arith.addi %mul3A_203, %add3A_365 : i32
      %get3A_367 = arith.index_cast %add3A_366 : i32 to index
      %get3A_368 = arith.constant 0 : index
      %get3A_369 = tpu.vector_load %arg7[%get3A_367, %get3A_368] {strides = array<i32>} : memref<1664x32xf32, #tpu.memory_space<vmem>>, vector<1x16xf32>,
      %get3A_370 = vector.shape_cast %get3A_369 : vector<1x16xf32> to vector<16xf32>
      %add3A_371 = arith.addf %add3A_357, %get3A_370 : vector<16xf32>
      %add3A_372 = arith.constant 12 : i32
      %add3A_373 = arith.addi %mul3A_203, %add3A_372 : i32
      %get3A_374 = arith.index_cast %add3A_373 : i32 to index
      %get3A_375 = arith.constant 16 : index
      %get3A_376 = tpu.vector_load %arg7[%get3A_374, %get3A_375] {strides = array<i32>} : memref<1664x32xf32, #tpu.memory_space<vmem>>, vector<1x16xf32>,
      %get3A_377 = vector.shape_cast %get3A_376 : vector<1x16xf32> to vector<16xf32>
      %add3A_378 = arith.addf %add3A_364, %get3A_377 : vector<16xf32>
      %add3A_379 = arith.constant 13 : i32
      %add3A_380 = arith.addi %mul3A_203, %add3A_379 : i32
      %get3A_381 = arith.index_cast %add3A_380 : i32 to index
      %get3A_382 = arith.constant 0 : index
      %get3A_383 = tpu.vector_load %arg7[%get3A_381, %get3A_382] {strides = array<i32>} : memref<1664x32xf32, #tpu.memory_space<vmem>>, vector<1x16xf32>,
      %get3A_384 = vector.shape_cast %get3A_383 : vector<1x16xf32> to vector<16xf32>
      %add3A_385 = arith.addf %add3A_371, %get3A_384 : vector<16xf32>
      %add3A_386 = arith.constant 13 : i32
      %add3A_387 = arith.addi %mul3A_203, %add3A_386 : i32
      %get3A_388 = arith.index_cast %add3A_387 : i32 to index
      %get3A_389 = arith.constant 16 : index
      %get3A_390 = tpu.vector_load %arg7[%get3A_388, %get3A_389] {strides = array<i32>} : memref<1664x32xf32, #tpu.memory_space<vmem>>, vector<1x16xf32>,
      %get3A_391 = vector.shape_cast %get3A_390 : vector<1x16xf32> to vector<16xf32>
      %add3A_392 = arith.addf %add3A_378, %get3A_391 : vector<16xf32>
      %add3A_393 = arith.constant 14 : i32
      %add3A_394 = arith.addi %mul3A_203, %add3A_393 : i32
      %get3A_395 = arith.index_cast %add3A_394 : i32 to index
      %get3A_396 = arith.constant 0 : index
      %get3A_397 = tpu.vector_load %arg7[%get3A_395, %get3A_396] {strides = array<i32>} : memref<1664x32xf32, #tpu.memory_space<vmem>>, vector<1x16xf32>,
      %get3A_398 = vector.shape_cast %get3A_397 : vector<1x16xf32> to vector<16xf32>
      %add3A_399 = arith.addf %add3A_385, %get3A_398 : vector<16xf32>
      %add3A_400 = arith.constant 14 : i32
      %add3A_401 = arith.addi %mul3A_203, %add3A_400 : i32
      %get3A_402 = arith.index_cast %add3A_401 : i32 to index
      %get3A_403 = arith.constant 16 : index
      %get3A_404 = tpu.vector_load %arg7[%get3A_402, %get3A_403] {strides = array<i32>} : memref<1664x32xf32, #tpu.memory_space<vmem>>, vector<1x16xf32>,
      %get3A_405 = vector.shape_cast %get3A_404 : vector<1x16xf32> to vector<16xf32>
      %add3A_406 = arith.addf %add3A_392, %get3A_405 : vector<16xf32>
      %add3A_407 = arith.constant 15 : i32
      %add3A_408 = arith.addi %mul3A_203, %add3A_407 : i32
      %get3A_409 = arith.index_cast %add3A_408 : i32 to index
      %get3A_410 = arith.constant 0 : index
      %get3A_411 = tpu.vector_load %arg7[%get3A_409, %get3A_410] {strides = array<i32>} : memref<1664x32xf32, #tpu.memory_space<vmem>>, vector<1x16xf32>,
      %get3A_412 = vector.shape_cast %get3A_411 : vector<1x16xf32> to vector<16xf32>
      %add3A_413 = arith.addf %add3A_399, %get3A_412 : vector<16xf32>
      %add3A_414 = arith.constant 15 : i32
      %add3A_415 = arith.addi %mul3A_203, %add3A_414 : i32
      %get3A_416 = arith.index_cast %add3A_415 : i32 to index
      %get3A_417 = arith.constant 16 : index
      %get3A_418 = tpu.vector_load %arg7[%get3A_416, %get3A_417] {strides = array<i32>} : memref<1664x32xf32, #tpu.memory_space<vmem>>, vector<1x16xf32>,
      %get3A_419 = vector.shape_cast %get3A_418 : vector<1x16xf32> to vector<16xf32>
      %add3A_420 = arith.addf %add3A_406, %get3A_419 : vector<16xf32>
      %add3A_421 = arith.constant 16 : i32
      %add3A_422 = arith.addi %mul3A_203, %add3A_421 : i32
      %get3A_423 = arith.index_cast %add3A_422 : i32 to index
      %get3A_424 = arith.constant 0 : index
      %get3A_425 = tpu.vector_load %arg7[%get3A_423, %get3A_424] {strides = array<i32>} : memref<1664x32xf32, #tpu.memory_space<vmem>>, vector<1x16xf32>,
      %get3A_426 = vector.shape_cast %get3A_425 : vector<1x16xf32> to vector<16xf32>
      %add3A_427 = arith.addf %add3A_413, %get3A_426 : vector<16xf32>
      %add3A_428 = arith.constant 16 : i32
      %add3A_429 = arith.addi %mul3A_203, %add3A_428 : i32
      %get3A_430 = arith.index_cast %add3A_429 : i32 to index
      %get3A_431 = arith.constant 16 : index
      %get3A_432 = tpu.vector_load %arg7[%get3A_430, %get3A_431] {strides = array<i32>} : memref<1664x32xf32, #tpu.memory_space<vmem>>, vector<1x16xf32>,
      %get3A_433 = vector.shape_cast %get3A_432 : vector<1x16xf32> to vector<16xf32>
      %add3A_434 = arith.addf %add3A_420, %get3A_433 : vector<16xf32>
      %add3A_435 = arith.constant 17 : i32
      %add3A_436 = arith.addi %mul3A_203, %add3A_435 : i32
      %get3A_437 = arith.index_cast %add3A_436 : i32 to index
      %get3A_438 = arith.constant 0 : index
      %get3A_439 = tpu.vector_load %arg7[%get3A_437, %get3A_438] {strides = array<i32>} : memref<1664x32xf32, #tpu.memory_space<vmem>>, vector<1x16xf32>,
      %get3A_440 = vector.shape_cast %get3A_439 : vector<1x16xf32> to vector<16xf32>
      %add3A_441 = arith.addf %add3A_427, %get3A_440 : vector<16xf32>
      %add3A_442 = arith.constant 17 : i32
      %add3A_443 = arith.addi %mul3A_203, %add3A_442 : i32
      %get3A_444 = arith.index_cast %add3A_443 : i32 to index
      %get3A_445 = arith.constant 16 : index
      %get3A_446 = tpu.vector_load %arg7[%get3A_444, %get3A_445] {strides = array<i32>} : memref<1664x32xf32, #tpu.memory_space<vmem>>, vector<1x16xf32>,
      %get3A_447 = vector.shape_cast %get3A_446 : vector<1x16xf32> to vector<16xf32>
      %add3A_448 = arith.addf %add3A_434, %get3A_447 : vector<16xf32>
      %add3A_449 = arith.constant 18 : i32
      %add3A_450 = arith.addi %mul3A_203, %add3A_449 : i32
      %get3A_451 = arith.index_cast %add3A_450 : i32 to index
      %get3A_452 = arith.constant 0 : index
      %get3A_453 = tpu.vector_load %arg7[%get3A_451, %get3A_452] {strides = array<i32>} : memref<1664x32xf32, #tpu.memory_space<vmem>>, vector<1x16xf32>,
      %get3A_454 = vector.shape_cast %get3A_453 : vector<1x16xf32> to vector<16xf32>
      %add3A_455 = arith.addf %add3A_441, %get3A_454 : vector<16xf32>
      %add3A_456 = arith.constant 18 : i32
      %add3A_457 = arith.addi %mul3A_203, %add3A_456 : i32
      %get3A_458 = arith.index_cast %add3A_457 : i32 to index
      %get3A_459 = arith.constant 16 : index
      %get3A_460 = tpu.vector_load %arg7[%get3A_458, %get3A_459] {strides = array<i32>} : memref<1664x32xf32, #tpu.memory_space<vmem>>, vector<1x16xf32>,
      %get3A_461 = vector.shape_cast %get3A_460 : vector<1x16xf32> to vector<16xf32>
      %add3A_462 = arith.addf %add3A_448, %get3A_461 : vector<16xf32>
      %add3A_463 = arith.constant 19 : i32
      %add3A_464 = arith.addi %mul3A_203, %add3A_463 : i32
      %get3A_465 = arith.index_cast %add3A_464 : i32 to index
      %get3A_466 = arith.constant 0 : index
      %get3A_467 = tpu.vector_load %arg7[%get3A_465, %get3A_466] {strides = array<i32>} : memref<1664x32xf32, #tpu.memory_space<vmem>>, vector<1x16xf32>,
      %get3A_468 = vector.shape_cast %get3A_467 : vector<1x16xf32> to vector<16xf32>
      %add3A_469 = arith.addf %add3A_455, %get3A_468 : vector<16xf32>
      %add3A_470 = arith.constant 19 : i32
      %add3A_471 = arith.addi %mul3A_203, %add3A_470 : i32
      %get3A_472 = arith.index_cast %add3A_471 : i32 to index
      %get3A_473 = arith.constant 16 : index
      %get3A_474 = tpu.vector_load %arg7[%get3A_472, %get3A_473] {strides = array<i32>} : memref<1664x32xf32, #tpu.memory_space<vmem>>, vector<1x16xf32>,
      %get3A_475 = vector.shape_cast %get3A_474 : vector<1x16xf32> to vector<16xf32>
      %add3A_476 = arith.addf %add3A_462, %get3A_475 : vector<16xf32>
      %add3A_477 = arith.constant 20 : i32
      %add3A_478 = arith.addi %mul3A_203, %add3A_477 : i32
      %get3A_479 = arith.index_cast %add3A_478 : i32 to index
      %get3A_480 = arith.constant 0 : index
      %get3A_481 = tpu.vector_load %arg7[%get3A_479, %get3A_480] {strides = array<i32>} : memref<1664x32xf32, #tpu.memory_space<vmem>>, vector<1x16xf32>,
      %get3A_482 = vector.shape_cast %get3A_481 : vector<1x16xf32> to vector<16xf32>
      %add3A_483 = arith.addf %add3A_469, %get3A_482 : vector<16xf32>
      %add3A_484 = arith.constant 20 : i32
      %add3A_485 = arith.addi %mul3A_203, %add3A_484 : i32
      %get3A_486 = arith.index_cast %add3A_485 : i32 to index
      %get3A_487 = arith.constant 16 : index
      %get3A_488 = tpu.vector_load %arg7[%get3A_486, %get3A_487] {strides = array<i32>} : memref<1664x32xf32, #tpu.memory_space<vmem>>, vector<1x16xf32>,
      %get3A_489 = vector.shape_cast %get3A_488 : vector<1x16xf32> to vector<16xf32>
      %add3A_490 = arith.addf %add3A_476, %get3A_489 : vector<16xf32>
      %add3A_491 = arith.constant 21 : i32
      %add3A_492 = arith.addi %mul3A_203, %add3A_491 : i32
      %get3A_493 = arith.index_cast %add3A_492 : i32 to index
      %get3A_494 = arith.constant 0 : index
      %get3A_495 = tpu.vector_load %arg7[%get3A_493, %get3A_494] {strides = array<i32>} : memref<1664x32xf32, #tpu.memory_space<vmem>>, vector<1x16xf32>,
      %get3A_496 = vector.shape_cast %get3A_495 : vector<1x16xf32> to vector<16xf32>
      %add3A_497 = arith.addf %add3A_483, %get3A_496 : vector<16xf32>
      %add3A_498 = arith.constant 21 : i32
      %add3A_499 = arith.addi %mul3A_203, %add3A_498 : i32
      %get3A_500 = arith.index_cast %add3A_499 : i32 to index
      %get3A_501 = arith.constant 16 : index
      %get3A_502 = tpu.vector_load %arg7[%get3A_500, %get3A_501] {strides = array<i32>} : memref<1664x32xf32, #tpu.memory_space<vmem>>, vector<1x16xf32>,
      %get3A_503 = vector.shape_cast %get3A_502 : vector<1x16xf32> to vector<16xf32>
      %add3A_504 = arith.addf %add3A_490, %get3A_503 : vector<16xf32>
      %add3A_505 = arith.constant 22 : i32
      %add3A_506 = arith.addi %mul3A_203, %add3A_505 : i32
      %get3A_507 = arith.index_cast %add3A_506 : i32 to index
      %get3A_508 = arith.constant 0 : index
      %get3A_509 = tpu.vector_load %arg7[%get3A_507, %get3A_508] {strides = array<i32>} : memref<1664x32xf32, #tpu.memory_space<vmem>>, vector<1x16xf32>,
      %get3A_510 = vector.shape_cast %get3A_509 : vector<1x16xf32> to vector<16xf32>
      %add3A_511 = arith.addf %add3A_497, %get3A_510 : vector<16xf32>
      %add3A_512 = arith.constant 22 : i32
      %add3A_513 = arith.addi %mul3A_203, %add3A_512 : i32
      %get3A_514 = arith.index_cast %add3A_513 : i32 to index
      %get3A_515 = arith.constant 16 : index
      %get3A_516 = tpu.vector_load %arg7[%get3A_514, %get3A_515] {strides = array<i32>} : memref<1664x32xf32, #tpu.memory_space<vmem>>, vector<1x16xf32>,
      %get3A_517 = vector.shape_cast %get3A_516 : vector<1x16xf32> to vector<16xf32>
      %add3A_518 = arith.addf %add3A_504, %get3A_517 : vector<16xf32>
      %add3A_519 = arith.constant 23 : i32
      %add3A_520 = arith.addi %mul3A_203, %add3A_519 : i32
      %get3A_521 = arith.index_cast %add3A_520 : i32 to index
      %get3A_522 = arith.constant 0 : index
      %get3A_523 = tpu.vector_load %arg7[%get3A_521, %get3A_522] {strides = array<i32>} : memref<1664x32xf32, #tpu.memory_space<vmem>>, vector<1x16xf32>,
      %get3A_524 = vector.shape_cast %get3A_523 : vector<1x16xf32> to vector<16xf32>
      %add3A_525 = arith.addf %add3A_511, %get3A_524 : vector<16xf32>
      %add3A_526 = arith.constant 23 : i32
      %add3A_527 = arith.addi %mul3A_203, %add3A_526 : i32
      %get3A_528 = arith.index_cast %add3A_527 : i32 to index
      %get3A_529 = arith.constant 16 : index
      %get3A_530 = tpu.vector_load %arg7[%get3A_528, %get3A_529] {strides = array<i32>} : memref<1664x32xf32, #tpu.memory_space<vmem>>, vector<1x16xf32>,
      %get3A_531 = vector.shape_cast %get3A_530 : vector<1x16xf32> to vector<16xf32>
      %add3A_532 = arith.addf %add3A_518, %get3A_531 : vector<16xf32>
      %add3A_533 = arith.constant 24 : i32
      %add3A_534 = arith.addi %mul3A_203, %add3A_533 : i32
      %get3A_535 = arith.index_cast %add3A_534 : i32 to index
      %get3A_536 = arith.constant 0 : index
      %get3A_537 = tpu.vector_load %arg7[%get3A_535, %get3A_536] {strides = array<i32>} : memref<1664x32xf32, #tpu.memory_space<vmem>>, vector<1x16xf32>,
      %get3A_538 = vector.shape_cast %get3A_537 : vector<1x16xf32> to vector<16xf32>
      %add3A_539 = arith.addf %add3A_525, %get3A_538 : vector<16xf32>
      %add3A_540 = arith.constant 24 : i32
      %add3A_541 = arith.addi %mul3A_203, %add3A_540 : i32
      %get3A_542 = arith.index_cast %add3A_541 : i32 to index
      %get3A_543 = arith.constant 16 : index
      %get3A_544 = tpu.vector_load %arg7[%get3A_542, %get3A_543] {strides = array<i32>} : memref<1664x32xf32, #tpu.memory_space<vmem>>, vector<1x16xf32>,
      %get3A_545 = vector.shape_cast %get3A_544 : vector<1x16xf32> to vector<16xf32>
      %add3A_546 = arith.addf %add3A_532, %get3A_545 : vector<16xf32>
      %add3A_547 = arith.constant 25 : i32
      %add3A_548 = arith.addi %mul3A_203, %add3A_547 : i32
      %get3A_549 = arith.index_cast %add3A_548 : i32 to index
      %get3A_550 = arith.constant 0 : index
      %get3A_551 = tpu.vector_load %arg7[%get3A_549, %get3A_550] {strides = array<i32>} : memref<1664x32xf32, #tpu.memory_space<vmem>>, vector<1x16xf32>,
      %get3A_552 = vector.shape_cast %get3A_551 : vector<1x16xf32> to vector<16xf32>
      %add3A_553 = arith.addf %add3A_539, %get3A_552 : vector<16xf32>
      %add3A_554 = arith.constant 25 : i32
      %add3A_555 = arith.addi %mul3A_203, %add3A_554 : i32
      %get3A_556 = arith.index_cast %add3A_555 : i32 to index
      %get3A_557 = arith.constant 16 : index
      %get3A_558 = tpu.vector_load %arg7[%get3A_556, %get3A_557] {strides = array<i32>} : memref<1664x32xf32, #tpu.memory_space<vmem>>, vector<1x16xf32>,
      %get3A_559 = vector.shape_cast %get3A_558 : vector<1x16xf32> to vector<16xf32>
      %add3A_560 = arith.addf %add3A_546, %get3A_559 : vector<16xf32>
      %swap3A = arith.index_cast %scan3A_200 : i32 to index
      %swap3A_561 = arith.constant 0 : index
      %swap3A_562 = tpu.vector_load %arg8[%swap3A, %swap3A_561] {strides = array<i32>} : memref<64x32xf32, #tpu.memory_space<vmem>>, vector<1x16xf32>,
      %swap3A_563 = vector.shape_cast %swap3A_562 : vector<1x16xf32> to vector<16xf32>
      %swap3A_564 = vector.shape_cast %add3A_553 : vector<16xf32> to vector<1x16xf32>
      tpu.vector_store %arg8[%swap3A, %swap3A_561], %swap3A_564 {strides = array<i32>} : memref<64x32xf32, #tpu.memory_space<vmem>>, vector<1x16xf32>,
      %swap3A_565 = arith.index_cast %scan3A_200 : i32 to index
      %swap3A_566 = arith.constant 16 : index
      %swap3A_567 = tpu.vector_load %arg8[%swap3A_565, %swap3A_566] {strides = array<i32>} : memref<64x32xf32, #tpu.memory_space<vmem>>, vector<1x16xf32>,
      %swap3A_568 = vector.shape_cast %swap3A_567 : vector<1x16xf32> to vector<16xf32>
      %swap3A_569 = vector.shape_cast %add3A_560 : vector<16xf32> to vector<1x16xf32>
      tpu.vector_store %arg8[%swap3A_565, %swap3A_566], %swap3A_569 {strides = array<i32>} : memref<64x32xf32, #tpu.memory_space<vmem>>, vector<1x16xf32>,
      %scan3A_570 = arith.constant 0 : i32
      scf.yield %scan3A_570 : i32
    }
    %scan3A_195 = arith.constant 64 : i32
    %mul3A_196 = arith.constant 512 : i32
    %mul3A_197 = arith.muli %add3A, %mul3A_196 : i32
    %add3A_198 = arith.constant 448 : i32
    %add3A_199 = arith.addi %mul3A_197, %add3A_198 : i32
    "tpu.region"() ({
      %run_scoped3A = tpu.sem_alloc : memref<!tpu.dma_semaphore, #tpu.memory_space<semaphore_mem>>
      %dma_start3A = arith.constant 0 : i32
      %dma_start3A_200 = tpu.memref_slice %arg4[%add3A_199, %dma_start3A] : memref<16384x32xf32, #tpu.memory_space<hbm>> -> memref<64x32xf32, #tpu.memory_space<hbm>>
      %dma_start3A_201 = arith.constant 0 : i32
      %dma_start3A_202 = tpu.memref_slice %arg4[%add3A_199, %dma_start3A_201] : memref<16384x32xf32, #tpu.memory_space<hbm>> -> memref<64x32xf32, #tpu.memory_space<hbm>>
      tpu.enqueue_dma source(%arg8 : memref<64x32xf32, #tpu.memory_space<vmem>>) target(%dma_start3A_202 : memref<64x32xf32, #tpu.memory_space<hbm>>) target_semaphore(%run_scoped3A : memref<!tpu.dma_semaphore, #tpu.memory_space<semaphore_mem>>)
      %dma_wait3A = arith.constant 0 : i32
      %dma_wait3A_203 = tpu.memref_slice %arg4[%add3A_199, %dma_wait3A] : memref<16384x32xf32, #tpu.memory_space<hbm>> -> memref<64x32xf32, #tpu.memory_space<hbm>>
      %dma_wait3A_204 = arith.constant 0 : i32
      %dma_wait3A_205 = tpu.memref_slice %arg4[%add3A_199, %dma_wait3A_204] : memref<16384x32xf32, #tpu.memory_space<hbm>> -> memref<64x32xf32, #tpu.memory_space<hbm>>
      tpu.wait_dma2 semaphore(%run_scoped3A : memref<!tpu.dma_semaphore, #tpu.memory_space<semaphore_mem>>) src(%arg8 : memref<64x32xf32, #tpu.memory_space<vmem>>) dst(%dma_wait3A_205 : memref<64x32xf32, #tpu.memory_space<hbm>>)
      tpu.yield
    }) : () -> ()
    return
  }
}

</mosaic_0001>

<sc_bundles>
// kernel: kernel.3.cloned.1.call-start
scs
__scs_entry_jumppad:
0x0: {  	(pc) =	sbr.rel $0x88, $3  }
0x1: {  	(tag) =	ssettag $0x0;
	lr =	simm.s32 $0x1  }
0x2: {  	[smem:$0x3F9F] =	sst lr;
	_ =	strace $0xD0000000  }
0x3: {  	_ = 	snop  }
0x4: {  	_ = 	snop  }
0x5: {  	_ = 	snop  }
0x6: {  	_ = 	snop  }
0x7: {  	_ = 	snop  }
__scs_overlays_trampoline_lowered:
0x8: {  	[smem:$0x3FAE] =	sst s0  }
0x9: {  	[smem:$0x3FAF] =	sst s1  }
0xa: {  	[smem:$0x3FB0] =	sst s2  }
0xb: {  	[smem:$0x3FB1] =	sst s3  }
0xc: {  	[smem:$0x3FB2] =	sst s4  }
0xd: {  	[smem:$0x3FB3] =	sst s5  }
0xe: {  	[smem:$0x3FB4] =	sst s6  }
0xf: {  	[smem:$0x3FB5] =	sst s7  }
0x10: {  	[smem:$0x3FB6] =	sst s8  }
0x11: {  	[smem:$0x3FB7] =	sst s9;
	s0 =	simm.s32 @!p0 $0x0  }
0x12: {  	s1 =	sld [smem:$0x3F9D];
	s0 =	simm.s32 @p0 $0x1  }
0x13: {  	[smem:$0x3FB8] =	sst s0;
	s0 =	simm.s32 @!p1 $0x0  }
0x14: {  	s2 =	sld [smem:$0x3F9C];
	s0 =	simm.s32 @p1 $0x1  }
0x15: {  	[smem:$0x3FB9] =	sst s0;
	s0 =	simm.s32 @!p2 $0x0  }
0x16: {  	s3 =	sld [smem:$0x3FDB];
	s0 =	simm.s32 @p2 $0x1  }
0x17: {  	s4 =	simm.s32 $0x1BF5;
	[smem:$0x3FBB] =	sst s0  }
0x18: {  	s0 =	sld [smem:$0x3F9E];
	_ =	swait.ge [sflag:s4], $0x0  }
0x19: {  	s7 =	sld [smem:$0x3F9F]  }
0x1a: {  	s8 =	sadd.s32 $0xFFFFE003, lr  }
0x1b: {  	s9 =	sadd.s32 $0xFFFFFEF7, lr;
	s5 =	simm.s32 $0xFFFFFFFF;
	p2 =	slt.u32 s8, $0xFFFFF086  }
0x1c: {  	p1 =	slt.u32 s9, $0xF7A;
	s5 =	simm.s32 @!p2 $0x0  }
0x1d: {  	s5 =	simm.s32 @p1 $0x1;
	p0 =	seq.s32 s7, s2  }
0x1e: {  	s7 =	smul.u32 @!p0 $0xF7A, s2;
	p2 =	seq.s32 @!p0 s5, $0x0  }
0x1f: {  	s9 =	smul.u32 $0xF7A, s1;
	s8 =	simm.s32 @!p0 $0x1BF5;
	p2 =	por !p2, p0  }
0x20: {  	[sflag:s8] =	ssyncset.s32 @!p0 $0xFFFFF086;
	s6 =	sadd.s32 @!p0 s3, s7;
	s7 =	simm.s32 @!p0 $0x108  }
0x21: {  	s3 =	sadd.s32 s3, s9;
	s6 =	sadd.s32 @!p0 $0x88, s6;
	s7 =	simm.s32 @p2 $0x1082  }
0x22: {  	[simem:s7], [sflag:s8] =	dma.local @!p0 [hbm:s6], $0xF7A  }
0x23: {  	s9 =	sor.u32 $0xD0000000, s2;
	s6 =	simm.s32 $0x108;
	_ =	swait.ge @!p0 [sflag:s8], $0x0  }
0x24: {  	s3 =	sadd.s32 $0x88, s3;
	s6 =	simm.s32 @!p1 $0x1082;
	[sflag:s4] =	ssyncset.s32 $0xFFFFF086  }
0x25: {  	[simem:s6], [sflag:s4] =	dma.local [hbm:s3], $0xF7A  }
0x26: {  	[smem:$0x3F9F] =	sst s1;
	(tag) =	ssettag s2;
	_ =	strace s9  }
0x27: {  	s1 =	sld [smem:$0x3FAF]  }
0x28: {  	s2 =	sld [smem:$0x3FB0]  }
0x29: {  	s4 =	sld [smem:$0x3FB2]  }
0x2a: {  	p0 =	seq.s32 s5, $0x0;
	s5 =	sld [smem:$0x3FB3]  }
0x2b: {  	s6 =	sld [smem:$0x3FB4]  }
0x2c: {  	s7 =	sld [smem:$0x3FB5]  }
0x2d: {  	s3 =	simm.s32 $0x108;
	s8 =	sld [smem:$0x3FB6]  }
0x2e: {  	s3 =	simm.s32 @!p0 $0x1082;
	s9 =	sld [smem:$0x3FB7]  }
0x2f: {  	lr =	sadd.s32 s0, s3;
	s0 =	sld [smem:$0x3FAE]  }
0x30: {  	s3 =	sld [smem:$0x3FB1]  }
0x31: {  	[smem:$0x3FBA] =	sst s10  }
0x32: {  	s10 =	sld [smem:$0x3FB8];
	_ =	sdelay $0x3  }
0x33: {  	p0 =	seq.s32 s10, $0x1;
	s10 =	sld [smem:$0x3FBA];
	_ =	sdelay $0x3  }
0x34: {  	[smem:$0x3FBA] =	sst s10  }
0x35: {  	s10 =	sld [smem:$0x3FB9];
	_ =	sdelay $0x3  }
0x36: {  	p1 =	seq.s32 s10, $0x1;
	s10 =	sld [smem:$0x3FBA];
	_ =	sdelay $0x3  }
0x37: {  	[smem:$0x3FBA] =	sst s10  }
0x38: {  	s10 =	sld [smem:$0x3FBB]  }
0x39: {  	_ = 	snop;
	(pc) =	sbr.ind lr, $3  }
0x3a: {  	_ = 	snop  }
0x3b: {  	_ = 	snop  }
0x3c: {  	p2 =	seq.s32 s10, $0x1;
	s10 =	sld [smem:$0x3FBA]  }
0x3d: {  	_ =	shalt  }
0x3e: {  	_ =	shalt  }
0x3f: {  	_ =	shalt  }
0x40: {  	_ =	shalt  }
0x41: {  	_ =	shalt  }
0x42: {  	_ =	shalt  }
0x43: {  	_ =	shalt  }
0x44: {  	_ =	shalt  }
0x45: {  	_ =	shalt  }
0x46: {  	_ =	shalt  }
0x47: {  	_ =	shalt  }
0x48: {  	_ =	shalt  }
0x49: {  	_ =	shalt  }
0x4a: {  	_ =	shalt  }
0x4b: {  	_ =	shalt  }
0x4c: {  	_ =	shalt  }
0x4d: {  	_ =	shalt  }
0x4e: {  	_ =	shalt  }
0x4f: {  	_ =	shalt  }
0x50: {  	_ =	shalt  }
0x51: {  	_ =	shalt  }
0x52: {  	_ =	shalt  }
0x53: {  	_ =	shalt  }
0x54: {  	_ =	shalt  }
0x55: {  	_ =	shalt  }
0x56: {  	_ =	shalt  }
0x57: {  	_ =	shalt  }
0x58: {  	_ =	shalt  }
0x59: {  	_ =	shalt  }
0x5a: {  	_ =	shalt  }
0x5b: {  	_ =	shalt  }
0x5c: {  	_ =	shalt  }
0x5d: {  	_ =	shalt  }
0x5e: {  	_ =	shalt  }
0x5f: {  	_ =	shalt  }
0x60: {  	_ =	shalt  }
0x61: {  	_ =	shalt  }
0x62: {  	_ =	shalt  }
0x63: {  	_ =	shalt  }
0x64: {  	_ =	shalt  }
0x65: {  	_ =	shalt  }
0x66: {  	_ =	shalt  }
0x67: {  	_ =	shalt  }
0x68: {  	_ =	shalt  }
0x69: {  	_ =	shalt  }
0x6a: {  	_ =	shalt  }
0x6b: {  	_ =	shalt  }
0x6c: {  	_ =	shalt  }
0x6d: {  	_ =	shalt  }
0x6e: {  	_ =	shalt  }
0x6f: {  	_ =	shalt  }
0x70: {  	_ =	shalt  }
0x71: {  	_ =	shalt  }
0x72: {  	_ =	shalt  }
0x73: {  	_ =	shalt  }
0x74: {  	_ =	shalt  }
0x75: {  	_ =	shalt  }
0x76: {  	_ =	shalt  }
0x77: {  	_ =	shalt  }
0x78: {  	_ =	shalt  }
0x79: {  	_ =	shalt  }
0x7a: {  	_ =	shalt  }
0x7b: {  	_ =	shalt  }
0x7c: {  	_ =	shalt  }
0x7d: {  	_ =	shalt  }
0x7e: {  	_ =	shalt  }
0x7f: {  	_ =	shalt  }
0x80: {  	_ =	shalt  }
0x81: {  	_ =	shalt  }
0x82: {  	_ =	shalt  }
0x83: {  	_ =	shalt  }
0x84: {  	_ =	shalt  }
0x85: {  	_ =	shalt  }
0x86: {  	_ =	shalt  }
0x87: {  	_ =	shalt  }
.Lfunc_end0:
.L_simem_size_0:
called_computation_lowered:
.L_overlay_start_0:
0x88: {  	s2 =	sld [smem:$0x3FD9]  }
0x89: {  	s3 =	sld [smem:$0x3FFE];
	_ =	sdelay $0x1  }
0x8a: {  	s1 =	srdreg.scid  }
0x8b: {  	s0 =	sand.u32 $0x1, s1  }
0x8c: {  	s17 =	sshll.u32 s0, $0xA;
	s2 =	sadd.s32 s3, s2  }
0x8d: {  	s2 =	sadd.s32 s2, s17  }
0x8e: {  	[smem:$0x3FC6] =	sst s2  }
0x8f: {  	_ = 	snop  }
0x90: {  	s2 =	sld [smem:$0x3FD0];
	(tm) =	ssettm $0x1  }
0x91: {  	s18 =	sld [smem:$0x3FFB];
	_ =	sdelay $0x3  }
0x92: {  	_ =	strace s18  }
0x93: {  	s3 =	sld [smem:$0x3FFC];
	_ =	sdelay $0x3  }
0x94: {  	_ =	strace s3  }
0x95: {  	s3 =	sld [smem:$0x3FFD];
	_ =	sdelay $0x3  }
0x96: {  	_ =	strace s3  }
0x97: {  	_ =	strace $0x8FFFFFFF  }
0x98: {  	s19 =	sld [smem:$0x3FDB];
	_ =	sdelay $0x1  }
0x99: {  	s4 =	simm.s32 $_scs_section_size  }
0x9a: {  	s5 =	simm.s32 $_size__tile_overlayer_lowered;
	s6 =	simm.s32 $_tile_overlayer_lowered  }
0x9b: {  	s22 =	simm.s32 $0x1BFF;
	s21 =	sshll.u32 s6, $0x1;
	s3 =	sadd.s32 s4, s19  }
0x9c: {  	s7 =	simm.s32 $0x0;
	s20 =	sshll.u32 s5, $0x1;
	s5 =	sadd.s32 s21, s3  }
0x9d: {  	[timem:s7], [sflag:s22] =	dma.local [hbm:s5], s20  }
0x9e: {  	_ =	swait.ge [sflag:s22], s20  }
0x9f: {  	s4 =	ssub.s32 $0x0, s20;
	[sflag:s22] =	ssyncset.done $0x0  }
0xa0: {  	[sflag:s22] =	ssyncadd.s32 s4;
	_ =	sdelay $0x1  }
0xa1: {  	s23 =	simm.s32 $0x1B8B  }
0xa2: {  	_ =	swait.ge [sflag:s23], $0x1  }
0xa3: {  	[sflag:s23] =	ssyncset.done $0x0  }
0xa4: {  	s25 =	simm.s32 $0x1B8E;
	s24 =	sld [smem:$0x3FFE];
	[sflag:s23] =	ssyncadd.s32 $0xFFFFFFFF  }
0xa5: {  	s26 =	simm.s32 $execute0_lowered;
	[smem:$0x3FD2] =	sst s25  }
0xa6: {  	s5 =	sshll.u32 s26, $0x1;
	_ =	strace $0x80000046;
	[dreg:$0x1] =	wrdreg $0xFFFFFFFF  }
0xa7: {  	s28 =	simm.s32 $_size_execute0_lowered;
	s3 =	sadd.s32 s3, s5;
	[dreg:$0x0] =	wrdreg $0x0  }
0xa8: {  	s5 =	sshll.u32 s28, $0x1;
	[dreg:$0x2] =	wrdreg s3  }
0xa9: {  	[dreg:$0x3] =	wrdreg s5  }
0xaa: {  	[dreg:$0x4] =	wrdreg $0xC0  }
0xab: {  	_ =	task [dreg:s7], $0x5FFFF  }
0xac: {  	[dreg:$0x1] =	wrdreg $0xFFFFFFFF  }
0xad: {  	[dreg:$0x0] =	wrdreg $0x60  }
0xae: {  	[dreg:$0x2] =	wrdreg s24  }
0xaf: {  	[dreg:$0x3] =	wrdreg s2  }
0xb0: {  	[dreg:$0x4] =	wrdreg $0x9  }
0xb1: {  	_ =	task.clear_ibuf [dreg:s7], $0x5FFFF;
	_ =	strace $0x90000046  }
0xb2: {  	s29 =	simm.s32 $0x9;
	_ =	strace $0x80000048  }
0xb3: {  	_ =	swait.ge [sflag:s29], $0x1  }
0xb4: {  	[sflag:s29] =	ssyncadd.s32 $0xFFFFFFFF  }
0xb5: {  	_ =	strace $0x90000048  }
0xb6: {  	_ =	sfence  }
0xb7: {  	s30 =	sld [smem:$0x0];
	_ =	sdelay $0x2  }
0xb8: {  	s31 =	sshll.u32 s1, $0xD;
	s1 =	sshrl.u32 s1, $0x2  }
0xb9: {  	s3 =	sand.u32 $0x4000, s31;
	s1 =	sadd.s32 s1, s30  }
0xba: {  	s0 =	sor.u32 s3, s0;
	s1 =	sshll.u32 s1, $0x11  }
0xbb: {  	s0 =	sor.u32 s1, s0  }
0xbc: {  	s0 =	sadd.s32 $0x8F2B, s0  }
0xbd: {  	[sflag:s0] =	ssyncadd.remote.s32 $0x1  }
0xbe: {  	_ =	sfence.sel $0xFFFF  }
0xbf: {  	[dreg:$0x0] =	wrdreg $0xFFFFFFFF;
	(pc) =	sbr.abs _section_cstart, $3  }
0xc0: {  	[dreg:$0x1] =	wrdreg $0xFFFFFFFF  }
0xc1: {  	_ =	task.clear_ibuf [dreg:s7], $0x2FFFF;
	_ =	strace $0x9FFFFFFF  }
0xc2: {  	(tm) =	ssettm $0x7FFFFFFF  }
0xc3: {  	_ =	shalt  }
tec
execute0_lowered:
.L_overlay_start_1:
0x0: {  	(tag) =	ssettag $0x1  }
0x1: {  	s3 =	rddreg [dreg:$0x0]  }
0x2: {  	s1 =	srdreg.scid;
	s0 =	stileid.u32  }
0x3: {  	s4 =	rddreg [dreg:$0x1];
	s2 =	simm.s32 $0x0;
	s14 =	simm.s32 $0x3  }
0x4: {  	s15 =	simm.s32 $0x1;
	s16 =	simm.s32 $0x1D400;
	s17 =	simm.s32 $0x2  }
0x5: {  	s5 =	sand.u32 $0x1, s1;
	s6 =	sshll.u32 s0, $0x1;
	s1 =	rddreg [dreg:$0x2]  }
0x6: {  	s18 =	simm.s32 $0x0;
	[smem:$0x7FF] =	sst s2;
	s6 =	sor.u32 s5, s6  }
0x7: {  	s5 =	ssub.s32 $0x2, s5;
	s7 =	smul.u32 $0x680, s6;
	s6 =	sshll.u32 s6, $0xB  }
0x8: {  	_ =	strace $0x80000047;
	s8 =	sshrl.u32 s5, $0x1;
	s4 =	sadd.s32 s4, s6  }
0x9: {  	s13 =	ssub.s32 s5, s8;
	s7 =	sadd.s32 s7, s3;
	s3 =	sadd.s32 $0x27ACC00, s3  }
0xa: {  	s6 =	sadd.s32 $0x100, s4;
	s8 =	sadd.s32 $0x300, s4;
	s9 =	sadd.s32 $0x400, s4  }
0xb: {  	s10 =	sadd.s32 $0x500, s4;
	s11 =	sadd.s32 $0x600, s4;
	s12 =	sadd.s32 $0x700, s4  }
0xc: {  	vm0 =	vmmov $0xffff;
	s13 =	smax.u32 s13, $0x1;
	s5 =	sadd.s32 $0x800, s7;
	s7 =	sadd.s32 $0x200, s4  }
.LBB2_1:
0xd: {  	[tilespmem:s2], [sflag:$0x3] =	stream.linear.gather [hbm4b:s5+s2], $0x3400, $0x38;
	[tilespmem:$0x1DC00] =	vst v63  }
0xe: {  	_ =	swait.ge [sflag:s14], $0x3400  }
0xf: {  	[sflag:s14] =	ssyncset.done $0x0  }
0x10: {  	s19 =	simm.s32 $0x0;
	[sflag:s14] =	ssyncadd.s32 $0xFFFFCC00  }
0x11: {  	v0 =	vld [tilespmem:s19+$0x0];
	_ =	sdelay $0x6  }
0x12: {  	s20 =	simm.s32 $0x10;
	s19 =	simm.s32 $0x3400  }
0x13: {  	[tilespmem:s19], [sflag:$0x1] =	stream.indirect_vreg.gather [hbm4b:s3+s2], $0x20, v0, vm0, $0xb8;
	[tilespmem:$0x1DC00] =	vst v63  }
0x14: {  	v0 =	vld [tilespmem:s20+$0x0];
	s20 =	simm.s32 $0x80  }
.LBB2_2:
0x15: {  	p0 =	sne.s32 s20, $0x19C0;
	_ =	sdelay $0x3  }
.Ltmp0:
0x16: {  	(pc) =	sbr.rel @p0 .LBB2_2-.Ltmp0, $4  }
0x17: {  	_ = 	snop  }
0x18: {  	s22 =	sshra.s32 s20, $0x2;
	s21 =	simm.s32 $0x0;
	s19 =	sadd.s32 $0x200, s19  }
0x19: {  	[tilespmem:s19], [sflag:$0x1] =	stream.indirect_vreg.gather [hbm4b:s3+s21], $0x20, v0, vm0, $0xb8;
	[tilespmem:$0x1DC00] =	vst v63  }
0x1a: {  	s20 =	sadd.s32 $0x40, s20;
	v0 =	vld [tilespmem:s22+$0x0]  }
0x1b: {  	_ =	sdelay $0x3  }
0x1c: {  	p1 =	por $0x1, $0x1  }
.Ltmp1:
0x1d: {  	_ = 	snop;
	(pc) =	sbr.rel @!p1 .LBB2_4-.Ltmp1, $4  }
0x1e: {  	_ = 	snop  }
0x1f: {  	s19 =	sadd.s32 $0x200, s19;
	s20 =	simm.s32 $0x0  }
0x20: {  	[tilespmem:s19], [sflag:$0x1] =	stream.indirect_vreg.gather [hbm4b:s3+s21], $0x20, v0, vm0, $0xb8;
	[tilespmem:$0x1DC00] =	vst v63  }
0x21: {  	p0 =	por $0x0, $0x0;
	s19 =	simm.s32 $0x10400;
	v0 =	vld [tilespmem:s20+$0x680]  }
0x22: {  	_ =	sdelay $0x3  }
0x23: {  	p1 =	por $0x1, $0x1  }
.Ltmp2:
0x24: {  	_ = 	snop;
	(pc) =	sbr.rel @!p1 .LBB2_6-.Ltmp2, $4  }
0x25: {  	_ = 	snop  }
0x26: {  	s20 =	simm.s32 $0x10  }
0x27: {  	[tilespmem:s19], [sflag:$0x2] =	stream.indirect_vreg.gather [hbm4b:s3+s2], $0x20, v0, vm0, $0xb8;
	[tilespmem:$0x1DC00] =	vst v63  }
0x28: {  	s21 =	simm.s32 $0x80;
	p0 =	por $0x1, $0x1;
	v0 =	vld [tilespmem:s20+$0x680];
	s20 =	simm.s32 $0x10400  }
.LBB2_7:
0x29: {  	p1 =	sne.s32 s21, $0x19C0;
	_ =	sdelay $0x3  }
.Ltmp3:
0x2a: {  	(pc) =	sbr.rel @p1 .LBB2_7-.Ltmp3, $4  }
0x2b: {  	_ = 	snop  }
0x2c: {  	s22 =	sshra.s32 s21, $0x2;
	s20 =	sadd.s32 $0x200, s20  }
0x2d: {  	[tilespmem:s20], [sflag:$0x2] =	stream.indirect_vreg.gather [hbm4b:s3+s2], $0x20, v0, vm0, $0xb8;
	[tilespmem:$0x1DC00] =	vst v63  }
0x2e: {  	s21 =	sadd.s32 $0x40, s21;
	v0 =	vld [tilespmem:s22+$0x680]  }
.LBB2_8:
0x2f: {  	_ =	sdelay $0x5  }
0x30: {  	s20 =	sadd.s32 @p0 $0x200, s20  }
0x31: {  	s19 =	smov.u32 @p0 s20  }
0x32: {  	[tilespmem:s19], [sflag:$0x2] =	stream.indirect_vreg.gather [hbm4b:s3+s2], $0x20, v0, vm0, $0xb8;
	[tilespmem:$0x1DC00] =	vst v63  }
0x33: {  	s19 =	simm.s32 $0x68  }
.LBB2_9:
0x34: {  	p0 =	sne.s32 s19, $0x1  }
.Ltmp4:
0x35: {  	_ = 	snop;
	(pc) =	sbr.rel @p0 .LBB2_9-.Ltmp4, $4  }
0x36: {  	_ = 	snop  }
0x37: {  	_ =	swait.ge [sflag:s15], $0x200  }
0x38: {  	[sflag:s15] =	ssyncset.done $0x0  }
0x39: {  	s19 =	sadd.s32 $0xFFFFFFFF, s19;
	[sflag:s15] =	ssyncadd.s32 $0xFFFFFE00  }
0x3a: {  	s19 =	simm.s32 $0x35A0  }
0x3b: {  	v0 =	vld [tilespmem:s19+$0xFFFFFE90]  }
0x3c: {  	v1 =	vld [tilespmem:s19+$0xFFFFFE60]  }
0x3d: {  	v2 =	vld [tilespmem:s19+$0xFFFFFE80]  }
0x3e: {  	v3 =	vld [tilespmem:s19+$0xFFFFFE70]  }
0x3f: {  	v4 =	vld [tilespmem:s19+$0xFFFFFEA0]  }
0x40: {  	v5 =	vld [tilespmem:s19+$0xFFFFFEB0]  }
0x41: {  	v6 =	vld [tilespmem:s19+$0xFFFFFEC0]  }
0x42: {  	v7 =	vld [tilespmem:s19+$0xFFFFFEE0];
	v1 =	vadd.f32 v2, v1  }
0x43: {  	v2 =	vld [tilespmem:s19+$0xFFFFFED0]  }
0x44: {  	v36 =	vld [tilespmem:s19+$0xFFFFFF00];
	v0 =	vadd.f32 v0, v3;
	v1 =	vadd.f32 v4, v1  }
0x45: {  	v3 =	vld [tilespmem:s19+$0xFFFFFEF0]  }
0x46: {  	v37 =	vld [tilespmem:s19+$0xFFFFFF10];
	v0 =	vadd.f32 v5, v0;
	v1 =	vadd.f32 v6, v1  }
0x47: {  	v38 =	vld [tilespmem:s19+$0xFFFFFF20]  }
0x48: {  	v39 =	vld [tilespmem:s19+$0xFFFFFF40];
	v0 =	vadd.f32 v2, v0;
	v1 =	vadd.f32 v7, v1  }
0x49: {  	v2 =	vld [tilespmem:s19+$0xFFFFFF30]  }
0x4a: {  	v40 =	vld [tilespmem:s19+$0xFFFFFF60];
	v0 =	vadd.f32 v3, v0;
	v1 =	vadd.f32 v36, v1  }
0x4b: {  	v3 =	vld [tilespmem:s19+$0xFFFFFF50]  }
0x4c: {  	v41 =	vld [tilespmem:s19+$0xFFFFFF70];
	v0 =	vadd.f32 v37, v0;
	v1 =	vadd.f32 v38, v1  }
0x4d: {  	v42 =	vld [tilespmem:s19+$0xFFFFFF80]  }
0x4e: {  	v43 =	vld [tilespmem:s19+$0xFFFFFFA0];
	v0 =	vadd.f32 v2, v0;
	v1 =	vadd.f32 v39, v1  }
0x4f: {  	v2 =	vld [tilespmem:s19+$0xFFFFFF90]  }
0x50: {  	v44 =	vld [tilespmem:s19+$0xFFFFFFC0];
	v0 =	vadd.f32 v3, v0;
	v1 =	vadd.f32 v40, v1  }
0x51: {  	v3 =	vld [tilespmem:s19+$0xFFFFFFB0]  }
0x52: {  	v45 =	vld [tilespmem:s19+$0xFFFFFFD0];
	v0 =	vadd.f32 v41, v0;
	v1 =	vadd.f32 v42, v1  }
0x53: {  	v46 =	vld [tilespmem:s19+$0xFFFFFFE0]  }
0x54: {  	v47 =	vld [tilespmem:s19+$0x0];
	v0 =	vadd.f32 v2, v0;
	v1 =	vadd.f32 v43, v1  }
0x55: {  	v2 =	vld [tilespmem:s19+$0xFFFFFFF0]  }
0x56: {  	v48 =	vld [tilespmem:s19+$0x20];
	v0 =	vadd.f32 v3, v0;
	v1 =	vadd.f32 v44, v1  }
0x57: {  	v3 =	vld [tilespmem:s19+$0x10]  }
0x58: {  	v49 =	vld [tilespmem:s19+$0x30];
	v0 =	vadd.f32 v45, v0;
	v1 =	vadd.f32 v46, v1  }
0x59: {  	v50 =	vld [tilespmem:s19+$0x40]  }
0x5a: {  	v51 =	vld [tilespmem:s19+$0x60];
	v0 =	vadd.f32 v2, v0;
	v1 =	vadd.f32 v47, v1  }
0x5b: {  	v2 =	vld [tilespmem:s19+$0x50]  }
0x5c: {  	v52 =	vld [tilespmem:s19+$0x80];
	v0 =	vadd.f32 v3, v0;
	v1 =	vadd.f32 v48, v1  }
0x5d: {  	v3 =	vld [tilespmem:s19+$0x70]  }
0x5e: {  	v53 =	vld [tilespmem:s19+$0x90];
	v0 =	vadd.f32 v49, v0;
	v1 =	vadd.f32 v50, v1  }
0x5f: {  	v54 =	vld [tilespmem:s19+$0xA0]  }
0x60: {  	v55 =	vld [tilespmem:s19+$0xC0];
	v0 =	vadd.f32 v2, v0;
	v1 =	vadd.f32 v51, v1  }
0x61: {  	v2 =	vld [tilespmem:s19+$0xB0]  }
0x62: {  	v56 =	vld [tilespmem:s19+$0xE0];
	v0 =	vadd.f32 v3, v0;
	v1 =	vadd.f32 v52, v1  }
0x63: {  	v3 =	vld [tilespmem:s19+$0xD0]  }
0x64: {  	v57 =	vld [tilespmem:s19+$0xF0];
	v0 =	vadd.f32 v53, v0;
	v1 =	vadd.f32 v54, v1  }
0x65: {  	v58 =	vld [tilespmem:s19+$0x100]  }
0x66: {  	v59 =	vld [tilespmem:s19+$0x120];
	v0 =	vadd.f32 v2, v0;
	v1 =	vadd.f32 v55, v1  }
0x67: {  	v2 =	vld [tilespmem:s19+$0x110]  }
0x68: {  	v60 =	vld [tilespmem:s19+$0x140];
	v0 =	vadd.f32 v3, v0;
	v1 =	vadd.f32 v56, v1  }
0x69: {  	v3 =	vld [tilespmem:s19+$0x130]  }
0x6a: {  	v61 =	vld [tilespmem:s19+$0x150];
	v0 =	vadd.f32 v57, v0;
	v1 =	vadd.f32 v58, v1  }
0x6b: {  	v62 =	vld [tilespmem:s19+$0x160]  }
0x6c: {  	v63 =	vld [tilespmem:s19+$0x180];
	v0 =	vadd.f32 v2, v0;
	v1 =	vadd.f32 v59, v1  }
0x6d: {  	v2 =	vld [tilespmem:s19+$0x170]  }
0x6e: {  	v0 =	vadd.f32 v3, v0;
	v1 =	vadd.f32 v60, v1  }
0x6f: {  	v3 =	vld [tilespmem:s19+$0x190]  }
0x70: {  	v0 =	vadd.f32 v61, v0;
	v1 =	vadd.f32 v62, v1;
	_ =	sdelay $0x1  }
0x71: {  	v0 =	vadd.f32 v2, v0;
	v1 =	vadd.f32 v63, v1  }
0x72: {  	s21 =	simm.s32 $0x0  }
0x73: {  	s20 =	simm.s32 $0x80;
	v0 =	vadd.f32 v3, v0;
	[tilespmem:s21+$0x1D400] =	vst v1  }
.LBB2_11:
0x74: {  	p0 =	sne.s32 s20, $0x1F80  }
0x75: {  	[tilespmem:s21+$0x1D410] =	vst v0;
	s19 =	sadd.s32 $0x340, s19;
	s21 =	smov.u32 s20;
	s20 =	sadd.s32 $0x80, s20  }
0x76: {  	v0 =	vld [tilespmem:s19+$0xFFFFFE90]  }
0x77: {  	v1 =	vld [tilespmem:s19+$0xFFFFFE60]  }
0x78: {  	v2 =	vld [tilespmem:s19+$0xFFFFFE80]  }
0x79: {  	v3 =	vld [tilespmem:s19+$0xFFFFFE70]  }
0x7a: {  	v4 =	vld [tilespmem:s19+$0xFFFFFEA0]  }
0x7b: {  	v5 =	vld [tilespmem:s19+$0xFFFFFEB0]  }
0x7c: {  	v6 =	vld [tilespmem:s19+$0xFFFFFEC0]  }
0x7d: {  	v1 =	vadd.f32 v2, v1;
	v2 =	vld [tilespmem:s19+$0xFFFFFED0]  }
0x7e: {  	v0 =	vadd.f32 v0, v3;
	v3 =	vld [tilespmem:s19+$0xFFFFFEE0]  }
0x7f: {  	v1 =	vadd.f32 v4, v1;
	v4 =	vld [tilespmem:s19+$0xFFFFFEF0]  }
0x80: {  	v0 =	vadd.f32 v5, v0;
	v5 =	vld [tilespmem:s19+$0xFFFFFF00]  }
0x81: {  	v1 =	vadd.f32 v6, v1;
	v6 =	vld [tilespmem:s19+$0xFFFFFF10]  }
0x82: {  	v0 =	vadd.f32 v2, v0;
	v2 =	vld [tilespmem:s19+$0xFFFFFF20]  }
0x83: {  	v1 =	vadd.f32 v3, v1;
	v3 =	vld [tilespmem:s19+$0xFFFFFF30]  }
0x84: {  	v0 =	vadd.f32 v4, v0;
	v4 =	vld [tilespmem:s19+$0xFFFFFF40]  }
0x85: {  	v1 =	vadd.f32 v5, v1;
	v5 =	vld [tilespmem:s19+$0xFFFFFF50]  }
0x86: {  	v0 =	vadd.f32 v6, v0;
	v6 =	vld [tilespmem:s19+$0xFFFFFF60]  }
0x87: {  	v1 =	vadd.f32 v2, v1;
	v2 =	vld [tilespmem:s19+$0xFFFFFF70]  }
0x88: {  	v0 =	vadd.f32 v3, v0;
	v3 =	vld [tilespmem:s19+$0xFFFFFF80]  }
0x89: {  	v1 =	vadd.f32 v4, v1;
	v4 =	vld [tilespmem:s19+$0xFFFFFF90]  }
0x8a: {  	v0 =	vadd.f32 v5, v0;
	v5 =	vld [tilespmem:s19+$0xFFFFFFA0]  }
0x8b: {  	v1 =	vadd.f32 v6, v1;
	v6 =	vld [tilespmem:s19+$0xFFFFFFB0]  }
0x8c: {  	v0 =	vadd.f32 v2, v0;
	v2 =	vld [tilespmem:s19+$0xFFFFFFC0]  }
0x8d: {  	v1 =	vadd.f32 v3, v1;
	v3 =	vld [tilespmem:s19+$0xFFFFFFD0]  }
0x8e: {  	v0 =	vadd.f32 v4, v0;
	v4 =	vld [tilespmem:s19+$0xFFFFFFE0]  }
0x8f: {  	v1 =	vadd.f32 v5, v1;
	v5 =	vld [tilespmem:s19+$0xFFFFFFF0]  }
0x90: {  	v0 =	vadd.f32 v6, v0;
	v6 =	vld [tilespmem:s19+$0x0]  }
0x91: {  	v1 =	vadd.f32 v2, v1;
	v2 =	vld [tilespmem:s19+$0x10]  }
0x92: {  	v0 =	vadd.f32 v3, v0;
	v3 =	vld [tilespmem:s19+$0x20]  }
0x93: {  	v1 =	vadd.f32 v4, v1;
	v4 =	vld [tilespmem:s19+$0x30]  }
0x94: {  	v0 =	vadd.f32 v5, v0;
	v5 =	vld [tilespmem:s19+$0x40]  }
0x95: {  	v1 =	vadd.f32 v6, v1;
	v6 =	vld [tilespmem:s19+$0x50]  }
0x96: {  	v0 =	vadd.f32 v2, v0;
	v2 =	vld [tilespmem:s19+$0x60]  }
0x97: {  	v1 =	vadd.f32 v3, v1;
	v3 =	vld [tilespmem:s19+$0x70]  }
0x98: {  	v0 =	vadd.f32 v4, v0;
	v4 =	vld [tilespmem:s19+$0x80]  }
0x99: {  	v1 =	vadd.f32 v5, v1;
	v5 =	vld [tilespmem:s19+$0x90]  }
0x9a: {  	v0 =	vadd.f32 v6, v0;
	v6 =	vld [tilespmem:s19+$0xA0]  }
0x9b: {  	v1 =	vadd.f32 v2, v1;
	v2 =	vld [tilespmem:s19+$0xB0]  }
0x9c: {  	v0 =	vadd.f32 v3, v0;
	v3 =	vld [tilespmem:s19+$0xC0]  }
0x9d: {  	v1 =	vadd.f32 v4, v1;
	v4 =	vld [tilespmem:s19+$0xD0]  }
0x9e: {  	v0 =	vadd.f32 v5, v0;
	v5 =	vld [tilespmem:s19+$0xE0]  }
0x9f: {  	v1 =	vadd.f32 v6, v1;
	v6 =	vld [tilespmem:s19+$0xF0]  }
0xa0: {  	v0 =	vadd.f32 v2, v0;
	v2 =	vld [tilespmem:s19+$0x100]  }
0xa1: {  	v1 =	vadd.f32 v3, v1;
	v3 =	vld [tilespmem:s19+$0x110]  }
0xa2: {  	v0 =	vadd.f32 v4, v0;
	v4 =	vld [tilespmem:s19+$0x120]  }
0xa3: {  	v1 =	vadd.f32 v5, v1;
	v5 =	vld [tilespmem:s19+$0x130]  }
0xa4: {  	v0 =	vadd.f32 v6, v0;
	v6 =	vld [tilespmem:s19+$0x140]  }
0xa5: {  	v1 =	vadd.f32 v2, v1;
	v2 =	vld [tilespmem:s19+$0x150]  }
0xa6: {  	v0 =	vadd.f32 v3, v0;
	v3 =	vld [tilespmem:s19+$0x160]  }
0xa7: {  	v1 =	vadd.f32 v4, v1;
	v4 =	vld [tilespmem:s19+$0x170]  }
0xa8: {  	v0 =	vadd.f32 v5, v0;
	v5 =	vld [tilespmem:s19+$0x180]  }
0xa9: {  	v1 =	vadd.f32 v6, v1;
	v6 =	vld [tilespmem:s19+$0x190]  }
0xaa: {  	v0 =	vadd.f32 v2, v0  }
.Ltmp5:
0xab: {  	v1 =	vadd.f32 v3, v1;
	(pc) =	sbr.rel @p0 .LBB2_11-.Ltmp5, $4  }
0xac: {  	v0 =	vadd.f32 v4, v0  }
0xad: {  	v1 =	vadd.f32 v5, v1  }
0xae: {  	s21 =	sshra.s32 s21, $0x2;
	v0 =	vadd.f32 v6, v0  }
0xaf: {  	[tilespmem:s21+$0x1D400] =	vst v1  }
0xb0: {  	[tilespmem:s21+$0x1D410] =	vst v0;
	s19 =	simm.s32 $0x0  }
0xb1: {  	[hbm4b:s4+s19] =	stream.linear.scatter [tilespmem:s16], [sflag:$0x3], $0x800, $0x38;
	[tilespmem:$0x1DC00] =	vst v63  }
0xb2: {  	_ =	swait.ge [sflag:s14], $0x800  }
0xb3: {  	[sflag:s14] =	ssyncset.done $0x0  }
0xb4: {  	s31 =	simm.s32 $0x0;
	[sflag:s14] =	ssyncadd.s32 $0xFFFFF800  }
0xb5: {  	v0 =	vld [tilespmem:s31+$0xD00];
	_ =	sdelay $0x6  }
0xb6: {  	s20 =	simm.s32 $0x10;
	s19 =	simm.s32 $0x3400  }
0xb7: {  	[tilespmem:s19], [sflag:$0x1] =	stream.indirect_vreg.gather [hbm4b:s3+s2], $0x20, v0, vm0, $0xb8;
	[tilespmem:$0x1DC00] =	vst v63  }
0xb8: {  	v0 =	vld [tilespmem:s20+$0xD00];
	s20 =	simm.s32 $0x80  }
.LBB2_13:
0xb9: {  	p0 =	sne.s32 s20, $0x19C0;
	_ =	sdelay $0x3  }
.Ltmp6:
0xba: {  	(pc) =	sbr.rel @p0 .LBB2_13-.Ltmp6, $4  }
0xbb: {  	_ = 	snop  }
0xbc: {  	s21 =	sshra.s32 s20, $0x2;
	s19 =	sadd.s32 $0x200, s19  }
0xbd: {  	[tilespmem:s19], [sflag:$0x1] =	stream.indirect_vreg.gather [hbm4b:s3+s2], $0x20, v0, vm0, $0xb8;
	[tilespmem:$0x1DC00] =	vst v63  }
0xbe: {  	s20 =	sadd.s32 $0x40, s20;
	v0 =	vld [tilespmem:s21+$0xD00]  }
0xbf: {  	_ =	sdelay $0x6  }
0xc0: {  	s19 =	sadd.s32 $0x200, s19  }
0xc1: {  	[tilespmem:s19], [sflag:$0x1] =	stream.indirect_vreg.gather [hbm4b:s3+s2], $0x20, v0, vm0, $0xb8;
	[tilespmem:$0x1DC00] =	vst v63  }
0xc2: {  	s19 =	simm.s32 $0x68  }
.LBB2_15:
0xc3: {  	p0 =	sne.s32 s19, $0x1  }
.Ltmp7:
0xc4: {  	_ = 	snop;
	(pc) =	sbr.rel @p0 .LBB2_15-.Ltmp7, $4  }
0xc5: {  	_ = 	snop  }
0xc6: {  	_ =	swait.ge [sflag:s17], $0x200  }
0xc7: {  	[sflag:s17] =	ssyncset.done $0x0  }
0xc8: {  	s19 =	sadd.s32 $0xFFFFFFFF, s19;
	[sflag:s17] =	ssyncadd.s32 $0xFFFFFE00  }
0xc9: {  	s19 =	simm.s32 $0x105A0  }
0xca: {  	v0 =	vld [tilespmem:s19+$0xFFFFFE90]  }
0xcb: {  	v1 =	vld [tilespmem:s19+$0xFFFFFE60]  }
0xcc: {  	v2 =	vld [tilespmem:s19+$0xFFFFFE80]  }
0xcd: {  	v3 =	vld [tilespmem:s19+$0xFFFFFE70]  }
0xce: {  	v4 =	vld [tilespmem:s19+$0xFFFFFEA0]  }
0xcf: {  	v5 =	vld [tilespmem:s19+$0xFFFFFEB0]  }
0xd0: {  	v6 =	vld [tilespmem:s19+$0xFFFFFEC0]  }
0xd1: {  	v7 =	vld [tilespmem:s19+$0xFFFFFEE0];
	v1 =	vadd.f32 v2, v1  }
0xd2: {  	v2 =	vld [tilespmem:s19+$0xFFFFFED0]  }
0xd3: {  	v36 =	vld [tilespmem:s19+$0xFFFFFF00];
	v0 =	vadd.f32 v0, v3;
	v1 =	vadd.f32 v4, v1  }
0xd4: {  	v3 =	vld [tilespmem:s19+$0xFFFFFEF0]  }
0xd5: {  	v37 =	vld [tilespmem:s19+$0xFFFFFF10];
	v0 =	vadd.f32 v5, v0;
	v1 =	vadd.f32 v6, v1  }
0xd6: {  	v38 =	vld [tilespmem:s19+$0xFFFFFF20]  }
0xd7: {  	v39 =	vld [tilespmem:s19+$0xFFFFFF40];
	v0 =	vadd.f32 v2, v0;
	v1 =	vadd.f32 v7, v1  }
0xd8: {  	v2 =	vld [tilespmem:s19+$0xFFFFFF30]  }
0xd9: {  	v40 =	vld [tilespmem:s19+$0xFFFFFF60];
	v0 =	vadd.f32 v3, v0;
	v1 =	vadd.f32 v36, v1  }
0xda: {  	v3 =	vld [tilespmem:s19+$0xFFFFFF50]  }
0xdb: {  	v41 =	vld [tilespmem:s19+$0xFFFFFF70];
	v0 =	vadd.f32 v37, v0;
	v1 =	vadd.f32 v38, v1  }
0xdc: {  	v42 =	vld [tilespmem:s19+$0xFFFFFF80]  }
0xdd: {  	v43 =	vld [tilespmem:s19+$0xFFFFFFA0];
	v0 =	vadd.f32 v2, v0;
	v1 =	vadd.f32 v39, v1  }
0xde: {  	v2 =	vld [tilespmem:s19+$0xFFFFFF90]  }
0xdf: {  	v44 =	vld [tilespmem:s19+$0xFFFFFFC0];
	v0 =	vadd.f32 v3, v0;
	v1 =	vadd.f32 v40, v1  }
0xe0: {  	v3 =	vld [tilespmem:s19+$0xFFFFFFB0]  }
0xe1: {  	v45 =	vld [tilespmem:s19+$0xFFFFFFD0];
	v0 =	vadd.f32 v41, v0;
	v1 =	vadd.f32 v42, v1  }
0xe2: {  	v46 =	vld [tilespmem:s19+$0xFFFFFFE0]  }
0xe3: {  	v47 =	vld [tilespmem:s19+$0x0];
	v0 =	vadd.f32 v2, v0;
	v1 =	vadd.f32 v43, v1  }
0xe4: {  	v2 =	vld [tilespmem:s19+$0xFFFFFFF0]  }
0xe5: {  	v48 =	vld [tilespmem:s19+$0x20];
	v0 =	vadd.f32 v3, v0;
	v1 =	vadd.f32 v44, v1  }
0xe6: {  	v3 =	vld [tilespmem:s19+$0x10]  }
0xe7: {  	v49 =	vld [tilespmem:s19+$0x30];
	v0 =	vadd.f32 v45, v0;
	v1 =	vadd.f32 v46, v1  }
0xe8: {  	v50 =	vld [tilespmem:s19+$0x40]  }
0xe9: {  	v51 =	vld [tilespmem:s19+$0x60];
	v0 =	vadd.f32 v2, v0;
	v1 =	vadd.f32 v47, v1  }
0xea: {  	v2 =	vld [tilespmem:s19+$0x50]  }
0xeb: {  	v52 =	vld [tilespmem:s19+$0x80];
	v0 =	vadd.f32 v3, v0;
	v1 =	vadd.f32 v48, v1  }
0xec: {  	v3 =	vld [tilespmem:s19+$0x70]  }
0xed: {  	v53 =	vld [tilespmem:s19+$0x90];
	v0 =	vadd.f32 v49, v0;
	v1 =	vadd.f32 v50, v1  }
0xee: {  	v54 =	vld [tilespmem:s19+$0xA0]  }
0xef: {  	v55 =	vld [tilespmem:s19+$0xC0];
	v0 =	vadd.f32 v2, v0;
	v1 =	vadd.f32 v51, v1  }
0xf0: {  	v2 =	vld [tilespmem:s19+$0xB0]  }
0xf1: {  	v56 =	vld [tilespmem:s19+$0xE0];
	v0 =	vadd.f32 v3, v0;
	v1 =	vadd.f32 v52, v1  }
0xf2: {  	v3 =	vld [tilespmem:s19+$0xD0]  }
0xf3: {  	v57 =	vld [tilespmem:s19+$0xF0];
	v0 =	vadd.f32 v53, v0;
	v1 =	vadd.f32 v54, v1  }
0xf4: {  	v58 =	vld [tilespmem:s19+$0x100]  }
0xf5: {  	v59 =	vld [tilespmem:s19+$0x120];
	v0 =	vadd.f32 v2, v0;
	v1 =	vadd.f32 v55, v1  }
0xf6: {  	v2 =	vld [tilespmem:s19+$0x110]  }
0xf7: {  	v60 =	vld [tilespmem:s19+$0x140];
	v0 =	vadd.f32 v3, v0;
	v1 =	vadd.f32 v56, v1  }
0xf8: {  	v3 =	vld [tilespmem:s19+$0x130]  }
0xf9: {  	v61 =	vld [tilespmem:s19+$0x150];
	v0 =	vadd.f32 v57, v0;
	v1 =	vadd.f32 v58, v1  }
0xfa: {  	v62 =	vld [tilespmem:s19+$0x160]  }
0xfb: {  	v63 =	vld [tilespmem:s19+$0x180];
	v0 =	vadd.f32 v2, v0;
	v1 =	vadd.f32 v59, v1  }
0xfc: {  	v2 =	vld [tilespmem:s19+$0x170]  }
0xfd: {  	v0 =	vadd.f32 v3, v0;
	v1 =	vadd.f32 v60, v1  }
0xfe: {  	v3 =	vld [tilespmem:s19+$0x190]  }
0xff: {  	v0 =	vadd.f32 v61, v0;
	v1 =	vadd.f32 v62, v1;
	_ =	sdelay $0x1  }
0x100: {  	v0 =	vadd.f32 v2, v0;
	v1 =	vadd.f32 v63, v1  }
0x101: {  	s21 =	simm.s32 $0x0  }
0x102: {  	s20 =	simm.s32 $0x80;
	v0 =	vadd.f32 v3, v0;
	[tilespmem:s21+$0x1D400] =	vst v1  }
.LBB2_17:
0x103: {  	p0 =	sne.s32 s20, $0x1F80  }
0x104: {  	[tilespmem:s21+$0x1D410] =	vst v0;
	s19 =	sadd.s32 $0x340, s19;
	s21 =	smov.u32 s20;
	s20 =	sadd.s32 $0x80, s20  }
0x105: {  	v0 =	vld [tilespmem:s19+$0xFFFFFE90]  }
0x106: {  	v1 =	vld [tilespmem:s19+$0xFFFFFE60]  }
0x107: {  	v2 =	vld [tilespmem:s19+$0xFFFFFE80]  }
0x108: {  	v3 =	vld [tilespmem:s19+$0xFFFFFE70]  }
0x109: {  	v4 =	vld [tilespmem:s19+$0xFFFFFEA0]  }
0x10a: {  	v5 =	vld [tilespmem:s19+$0xFFFFFEB0]  }
0x10b: {  	v6 =	vld [tilespmem:s19+$0xFFFFFEC0]  }
0x10c: {  	v1 =	vadd.f32 v2, v1;
	v2 =	vld [tilespmem:s19+$0xFFFFFED0]  }
0x10d: {  	v0 =	vadd.f32 v0, v3;
	v3 =	vld [tilespmem:s19+$0xFFFFFEE0]  }
0x10e: {  	v1 =	vadd.f32 v4, v1;
	v4 =	vld [tilespmem:s19+$0xFFFFFEF0]  }
0x10f: {  	v0 =	vadd.f32 v5, v0;
	v5 =	vld [tilespmem:s19+$0xFFFFFF00]  }
0x110: {  	v1 =	vadd.f32 v6, v1;
	v6 =	vld [tilespmem:s19+$0xFFFFFF10]  }
0x111: {  	v0 =	vadd.f32 v2, v0;
	v2 =	vld [tilespmem:s19+$0xFFFFFF20]  }
0x112: {  	v1 =	vadd.f32 v3, v1;
	v3 =	vld [tilespmem:s19+$0xFFFFFF30]  }
0x113: {  	v0 =	vadd.f32 v4, v0;
	v4 =	vld [tilespmem:s19+$0xFFFFFF40]  }
0x114: {  	v1 =	vadd.f32 v5, v1;
	v5 =	vld [tilespmem:s19+$0xFFFFFF50]  }
0x115: {  	v0 =	vadd.f32 v6, v0;
	v6 =	vld [tilespmem:s19+$0xFFFFFF60]  }
0x116: {  	v1 =	vadd.f32 v2, v1;
	v2 =	vld [tilespmem:s19+$0xFFFFFF70]  }
0x117: {  	v0 =	vadd.f32 v3, v0;
	v3 =	vld [tilespmem:s19+$0xFFFFFF80]  }
0x118: {  	v1 =	vadd.f32 v4, v1;
	v4 =	vld [tilespmem:s19+$0xFFFFFF90]  }
0x119: {  	v0 =	vadd.f32 v5, v0;
	v5 =	vld [tilespmem:s19+$0xFFFFFFA0]  }
0x11a: {  	v1 =	vadd.f32 v6, v1;
	v6 =	vld [tilespmem:s19+$0xFFFFFFB0]  }
0x11b: {  	v0 =	vadd.f32 v2, v0;
	v2 =	vld [tilespmem:s19+$0xFFFFFFC0]  }
0x11c: {  	v1 =	vadd.f32 v3, v1;
	v3 =	vld [tilespmem:s19+$0xFFFFFFD0]  }
0x11d: {  	v0 =	vadd.f32 v4, v0;
	v4 =	vld [tilespmem:s19+$0xFFFFFFE0]  }
0x11e: {  	v1 =	vadd.f32 v5, v1;
	v5 =	vld [tilespmem:s19+$0xFFFFFFF0]  }
0x11f: {  	v0 =	vadd.f32 v6, v0;
	v6 =	vld [tilespmem:s19+$0x0]  }
0x120: {  	v1 =	vadd.f32 v2, v1;
	v2 =	vld [tilespmem:s19+$0x10]  }
0x121: {  	v0 =	vadd.f32 v3, v0;
	v3 =	vld [tilespmem:s19+$0x20]  }
0x122: {  	v1 =	vadd.f32 v4, v1;
	v4 =	vld [tilespmem:s19+$0x30]  }
0x123: {  	v0 =	vadd.f32 v5, v0;
	v5 =	vld [tilespmem:s19+$0x40]  }
0x124: {  	v1 =	vadd.f32 v6, v1;
	v6 =	vld [tilespmem:s19+$0x50]  }
0x125: {  	v0 =	vadd.f32 v2, v0;
	v2 =	vld [tilespmem:s19+$0x60]  }
0x126: {  	v1 =	vadd.f32 v3, v1;
	v3 =	vld [tilespmem:s19+$0x70]  }
0x127: {  	v0 =	vadd.f32 v4, v0;
	v4 =	vld [tilespmem:s19+$0x80]  }
0x128: {  	v1 =	vadd.f32 v5, v1;
	v5 =	vld [tilespmem:s19+$0x90]  }
0x129: {  	v0 =	vadd.f32 v6, v0;
	v6 =	vld [tilespmem:s19+$0xA0]  }
0x12a: {  	v1 =	vadd.f32 v2, v1;
	v2 =	vld [tilespmem:s19+$0xB0]  }
0x12b: {  	v0 =	vadd.f32 v3, v0;
	v3 =	vld [tilespmem:s19+$0xC0]  }
0x12c: {  	v1 =	vadd.f32 v4, v1;
	v4 =	vld [tilespmem:s19+$0xD0]  }
0x12d: {  	v0 =	vadd.f32 v5, v0;
	v5 =	vld [tilespmem:s19+$0xE0]  }
0x12e: {  	v1 =	vadd.f32 v6, v1;
	v6 =	vld [tilespmem:s19+$0xF0]  }
0x12f: {  	v0 =	vadd.f32 v2, v0;
	v2 =	vld [tilespmem:s19+$0x100]  }
0x130: {  	v1 =	vadd.f32 v3, v1;
	v3 =	vld [tilespmem:s19+$0x110]  }
0x131: {  	v0 =	vadd.f32 v4, v0;
	v4 =	vld [tilespmem:s19+$0x120]  }
0x132: {  	v1 =	vadd.f32 v5, v1;
	v5 =	vld [tilespmem:s19+$0x130]  }
0x133: {  	v0 =	vadd.f32 v6, v0;
	v6 =	vld [tilespmem:s19+$0x140]  }
0x134: {  	v1 =	vadd.f32 v2, v1;
	v2 =	vld [tilespmem:s19+$0x150]  }
0x135: {  	v0 =	vadd.f32 v3, v0;
	v3 =	vld [tilespmem:s19+$0x160]  }
0x136: {  	v1 =	vadd.f32 v4, v1;
	v4 =	vld [tilespmem:s19+$0x170]  }
0x137: {  	v0 =	vadd.f32 v5, v0;
	v5 =	vld [tilespmem:s19+$0x180]  }
0x138: {  	v1 =	vadd.f32 v6, v1;
	v6 =	vld [tilespmem:s19+$0x190]  }
0x139: {  	v0 =	vadd.f32 v2, v0  }
.Ltmp8:
0x13a: {  	v1 =	vadd.f32 v3, v1;
	(pc) =	sbr.rel @p0 .LBB2_17-.Ltmp8, $4  }
0x13b: {  	v0 =	vadd.f32 v4, v0  }
0x13c: {  	v1 =	vadd.f32 v5, v1  }
0x13d: {  	s21 =	sshra.s32 s21, $0x2;
	v0 =	vadd.f32 v6, v0  }
0x13e: {  	[tilespmem:s21+$0x1D400] =	vst v1  }
0x13f: {  	[tilespmem:s21+$0x1D410] =	vst v0;
	s19 =	simm.s32 $0x0  }
0x140: {  	[hbm4b:s6+s19] =	stream.linear.scatter [tilespmem:s16], [sflag:$0x3], $0x800, $0x38;
	[tilespmem:$0x1DC00] =	vst v63  }
0x141: {  	_ =	swait.ge [sflag:s14], $0x800  }
0x142: {  	[sflag:s14] =	ssyncset.done $0x0  }
0x143: {  	s31 =	simm.s32 $0x0;
	[sflag:s14] =	ssyncadd.s32 $0xFFFFF800  }
0x144: {  	v0 =	vld [tilespmem:s31+$0x1380];
	_ =	sdelay $0x6  }
0x145: {  	s20 =	simm.s32 $0x10;
	s19 =	simm.s32 $0x10400  }
0x146: {  	[tilespmem:s19], [sflag:$0x2] =	stream.indirect_vreg.gather [hbm4b:s3+s2], $0x20, v0, vm0, $0xb8;
	[tilespmem:$0x1DC00] =	vst v63  }
0x147: {  	v0 =	vld [tilespmem:s20+$0x1380];
	s20 =	simm.s32 $0x80  }
.LBB2_19:
0x148: {  	p0 =	sne.s32 s20, $0x19C0;
	_ =	sdelay $0x3  }
.Ltmp9:
0x149: {  	(pc) =	sbr.rel @p0 .LBB2_19-.Ltmp9, $4  }
0x14a: {  	_ = 	snop  }
0x14b: {  	s21 =	sshra.s32 s20, $0x2;
	s19 =	sadd.s32 $0x200, s19  }
0x14c: {  	[tilespmem:s19], [sflag:$0x2] =	stream.indirect_vreg.gather [hbm4b:s3+s2], $0x20, v0, vm0, $0xb8;
	[tilespmem:$0x1DC00] =	vst v63  }
0x14d: {  	s20 =	sadd.s32 $0x40, s20;
	v0 =	vld [tilespmem:s21+$0x1380]  }
0x14e: {  	_ =	sdelay $0x6  }
0x14f: {  	s19 =	sadd.s32 $0x200, s19  }
0x150: {  	[tilespmem:s19], [sflag:$0x2] =	stream.indirect_vreg.gather [hbm4b:s3+s2], $0x20, v0, vm0, $0xb8;
	[tilespmem:$0x1DC00] =	vst v63  }
0x151: {  	s19 =	simm.s32 $0x68  }
.LBB2_21:
0x152: {  	p0 =	sne.s32 s19, $0x1  }
.Ltmp10:
0x153: {  	_ = 	snop;
	(pc) =	sbr.rel @p0 .LBB2_21-.Ltmp10, $4  }
0x154: {  	_ = 	snop  }
0x155: {  	_ =	swait.ge [sflag:s15], $0x200  }
0x156: {  	[sflag:s15] =	ssyncset.done $0x0  }
0x157: {  	s19 =	sadd.s32 $0xFFFFFFFF, s19;
	[sflag:s15] =	ssyncadd.s32 $0xFFFFFE00  }
0x158: {  	s19 =	simm.s32 $0x35A0  }
0x159: {  	v0 =	vld [tilespmem:s19+$0xFFFFFE90]  }
0x15a: {  	v1 =	vld [tilespmem:s19+$0xFFFFFE60]  }
0x15b: {  	v2 =	vld [tilespmem:s19+$0xFFFFFE80]  }
0x15c: {  	v3 =	vld [tilespmem:s19+$0xFFFFFE70]  }
0x15d: {  	v4 =	vld [tilespmem:s19+$0xFFFFFEA0]  }
0x15e: {  	v5 =	vld [tilespmem:s19+$0xFFFFFEB0]  }
0x15f: {  	v6 =	vld [tilespmem:s19+$0xFFFFFEC0]  }
0x160: {  	v7 =	vld [tilespmem:s19+$0xFFFFFEE0];
	v1 =	vadd.f32 v2, v1  }
0x161: {  	v2 =	vld [tilespmem:s19+$0xFFFFFED0]  }
0x162: {  	v36 =	vld [tilespmem:s19+$0xFFFFFF00];
	v0 =	vadd.f32 v0, v3;
	v1 =	vadd.f32 v4, v1  }
0x163: {  	v3 =	vld [tilespmem:s19+$0xFFFFFEF0]  }
0x164: {  	v37 =	vld [tilespmem:s19+$0xFFFFFF10];
	v0 =	vadd.f32 v5, v0;
	v1 =	vadd.f32 v6, v1  }
0x165: {  	v38 =	vld [tilespmem:s19+$0xFFFFFF20]  }
0x166: {  	v39 =	vld [tilespmem:s19+$0xFFFFFF40];
	v0 =	vadd.f32 v2, v0;
	v1 =	vadd.f32 v7, v1  }
0x167: {  	v2 =	vld [tilespmem:s19+$0xFFFFFF30]  }
0x168: {  	v40 =	vld [tilespmem:s19+$0xFFFFFF60];
	v0 =	vadd.f32 v3, v0;
	v1 =	vadd.f32 v36, v1  }
0x169: {  	v3 =	vld [tilespmem:s19+$0xFFFFFF50]  }
0x16a: {  	v41 =	vld [tilespmem:s19+$0xFFFFFF70];
	v0 =	vadd.f32 v37, v0;
	v1 =	vadd.f32 v38, v1  }
0x16b: {  	v42 =	vld [tilespmem:s19+$0xFFFFFF80]  }
0x16c: {  	v43 =	vld [tilespmem:s19+$0xFFFFFFA0];
	v0 =	vadd.f32 v2, v0;
	v1 =	vadd.f32 v39, v1  }
0x16d: {  	v2 =	vld [tilespmem:s19+$0xFFFFFF90]  }
0x16e: {  	v44 =	vld [tilespmem:s19+$0xFFFFFFC0];
	v0 =	vadd.f32 v3, v0;
	v1 =	vadd.f32 v40, v1  }
0x16f: {  	v3 =	vld [tilespmem:s19+$0xFFFFFFB0]  }
0x170: {  	v45 =	vld [tilespmem:s19+$0xFFFFFFD0];
	v0 =	vadd.f32 v41, v0;
	v1 =	vadd.f32 v42, v1  }
0x171: {  	v46 =	vld [tilespmem:s19+$0xFFFFFFE0]  }
0x172: {  	v47 =	vld [tilespmem:s19+$0x0];
	v0 =	vadd.f32 v2, v0;
	v1 =	vadd.f32 v43, v1  }
0x173: {  	v2 =	vld [tilespmem:s19+$0xFFFFFFF0]  }
0x174: {  	v48 =	vld [tilespmem:s19+$0x20];
	v0 =	vadd.f32 v3, v0;
	v1 =	vadd.f32 v44, v1  }
0x175: {  	v3 =	vld [tilespmem:s19+$0x10]  }
0x176: {  	v49 =	vld [tilespmem:s19+$0x30];
	v0 =	vadd.f32 v45, v0;
	v1 =	vadd.f32 v46, v1  }
0x177: {  	v50 =	vld [tilespmem:s19+$0x40]  }
0x178: {  	v51 =	vld [tilespmem:s19+$0x60];
	v0 =	vadd.f32 v2, v0;
	v1 =	vadd.f32 v47, v1  }
0x179: {  	v2 =	vld [tilespmem:s19+$0x50]  }
0x17a: {  	v52 =	vld [tilespmem:s19+$0x80];
	v0 =	vadd.f32 v3, v0;
	v1 =	vadd.f32 v48, v1  }
0x17b: {  	v3 =	vld [tilespmem:s19+$0x70]  }
0x17c: {  	v53 =	vld [tilespmem:s19+$0x90];
	v0 =	vadd.f32 v49, v0;
	v1 =	vadd.f32 v50, v1  }
0x17d: {  	v54 =	vld [tilespmem:s19+$0xA0]  }
0x17e: {  	v55 =	vld [tilespmem:s19+$0xC0];
	v0 =	vadd.f32 v2, v0;
	v1 =	vadd.f32 v51, v1  }
0x17f: {  	v2 =	vld [tilespmem:s19+$0xB0]  }
0x180: {  	v56 =	vld [tilespmem:s19+$0xE0];
	v0 =	vadd.f32 v3, v0;
	v1 =	vadd.f32 v52, v1  }
0x181: {  	v3 =	vld [tilespmem:s19+$0xD0]  }
0x182: {  	v57 =	vld [tilespmem:s19+$0xF0];
	v0 =	vadd.f32 v53, v0;
	v1 =	vadd.f32 v54, v1  }
0x183: {  	v58 =	vld [tilespmem:s19+$0x100]  }
0x184: {  	v59 =	vld [tilespmem:s19+$0x120];
	v0 =	vadd.f32 v2, v0;
	v1 =	vadd.f32 v55, v1  }
0x185: {  	v2 =	vld [tilespmem:s19+$0x110]  }
0x186: {  	v60 =	vld [tilespmem:s19+$0x140];
	v0 =	vadd.f32 v3, v0;
	v1 =	vadd.f32 v56, v1  }
0x187: {  	v3 =	vld [tilespmem:s19+$0x130]  }
0x188: {  	v61 =	vld [tilespmem:s19+$0x150];
	v0 =	vadd.f32 v57, v0;
	v1 =	vadd.f32 v58, v1  }
0x189: {  	v62 =	vld [tilespmem:s19+$0x160]  }
0x18a: {  	v63 =	vld [tilespmem:s19+$0x180];
	v0 =	vadd.f32 v2, v0;
	v1 =	vadd.f32 v59, v1  }
0x18b: {  	v2 =	vld [tilespmem:s19+$0x170]  }
0x18c: {  	v0 =	vadd.f32 v3, v0;
	v1 =	vadd.f32 v60, v1  }
0x18d: {  	v3 =	vld [tilespmem:s19+$0x190]  }
0x18e: {  	v0 =	vadd.f32 v61, v0;
	v1 =	vadd.f32 v62, v1;
	_ =	sdelay $0x1  }
0x18f: {  	v0 =	vadd.f32 v2, v0;
	v1 =	vadd.f32 v63, v1  }
0x190: {  	s21 =	simm.s32 $0x0  }
0x191: {  	s20 =	simm.s32 $0x80;
	v0 =	vadd.f32 v3, v0;
	[tilespmem:s21+$0x1D400] =	vst v1  }
.LBB2_23:
0x192: {  	p0 =	sne.s32 s20, $0x1F80  }
0x193: {  	[tilespmem:s21+$0x1D410] =	vst v0;
	s19 =	sadd.s32 $0x340, s19;
	s21 =	smov.u32 s20;
	s20 =	sadd.s32 $0x80, s20  }
0x194: {  	v0 =	vld [tilespmem:s19+$0xFFFFFE90]  }
0x195: {  	v1 =	vld [tilespmem:s19+$0xFFFFFE60]  }
0x196: {  	v2 =	vld [tilespmem:s19+$0xFFFFFE80]  }
0x197: {  	v3 =	vld [tilespmem:s19+$0xFFFFFE70]  }
0x198: {  	v4 =	vld [tilespmem:s19+$0xFFFFFEA0]  }
0x199: {  	v5 =	vld [tilespmem:s19+$0xFFFFFEB0]  }
0x19a: {  	v6 =	vld [tilespmem:s19+$0xFFFFFEC0]  }
0x19b: {  	v1 =	vadd.f32 v2, v1;
	v2 =	vld [tilespmem:s19+$0xFFFFFED0]  }
0x19c: {  	v0 =	vadd.f32 v0, v3;
	v3 =	vld [tilespmem:s19+$0xFFFFFEE0]  }
0x19d: {  	v1 =	vadd.f32 v4, v1;
	v4 =	vld [tilespmem:s19+$0xFFFFFEF0]  }
0x19e: {  	v0 =	vadd.f32 v5, v0;
	v5 =	vld [tilespmem:s19+$0xFFFFFF00]  }
0x19f: {  	v1 =	vadd.f32 v6, v1;
	v6 =	vld [tilespmem:s19+$0xFFFFFF10]  }
0x1a0: {  	v0 =	vadd.f32 v2, v0;
	v2 =	vld [tilespmem:s19+$0xFFFFFF20]  }
0x1a1: {  	v1 =	vadd.f32 v3, v1;
	v3 =	vld [tilespmem:s19+$0xFFFFFF30]  }
0x1a2: {  	v0 =	vadd.f32 v4, v0;
	v4 =	vld [tilespmem:s19+$0xFFFFFF40]  }
0x1a3: {  	v1 =	vadd.f32 v5, v1;
	v5 =	vld [tilespmem:s19+$0xFFFFFF50]  }
0x1a4: {  	v0 =	vadd.f32 v6, v0;
	v6 =	vld [tilespmem:s19+$0xFFFFFF60]  }
0x1a5: {  	v1 =	vadd.f32 v2, v1;
	v2 =	vld [tilespmem:s19+$0xFFFFFF70]  }
0x1a6: {  	v0 =	vadd.f32 v3, v0;
	v3 =	vld [tilespmem:s19+$0xFFFFFF80]  }
0x1a7: {  	v1 =	vadd.f32 v4, v1;
	v4 =	vld [tilespmem:s19+$0xFFFFFF90]  }
0x1a8: {  	v0 =	vadd.f32 v5, v0;
	v5 =	vld [tilespmem:s19+$0xFFFFFFA0]  }
0x1a9: {  	v1 =	vadd.f32 v6, v1;
	v6 =	vld [tilespmem:s19+$0xFFFFFFB0]  }
0x1aa: {  	v0 =	vadd.f32 v2, v0;
	v2 =	vld [tilespmem:s19+$0xFFFFFFC0]  }
0x1ab: {  	v1 =	vadd.f32 v3, v1;
	v3 =	vld [tilespmem:s19+$0xFFFFFFD0]  }
0x1ac: {  	v0 =	vadd.f32 v4, v0;
	v4 =	vld [tilespmem:s19+$0xFFFFFFE0]  }
0x1ad: {  	v1 =	vadd.f32 v5, v1;
	v5 =	vld [tilespmem:s19+$0xFFFFFFF0]  }
0x1ae: {  	v0 =	vadd.f32 v6, v0;
	v6 =	vld [tilespmem:s19+$0x0]  }
0x1af: {  	v1 =	vadd.f32 v2, v1;
	v2 =	vld [tilespmem:s19+$0x10]  }
0x1b0: {  	v0 =	vadd.f32 v3, v0;
	v3 =	vld [tilespmem:s19+$0x20]  }
0x1b1: {  	v1 =	vadd.f32 v4, v1;
	v4 =	vld [tilespmem:s19+$0x30]  }
0x1b2: {  	v0 =	vadd.f32 v5, v0;
	v5 =	vld [tilespmem:s19+$0x40]  }
0x1b3: {  	v1 =	vadd.f32 v6, v1;
	v6 =	vld [tilespmem:s19+$0x50]  }
0x1b4: {  	v0 =	vadd.f32 v2, v0;
	v2 =	vld [tilespmem:s19+$0x60]  }
0x1b5: {  	v1 =	vadd.f32 v3, v1;
	v3 =	vld [tilespmem:s19+$0x70]  }
0x1b6: {  	v0 =	vadd.f32 v4, v0;
	v4 =	vld [tilespmem:s19+$0x80]  }
0x1b7: {  	v1 =	vadd.f32 v5, v1;
	v5 =	vld [tilespmem:s19+$0x90]  }
0x1b8: {  	v0 =	vadd.f32 v6, v0;
	v6 =	vld [tilespmem:s19+$0xA0]  }
0x1b9: {  	v1 =	vadd.f32 v2, v1;
	v2 =	vld [tilespmem:s19+$0xB0]  }
0x1ba: {  	v0 =	vadd.f32 v3, v0;
	v3 =	vld [tilespmem:s19+$0xC0]  }
0x1bb: {  	v1 =	vadd.f32 v4, v1;
	v4 =	vld [tilespmem:s19+$0xD0]  }
0x1bc: {  	v0 =	vadd.f32 v5, v0;
	v5 =	vld [tilespmem:s19+$0xE0]  }
0x1bd: {  	v1 =	vadd.f32 v6, v1;
	v6 =	vld [tilespmem:s19+$0xF0]  }
0x1be: {  	v0 =	vadd.f32 v2, v0;
	v2 =	vld [tilespmem:s19+$0x100]  }
0x1bf: {  	v1 =	vadd.f32 v3, v1;
	v3 =	vld [tilespmem:s19+$0x110]  }
0x1c0: {  	v0 =	vadd.f32 v4, v0;
	v4 =	vld [tilespmem:s19+$0x120]  }
0x1c1: {  	v1 =	vadd.f32 v5, v1;
	v5 =	vld [tilespmem:s19+$0x130]  }
0x1c2: {  	v0 =	vadd.f32 v6, v0;
	v6 =	vld [tilespmem:s19+$0x140]  }
0x1c3: {  	v1 =	vadd.f32 v2, v1;
	v2 =	vld [tilespmem:s19+$0x150]  }
0x1c4: {  	v0 =	vadd.f32 v3, v0;
	v3 =	vld [tilespmem:s19+$0x160]  }
0x1c5: {  	v1 =	vadd.f32 v4, v1;
	v4 =	vld [tilespmem:s19+$0x170]  }
0x1c6: {  	v0 =	vadd.f32 v5, v0;
	v5 =	vld [tilespmem:s19+$0x180]  }
0x1c7: {  	v1 =	vadd.f32 v6, v1;
	v6 =	vld [tilespmem:s19+$0x190]  }
0x1c8: {  	v0 =	vadd.f32 v2, v0  }
.Ltmp11:
0x1c9: {  	v1 =	vadd.f32 v3, v1;
	(pc) =	sbr.rel @p0 .LBB2_23-.Ltmp11, $4  }
0x1ca: {  	v0 =	vadd.f32 v4, v0  }
0x1cb: {  	v1 =	vadd.f32 v5, v1  }
0x1cc: {  	s21 =	sshra.s32 s21, $0x2;
	v0 =	vadd.f32 v6, v0  }
0x1cd: {  	[tilespmem:s21+$0x1D400] =	vst v1  }
0x1ce: {  	[tilespmem:s21+$0x1D410] =	vst v0;
	s19 =	simm.s32 $0x0  }
0x1cf: {  	[hbm4b:s7+s19] =	stream.linear.scatter [tilespmem:s16], [sflag:$0x3], $0x800, $0x38;
	[tilespmem:$0x1DC00] =	vst v63  }
0x1d0: {  	_ =	swait.ge [sflag:s14], $0x800  }
0x1d1: {  	[sflag:s14] =	ssyncset.done $0x0  }
0x1d2: {  	s31 =	simm.s32 $0x0;
	[sflag:s14] =	ssyncadd.s32 $0xFFFFF800  }
0x1d3: {  	v0 =	vld [tilespmem:s31+$0x1A00];
	_ =	sdelay $0x6  }
0x1d4: {  	s20 =	simm.s32 $0x10;
	s19 =	simm.s32 $0x3400  }
0x1d5: {  	[tilespmem:s19], [sflag:$0x1] =	stream.indirect_vreg.gather [hbm4b:s3+s2], $0x20, v0, vm0, $0xb8;
	[tilespmem:$0x1DC00] =	vst v63  }
0x1d6: {  	v0 =	vld [tilespmem:s20+$0x1A00];
	s20 =	simm.s32 $0x80  }
.LBB2_25:
0x1d7: {  	p0 =	sne.s32 s20, $0x19C0;
	_ =	sdelay $0x3  }
.Ltmp12:
0x1d8: {  	(pc) =	sbr.rel @p0 .LBB2_25-.Ltmp12, $4  }
0x1d9: {  	_ = 	snop  }
0x1da: {  	s21 =	sshra.s32 s20, $0x2;
	s19 =	sadd.s32 $0x200, s19  }
0x1db: {  	[tilespmem:s19], [sflag:$0x1] =	stream.indirect_vreg.gather [hbm4b:s3+s2], $0x20, v0, vm0, $0xb8;
	[tilespmem:$0x1DC00] =	vst v63  }
0x1dc: {  	s20 =	sadd.s32 $0x40, s20;
	v0 =	vld [tilespmem:s21+$0x1A00]  }
0x1dd: {  	_ =	sdelay $0x6  }
0x1de: {  	s19 =	sadd.s32 $0x200, s19  }
0x1df: {  	[tilespmem:s19], [sflag:$0x1] =	stream.indirect_vreg.gather [hbm4b:s3+s2], $0x20, v0, vm0, $0xb8;
	[tilespmem:$0x1DC00] =	vst v63  }
0x1e0: {  	s19 =	simm.s32 $0x68  }
.LBB2_27:
0x1e1: {  	p0 =	sne.s32 s19, $0x1  }
.Ltmp13:
0x1e2: {  	_ = 	snop;
	(pc) =	sbr.rel @p0 .LBB2_27-.Ltmp13, $4  }
0x1e3: {  	_ = 	snop  }
0x1e4: {  	_ =	swait.ge [sflag:s17], $0x200  }
0x1e5: {  	[sflag:s17] =	ssyncset.done $0x0  }
0x1e6: {  	s19 =	sadd.s32 $0xFFFFFFFF, s19;
	[sflag:s17] =	ssyncadd.s32 $0xFFFFFE00  }
0x1e7: {  	s19 =	simm.s32 $0x105A0  }
0x1e8: {  	v0 =	vld [tilespmem:s19+$0xFFFFFE90]  }
0x1e9: {  	v1 =	vld [tilespmem:s19+$0xFFFFFE60]  }
0x1ea: {  	v2 =	vld [tilespmem:s19+$0xFFFFFE80]  }
0x1eb: {  	v3 =	vld [tilespmem:s19+$0xFFFFFE70]  }
0x1ec: {  	v4 =	vld [tilespmem:s19+$0xFFFFFEA0]  }
0x1ed: {  	v5 =	vld [tilespmem:s19+$0xFFFFFEB0]  }
0x1ee: {  	v6 =	vld [tilespmem:s19+$0xFFFFFEC0]  }
0x1ef: {  	v7 =	vld [tilespmem:s19+$0xFFFFFEE0];
	v1 =	vadd.f32 v2, v1  }
0x1f0: {  	v2 =	vld [tilespmem:s19+$0xFFFFFED0]  }
0x1f1: {  	v36 =	vld [tilespmem:s19+$0xFFFFFF00];
	v0 =	vadd.f32 v0, v3;
	v1 =	vadd.f32 v4, v1  }
0x1f2: {  	v3 =	vld [tilespmem:s19+$0xFFFFFEF0]  }
0x1f3: {  	v37 =	vld [tilespmem:s19+$0xFFFFFF10];
	v0 =	vadd.f32 v5, v0;
	v1 =	vadd.f32 v6, v1  }
0x1f4: {  	v38 =	vld [tilespmem:s19+$0xFFFFFF20]  }
0x1f5: {  	v39 =	vld [tilespmem:s19+$0xFFFFFF40];
	v0 =	vadd.f32 v2, v0;
	v1 =	vadd.f32 v7, v1  }
0x1f6: {  	v2 =	vld [tilespmem:s19+$0xFFFFFF30]  }
0x1f7: {  	v40 =	vld [tilespmem:s19+$0xFFFFFF60];
	v0 =	vadd.f32 v3, v0;
	v1 =	vadd.f32 v36, v1  }
0x1f8: {  	v3 =	vld [tilespmem:s19+$0xFFFFFF50]  }
0x1f9: {  	v41 =	vld [tilespmem:s19+$0xFFFFFF70];
	v0 =	vadd.f32 v37, v0;
	v1 =	vadd.f32 v38, v1  }
0x1fa: {  	v42 =	vld [tilespmem:s19+$0xFFFFFF80]  }
0x1fb: {  	v43 =	vld [tilespmem:s19+$0xFFFFFFA0];
	v0 =	vadd.f32 v2, v0;
	v1 =	vadd.f32 v39, v1  }
0x1fc: {  	v2 =	vld [tilespmem:s19+$0xFFFFFF90]  }
0x1fd: {  	v44 =	vld [tilespmem:s19+$0xFFFFFFC0];
	v0 =	vadd.f32 v3, v0;
	v1 =	vadd.f32 v40, v1  }
0x1fe: {  	v3 =	vld [tilespmem:s19+$0xFFFFFFB0]  }
0x1ff: {  	v45 =	vld [tilespmem:s19+$0xFFFFFFD0];
	v0 =	vadd.f32 v41, v0;
	v1 =	vadd.f32 v42, v1  }
0x200: {  	v46 =	vld [tilespmem:s19+$0xFFFFFFE0]  }
0x201: {  	v47 =	vld [tilespmem:s19+$0x0];
	v0 =	vadd.f32 v2, v0;
	v1 =	vadd.f32 v43, v1  }
0x202: {  	v2 =	vld [tilespmem:s19+$0xFFFFFFF0]  }
0x203: {  	v48 =	vld [tilespmem:s19+$0x20];
	v0 =	vadd.f32 v3, v0;
	v1 =	vadd.f32 v44, v1  }
0x204: {  	v3 =	vld [tilespmem:s19+$0x10]  }
0x205: {  	v49 =	vld [tilespmem:s19+$0x30];
	v0 =	vadd.f32 v45, v0;
	v1 =	vadd.f32 v46, v1  }
0x206: {  	v50 =	vld [tilespmem:s19+$0x40]  }
0x207: {  	v51 =	vld [tilespmem:s19+$0x60];
	v0 =	vadd.f32 v2, v0;
	v1 =	vadd.f32 v47, v1  }
0x208: {  	v2 =	vld [tilespmem:s19+$0x50]  }
0x209: {  	v52 =	vld [tilespmem:s19+$0x80];
	v0 =	vadd.f32 v3, v0;
	v1 =	vadd.f32 v48, v1  }
0x20a: {  	v3 =	vld [tilespmem:s19+$0x70]  }
0x20b: {  	v53 =	vld [tilespmem:s19+$0x90];
	v0 =	vadd.f32 v49, v0;
	v1 =	vadd.f32 v50, v1  }
0x20c: {  	v54 =	vld [tilespmem:s19+$0xA0]  }
0x20d: {  	v55 =	vld [tilespmem:s19+$0xC0];
	v0 =	vadd.f32 v2, v0;
	v1 =	vadd.f32 v51, v1  }
0x20e: {  	v2 =	vld [tilespmem:s19+$0xB0]  }
0x20f: {  	v56 =	vld [tilespmem:s19+$0xE0];
	v0 =	vadd.f32 v3, v0;
	v1 =	vadd.f32 v52, v1  }
0x210: {  	v3 =	vld [tilespmem:s19+$0xD0]  }
0x211: {  	v57 =	vld [tilespmem:s19+$0xF0];
	v0 =	vadd.f32 v53, v0;
	v1 =	vadd.f32 v54, v1  }
0x212: {  	v58 =	vld [tilespmem:s19+$0x100]  }
0x213: {  	v59 =	vld [tilespmem:s19+$0x120];
	v0 =	vadd.f32 v2, v0;
	v1 =	vadd.f32 v55, v1  }
0x214: {  	v2 =	vld [tilespmem:s19+$0x110]  }
0x215: {  	v60 =	vld [tilespmem:s19+$0x140];
	v0 =	vadd.f32 v3, v0;
	v1 =	vadd.f32 v56, v1  }
0x216: {  	v3 =	vld [tilespmem:s19+$0x130]  }
0x217: {  	v61 =	vld [tilespmem:s19+$0x150];
	v0 =	vadd.f32 v57, v0;
	v1 =	vadd.f32 v58, v1  }
0x218: {  	v62 =	vld [tilespmem:s19+$0x160]  }
0x219: {  	v63 =	vld [tilespmem:s19+$0x180];
	v0 =	vadd.f32 v2, v0;
	v1 =	vadd.f32 v59, v1  }
0x21a: {  	v2 =	vld [tilespmem:s19+$0x170]  }
0x21b: {  	v0 =	vadd.f32 v3, v0;
	v1 =	vadd.f32 v60, v1  }
0x21c: {  	v3 =	vld [tilespmem:s19+$0x190]  }
0x21d: {  	v0 =	vadd.f32 v61, v0;
	v1 =	vadd.f32 v62, v1;
	_ =	sdelay $0x1  }
0x21e: {  	v0 =	vadd.f32 v2, v0;
	v1 =	vadd.f32 v63, v1  }
0x21f: {  	s21 =	simm.s32 $0x0  }
0x220: {  	s20 =	simm.s32 $0x80;
	v0 =	vadd.f32 v3, v0;
	[tilespmem:s21+$0x1D400] =	vst v1  }
.LBB2_29:
0x221: {  	p0 =	sne.s32 s20, $0x1F80  }
0x222: {  	[tilespmem:s21+$0x1D410] =	vst v0;
	s19 =	sadd.s32 $0x340, s19;
	s21 =	smov.u32 s20;
	s20 =	sadd.s32 $0x80, s20  }
0x223: {  	v0 =	vld [tilespmem:s19+$0xFFFFFE90]  }
0x224: {  	v1 =	vld [tilespmem:s19+$0xFFFFFE60]  }
0x225: {  	v2 =	vld [tilespmem:s19+$0xFFFFFE80]  }
0x226: {  	v3 =	vld [tilespmem:s19+$0xFFFFFE70]  }
0x227: {  	v4 =	vld [tilespmem:s19+$0xFFFFFEA0]  }
0x228: {  	v5 =	vld [tilespmem:s19+$0xFFFFFEB0]  }
0x229: {  	v6 =	vld [tilespmem:s19+$0xFFFFFEC0]  }
0x22a: {  	v1 =	vadd.f32 v2, v1;
	v2 =	vld [tilespmem:s19+$0xFFFFFED0]  }
0x22b: {  	v0 =	vadd.f32 v0, v3;
	v3 =	vld [tilespmem:s19+$0xFFFFFEE0]  }
0x22c: {  	v1 =	vadd.f32 v4, v1;
	v4 =	vld [tilespmem:s19+$0xFFFFFEF0]  }
0x22d: {  	v0 =	vadd.f32 v5, v0;
	v5 =	vld [tilespmem:s19+$0xFFFFFF00]  }
0x22e: {  	v1 =	vadd.f32 v6, v1;
	v6 =	vld [tilespmem:s19+$0xFFFFFF10]  }
0x22f: {  	v0 =	vadd.f32 v2, v0;
	v2 =	vld [tilespmem:s19+$0xFFFFFF20]  }
0x230: {  	v1 =	vadd.f32 v3, v1;
	v3 =	vld [tilespmem:s19+$0xFFFFFF30]  }
0x231: {  	v0 =	vadd.f32 v4, v0;
	v4 =	vld [tilespmem:s19+$0xFFFFFF40]  }
0x232: {  	v1 =	vadd.f32 v5, v1;
	v5 =	vld [tilespmem:s19+$0xFFFFFF50]  }
0x233: {  	v0 =	vadd.f32 v6, v0;
	v6 =	vld [tilespmem:s19+$0xFFFFFF60]  }
0x234: {  	v1 =	vadd.f32 v2, v1;
	v2 =	vld [tilespmem:s19+$0xFFFFFF70]  }
0x235: {  	v0 =	vadd.f32 v3, v0;
	v3 =	vld [tilespmem:s19+$0xFFFFFF80]  }
0x236: {  	v1 =	vadd.f32 v4, v1;
	v4 =	vld [tilespmem:s19+$0xFFFFFF90]  }
0x237: {  	v0 =	vadd.f32 v5, v0;
	v5 =	vld [tilespmem:s19+$0xFFFFFFA0]  }
0x238: {  	v1 =	vadd.f32 v6, v1;
	v6 =	vld [tilespmem:s19+$0xFFFFFFB0]  }
0x239: {  	v0 =	vadd.f32 v2, v0;
	v2 =	vld [tilespmem:s19+$0xFFFFFFC0]  }
0x23a: {  	v1 =	vadd.f32 v3, v1;
	v3 =	vld [tilespmem:s19+$0xFFFFFFD0]  }
0x23b: {  	v0 =	vadd.f32 v4, v0;
	v4 =	vld [tilespmem:s19+$0xFFFFFFE0]  }
0x23c: {  	v1 =	vadd.f32 v5, v1;
	v5 =	vld [tilespmem:s19+$0xFFFFFFF0]  }
0x23d: {  	v0 =	vadd.f32 v6, v0;
	v6 =	vld [tilespmem:s19+$0x0]  }
0x23e: {  	v1 =	vadd.f32 v2, v1;
	v2 =	vld [tilespmem:s19+$0x10]  }
0x23f: {  	v0 =	vadd.f32 v3, v0;
	v3 =	vld [tilespmem:s19+$0x20]  }
0x240: {  	v1 =	vadd.f32 v4, v1;
	v4 =	vld [tilespmem:s19+$0x30]  }
0x241: {  	v0 =	vadd.f32 v5, v0;
	v5 =	vld [tilespmem:s19+$0x40]  }
0x242: {  	v1 =	vadd.f32 v6, v1;
	v6 =	vld [tilespmem:s19+$0x50]  }
0x243: {  	v0 =	vadd.f32 v2, v0;
	v2 =	vld [tilespmem:s19+$0x60]  }
0x244: {  	v1 =	vadd.f32 v3, v1;
	v3 =	vld [tilespmem:s19+$0x70]  }
0x245: {  	v0 =	vadd.f32 v4, v0;
	v4 =	vld [tilespmem:s19+$0x80]  }
0x246: {  	v1 =	vadd.f32 v5, v1;
	v5 =	vld [tilespmem:s19+$0x90]  }
0x247: {  	v0 =	vadd.f32 v6, v0;
	v6 =	vld [tilespmem:s19+$0xA0]  }
0x248: {  	v1 =	vadd.f32 v2, v1;
	v2 =	vld [tilespmem:s19+$0xB0]  }
0x249: {  	v0 =	vadd.f32 v3, v0;
	v3 =	vld [tilespmem:s19+$0xC0]  }
0x24a: {  	v1 =	vadd.f32 v4, v1;
	v4 =	vld [tilespmem:s19+$0xD0]  }
0x24b: {  	v0 =	vadd.f32 v5, v0;
	v5 =	vld [tilespmem:s19+$0xE0]  }
0x24c: {  	v1 =	vadd.f32 v6, v1;
	v6 =	vld [tilespmem:s19+$0xF0]  }
0x24d: {  	v0 =	vadd.f32 v2, v0;
	v2 =	vld [tilespmem:s19+$0x100]  }
0x24e: {  	v1 =	vadd.f32 v3, v1;
	v3 =	vld [tilespmem:s19+$0x110]  }
0x24f: {  	v0 =	vadd.f32 v4, v0;
	v4 =	vld [tilespmem:s19+$0x120]  }
0x250: {  	v1 =	vadd.f32 v5, v1;
	v5 =	vld [tilespmem:s19+$0x130]  }
0x251: {  	v0 =	vadd.f32 v6, v0;
	v6 =	vld [tilespmem:s19+$0x140]  }
0x252: {  	v1 =	vadd.f32 v2, v1;
	v2 =	vld [tilespmem:s19+$0x150]  }
0x253: {  	v0 =	vadd.f32 v3, v0;
	v3 =	vld [tilespmem:s19+$0x160]  }
0x254: {  	v1 =	vadd.f32 v4, v1;
	v4 =	vld [tilespmem:s19+$0x170]  }
0x255: {  	v0 =	vadd.f32 v5, v0;
	v5 =	vld [tilespmem:s19+$0x180]  }
0x256: {  	v1 =	vadd.f32 v6, v1;
	v6 =	vld [tilespmem:s19+$0x190]  }
0x257: {  	v0 =	vadd.f32 v2, v0  }
.Ltmp14:
0x258: {  	v1 =	vadd.f32 v3, v1;
	(pc) =	sbr.rel @p0 .LBB2_29-.Ltmp14, $4  }
0x259: {  	v0 =	vadd.f32 v4, v0  }
0x25a: {  	v1 =	vadd.f32 v5, v1  }
0x25b: {  	s21 =	sshra.s32 s21, $0x2;
	v0 =	vadd.f32 v6, v0  }
0x25c: {  	[tilespmem:s21+$0x1D400] =	vst v1  }
0x25d: {  	[tilespmem:s21+$0x1D410] =	vst v0;
	s19 =	simm.s32 $0x0  }
0x25e: {  	[hbm4b:s8+s19] =	stream.linear.scatter [tilespmem:s16], [sflag:$0x3], $0x800, $0x38;
	[tilespmem:$0x1DC00] =	vst v63  }
0x25f: {  	_ =	swait.ge [sflag:s14], $0x800  }
0x260: {  	[sflag:s14] =	ssyncset.done $0x0  }
0x261: {  	s31 =	simm.s32 $0x0;
	[sflag:s14] =	ssyncadd.s32 $0xFFFFF800  }
0x262: {  	v0 =	vld [tilespmem:s31+$0x2080];
	_ =	sdelay $0x6  }
0x263: {  	s20 =	simm.s32 $0x10;
	s19 =	simm.s32 $0x10400  }
0x264: {  	[tilespmem:s19], [sflag:$0x2] =	stream.indirect_vreg.gather [hbm4b:s3+s2], $0x20, v0, vm0, $0xb8;
	[tilespmem:$0x1DC00] =	vst v63  }
0x265: {  	v0 =	vld [tilespmem:s20+$0x2080];
	s20 =	simm.s32 $0x80  }
.LBB2_31:
0x266: {  	p0 =	sne.s32 s20, $0x19C0;
	_ =	sdelay $0x3  }
.Ltmp15:
0x267: {  	(pc) =	sbr.rel @p0 .LBB2_31-.Ltmp15, $4  }
0x268: {  	_ = 	snop  }
0x269: {  	s21 =	sshra.s32 s20, $0x2;
	s19 =	sadd.s32 $0x200, s19  }
0x26a: {  	[tilespmem:s19], [sflag:$0x2] =	stream.indirect_vreg.gather [hbm4b:s3+s2], $0x20, v0, vm0, $0xb8;
	[tilespmem:$0x1DC00] =	vst v63  }
0x26b: {  	s20 =	sadd.s32 $0x40, s20;
	v0 =	vld [tilespmem:s21+$0x2080]  }
0x26c: {  	_ =	sdelay $0x6  }
0x26d: {  	s19 =	sadd.s32 $0x200, s19  }
0x26e: {  	[tilespmem:s19], [sflag:$0x2] =	stream.indirect_vreg.gather [hbm4b:s3+s2], $0x20, v0, vm0, $0xb8;
	[tilespmem:$0x1DC00] =	vst v63  }
0x26f: {  	s19 =	simm.s32 $0x68  }
.LBB2_33:
0x270: {  	p0 =	sne.s32 s19, $0x1  }
.Ltmp16:
0x271: {  	_ = 	snop;
	(pc) =	sbr.rel @p0 .LBB2_33-.Ltmp16, $4  }
0x272: {  	_ = 	snop  }
0x273: {  	_ =	swait.ge [sflag:s15], $0x200  }
0x274: {  	[sflag:s15] =	ssyncset.done $0x0  }
0x275: {  	s19 =	sadd.s32 $0xFFFFFFFF, s19;
	[sflag:s15] =	ssyncadd.s32 $0xFFFFFE00  }
0x276: {  	s19 =	simm.s32 $0x35A0  }
0x277: {  	v0 =	vld [tilespmem:s19+$0xFFFFFE90]  }
0x278: {  	v1 =	vld [tilespmem:s19+$0xFFFFFE60]  }
0x279: {  	v2 =	vld [tilespmem:s19+$0xFFFFFE80]  }
0x27a: {  	v3 =	vld [tilespmem:s19+$0xFFFFFE70]  }
0x27b: {  	v4 =	vld [tilespmem:s19+$0xFFFFFEA0]  }
0x27c: {  	v5 =	vld [tilespmem:s19+$0xFFFFFEB0]  }
0x27d: {  	v6 =	vld [tilespmem:s19+$0xFFFFFEC0]  }
0x27e: {  	v7 =	vld [tilespmem:s19+$0xFFFFFEE0];
	v1 =	vadd.f32 v2, v1  }
0x27f: {  	v2 =	vld [tilespmem:s19+$0xFFFFFED0]  }
0x280: {  	v36 =	vld [tilespmem:s19+$0xFFFFFF00];
	v0 =	vadd.f32 v0, v3;
	v1 =	vadd.f32 v4, v1  }
0x281: {  	v3 =	vld [tilespmem:s19+$0xFFFFFEF0]  }
0x282: {  	v37 =	vld [tilespmem:s19+$0xFFFFFF10];
	v0 =	vadd.f32 v5, v0;
	v1 =	vadd.f32 v6, v1  }
0x283: {  	v38 =	vld [tilespmem:s19+$0xFFFFFF20]  }
0x284: {  	v39 =	vld [tilespmem:s19+$0xFFFFFF40];
	v0 =	vadd.f32 v2, v0;
	v1 =	vadd.f32 v7, v1  }
0x285: {  	v2 =	vld [tilespmem:s19+$0xFFFFFF30]  }
0x286: {  	v40 =	vld [tilespmem:s19+$0xFFFFFF60];
	v0 =	vadd.f32 v3, v0;
	v1 =	vadd.f32 v36, v1  }
0x287: {  	v3 =	vld [tilespmem:s19+$0xFFFFFF50]  }
0x288: {  	v41 =	vld [tilespmem:s19+$0xFFFFFF70];
	v0 =	vadd.f32 v37, v0;
	v1 =	vadd.f32 v38, v1  }
0x289: {  	v42 =	vld [tilespmem:s19+$0xFFFFFF80]  }
0x28a: {  	v43 =	vld [tilespmem:s19+$0xFFFFFFA0];
	v0 =	vadd.f32 v2, v0;
	v1 =	vadd.f32 v39, v1  }
0x28b: {  	v2 =	vld [tilespmem:s19+$0xFFFFFF90]  }
0x28c: {  	v44 =	vld [tilespmem:s19+$0xFFFFFFC0];
	v0 =	vadd.f32 v3, v0;
	v1 =	vadd.f32 v40, v1  }
0x28d: {  	v3 =	vld [tilespmem:s19+$0xFFFFFFB0]  }
0x28e: {  	v45 =	vld [tilespmem:s19+$0xFFFFFFD0];
	v0 =	vadd.f32 v41, v0;
	v1 =	vadd.f32 v42, v1  }
0x28f: {  	v46 =	vld [tilespmem:s19+$0xFFFFFFE0]  }
0x290: {  	v47 =	vld [tilespmem:s19+$0x0];
	v0 =	vadd.f32 v2, v0;
	v1 =	vadd.f32 v43, v1  }
0x291: {  	v2 =	vld [tilespmem:s19+$0xFFFFFFF0]  }
0x292: {  	v48 =	vld [tilespmem:s19+$0x20];
	v0 =	vadd.f32 v3, v0;
	v1 =	vadd.f32 v44, v1  }
0x293: {  	v3 =	vld [tilespmem:s19+$0x10]  }
0x294: {  	v49 =	vld [tilespmem:s19+$0x30];
	v0 =	vadd.f32 v45, v0;
	v1 =	vadd.f32 v46, v1  }
0x295: {  	v50 =	vld [tilespmem:s19+$0x40]  }
0x296: {  	v51 =	vld [tilespmem:s19+$0x60];
	v0 =	vadd.f32 v2, v0;
	v1 =	vadd.f32 v47, v1  }
0x297: {  	v2 =	vld [tilespmem:s19+$0x50]  }
0x298: {  	v52 =	vld [tilespmem:s19+$0x80];
	v0 =	vadd.f32 v3, v0;
	v1 =	vadd.f32 v48, v1  }
0x299: {  	v3 =	vld [tilespmem:s19+$0x70]  }
0x29a: {  	v53 =	vld [tilespmem:s19+$0x90];
	v0 =	vadd.f32 v49, v0;
	v1 =	vadd.f32 v50, v1  }
0x29b: {  	v54 =	vld [tilespmem:s19+$0xA0]  }
0x29c: {  	v55 =	vld [tilespmem:s19+$0xC0];
	v0 =	vadd.f32 v2, v0;
	v1 =	vadd.f32 v51, v1  }
0x29d: {  	v2 =	vld [tilespmem:s19+$0xB0]  }
0x29e: {  	v56 =	vld [tilespmem:s19+$0xE0];
	v0 =	vadd.f32 v3, v0;
	v1 =	vadd.f32 v52, v1  }
0x29f: {  	v3 =	vld [tilespmem:s19+$0xD0]  }
0x2a0: {  	v57 =	vld [tilespmem:s19+$0xF0];
	v0 =	vadd.f32 v53, v0;
	v1 =	vadd.f32 v54, v1  }
0x2a1: {  	v58 =	vld [tilespmem:s19+$0x100]  }
0x2a2: {  	v59 =	vld [tilespmem:s19+$0x120];
	v0 =	vadd.f32 v2, v0;
	v1 =	vadd.f32 v55, v1  }
0x2a3: {  	v2 =	vld [tilespmem:s19+$0x110]  }
0x2a4: {  	v60 =	vld [tilespmem:s19+$0x140];
	v0 =	vadd.f32 v3, v0;
	v1 =	vadd.f32 v56, v1  }
0x2a5: {  	v3 =	vld [tilespmem:s19+$0x130]  }
0x2a6: {  	v61 =	vld [tilespmem:s19+$0x150];
	v0 =	vadd.f32 v57, v0;
	v1 =	vadd.f32 v58, v1  }
0x2a7: {  	v62 =	vld [tilespmem:s19+$0x160]  }
0x2a8: {  	v63 =	vld [tilespmem:s19+$0x180];
	v0 =	vadd.f32 v2, v0;
	v1 =	vadd.f32 v59, v1  }
0x2a9: {  	v2 =	vld [tilespmem:s19+$0x170]  }
0x2aa: {  	v0 =	vadd.f32 v3, v0;
	v1 =	vadd.f32 v60, v1  }
0x2ab: {  	v3 =	vld [tilespmem:s19+$0x190]  }
0x2ac: {  	v0 =	vadd.f32 v61, v0;
	v1 =	vadd.f32 v62, v1;
	_ =	sdelay $0x1  }
0x2ad: {  	v0 =	vadd.f32 v2, v0;
	v1 =	vadd.f32 v63, v1  }
0x2ae: {  	s21 =	simm.s32 $0x0  }
0x2af: {  	s20 =	simm.s32 $0x80;
	v0 =	vadd.f32 v3, v0;
	[tilespmem:s21+$0x1D400] =	vst v1  }
.LBB2_35:
0x2b0: {  	p0 =	sne.s32 s20, $0x1F80  }
0x2b1: {  	[tilespmem:s21+$0x1D410] =	vst v0;
	s19 =	sadd.s32 $0x340, s19;
	s21 =	smov.u32 s20;
	s20 =	sadd.s32 $0x80, s20  }
0x2b2: {  	v0 =	vld [tilespmem:s19+$0xFFFFFE90]  }
0x2b3: {  	v1 =	vld [tilespmem:s19+$0xFFFFFE60]  }
0x2b4: {  	v2 =	vld [tilespmem:s19+$0xFFFFFE80]  }
0x2b5: {  	v3 =	vld [tilespmem:s19+$0xFFFFFE70]  }
0x2b6: {  	v4 =	vld [tilespmem:s19+$0xFFFFFEA0]  }
0x2b7: {  	v5 =	vld [tilespmem:s19+$0xFFFFFEB0]  }
0x2b8: {  	v6 =	vld [tilespmem:s19+$0xFFFFFEC0]  }
0x2b9: {  	v1 =	vadd.f32 v2, v1;
	v2 =	vld [tilespmem:s19+$0xFFFFFED0]  }
0x2ba: {  	v0 =	vadd.f32 v0, v3;
	v3 =	vld [tilespmem:s19+$0xFFFFFEE0]  }
0x2bb: {  	v1 =	vadd.f32 v4, v1;
	v4 =	vld [tilespmem:s19+$0xFFFFFEF0]  }
0x2bc: {  	v0 =	vadd.f32 v5, v0;
	v5 =	vld [tilespmem:s19+$0xFFFFFF00]  }
0x2bd: {  	v1 =	vadd.f32 v6, v1;
	v6 =	vld [tilespmem:s19+$0xFFFFFF10]  }
0x2be: {  	v0 =	vadd.f32 v2, v0;
	v2 =	vld [tilespmem:s19+$0xFFFFFF20]  }
0x2bf: {  	v1 =	vadd.f32 v3, v1;
	v3 =	vld [tilespmem:s19+$0xFFFFFF30]  }
0x2c0: {  	v0 =	vadd.f32 v4, v0;
	v4 =	vld [tilespmem:s19+$0xFFFFFF40]  }
0x2c1: {  	v1 =	vadd.f32 v5, v1;
	v5 =	vld [tilespmem:s19+$0xFFFFFF50]  }
0x2c2: {  	v0 =	vadd.f32 v6, v0;
	v6 =	vld [tilespmem:s19+$0xFFFFFF60]  }
0x2c3: {  	v1 =	vadd.f32 v2, v1;
	v2 =	vld [tilespmem:s19+$0xFFFFFF70]  }
0x2c4: {  	v0 =	vadd.f32 v3, v0;
	v3 =	vld [tilespmem:s19+$0xFFFFFF80]  }
0x2c5: {  	v1 =	vadd.f32 v4, v1;
	v4 =	vld [tilespmem:s19+$0xFFFFFF90]  }
0x2c6: {  	v0 =	vadd.f32 v5, v0;
	v5 =	vld [tilespmem:s19+$0xFFFFFFA0]  }
0x2c7: {  	v1 =	vadd.f32 v6, v1;
	v6 =	vld [tilespmem:s19+$0xFFFFFFB0]  }
0x2c8: {  	v0 =	vadd.f32 v2, v0;
	v2 =	vld [tilespmem:s19+$0xFFFFFFC0]  }
0x2c9: {  	v1 =	vadd.f32 v3, v1;
	v3 =	vld [tilespmem:s19+$0xFFFFFFD0]  }
0x2ca: {  	v0 =	vadd.f32 v4, v0;
	v4 =	vld [tilespmem:s19+$0xFFFFFFE0]  }
0x2cb: {  	v1 =	vadd.f32 v5, v1;
	v5 =	vld [tilespmem:s19+$0xFFFFFFF0]  }
0x2cc: {  	v0 =	vadd.f32 v6, v0;
	v6 =	vld [tilespmem:s19+$0x0]  }
0x2cd: {  	v1 =	vadd.f32 v2, v1;
	v2 =	vld [tilespmem:s19+$0x10]  }
0x2ce: {  	v0 =	vadd.f32 v3, v0;
	v3 =	vld [tilespmem:s19+$0x20]  }
0x2cf: {  	v1 =	vadd.f32 v4, v1;
	v4 =	vld [tilespmem:s19+$0x30]  }
0x2d0: {  	v0 =	vadd.f32 v5, v0;
	v5 =	vld [tilespmem:s19+$0x40]  }
0x2d1: {  	v1 =	vadd.f32 v6, v1;
	v6 =	vld [tilespmem:s19+$0x50]  }
0x2d2: {  	v0 =	vadd.f32 v2, v0;
	v2 =	vld [tilespmem:s19+$0x60]  }
0x2d3: {  	v1 =	vadd.f32 v3, v1;
	v3 =	vld [tilespmem:s19+$0x70]  }
0x2d4: {  	v0 =	vadd.f32 v4, v0;
	v4 =	vld [tilespmem:s19+$0x80]  }
0x2d5: {  	v1 =	vadd.f32 v5, v1;
	v5 =	vld [tilespmem:s19+$0x90]  }
0x2d6: {  	v0 =	vadd.f32 v6, v0;
	v6 =	vld [tilespmem:s19+$0xA0]  }
0x2d7: {  	v1 =	vadd.f32 v2, v1;
	v2 =	vld [tilespmem:s19+$0xB0]  }
0x2d8: {  	v0 =	vadd.f32 v3, v0;
	v3 =	vld [tilespmem:s19+$0xC0]  }
0x2d9: {  	v1 =	vadd.f32 v4, v1;
	v4 =	vld [tilespmem:s19+$0xD0]  }
0x2da: {  	v0 =	vadd.f32 v5, v0;
	v5 =	vld [tilespmem:s19+$0xE0]  }
0x2db: {  	v1 =	vadd.f32 v6, v1;
	v6 =	vld [tilespmem:s19+$0xF0]  }
0x2dc: {  	v0 =	vadd.f32 v2, v0;
	v2 =	vld [tilespmem:s19+$0x100]  }
0x2dd: {  	v1 =	vadd.f32 v3, v1;
	v3 =	vld [tilespmem:s19+$0x110]  }
0x2de: {  	v0 =	vadd.f32 v4, v0;
	v4 =	vld [tilespmem:s19+$0x120]  }
0x2df: {  	v1 =	vadd.f32 v5, v1;
	v5 =	vld [tilespmem:s19+$0x130]  }
0x2e0: {  	v0 =	vadd.f32 v6, v0;
	v6 =	vld [tilespmem:s19+$0x140]  }
0x2e1: {  	v1 =	vadd.f32 v2, v1;
	v2 =	vld [tilespmem:s19+$0x150]  }
0x2e2: {  	v0 =	vadd.f32 v3, v0;
	v3 =	vld [tilespmem:s19+$0x160]  }
0x2e3: {  	v1 =	vadd.f32 v4, v1;
	v4 =	vld [tilespmem:s19+$0x170]  }
0x2e4: {  	v0 =	vadd.f32 v5, v0;
	v5 =	vld [tilespmem:s19+$0x180]  }
0x2e5: {  	v1 =	vadd.f32 v6, v1;
	v6 =	vld [tilespmem:s19+$0x190]  }
0x2e6: {  	v0 =	vadd.f32 v2, v0  }
.Ltmp17:
0x2e7: {  	v1 =	vadd.f32 v3, v1;
	(pc) =	sbr.rel @p0 .LBB2_35-.Ltmp17, $4  }
0x2e8: {  	v0 =	vadd.f32 v4, v0  }
0x2e9: {  	v1 =	vadd.f32 v5, v1  }
0x2ea: {  	s21 =	sshra.s32 s21, $0x2;
	v0 =	vadd.f32 v6, v0  }
0x2eb: {  	[tilespmem:s21+$0x1D400] =	vst v1  }
0x2ec: {  	[tilespmem:s21+$0x1D410] =	vst v0;
	s19 =	simm.s32 $0x0  }
0x2ed: {  	[hbm4b:s9+s19] =	stream.linear.scatter [tilespmem:s16], [sflag:$0x3], $0x800, $0x38;
	[tilespmem:$0x1DC00] =	vst v63  }
0x2ee: {  	_ =	swait.ge [sflag:s14], $0x800  }
0x2ef: {  	[sflag:s14] =	ssyncset.done $0x0  }
0x2f0: {  	s31 =	simm.s32 $0x0;
	[sflag:s14] =	ssyncadd.s32 $0xFFFFF800  }
0x2f1: {  	v0 =	vld [tilespmem:s31+$0x2700];
	_ =	sdelay $0x6  }
0x2f2: {  	s20 =	simm.s32 $0x10;
	s19 =	simm.s32 $0x3400  }
0x2f3: {  	[tilespmem:s19], [sflag:$0x1] =	stream.indirect_vreg.gather [hbm4b:s3+s2], $0x20, v0, vm0, $0xb8;
	[tilespmem:$0x1DC00] =	vst v63  }
0x2f4: {  	v0 =	vld [tilespmem:s20+$0x2700];
	s20 =	simm.s32 $0x80  }
.LBB2_37:
0x2f5: {  	p0 =	sne.s32 s20, $0x19C0;
	_ =	sdelay $0x3  }
.Ltmp18:
0x2f6: {  	(pc) =	sbr.rel @p0 .LBB2_37-.Ltmp18, $4  }
0x2f7: {  	_ = 	snop  }
0x2f8: {  	s21 =	sshra.s32 s20, $0x2;
	s19 =	sadd.s32 $0x200, s19  }
0x2f9: {  	[tilespmem:s19], [sflag:$0x1] =	stream.indirect_vreg.gather [hbm4b:s3+s2], $0x20, v0, vm0, $0xb8;
	[tilespmem:$0x1DC00] =	vst v63  }
0x2fa: {  	s20 =	sadd.s32 $0x40, s20;
	v0 =	vld [tilespmem:s21+$0x2700]  }
0x2fb: {  	_ =	sdelay $0x6  }
0x2fc: {  	s19 =	sadd.s32 $0x200, s19  }
0x2fd: {  	[tilespmem:s19], [sflag:$0x1] =	stream.indirect_vreg.gather [hbm4b:s3+s2], $0x20, v0, vm0, $0xb8;
	[tilespmem:$0x1DC00] =	vst v63  }
0x2fe: {  	s19 =	simm.s32 $0x68  }
.LBB2_39:
0x2ff: {  	p0 =	sne.s32 s19, $0x1  }
.Ltmp19:
0x300: {  	_ = 	snop;
	(pc) =	sbr.rel @p0 .LBB2_39-.Ltmp19, $4  }
0x301: {  	_ = 	snop  }
0x302: {  	_ =	swait.ge [sflag:s17], $0x200  }
0x303: {  	[sflag:s17] =	ssyncset.done $0x0  }
0x304: {  	s19 =	sadd.s32 $0xFFFFFFFF, s19;
	[sflag:s17] =	ssyncadd.s32 $0xFFFFFE00  }
0x305: {  	s19 =	simm.s32 $0x105A0  }
0x306: {  	v0 =	vld [tilespmem:s19+$0xFFFFFE90]  }
0x307: {  	v1 =	vld [tilespmem:s19+$0xFFFFFE60]  }
0x308: {  	v2 =	vld [tilespmem:s19+$0xFFFFFE80]  }
0x309: {  	v3 =	vld [tilespmem:s19+$0xFFFFFE70]  }
0x30a: {  	v4 =	vld [tilespmem:s19+$0xFFFFFEA0]  }
0x30b: {  	v5 =	vld [tilespmem:s19+$0xFFFFFEB0]  }
0x30c: {  	v6 =	vld [tilespmem:s19+$0xFFFFFEC0]  }
0x30d: {  	v7 =	vld [tilespmem:s19+$0xFFFFFEE0];
	v1 =	vadd.f32 v2, v1  }
0x30e: {  	v2 =	vld [tilespmem:s19+$0xFFFFFED0]  }
0x30f: {  	v36 =	vld [tilespmem:s19+$0xFFFFFF00];
	v0 =	vadd.f32 v0, v3;
	v1 =	vadd.f32 v4, v1  }
0x310: {  	v3 =	vld [tilespmem:s19+$0xFFFFFEF0]  }
0x311: {  	v37 =	vld [tilespmem:s19+$0xFFFFFF10];
	v0 =	vadd.f32 v5, v0;
	v1 =	vadd.f32 v6, v1  }
0x312: {  	v38 =	vld [tilespmem:s19+$0xFFFFFF20]  }
0x313: {  	v39 =	vld [tilespmem:s19+$0xFFFFFF40];
	v0 =	vadd.f32 v2, v0;
	v1 =	vadd.f32 v7, v1  }
0x314: {  	v2 =	vld [tilespmem:s19+$0xFFFFFF30]  }
0x315: {  	v40 =	vld [tilespmem:s19+$0xFFFFFF60];
	v0 =	vadd.f32 v3, v0;
	v1 =	vadd.f32 v36, v1  }
0x316: {  	v3 =	vld [tilespmem:s19+$0xFFFFFF50]  }
0x317: {  	v41 =	vld [tilespmem:s19+$0xFFFFFF70];
	v0 =	vadd.f32 v37, v0;
	v1 =	vadd.f32 v38, v1  }
0x318: {  	v42 =	vld [tilespmem:s19+$0xFFFFFF80]  }
0x319: {  	v43 =	vld [tilespmem:s19+$0xFFFFFFA0];
	v0 =	vadd.f32 v2, v0;
	v1 =	vadd.f32 v39, v1  }
0x31a: {  	v2 =	vld [tilespmem:s19+$0xFFFFFF90]  }
0x31b: {  	v44 =	vld [tilespmem:s19+$0xFFFFFFC0];
	v0 =	vadd.f32 v3, v0;
	v1 =	vadd.f32 v40, v1  }
0x31c: {  	v3 =	vld [tilespmem:s19+$0xFFFFFFB0]  }
0x31d: {  	v45 =	vld [tilespmem:s19+$0xFFFFFFD0];
	v0 =	vadd.f32 v41, v0;
	v1 =	vadd.f32 v42, v1  }
0x31e: {  	v46 =	vld [tilespmem:s19+$0xFFFFFFE0]  }
0x31f: {  	v47 =	vld [tilespmem:s19+$0x0];
	v0 =	vadd.f32 v2, v0;
	v1 =	vadd.f32 v43, v1  }
0x320: {  	v2 =	vld [tilespmem:s19+$0xFFFFFFF0]  }
0x321: {  	v48 =	vld [tilespmem:s19+$0x20];
	v0 =	vadd.f32 v3, v0;
	v1 =	vadd.f32 v44, v1  }
0x322: {  	v3 =	vld [tilespmem:s19+$0x10]  }
0x323: {  	v49 =	vld [tilespmem:s19+$0x30];
	v0 =	vadd.f32 v45, v0;
	v1 =	vadd.f32 v46, v1  }
0x324: {  	v50 =	vld [tilespmem:s19+$0x40]  }
0x325: {  	v51 =	vld [tilespmem:s19+$0x60];
	v0 =	vadd.f32 v2, v0;
	v1 =	vadd.f32 v47, v1  }
0x326: {  	v2 =	vld [tilespmem:s19+$0x50]  }
0x327: {  	v52 =	vld [tilespmem:s19+$0x80];
	v0 =	vadd.f32 v3, v0;
	v1 =	vadd.f32 v48, v1  }
0x328: {  	v3 =	vld [tilespmem:s19+$0x70]  }
0x329: {  	v53 =	vld [tilespmem:s19+$0x90];
	v0 =	vadd.f32 v49, v0;
	v1 =	vadd.f32 v50, v1  }
0x32a: {  	v54 =	vld [tilespmem:s19+$0xA0]  }
0x32b: {  	v55 =	vld [tilespmem:s19+$0xC0];
	v0 =	vadd.f32 v2, v0;
	v1 =	vadd.f32 v51, v1  }
0x32c: {  	v2 =	vld [tilespmem:s19+$0xB0]  }
0x32d: {  	v56 =	vld [tilespmem:s19+$0xE0];
	v0 =	vadd.f32 v3, v0;
	v1 =	vadd.f32 v52, v1  }
0x32e: {  	v3 =	vld [tilespmem:s19+$0xD0]  }
0x32f: {  	v57 =	vld [tilespmem:s19+$0xF0];
	v0 =	vadd.f32 v53, v0;
	v1 =	vadd.f32 v54, v1  }
0x330: {  	v58 =	vld [tilespmem:s19+$0x100]  }
0x331: {  	v59 =	vld [tilespmem:s19+$0x120];
	v0 =	vadd.f32 v2, v0;
	v1 =	vadd.f32 v55, v1  }
0x332: {  	v2 =	vld [tilespmem:s19+$0x110]  }
0x333: {  	v60 =	vld [tilespmem:s19+$0x140];
	v0 =	vadd.f32 v3, v0;
	v1 =	vadd.f32 v56, v1  }
0x334: {  	v3 =	vld [tilespmem:s19+$0x130]  }
0x335: {  	v61 =	vld [tilespmem:s19+$0x150];
	v0 =	vadd.f32 v57, v0;
	v1 =	vadd.f32 v58, v1  }
0x336: {  	v62 =	vld [tilespmem:s19+$0x160]  }
0x337: {  	v63 =	vld [tilespmem:s19+$0x180];
	v0 =	vadd.f32 v2, v0;
	v1 =	vadd.f32 v59, v1  }
0x338: {  	v2 =	vld [tilespmem:s19+$0x170]  }
0x339: {  	v0 =	vadd.f32 v3, v0;
	v1 =	vadd.f32 v60, v1  }
0x33a: {  	v3 =	vld [tilespmem:s19+$0x190]  }
0x33b: {  	v0 =	vadd.f32 v61, v0;
	v1 =	vadd.f32 v62, v1;
	_ =	sdelay $0x1  }
0x33c: {  	v0 =	vadd.f32 v2, v0;
	v1 =	vadd.f32 v63, v1  }
0x33d: {  	s21 =	simm.s32 $0x0  }
0x33e: {  	s20 =	simm.s32 $0x80;
	v0 =	vadd.f32 v3, v0;
	[tilespmem:s21+$0x1D400] =	vst v1  }
.LBB2_41:
0x33f: {  	p0 =	sne.s32 s20, $0x1F80  }
0x340: {  	[tilespmem:s21+$0x1D410] =	vst v0;
	s19 =	sadd.s32 $0x340, s19;
	s21 =	smov.u32 s20;
	s20 =	sadd.s32 $0x80, s20  }
0x341: {  	v0 =	vld [tilespmem:s19+$0xFFFFFE90]  }
0x342: {  	v1 =	vld [tilespmem:s19+$0xFFFFFE60]  }
0x343: {  	v2 =	vld [tilespmem:s19+$0xFFFFFE80]  }
0x344: {  	v3 =	vld [tilespmem:s19+$0xFFFFFE70]  }
0x345: {  	v4 =	vld [tilespmem:s19+$0xFFFFFEA0]  }
0x346: {  	v5 =	vld [tilespmem:s19+$0xFFFFFEB0]  }
0x347: {  	v6 =	vld [tilespmem:s19+$0xFFFFFEC0]  }
0x348: {  	v1 =	vadd.f32 v2, v1;
	v2 =	vld [tilespmem:s19+$0xFFFFFED0]  }
0x349: {  	v0 =	vadd.f32 v0, v3;
	v3 =	vld [tilespmem:s19+$0xFFFFFEE0]  }
0x34a: {  	v1 =	vadd.f32 v4, v1;
	v4 =	vld [tilespmem:s19+$0xFFFFFEF0]  }
0x34b: {  	v0 =	vadd.f32 v5, v0;
	v5 =	vld [tilespmem:s19+$0xFFFFFF00]  }
0x34c: {  	v1 =	vadd.f32 v6, v1;
	v6 =	vld [tilespmem:s19+$0xFFFFFF10]  }
0x34d: {  	v0 =	vadd.f32 v2, v0;
	v2 =	vld [tilespmem:s19+$0xFFFFFF20]  }
0x34e: {  	v1 =	vadd.f32 v3, v1;
	v3 =	vld [tilespmem:s19+$0xFFFFFF30]  }
0x34f: {  	v0 =	vadd.f32 v4, v0;
	v4 =	vld [tilespmem:s19+$0xFFFFFF40]  }
0x350: {  	v1 =	vadd.f32 v5, v1;
	v5 =	vld [tilespmem:s19+$0xFFFFFF50]  }
0x351: {  	v0 =	vadd.f32 v6, v0;
	v6 =	vld [tilespmem:s19+$0xFFFFFF60]  }
0x352: {  	v1 =	vadd.f32 v2, v1;
	v2 =	vld [tilespmem:s19+$0xFFFFFF70]  }
0x353: {  	v0 =	vadd.f32 v3, v0;
	v3 =	vld [tilespmem:s19+$0xFFFFFF80]  }
0x354: {  	v1 =	vadd.f32 v4, v1;
	v4 =	vld [tilespmem:s19+$0xFFFFFF90]  }
0x355: {  	v0 =	vadd.f32 v5, v0;
	v5 =	vld [tilespmem:s19+$0xFFFFFFA0]  }
0x356: {  	v1 =	vadd.f32 v6, v1;
	v6 =	vld [tilespmem:s19+$0xFFFFFFB0]  }
0x357: {  	v0 =	vadd.f32 v2, v0;
	v2 =	vld [tilespmem:s19+$0xFFFFFFC0]  }
0x358: {  	v1 =	vadd.f32 v3, v1;
	v3 =	vld [tilespmem:s19+$0xFFFFFFD0]  }
0x359: {  	v0 =	vadd.f32 v4, v0;
	v4 =	vld [tilespmem:s19+$0xFFFFFFE0]  }
0x35a: {  	v1 =	vadd.f32 v5, v1;
	v5 =	vld [tilespmem:s19+$0xFFFFFFF0]  }
0x35b: {  	v0 =	vadd.f32 v6, v0;
	v6 =	vld [tilespmem:s19+$0x0]  }
0x35c: {  	v1 =	vadd.f32 v2, v1;
	v2 =	vld [tilespmem:s19+$0x10]  }
0x35d: {  	v0 =	vadd.f32 v3, v0;
	v3 =	vld [tilespmem:s19+$0x20]  }
0x35e: {  	v1 =	vadd.f32 v4, v1;
	v4 =	vld [tilespmem:s19+$0x30]  }
0x35f: {  	v0 =	vadd.f32 v5, v0;
	v5 =	vld [tilespmem:s19+$0x40]  }
0x360: {  	v1 =	vadd.f32 v6, v1;
	v6 =	vld [tilespmem:s19+$0x50]  }
0x361: {  	v0 =	vadd.f32 v2, v0;
	v2 =	vld [tilespmem:s19+$0x60]  }
0x362: {  	v1 =	vadd.f32 v3, v1;
	v3 =	vld [tilespmem:s19+$0x70]  }
0x363: {  	v0 =	vadd.f32 v4, v0;
	v4 =	vld [tilespmem:s19+$0x80]  }
0x364: {  	v1 =	vadd.f32 v5, v1;
	v5 =	vld [tilespmem:s19+$0x90]  }
0x365: {  	v0 =	vadd.f32 v6, v0;
	v6 =	vld [tilespmem:s19+$0xA0]  }
0x366: {  	v1 =	vadd.f32 v2, v1;
	v2 =	vld [tilespmem:s19+$0xB0]  }
0x367: {  	v0 =	vadd.f32 v3, v0;
	v3 =	vld [tilespmem:s19+$0xC0]  }
0x368: {  	v1 =	vadd.f32 v4, v1;
	v4 =	vld [tilespmem:s19+$0xD0]  }
0x369: {  	v0 =	vadd.f32 v5, v0;
	v5 =	vld [tilespmem:s19+$0xE0]  }
0x36a: {  	v1 =	vadd.f32 v6, v1;
	v6 =	vld [tilespmem:s19+$0xF0]  }
0x36b: {  	v0 =	vadd.f32 v2, v0;
	v2 =	vld [tilespmem:s19+$0x100]  }
0x36c: {  	v1 =	vadd.f32 v3, v1;
	v3 =	vld [tilespmem:s19+$0x110]  }
0x36d: {  	v0 =	vadd.f32 v4, v0;
	v4 =	vld [tilespmem:s19+$0x120]  }
0x36e: {  	v1 =	vadd.f32 v5, v1;
	v5 =	vld [tilespmem:s19+$0x130]  }
0x36f: {  	v0 =	vadd.f32 v6, v0;
	v6 =	vld [tilespmem:s19+$0x140]  }
0x370: {  	v1 =	vadd.f32 v2, v1;
	v2 =	vld [tilespmem:s19+$0x150]  }
0x371: {  	v0 =	vadd.f32 v3, v0;
	v3 =	vld [tilespmem:s19+$0x160]  }
0x372: {  	v1 =	vadd.f32 v4, v1;
	v4 =	vld [tilespmem:s19+$0x170]  }
0x373: {  	v0 =	vadd.f32 v5, v0;
	v5 =	vld [tilespmem:s19+$0x180]  }
0x374: {  	v1 =	vadd.f32 v6, v1;
	v6 =	vld [tilespmem:s19+$0x190]  }
0x375: {  	v0 =	vadd.f32 v2, v0  }
.Ltmp20:
0x376: {  	v1 =	vadd.f32 v3, v1;
	(pc) =	sbr.rel @p0 .LBB2_41-.Ltmp20, $4  }
0x377: {  	v0 =	vadd.f32 v4, v0  }
0x378: {  	v1 =	vadd.f32 v5, v1  }
0x379: {  	s21 =	sshra.s32 s21, $0x2;
	v0 =	vadd.f32 v6, v0  }
0x37a: {  	[tilespmem:s21+$0x1D400] =	vst v1  }
0x37b: {  	[tilespmem:s21+$0x1D410] =	vst v0;
	s19 =	simm.s32 $0x0  }
0x37c: {  	[hbm4b:s10+s19] =	stream.linear.scatter [tilespmem:s16], [sflag:$0x3], $0x800, $0x38;
	[tilespmem:$0x1DC00] =	vst v63  }
0x37d: {  	_ =	swait.ge [sflag:s14], $0x800  }
0x37e: {  	[sflag:s14] =	ssyncset.done $0x0  }
0x37f: {  	s31 =	simm.s32 $0x0;
	[sflag:s14] =	ssyncadd.s32 $0xFFFFF800  }
0x380: {  	v0 =	vld [tilespmem:s31+$0x2D80];
	_ =	sdelay $0x6  }
0x381: {  	s20 =	simm.s32 $0x10;
	s19 =	simm.s32 $0x10400  }
0x382: {  	[tilespmem:s19], [sflag:$0x2] =	stream.indirect_vreg.gather [hbm4b:s3+s2], $0x20, v0, vm0, $0xb8;
	[tilespmem:$0x1DC00] =	vst v63  }
0x383: {  	v0 =	vld [tilespmem:s20+$0x2D80];
	s20 =	simm.s32 $0x80  }
.LBB2_43:
0x384: {  	p0 =	sne.s32 s20, $0x19C0;
	_ =	sdelay $0x3  }
.Ltmp21:
0x385: {  	(pc) =	sbr.rel @p0 .LBB2_43-.Ltmp21, $4  }
0x386: {  	_ = 	snop  }
0x387: {  	s21 =	sshra.s32 s20, $0x2;
	s19 =	sadd.s32 $0x200, s19  }
0x388: {  	[tilespmem:s19], [sflag:$0x2] =	stream.indirect_vreg.gather [hbm4b:s3+s2], $0x20, v0, vm0, $0xb8;
	[tilespmem:$0x1DC00] =	vst v63  }
0x389: {  	s20 =	sadd.s32 $0x40, s20;
	v0 =	vld [tilespmem:s21+$0x2D80]  }
0x38a: {  	_ =	sdelay $0x6  }
0x38b: {  	s19 =	sadd.s32 $0x200, s19  }
0x38c: {  	[tilespmem:s19], [sflag:$0x2] =	stream.indirect_vreg.gather [hbm4b:s3+s2], $0x20, v0, vm0, $0xb8;
	[tilespmem:$0x1DC00] =	vst v63  }
0x38d: {  	s19 =	simm.s32 $0x68  }
.LBB2_45:
0x38e: {  	p0 =	sne.s32 s19, $0x1  }
.Ltmp22:
0x38f: {  	_ = 	snop;
	(pc) =	sbr.rel @p0 .LBB2_45-.Ltmp22, $4  }
0x390: {  	_ = 	snop  }
0x391: {  	_ =	swait.ge [sflag:s15], $0x200  }
0x392: {  	[sflag:s15] =	ssyncset.done $0x0  }
0x393: {  	s19 =	sadd.s32 $0xFFFFFFFF, s19;
	[sflag:s15] =	ssyncadd.s32 $0xFFFFFE00  }
0x394: {  	s19 =	simm.s32 $0x35A0  }
0x395: {  	v0 =	vld [tilespmem:s19+$0xFFFFFE90]  }
0x396: {  	v1 =	vld [tilespmem:s19+$0xFFFFFE60]  }
0x397: {  	v2 =	vld [tilespmem:s19+$0xFFFFFE80]  }
0x398: {  	v3 =	vld [tilespmem:s19+$0xFFFFFE70]  }
0x399: {  	v4 =	vld [tilespmem:s19+$0xFFFFFEA0]  }
0x39a: {  	v5 =	vld [tilespmem:s19+$0xFFFFFEB0]  }
0x39b: {  	v6 =	vld [tilespmem:s19+$0xFFFFFEC0]  }
0x39c: {  	v7 =	vld [tilespmem:s19+$0xFFFFFEE0];
	v1 =	vadd.f32 v2, v1  }
0x39d: {  	v2 =	vld [tilespmem:s19+$0xFFFFFED0]  }
0x39e: {  	v36 =	vld [tilespmem:s19+$0xFFFFFF00];
	v0 =	vadd.f32 v0, v3;
	v1 =	vadd.f32 v4, v1  }
0x39f: {  	v3 =	vld [tilespmem:s19+$0xFFFFFEF0]  }
0x3a0: {  	v37 =	vld [tilespmem:s19+$0xFFFFFF10];
	v0 =	vadd.f32 v5, v0;
	v1 =	vadd.f32 v6, v1  }
0x3a1: {  	v38 =	vld [tilespmem:s19+$0xFFFFFF20]  }
0x3a2: {  	v39 =	vld [tilespmem:s19+$0xFFFFFF40];
	v0 =	vadd.f32 v2, v0;
	v1 =	vadd.f32 v7, v1  }
0x3a3: {  	v2 =	vld [tilespmem:s19+$0xFFFFFF30]  }
0x3a4: {  	v40 =	vld [tilespmem:s19+$0xFFFFFF60];
	v0 =	vadd.f32 v3, v0;
	v1 =	vadd.f32 v36, v1  }
0x3a5: {  	v3 =	vld [tilespmem:s19+$0xFFFFFF50]  }
0x3a6: {  	v41 =	vld [tilespmem:s19+$0xFFFFFF70];
	v0 =	vadd.f32 v37, v0;
	v1 =	vadd.f32 v38, v1  }
0x3a7: {  	v42 =	vld [tilespmem:s19+$0xFFFFFF80]  }
0x3a8: {  	v43 =	vld [tilespmem:s19+$0xFFFFFFA0];
	v0 =	vadd.f32 v2, v0;
	v1 =	vadd.f32 v39, v1  }
0x3a9: {  	v2 =	vld [tilespmem:s19+$0xFFFFFF90]  }
0x3aa: {  	v44 =	vld [tilespmem:s19+$0xFFFFFFC0];
	v0 =	vadd.f32 v3, v0;
	v1 =	vadd.f32 v40, v1  }
0x3ab: {  	v3 =	vld [tilespmem:s19+$0xFFFFFFB0]  }
0x3ac: {  	v45 =	vld [tilespmem:s19+$0xFFFFFFD0];
	v0 =	vadd.f32 v41, v0;
	v1 =	vadd.f32 v42, v1  }
0x3ad: {  	v46 =	vld [tilespmem:s19+$0xFFFFFFE0]  }
0x3ae: {  	v47 =	vld [tilespmem:s19+$0x0];
	v0 =	vadd.f32 v2, v0;
	v1 =	vadd.f32 v43, v1  }
0x3af: {  	v2 =	vld [tilespmem:s19+$0xFFFFFFF0]  }
0x3b0: {  	v48 =	vld [tilespmem:s19+$0x20];
	v0 =	vadd.f32 v3, v0;
	v1 =	vadd.f32 v44, v1  }
0x3b1: {  	v3 =	vld [tilespmem:s19+$0x10]  }
0x3b2: {  	v49 =	vld [tilespmem:s19+$0x30];
	v0 =	vadd.f32 v45, v0;
	v1 =	vadd.f32 v46, v1  }
0x3b3: {  	v50 =	vld [tilespmem:s19+$0x40]  }
0x3b4: {  	v51 =	vld [tilespmem:s19+$0x60];
	v0 =	vadd.f32 v2, v0;
	v1 =	vadd.f32 v47, v1  }
0x3b5: {  	v2 =	vld [tilespmem:s19+$0x50]  }
0x3b6: {  	v52 =	vld [tilespmem:s19+$0x80];
	v0 =	vadd.f32 v3, v0;
	v1 =	vadd.f32 v48, v1  }
0x3b7: {  	v3 =	vld [tilespmem:s19+$0x70]  }
0x3b8: {  	v53 =	vld [tilespmem:s19+$0x90];
	v0 =	vadd.f32 v49, v0;
	v1 =	vadd.f32 v50, v1  }
0x3b9: {  	v54 =	vld [tilespmem:s19+$0xA0]  }
0x3ba: {  	v55 =	vld [tilespmem:s19+$0xC0];
	v0 =	vadd.f32 v2, v0;
	v1 =	vadd.f32 v51, v1  }
0x3bb: {  	v2 =	vld [tilespmem:s19+$0xB0]  }
0x3bc: {  	v56 =	vld [tilespmem:s19+$0xE0];
	v0 =	vadd.f32 v3, v0;
	v1 =	vadd.f32 v52, v1  }
0x3bd: {  	v3 =	vld [tilespmem:s19+$0xD0]  }
0x3be: {  	v57 =	vld [tilespmem:s19+$0xF0];
	v0 =	vadd.f32 v53, v0;
	v1 =	vadd.f32 v54, v1  }
0x3bf: {  	v58 =	vld [tilespmem:s19+$0x100]  }
0x3c0: {  	v59 =	vld [tilespmem:s19+$0x120];
	v0 =	vadd.f32 v2, v0;
	v1 =	vadd.f32 v55, v1  }
0x3c1: {  	v2 =	vld [tilespmem:s19+$0x110]  }
0x3c2: {  	v60 =	vld [tilespmem:s19+$0x140];
	v0 =	vadd.f32 v3, v0;
	v1 =	vadd.f32 v56, v1  }
0x3c3: {  	v3 =	vld [tilespmem:s19+$0x130]  }
0x3c4: {  	v61 =	vld [tilespmem:s19+$0x150];
	v0 =	vadd.f32 v57, v0;
	v1 =	vadd.f32 v58, v1  }
0x3c5: {  	v62 =	vld [tilespmem:s19+$0x160]  }
0x3c6: {  	v63 =	vld [tilespmem:s19+$0x180];
	v0 =	vadd.f32 v2, v0;
	v1 =	vadd.f32 v59, v1  }
0x3c7: {  	v2 =	vld [tilespmem:s19+$0x170]  }
0x3c8: {  	v0 =	vadd.f32 v3, v0;
	v1 =	vadd.f32 v60, v1  }
0x3c9: {  	v3 =	vld [tilespmem:s19+$0x190]  }
0x3ca: {  	v0 =	vadd.f32 v61, v0;
	v1 =	vadd.f32 v62, v1;
	_ =	sdelay $0x1  }
0x3cb: {  	v0 =	vadd.f32 v2, v0;
	v1 =	vadd.f32 v63, v1  }
0x3cc: {  	s21 =	simm.s32 $0x0  }
0x3cd: {  	s20 =	simm.s32 $0x80;
	v0 =	vadd.f32 v3, v0;
	[tilespmem:s21+$0x1D400] =	vst v1  }
.LBB2_47:
0x3ce: {  	p0 =	sne.s32 s20, $0x1F80  }
0x3cf: {  	[tilespmem:s21+$0x1D410] =	vst v0;
	s19 =	sadd.s32 $0x340, s19;
	s21 =	smov.u32 s20;
	s20 =	sadd.s32 $0x80, s20  }
0x3d0: {  	v0 =	vld [tilespmem:s19+$0xFFFFFE90]  }
0x3d1: {  	v1 =	vld [tilespmem:s19+$0xFFFFFE60]  }
0x3d2: {  	v2 =	vld [tilespmem:s19+$0xFFFFFE80]  }
0x3d3: {  	v3 =	vld [tilespmem:s19+$0xFFFFFE70]  }
0x3d4: {  	v4 =	vld [tilespmem:s19+$0xFFFFFEA0]  }
0x3d5: {  	v5 =	vld [tilespmem:s19+$0xFFFFFEB0]  }
0x3d6: {  	v6 =	vld [tilespmem:s19+$0xFFFFFEC0]  }
0x3d7: {  	v1 =	vadd.f32 v2, v1;
	v2 =	vld [tilespmem:s19+$0xFFFFFED0]  }
0x3d8: {  	v0 =	vadd.f32 v0, v3;
	v3 =	vld [tilespmem:s19+$0xFFFFFEE0]  }
0x3d9: {  	v1 =	vadd.f32 v4, v1;
	v4 =	vld [tilespmem:s19+$0xFFFFFEF0]  }
0x3da: {  	v0 =	vadd.f32 v5, v0;
	v5 =	vld [tilespmem:s19+$0xFFFFFF00]  }
0x3db: {  	v1 =	vadd.f32 v6, v1;
	v6 =	vld [tilespmem:s19+$0xFFFFFF10]  }
0x3dc: {  	v0 =	vadd.f32 v2, v0;
	v2 =	vld [tilespmem:s19+$0xFFFFFF20]  }
0x3dd: {  	v1 =	vadd.f32 v3, v1;
	v3 =	vld [tilespmem:s19+$0xFFFFFF30]  }
0x3de: {  	v0 =	vadd.f32 v4, v0;
	v4 =	vld [tilespmem:s19+$0xFFFFFF40]  }
0x3df: {  	v1 =	vadd.f32 v5, v1;
	v5 =	vld [tilespmem:s19+$0xFFFFFF50]  }
0x3e0: {  	v0 =	vadd.f32 v6, v0;
	v6 =	vld [tilespmem:s19+$0xFFFFFF60]  }
0x3e1: {  	v1 =	vadd.f32 v2, v1;
	v2 =	vld [tilespmem:s19+$0xFFFFFF70]  }
0x3e2: {  	v0 =	vadd.f32 v3, v0;
	v3 =	vld [tilespmem:s19+$0xFFFFFF80]  }
0x3e3: {  	v1 =	vadd.f32 v4, v1;
	v4 =	vld [tilespmem:s19+$0xFFFFFF90]  }
0x3e4: {  	v0 =	vadd.f32 v5, v0;
	v5 =	vld [tilespmem:s19+$0xFFFFFFA0]  }
0x3e5: {  	v1 =	vadd.f32 v6, v1;
	v6 =	vld [tilespmem:s19+$0xFFFFFFB0]  }
0x3e6: {  	v0 =	vadd.f32 v2, v0;
	v2 =	vld [tilespmem:s19+$0xFFFFFFC0]  }
0x3e7: {  	v1 =	vadd.f32 v3, v1;
	v3 =	vld [tilespmem:s19+$0xFFFFFFD0]  }
0x3e8: {  	v0 =	vadd.f32 v4, v0;
	v4 =	vld [tilespmem:s19+$0xFFFFFFE0]  }
0x3e9: {  	v1 =	vadd.f32 v5, v1;
	v5 =	vld [tilespmem:s19+$0xFFFFFFF0]  }
0x3ea: {  	v0 =	vadd.f32 v6, v0;
	v6 =	vld [tilespmem:s19+$0x0]  }
0x3eb: {  	v1 =	vadd.f32 v2, v1;
	v2 =	vld [tilespmem:s19+$0x10]  }
0x3ec: {  	v0 =	vadd.f32 v3, v0;
	v3 =	vld [tilespmem:s19+$0x20]  }
0x3ed: {  	v1 =	vadd.f32 v4, v1;
	v4 =	vld [tilespmem:s19+$0x30]  }
0x3ee: {  	v0 =	vadd.f32 v5, v0;
	v5 =	vld [tilespmem:s19+$0x40]  }
0x3ef: {  	v1 =	vadd.f32 v6, v1;
	v6 =	vld [tilespmem:s19+$0x50]  }
0x3f0: {  	v0 =	vadd.f32 v2, v0;
	v2 =	vld [tilespmem:s19+$0x60]  }
0x3f1: {  	v1 =	vadd.f32 v3, v1;
	v3 =	vld [tilespmem:s19+$0x70]  }
0x3f2: {  	v0 =	vadd.f32 v4, v0;
	v4 =	vld [tilespmem:s19+$0x80]  }
0x3f3: {  	v1 =	vadd.f32 v5, v1;
	v5 =	vld [tilespmem:s19+$0x90]  }
0x3f4: {  	v0 =	vadd.f32 v6, v0;
	v6 =	vld [tilespmem:s19+$0xA0]  }
0x3f5: {  	v1 =	vadd.f32 v2, v1;
	v2 =	vld [tilespmem:s19+$0xB0]  }
0x3f6: {  	v0 =	vadd.f32 v3, v0;
	v3 =	vld [tilespmem:s19+$0xC0]  }
0x3f7: {  	v1 =	vadd.f32 v4, v1;
	v4 =	vld [tilespmem:s19+$0xD0]  }
0x3f8: {  	v0 =	vadd.f32 v5, v0;
	v5 =	vld [tilespmem:s19+$0xE0]  }
0x3f9: {  	v1 =	vadd.f32 v6, v1;
	v6 =	vld [tilespmem:s19+$0xF0]  }
0x3fa: {  	v0 =	vadd.f32 v2, v0;
	v2 =	vld [tilespmem:s19+$0x100]  }
0x3fb: {  	v1 =	vadd.f32 v3, v1;
	v3 =	vld [tilespmem:s19+$0x110]  }
0x3fc: {  	v0 =	vadd.f32 v4, v0;
	v4 =	vld [tilespmem:s19+$0x120]  }
0x3fd: {  	v1 =	vadd.f32 v5, v1;
	v5 =	vld [tilespmem:s19+$0x130]  }
0x3fe: {  	v0 =	vadd.f32 v6, v0;
	v6 =	vld [tilespmem:s19+$0x140]  }
0x3ff: {  	v1 =	vadd.f32 v2, v1;
	v2 =	vld [tilespmem:s19+$0x150]  }
0x400: {  	v0 =	vadd.f32 v3, v0;
	v3 =	vld [tilespmem:s19+$0x160]  }
0x401: {  	v1 =	vadd.f32 v4, v1;
	v4 =	vld [tilespmem:s19+$0x170]  }
0x402: {  	v0 =	vadd.f32 v5, v0;
	v5 =	vld [tilespmem:s19+$0x180]  }
0x403: {  	v1 =	vadd.f32 v6, v1;
	v6 =	vld [tilespmem:s19+$0x190]  }
0x404: {  	v0 =	vadd.f32 v2, v0  }
.Ltmp23:
0x405: {  	v1 =	vadd.f32 v3, v1;
	(pc) =	sbr.rel @p0 .LBB2_47-.Ltmp23, $4  }
0x406: {  	v0 =	vadd.f32 v4, v0  }
0x407: {  	v1 =	vadd.f32 v5, v1  }
0x408: {  	s21 =	sshra.s32 s21, $0x2;
	v0 =	vadd.f32 v6, v0  }
0x409: {  	[tilespmem:s21+$0x1D400] =	vst v1  }
0x40a: {  	[tilespmem:s21+$0x1D410] =	vst v0  }
0x40b: {  	[hbm4b:s11+s2] =	stream.linear.scatter [tilespmem:s16], [sflag:$0x3], $0x800, $0x38;
	[tilespmem:$0x1DC00] =	vst v63  }
0x40c: {  	_ =	swait.ge [sflag:s14], $0x800  }
0x40d: {  	[sflag:s14] =	ssyncset.done $0x0  }
0x40e: {  	s19 =	simm.s32 $0x68;
	[sflag:s14] =	ssyncadd.s32 $0xFFFFF800  }
.LBB2_49:
0x40f: {  	p0 =	sne.s32 s19, $0x1  }
.Ltmp24:
0x410: {  	_ = 	snop;
	(pc) =	sbr.rel @p0 .LBB2_49-.Ltmp24, $4  }
0x411: {  	_ = 	snop  }
0x412: {  	_ =	swait.ge [sflag:s17], $0x200  }
0x413: {  	[sflag:s17] =	ssyncset.done $0x0  }
0x414: {  	s19 =	sadd.s32 $0xFFFFFFFF, s19;
	[sflag:s17] =	ssyncadd.s32 $0xFFFFFE00  }
0x415: {  	s19 =	simm.s32 $0x105A0  }
0x416: {  	v0 =	vld [tilespmem:s19+$0xFFFFFE90]  }
0x417: {  	v1 =	vld [tilespmem:s19+$0xFFFFFE60]  }
0x418: {  	v2 =	vld [tilespmem:s19+$0xFFFFFE80]  }
0x419: {  	v3 =	vld [tilespmem:s19+$0xFFFFFE70]  }
0x41a: {  	v4 =	vld [tilespmem:s19+$0xFFFFFEA0]  }
0x41b: {  	v5 =	vld [tilespmem:s19+$0xFFFFFEB0]  }
0x41c: {  	v6 =	vld [tilespmem:s19+$0xFFFFFEC0]  }
0x41d: {  	v7 =	vld [tilespmem:s19+$0xFFFFFEE0];
	v1 =	vadd.f32 v2, v1  }
0x41e: {  	v2 =	vld [tilespmem:s19+$0xFFFFFED0]  }
0x41f: {  	v36 =	vld [tilespmem:s19+$0xFFFFFF00];
	v0 =	vadd.f32 v0, v3;
	v1 =	vadd.f32 v4, v1  }
0x420: {  	v3 =	vld [tilespmem:s19+$0xFFFFFEF0]  }
0x421: {  	v37 =	vld [tilespmem:s19+$0xFFFFFF10];
	v0 =	vadd.f32 v5, v0;
	v1 =	vadd.f32 v6, v1  }
0x422: {  	v38 =	vld [tilespmem:s19+$0xFFFFFF20]  }
0x423: {  	v39 =	vld [tilespmem:s19+$0xFFFFFF40];
	v0 =	vadd.f32 v2, v0;
	v1 =	vadd.f32 v7, v1  }
0x424: {  	v2 =	vld [tilespmem:s19+$0xFFFFFF30]  }
0x425: {  	v40 =	vld [tilespmem:s19+$0xFFFFFF60];
	v0 =	vadd.f32 v3, v0;
	v1 =	vadd.f32 v36, v1  }
0x426: {  	v3 =	vld [tilespmem:s19+$0xFFFFFF50]  }
0x427: {  	v41 =	vld [tilespmem:s19+$0xFFFFFF70];
	v0 =	vadd.f32 v37, v0;
	v1 =	vadd.f32 v38, v1  }
0x428: {  	v42 =	vld [tilespmem:s19+$0xFFFFFF80]  }
0x429: {  	v43 =	vld [tilespmem:s19+$0xFFFFFFA0];
	v0 =	vadd.f32 v2, v0;
	v1 =	vadd.f32 v39, v1  }
0x42a: {  	v2 =	vld [tilespmem:s19+$0xFFFFFF90]  }
0x42b: {  	v44 =	vld [tilespmem:s19+$0xFFFFFFC0];
	v0 =	vadd.f32 v3, v0;
	v1 =	vadd.f32 v40, v1  }
0x42c: {  	v3 =	vld [tilespmem:s19+$0xFFFFFFB0]  }
0x42d: {  	v45 =	vld [tilespmem:s19+$0xFFFFFFD0];
	v0 =	vadd.f32 v41, v0;
	v1 =	vadd.f32 v42, v1  }
0x42e: {  	v46 =	vld [tilespmem:s19+$0xFFFFFFE0]  }
0x42f: {  	v47 =	vld [tilespmem:s19+$0x0];
	v0 =	vadd.f32 v2, v0;
	v1 =	vadd.f32 v43, v1  }
0x430: {  	v2 =	vld [tilespmem:s19+$0xFFFFFFF0]  }
0x431: {  	v48 =	vld [tilespmem:s19+$0x20];
	v0 =	vadd.f32 v3, v0;
	v1 =	vadd.f32 v44, v1  }
0x432: {  	v3 =	vld [tilespmem:s19+$0x10]  }
0x433: {  	v49 =	vld [tilespmem:s19+$0x30];
	v0 =	vadd.f32 v45, v0;
	v1 =	vadd.f32 v46, v1  }
0x434: {  	v50 =	vld [tilespmem:s19+$0x40]  }
0x435: {  	v51 =	vld [tilespmem:s19+$0x60];
	v0 =	vadd.f32 v2, v0;
	v1 =	vadd.f32 v47, v1  }
0x436: {  	v2 =	vld [tilespmem:s19+$0x50]  }
0x437: {  	v52 =	vld [tilespmem:s19+$0x80];
	v0 =	vadd.f32 v3, v0;
	v1 =	vadd.f32 v48, v1  }
0x438: {  	v3 =	vld [tilespmem:s19+$0x70]  }
0x439: {  	v53 =	vld [tilespmem:s19+$0x90];
	v0 =	vadd.f32 v49, v0;
	v1 =	vadd.f32 v50, v1  }
0x43a: {  	v54 =	vld [tilespmem:s19+$0xA0]  }
0x43b: {  	v55 =	vld [tilespmem:s19+$0xC0];
	v0 =	vadd.f32 v2, v0;
	v1 =	vadd.f32 v51, v1  }
0x43c: {  	v2 =	vld [tilespmem:s19+$0xB0]  }
0x43d: {  	v56 =	vld [tilespmem:s19+$0xE0];
	v0 =	vadd.f32 v3, v0;
	v1 =	vadd.f32 v52, v1  }
0x43e: {  	v3 =	vld [tilespmem:s19+$0xD0]  }
0x43f: {  	v57 =	vld [tilespmem:s19+$0xF0];
	v0 =	vadd.f32 v53, v0;
	v1 =	vadd.f32 v54, v1  }
0x440: {  	v58 =	vld [tilespmem:s19+$0x100]  }
0x441: {  	v59 =	vld [tilespmem:s19+$0x120];
	v0 =	vadd.f32 v2, v0;
	v1 =	vadd.f32 v55, v1  }
0x442: {  	v2 =	vld [tilespmem:s19+$0x110]  }
0x443: {  	v60 =	vld [tilespmem:s19+$0x140];
	v0 =	vadd.f32 v3, v0;
	v1 =	vadd.f32 v56, v1  }
0x444: {  	v3 =	vld [tilespmem:s19+$0x130]  }
0x445: {  	v61 =	vld [tilespmem:s19+$0x150];
	v0 =	vadd.f32 v57, v0;
	v1 =	vadd.f32 v58, v1  }
0x446: {  	v62 =	vld [tilespmem:s19+$0x160]  }
0x447: {  	v63 =	vld [tilespmem:s19+$0x180];
	v0 =	vadd.f32 v2, v0;
	v1 =	vadd.f32 v59, v1  }
0x448: {  	v2 =	vld [tilespmem:s19+$0x170]  }
0x449: {  	v0 =	vadd.f32 v3, v0;
	v1 =	vadd.f32 v60, v1  }
0x44a: {  	v3 =	vld [tilespmem:s19+$0x190]  }
0x44b: {  	v0 =	vadd.f32 v61, v0;
	v1 =	vadd.f32 v62, v1;
	_ =	sdelay $0x1  }
0x44c: {  	v0 =	vadd.f32 v2, v0;
	v1 =	vadd.f32 v63, v1  }
0x44d: {  	s21 =	simm.s32 $0x0  }
0x44e: {  	s20 =	simm.s32 $0x80;
	v0 =	vadd.f32 v3, v0;
	[tilespmem:s21+$0x1D400] =	vst v1  }
.LBB2_51:
0x44f: {  	p0 =	sne.s32 s20, $0x1F80  }
0x450: {  	[tilespmem:s21+$0x1D410] =	vst v0;
	s19 =	sadd.s32 $0x340, s19;
	s21 =	smov.u32 s20;
	s20 =	sadd.s32 $0x80, s20  }
0x451: {  	v0 =	vld [tilespmem:s19+$0xFFFFFE90]  }
0x452: {  	v1 =	vld [tilespmem:s19+$0xFFFFFE60]  }
0x453: {  	v2 =	vld [tilespmem:s19+$0xFFFFFE80]  }
0x454: {  	v3 =	vld [tilespmem:s19+$0xFFFFFE70]  }
0x455: {  	v4 =	vld [tilespmem:s19+$0xFFFFFEA0]  }
0x456: {  	v5 =	vld [tilespmem:s19+$0xFFFFFEB0]  }
0x457: {  	v6 =	vld [tilespmem:s19+$0xFFFFFEC0]  }
0x458: {  	v1 =	vadd.f32 v2, v1;
	v2 =	vld [tilespmem:s19+$0xFFFFFED0]  }
0x459: {  	v0 =	vadd.f32 v0, v3;
	v3 =	vld [tilespmem:s19+$0xFFFFFEE0]  }
0x45a: {  	v1 =	vadd.f32 v4, v1;
	v4 =	vld [tilespmem:s19+$0xFFFFFEF0]  }
0x45b: {  	v0 =	vadd.f32 v5, v0;
	v5 =	vld [tilespmem:s19+$0xFFFFFF00]  }
0x45c: {  	v1 =	vadd.f32 v6, v1;
	v6 =	vld [tilespmem:s19+$0xFFFFFF10]  }
0x45d: {  	v0 =	vadd.f32 v2, v0;
	v2 =	vld [tilespmem:s19+$0xFFFFFF20]  }
0x45e: {  	v1 =	vadd.f32 v3, v1;
	v3 =	vld [tilespmem:s19+$0xFFFFFF30]  }
0x45f: {  	v0 =	vadd.f32 v4, v0;
	v4 =	vld [tilespmem:s19+$0xFFFFFF40]  }
0x460: {  	v1 =	vadd.f32 v5, v1;
	v5 =	vld [tilespmem:s19+$0xFFFFFF50]  }
0x461: {  	v0 =	vadd.f32 v6, v0;
	v6 =	vld [tilespmem:s19+$0xFFFFFF60]  }
0x462: {  	v1 =	vadd.f32 v2, v1;
	v2 =	vld [tilespmem:s19+$0xFFFFFF70]  }
0x463: {  	v0 =	vadd.f32 v3, v0;
	v3 =	vld [tilespmem:s19+$0xFFFFFF80]  }
0x464: {  	v1 =	vadd.f32 v4, v1;
	v4 =	vld [tilespmem:s19+$0xFFFFFF90]  }
0x465: {  	v0 =	vadd.f32 v5, v0;
	v5 =	vld [tilespmem:s19+$0xFFFFFFA0]  }
0x466: {  	v1 =	vadd.f32 v6, v1;
	v6 =	vld [tilespmem:s19+$0xFFFFFFB0]  }
0x467: {  	v0 =	vadd.f32 v2, v0;
	v2 =	vld [tilespmem:s19+$0xFFFFFFC0]  }
0x468: {  	v1 =	vadd.f32 v3, v1;
	v3 =	vld [tilespmem:s19+$0xFFFFFFD0]  }
0x469: {  	v0 =	vadd.f32 v4, v0;
	v4 =	vld [tilespmem:s19+$0xFFFFFFE0]  }
0x46a: {  	v1 =	vadd.f32 v5, v1;
	v5 =	vld [tilespmem:s19+$0xFFFFFFF0]  }
0x46b: {  	v0 =	vadd.f32 v6, v0;
	v6 =	vld [tilespmem:s19+$0x0]  }
0x46c: {  	v1 =	vadd.f32 v2, v1;
	v2 =	vld [tilespmem:s19+$0x10]  }
0x46d: {  	v0 =	vadd.f32 v3, v0;
	v3 =	vld [tilespmem:s19+$0x20]  }
0x46e: {  	v1 =	vadd.f32 v4, v1;
	v4 =	vld [tilespmem:s19+$0x30]  }
0x46f: {  	v0 =	vadd.f32 v5, v0;
	v5 =	vld [tilespmem:s19+$0x40]  }
0x470: {  	v1 =	vadd.f32 v6, v1;
	v6 =	vld [tilespmem:s19+$0x50]  }
0x471: {  	v0 =	vadd.f32 v2, v0;
	v2 =	vld [tilespmem:s19+$0x60]  }
0x472: {  	v1 =	vadd.f32 v3, v1;
	v3 =	vld [tilespmem:s19+$0x70]  }
0x473: {  	v0 =	vadd.f32 v4, v0;
	v4 =	vld [tilespmem:s19+$0x80]  }
0x474: {  	v1 =	vadd.f32 v5, v1;
	v5 =	vld [tilespmem:s19+$0x90]  }
0x475: {  	v0 =	vadd.f32 v6, v0;
	v6 =	vld [tilespmem:s19+$0xA0]  }
0x476: {  	v1 =	vadd.f32 v2, v1;
	v2 =	vld [tilespmem:s19+$0xB0]  }
0x477: {  	v0 =	vadd.f32 v3, v0;
	v3 =	vld [tilespmem:s19+$0xC0]  }
0x478: {  	v1 =	vadd.f32 v4, v1;
	v4 =	vld [tilespmem:s19+$0xD0]  }
0x479: {  	v0 =	vadd.f32 v5, v0;
	v5 =	vld [tilespmem:s19+$0xE0]  }
0x47a: {  	v1 =	vadd.f32 v6, v1;
	v6 =	vld [tilespmem:s19+$0xF0]  }
0x47b: {  	v0 =	vadd.f32 v2, v0;
	v2 =	vld [tilespmem:s19+$0x100]  }
0x47c: {  	v1 =	vadd.f32 v3, v1;
	v3 =	vld [tilespmem:s19+$0x110]  }
0x47d: {  	v0 =	vadd.f32 v4, v0;
	v4 =	vld [tilespmem:s19+$0x120]  }
0x47e: {  	v1 =	vadd.f32 v5, v1;
	v5 =	vld [tilespmem:s19+$0x130]  }
0x47f: {  	v0 =	vadd.f32 v6, v0;
	v6 =	vld [tilespmem:s19+$0x140]  }
0x480: {  	v1 =	vadd.f32 v2, v1;
	v2 =	vld [tilespmem:s19+$0x150]  }
0x481: {  	v0 =	vadd.f32 v3, v0;
	v3 =	vld [tilespmem:s19+$0x160]  }
0x482: {  	v1 =	vadd.f32 v4, v1;
	v4 =	vld [tilespmem:s19+$0x170]  }
0x483: {  	v0 =	vadd.f32 v5, v0;
	v5 =	vld [tilespmem:s19+$0x180]  }
0x484: {  	v1 =	vadd.f32 v6, v1;
	v6 =	vld [tilespmem:s19+$0x190]  }
0x485: {  	v0 =	vadd.f32 v2, v0  }
.Ltmp25:
0x486: {  	v1 =	vadd.f32 v3, v1;
	(pc) =	sbr.rel @p0 .LBB2_51-.Ltmp25, $4  }
0x487: {  	v0 =	vadd.f32 v4, v0  }
0x488: {  	v1 =	vadd.f32 v5, v1  }
0x489: {  	s21 =	sshra.s32 s21, $0x2;
	v0 =	vadd.f32 v6, v0  }
0x48a: {  	[tilespmem:s21+$0x1D400] =	vst v1  }
0x48b: {  	[tilespmem:s21+$0x1D410] =	vst v0;
	s18 =	sadd.s32 $0x1, s18  }
0x48c: {  	[hbm4b:s12+s2] =	stream.linear.scatter [tilespmem:s16], [sflag:$0x3], $0x800, $0x38;
	[tilespmem:$0x1DC00] =	vst v63  }
0x48d: {  	p0 =	sne.s32 s18, s13  }
.Ltmp26:
0x48e: {  	_ = 	snop;
	(pc) =	sbr.rel @p0 .LBB2_1-.Ltmp26, $4  }
.Ltmp27:
0x48f: {  	_ = 	snop;
	(pc) =	sbr.rel @!p0 .LBB2_53-.Ltmp27, $4  }
0x490: {  	_ =	swait.ge [sflag:s14], $0x800  }
0x491: {  	[sflag:s14] =	ssyncset.done $0x0  }
0x492: {  	[sflag:s14] =	ssyncadd.s32 $0xFFFFF800  }
0x493: {  	_ = 	snop  }
.LBB2_4:
.Ltmp28:
0x494: {  	(pc) =	sbr.rel .LBB2_8-.Ltmp28, $2  }
0x495: {  	_ =	sdelay $0x2  }
0x496: {  	s20 =	simm.s32 $0x10400  }
.LBB2_6:
.Ltmp29:
0x497: {  	(pc) =	sbr.rel .LBB2_8-.Ltmp29, $2  }
0x498: {  	_ =	sdelay $0x2  }
0x499: {  	s20 =	simm.s32 $0x10400  }
.LBB2_53:
0x49a: {  	_ =	sfence.sel $0x180000  }
0x49b: {  	[bflag:$0x0] =	sbarrier.arrive $0xFFFF  }
0x49c: {  	p0 =	sne.s32 s0, $0x0;
	_ =	strace $0x90000047  }
0x49d: {  	s0 =	sadd.s32 @!p0 $0x100000, s1;
	[bflag:$0x2] =	sbarrier.arrive $0xFFFF  }
0x49e: {  	[sflag:s0] =	ssyncadd.tile.s32 @!p0 $0x1;
	_ =	shalt  }
.Lfunc_end2:
_tile_overlayer_lowered:
.L_overlay_start_2:
0x49f: {  	(tag) =	ssettag $0x2  }
0x4a0: {  	s0 =	rddreg [dreg:$0x0];
	s2 =	stileid.u32  }
0x4a1: {  	s1 =	rddreg [dreg:$0x1];
	p0 =	sne.s32 s2, $0x0  }
0x4a2: {  	s3 =	rddreg [dreg:$0x2];
	[bflag:$0x3] =	sbarrier.arrive $0xFFFF;
	s2 =	simm.s32 @!p0 $0x1C03  }
0x4a3: {  	[timem:s3], [sflag:s2] =	dma.local @!p0 [hbm:s0], s1  }
0x4a4: {  	s0 =	simm.s32 @!p0 $0x3  }
0x4a5: {  	_ =	swait.ge @!p0 [sflag:s0], s1  }
0x4a6: {  	s1 =	ssub.s32 @!p0 $0x0, s1;
	[sflag:s0] =	ssyncset.done @!p0 $0x0  }
0x4a7: {  	[sflag:s0] =	ssyncadd.s32 @!p0 s1  }
0x4a8: {  	[bflag:$0x3] =	sbarrier.arrive $0xFFFF  }
0x4a9: {  	_ =	shalt  }

</sc_bundles>
